<compile_context>
chip_gen: v7x
topology: tpu7x:2x2x1
jax: 0.10.2.dev20260603
libtpu: 0.0.44.dev20260713+nightly
codegen_flags: <defaults>
</compile_context>

<pallas_src>
import functools

import jax
import jax.numpy as jnp
from jax import lax
from jax.experimental import pallas as pl
from jax.experimental.pallas import tpu as pltpu
from jax.experimental.pallas import tpu_sc as plsc

N = 10000
G = 64
EPS = 1e-5
NC, NS, L = 2, 16, 16
NW = NC * NS
CHUNK = 128
E = 320000
ME = E + N
CPW = -(-ME // (NW * CHUNK))
MEP = NW * CPW * CHUNK
NPAD = N + 112
RPT = NPAD // NS
FC = 128

_TC_PARAMS = pltpu.CompilerParams(vmem_limit_bytes=60 * 1024 * 1024)
_SC_PARAMS = pltpu.CompilerParams(needs_layout_passes=False)



def _sc_mesh():
    return plsc.VectorSubcoreMesh(core_axis_name="c", subcore_axis_name="s")


def _deg_body(dstp_hbm, out_hbm, hist, idxb):
    cid = lax.axis_index("c")
    sid = lax.axis_index("s")
    wid = sid * NC + cid
    zv = jnp.zeros((L,), jnp.float32)

    def zb(i, c):
        hist[pl.ds(i * L, L)] = zv
        return c
    lax.fori_loop(0, NPAD // L, zb, 0)

    onev = jnp.ones((L,), jnp.float32)

    def cb(j, c):
        off = (wid * CPW + j) * CHUNK
        pltpu.sync_copy(dstp_hbm.at[pl.ds(off, CHUNK)], idxb)
        for v in range(CHUNK // L):
            d16 = idxb[pl.ds(v * L, L)]
            plsc.addupdate_scatter(hist, [d16], onev)
        return c
    lax.fori_loop(0, CPW, cb, 0)
    pltpu.sync_copy(hist, out_hbm.at[pl.ds(wid * NPAD, NPAD)])


def _deg_call(dstp):
    return pl.kernel(
        _deg_body,
        out_type=jax.ShapeDtypeStruct((NW * NPAD,), jnp.float32),
        mesh=_sc_mesh(),
        compiler_params=_SC_PARAMS,
        scratch_types=[
            pltpu.VMEM((NPAD,), jnp.float32),
            pltpu.VMEM((CHUNK,), jnp.int32),
        ],
    )(dstp)


def _msg_body(weighted, h_hbm, srcp_hbm, dstp_hbm, w_hbm, zrows_hbm, out_hbm,
              acc, srcb, dstb, wb, rows, sem):
    cid = lax.axis_index("c")
    sid = lax.axis_index("s")
    wid = sid * NC + cid

    r0 = sid * RPT
    pltpu.sync_copy(zrows_hbm.at[pl.ds(r0, RPT)], acc.at[pl.ds(r0, RPT)])
    plsc.subcore_barrier()

    def cb(j, c):
        off = (wid * CPW + j) * CHUNK
        pltpu.sync_copy(srcp_hbm.at[pl.ds(off, CHUNK)], srcb)
        pltpu.async_copy(h_hbm.at[srcb], rows, sem).wait()
        pltpu.sync_copy(dstp_hbm.at[pl.ds(off, CHUNK)], dstb)
        if weighted:
            pltpu.sync_copy(w_hbm.at[pl.ds(off, CHUNK)], wb)

            def sb(e, c2):
                wsp = plsc.load_gather(wb, [jnp.zeros((L,), jnp.int32) + e])
                for v in range(FC // L):
                    rows[e, pl.ds(v * L, L)] = rows[e, pl.ds(v * L, L)] * wsp
                return c2
            lax.fori_loop(0, CHUNK, sb, 0)
        pltpu.sync_copy(rows, acc.at[dstb], add=True)
        return c
    lax.fori_loop(0, CPW, cb, 0)
    plsc.subcore_barrier()

    pltpu.sync_copy(acc.at[pl.ds(r0, RPT)], out_hbm.at[cid, pl.ds(r0, RPT)])


def _make_msg(weighted):
    if weighted:
        body = functools.partial(_msg_body, True)
    else:
        def body(h, s, d, z, o, *rest):
            return _msg_body(False, h, s, d, None, z, o, *rest)
    return pl.kernel(
        body,
        out_type=jax.ShapeDtypeStruct((NC, NPAD, FC), jnp.float32),
        mesh=_sc_mesh(),
        compiler_params=_SC_PARAMS,
        scratch_types=[
            pltpu.VMEM_SHARED((NPAD, FC), jnp.float32),
            pltpu.VMEM((CHUNK,), jnp.int32),
            pltpu.VMEM((CHUNK,), jnp.int32),
            pltpu.VMEM((CHUNK,), jnp.float32),
            pltpu.VMEM((CHUNK, FC), jnp.float32),
            pltpu.SemaphoreType.DMA,
        ],
    )


def _msg_call(h, srcp, dstp, zrows, w=None):
    if w is None:
        return _make_msg(False)(h, srcp, dstp, zrows)
    return _make_msg(True)(h, srcp, dstp, w, zrows)


def _gat_body(srcp_hbm, dstp_hbm, asrc_hbm, adst_hbm, ex_hbm, den_hbm,
              asrcT, adstT, hist, srcb, dstb, exb):
    cid = lax.axis_index("c")
    sid = lax.axis_index("s")
    wid = sid * NC + cid
    pltpu.sync_copy(asrc_hbm, asrcT)
    pltpu.sync_copy(adst_hbm, adstT)
    zv = jnp.zeros((L,), jnp.float32)

    def zb(i, c):
        hist[pl.ds(i * L, L)] = zv
        return c
    lax.fori_loop(0, NPAD // L, zb, 0)

    def cb(j, c):
        off = (wid * CPW + j) * CHUNK
        pltpu.sync_copy(srcp_hbm.at[pl.ds(off, CHUNK)], srcb)
        pltpu.sync_copy(dstp_hbm.at[pl.ds(off, CHUNK)], dstb)
        for v in range(CHUNK // L):
            s16 = srcb[pl.ds(v * L, L)]
            d16 = dstb[pl.ds(v * L, L)]
            e = plsc.load_gather(asrcT, [s16]) + plsc.load_gather(adstT, [d16])
            e = jnp.where(e > 0, e, 0.2 * e)
            ex = jnp.exp(e)
            plsc.addupdate_scatter(hist, [d16], ex)
            exb[pl.ds(v * L, L)] = ex
        pltpu.sync_copy(exb, ex_hbm.at[pl.ds(off, CHUNK)])
        return c
    lax.fori_loop(0, CPW, cb, 0)
    pltpu.sync_copy(hist, den_hbm.at[pl.ds(wid * NPAD, NPAD)])


def _gat_call(srcp, dstp, asrcp, adstp):
    return pl.kernel(
        _gat_body,
        out_type=(jax.ShapeDtypeStruct((MEP,), jnp.float32),
                  jax.ShapeDtypeStruct((NW * NPAD,), jnp.float32)),
        mesh=_sc_mesh(),
        compiler_params=_SC_PARAMS,
        scratch_types=[
            pltpu.VMEM((NPAD,), jnp.float32),
            pltpu.VMEM((NPAD,), jnp.float32),
            pltpu.VMEM((NPAD,), jnp.float32),
            pltpu.VMEM((CHUNK,), jnp.int32),
            pltpu.VMEM((CHUNK,), jnp.int32),
            pltpu.VMEM((CHUNK,), jnp.float32),
        ],
    )(srcp, dstp, asrcp, adstp)



def _tc0_body(x_ref, w1_ref, degT_ref, hs1_ref, dinv_ref):
    deg = jnp.sum(degT_ref[...], axis=1, keepdims=True)
    dinv = jnp.where(deg > 0, lax.rsqrt(deg), 0.0)
    h = jnp.dot(x_ref[...], w1_ref[...], preferred_element_type=jnp.float32)
    hs1_ref[...] = h * dinv[:N]
    dinv_ref[...] = dinv


def _tc0(x, W1, degT):
    return pl.pallas_call(
        _tc0_body,
        out_shape=(jax.ShapeDtypeStruct((N, 128), jnp.float32),
                   jax.ShapeDtypeStruct((NPAD, 1), jnp.float32)),
        compiler_params=_TC_PARAMS,
    )(x, W1, degT)


def _bn(h, g, be):
    mu = jnp.mean(h, axis=0, keepdims=True)
    var = jnp.mean((h - mu) ** 2, axis=0, keepdims=True)
    return g * (h - mu) * lax.rsqrt(var + EPS) + be


def _tcl1_body(a_ref, dinv_ref, b1_ref, g1_ref, be1_ref, w2_ref, o0_ref, o1_ref):
    a3 = a_ref[...]
    A = (a3[0] + a3[1])[:N]
    dinv = dinv_ref[...][:N]
    h = jnp.maximum(A * dinv + b1_ref[...], 0.0)
    hn = _bn(h, g1_ref[...], be1_ref[...])
    h2 = jnp.dot(hn, w2_ref[...], preferred_element_type=jnp.float32) * dinv
    o0_ref[...] = h2[:, :FC]
    o1_ref[...] = h2[:, FC:]


def _tcl1(a1, dinv, b1, g1, be1, W2):
    return pl.pallas_call(
        _tcl1_body,
        out_shape=(jax.ShapeDtypeStruct((N, FC), jnp.float32),
                   jax.ShapeDtypeStruct((N, FC), jnp.float32)),
        compiler_params=_TC_PARAMS,
    )(a1, dinv, b1.reshape(1, -1), g1.reshape(1, -1), be1.reshape(1, -1), W2)


def _tcbn2_body(a0_ref, a1_ref, dinv_ref, b2_ref, g2_ref, be2_ref,
                o0_ref, o1_ref):
    dinv = dinv_ref[...][:N]
    for a_ref, o_ref, c in ((a0_ref, o0_ref, 0), (a1_ref, o1_ref, 1)):
        p = a_ref[...]
        A = (p[0] + p[1])[:N]
        sl = slice(c * FC, (c + 1) * FC)
        h = jnp.maximum(A * dinv + b2_ref[...][:, sl], 0.0)
        o_ref[...] = _bn(h, g2_ref[...][:, sl], be2_ref[...][:, sl])


def _tcbn2(a2c0, a2c1, dinv, b2, g2, be2):
    return pl.pallas_call(
        _tcbn2_body,
        out_shape=(jax.ShapeDtypeStruct((N, FC), jnp.float32),
                   jax.ShapeDtypeStruct((N, FC), jnp.float32)),
        compiler_params=_TC_PARAMS,
    )(a2c0, a2c1, dinv, b2.reshape(1, -1), g2.reshape(1, -1), be2.reshape(1, -1))


def _tcmm2_body(h0_ref, h1_ref, w3_ref, avs_ref, avd_ref,
                o0_ref, o1_ref, o2_ref, o3_ref, asrc_ref, adst_ref):
    hn0 = h0_ref[...]
    hn1 = h1_ref[...]
    w3 = w3_ref[...]
    for c, o_ref in enumerate((o0_ref, o1_ref, o2_ref, o3_ref)):
        sl = slice(c * FC, (c + 1) * FC)
        o_ref[...] = (jnp.dot(hn0, w3[:FC, sl], preferred_element_type=jnp.float32)
                      + jnp.dot(hn1, w3[FC:, sl], preferred_element_type=jnp.float32))
    was = jnp.dot(w3, avs_ref[...], preferred_element_type=jnp.float32)
    wad = jnp.dot(w3, avd_ref[...], preferred_element_type=jnp.float32)
    asrc = (jnp.dot(hn0, was[:FC], preferred_element_type=jnp.float32)
            + jnp.dot(hn1, was[FC:], preferred_element_type=jnp.float32))
    adst = (jnp.dot(hn0, wad[:FC], preferred_element_type=jnp.float32)
            + jnp.dot(hn1, wad[FC:], preferred_element_type=jnp.float32))
    zpad = jnp.zeros((NPAD - N, 1), jnp.float32)
    asrc_ref[...] = jnp.concatenate([asrc, zpad], axis=0)
    adst_ref[...] = jnp.concatenate([adst, zpad], axis=0)


def _tcmm2(hn2c0, hn2c1, W3, a_src, a_dst):
    return pl.pallas_call(
        _tcmm2_body,
        out_shape=(jax.ShapeDtypeStruct((N, FC), jnp.float32),
                   jax.ShapeDtypeStruct((N, FC), jnp.float32),
                   jax.ShapeDtypeStruct((N, FC), jnp.float32),
                   jax.ShapeDtypeStruct((N, FC), jnp.float32),
                   jax.ShapeDtypeStruct((NPAD, 1), jnp.float32),
                   jax.ShapeDtypeStruct((NPAD, 1), jnp.float32)),
        compiler_params=_TC_PARAMS,
    )(hn2c0, hn2c1, W3, a_src.reshape(-1, 1), a_dst.reshape(-1, 1))


def _tcpost_body(a_ref, denT_ref, b3c_ref, o_ref):
    p = a_ref[...]
    A = (p[0] + p[1])[:N]
    denom = jnp.sum(denT_ref[...], axis=1, keepdims=True)[:N]
    h = A / jnp.maximum(denom, 1e-16) + b3c_ref[...]
    o_ref[...] = jnp.where(h > 0, h, jnp.exp(jnp.minimum(h, 0.0)) - 1.0)


def _tcpost(a3ci, denT, b3c):
    return pl.pallas_call(
        _tcpost_body,
        out_shape=jax.ShapeDtypeStruct((N, FC), jnp.float32),
        compiler_params=_TC_PARAMS,
    )(a3ci, denT, b3c)


def _tcfinal_body(h0_ref, h1_ref, h2_ref, h3_ref, g3_ref, be3_ref, batch_ref,
                  wf1_ref, bf1_ref, wf2_ref, bf2_ref, o_ref):
    batch = batch_ref[...][:N]
    gids = lax.broadcasted_iota(jnp.int32, (N, G), 1)
    PT = (batch == gids).astype(jnp.float32)
    dims = (((0,), (0,)), ((), ()))
    counts = lax.dot_general(PT, jnp.ones((N, 1), jnp.float32), dims,
                             preferred_element_type=jnp.float32)
    cdiv = 1.0 / jnp.maximum(counts, 1.0)
    z1 = jnp.zeros((G, 256), jnp.float32)
    for c, h_ref in enumerate((h0_ref, h1_ref, h2_ref, h3_ref)):
        sl = slice(c * FC, (c + 1) * FC)
        hn = _bn(h_ref[...], g3_ref[...][:, sl], be3_ref[...][:, sl])
        pooled = lax.dot_general(PT, hn, dims,
                                 preferred_element_type=jnp.float32) * cdiv
        z1 = z1 + jnp.dot(pooled, wf1_ref[...][sl, :],
                          preferred_element_type=jnp.float32)
    z = jnp.maximum(z1 + bf1_ref[...], 0.0)
    z = jnp.dot(z, wf2_ref[...], preferred_element_type=jnp.float32) + bf2_ref[...]
    m = jnp.max(z, axis=1, keepdims=True)
    lse = jnp.log(jnp.sum(jnp.exp(z - m), axis=1, keepdims=True)) + m
    o_ref[...] = z - lse


def _tcfinal(h3e, g3, be3, batchp, Wf1, bf1, Wf2, bf2):
    return pl.pallas_call(
        _tcfinal_body,
        out_shape=jax.ShapeDtypeStruct((G, 31), jnp.float32),
        compiler_params=_TC_PARAMS,
    )(h3e[0], h3e[1], h3e[2], h3e[3], g3.reshape(1, -1), be3.reshape(1, -1),
      batchp, Wf1, bf1.reshape(1, -1), Wf2, bf2.reshape(1, -1))



def kernel(x, edge_index, batch, W1, b1, g1, be1, W2, b2, g2, be2, W3, a_src,
           a_dst, b3, g3, be3, Wf1, bf1, Wf2, bf2):
    loops = jnp.arange(N, dtype=jnp.int32)
    srcp = jnp.concatenate([edge_index[0], loops,
                            jnp.zeros((MEP - ME,), jnp.int32)])
    dstp = jnp.concatenate([edge_index[1], loops,
                            jnp.full((MEP - ME,), N, jnp.int32)])
    zrows = jnp.zeros((NPAD, FC), jnp.float32)

    deg32 = _deg_call(dstp).reshape(NW, NPAD)
    hs1, dinv = _tc0(x, W1, deg32.T)

    a1 = _msg_call(hs1, srcp, dstp, zrows)
    h2c0, h2c1 = _tcl1(a1, dinv, b1, g1, be1, W2)

    a2c0 = _msg_call(h2c0, srcp, dstp, zrows)
    a2c1 = _msg_call(h2c1, srcp, dstp, zrows)
    hn2c0, hn2c1 = _tcbn2(a2c0, a2c1, dinv, b2, g2, be2)
    h3c0, h3c1, h3c2, h3c3, asrcp, adstp = _tcmm2(hn2c0, hn2c1, W3, a_src, a_dst)

    exw, den32 = _gat_call(srcp, dstp, asrcp.reshape(NPAD), adstp.reshape(NPAD))
    denT = den32.reshape(NW, NPAD).T
    a3c = [_msg_call(h, srcp, dstp, zrows, w=exw)
           for h in (h3c0, h3c1, h3c2, h3c3)]

    b3r = b3.reshape(1, -1)
    h3e = [_tcpost(a3c[c], denT, b3r[:, c * FC:(c + 1) * FC]) for c in range(4)]
    batchp = jnp.concatenate([batch.astype(jnp.int32),
                              jnp.full((NPAD - N,), G, jnp.int32)]).reshape(NPAD, 1)
    return _tcfinal(h3e, g3, be3, batchp, Wf1, bf1, Wf2, bf2)

# --- scband reference (transcript-rebuilt; emitter-appended) ---
"""Pipeline reference for scband-alphabet-gnn-36687610642625 (READ-ONLY COPY).

The authoritative reference and input builder live on the scoring server;
editing this copy changes nothing except your own understanding.
"""

import jax, jax.numpy as jnp
import numpy as np

N = 10000
E = 320000
G = 64
EPS = 1e-5

def _gcn(x, src, dst, W, b, n):
    h = x @ W
    deg = jnp.zeros((n,), jnp.float32).at[dst].add(1.0)
    dinv = jnp.where(deg > 0, 1.0 / jnp.sqrt(deg), 0.0)
    norm = dinv[src] * dinv[dst]
    msg = h[src] * norm[:, None]
    out = jnp.zeros((n, h.shape[1]), jnp.float32).at[dst].add(msg)
    return out + b

def _gat(x, src, dst, W, a_src, a_dst, b, n):
    h = x @ W
    asrc = h @ a_src
    adst = h @ a_dst
    e = asrc[src] + adst[dst]
    e = jnp.where(e > 0, e, 0.2 * e)
    m = jax.ops.segment_max(e, dst, num_segments=n)
    m = jnp.where(jnp.isfinite(m), m, 0.0)
    ex = jnp.exp(e - m[dst])
    denom = jax.ops.segment_sum(ex, dst, num_segments=n)
    alpha = ex / jnp.maximum(denom[dst], 1e-16)
    out = jax.ops.segment_sum(h[src] * alpha[:, None], dst, num_segments=n)
    return out + b

def _bn(x, g, b):
    mu = jnp.mean(x, axis=0)
    var = jnp.var(x, axis=0)
    return g * (x - mu) / jnp.sqrt(var + EPS) + b

def setup_inputs(seed: int = 0):
    key = jax.random.key(seed)
    ks = jax.random.split(key, 24)
    inp = {}
    inp["x"] = jax.random.normal(ks[0], (N, 128), dtype=jnp.float32)
    inp["edge_index"] = jax.random.randint(ks[1], (2, E), 0, N, dtype=jnp.int32)
    inp["batch"] = jnp.sort(jax.random.randint(ks[2], (N,), 0, G, dtype=jnp.int32))
    inp["W1"] = jax.random.normal(ks[3], (128, 128), jnp.float32) * 0.05
    inp["b1"] = jnp.zeros((128,), jnp.float32)
    inp["g1"] = jnp.ones((128,), jnp.float32)
    inp["be1"] = jnp.zeros((128,), jnp.float32)
    inp["W2"] = jax.random.normal(ks[4], (128, 256), jnp.float32) * 0.05
    inp["b2"] = jnp.zeros((256,), jnp.float32)
    inp["g2"] = jnp.ones((256,), jnp.float32)
    inp["be2"] = jnp.zeros((256,), jnp.float32)
    inp["W3"] = jax.random.normal(ks[5], (256, 512), jnp.float32) * 0.05
    inp["a_src"] = jax.random.normal(ks[6], (512,), jnp.float32) * 0.05
    inp["a_dst"] = jax.random.normal(ks[7], (512,), jnp.float32) * 0.05
    inp["b3"] = jnp.zeros((512,), jnp.float32)
    inp["g3"] = jnp.ones((512,), jnp.float32)
    inp["be3"] = jnp.zeros((512,), jnp.float32)
    inp["Wf1"] = jax.random.normal(ks[8], (512, 256), jnp.float32) * 0.05
    inp["bf1"] = jnp.zeros((256,), jnp.float32)
    inp["Wf2"] = jax.random.normal(ks[9], (256, 31), jnp.float32) * 0.05
    inp["bf2"] = jnp.zeros((31,), jnp.float32)
    return inp

def reference(x, edge_index, batch, W1, b1, g1, be1, W2, b2, g2, be2, W3, a_src, a_dst, b3, g3, be3, Wf1, bf1, Wf2, bf2):
    n = x.shape[0]
    loops = jnp.arange(n, dtype=edge_index.dtype)
    src = jnp.concatenate([edge_index[0], loops])
    dst = jnp.concatenate([edge_index[1], loops])
    h = jax.nn.relu(_gcn(x, src, dst, W1, b1, n))
    h = _bn(h, g1, be1)
    h = jax.nn.relu(_gcn(h, src, dst, W2, b2, n))
    h = _bn(h, g2, be2)
    h = jax.nn.elu(_gat(h, src, dst, W3, a_src, a_dst, b3, n))
    h = _bn(h, g3, be3)
    sums = jax.ops.segment_sum(h, batch, num_segments=G)
    counts = jax.ops.segment_sum(jnp.ones((n,), jnp.float32), batch, num_segments=G)
    pooled = sums / jnp.maximum(counts, 1.0)[:, None]
    z = jax.nn.relu(pooled @ Wf1 + bf1)
    z = z @ Wf2 + bf2
    return jax.nn.log_softmax(z, axis=1)

if __name__ == "__main__":
    import jax
    _d = setup_inputs()
    print(jax.jit(kernel)(*tuple(_d.values())))

</pallas_src>

<mosaic_0001>
#map = affine_map<(d0, d1) -> (0)>
module attributes {stable_mosaic.version = 14 : i64} {
  func.func @_deg_body(%arg0: i32, %arg1: i32, %arg2: memref<331776xi32, #tpu.memory_space<hbm>>, %arg3: memref<323584xf32, #tpu.memory_space<hbm>>, %arg4: memref<10112xf32, #tpu.memory_space<vmem>>, %arg5: memref<128xi32, #tpu.memory_space<vmem>>) attributes {dimension_semantics = [#tpu.dimension_semantics<core_parallel>, #tpu.dimension_semantics<subcore_parallel>], iteration_bounds = array<i64: 2, 16>, scalar_prefetch = 0 : i64, scratch_operands = 2 : i64, tpu.core_type = #tpu.core_type<sc_vector_subcore>, window_params = [{transform_indices = #map}, {transform_indices = #map}]} {
    %mul3A = arith.constant 2 : i32
    %mul3A_0 = arith.muli %arg1, %mul3A : i32
    %add3A = arith.addi %mul3A_0, %arg0 : i32
    %broadcast_in_dim3A = arith.constant 0.000000e+00 : f32
    %broadcast_in_dim3A_1 = vector.broadcast %broadcast_in_dim3A : f32 to vector<16xf32>
    %scan3A = arith.constant 0 : i32
    %scan3A_2 = arith.constant 0 : i32
    %scan3A_3 = arith.constant 632 : i32
    %scan3A_4 = arith.addi %scan3A_2, %scan3A_3 : i32
    %scan3A_5 = arith.constant 1 : i32
    scf.for %scan3A_17 = %scan3A_2 to %scan3A_4 step %scan3A_5  : i32 {
      %mul3A_18 = arith.constant 16 : i32
      %mul3A_19 = arith.muli %scan3A_17, %mul3A_18 : i32
      %swap3A = arith.index_cast %mul3A_19 : i32 to index
      %swap3A_20 = tpu.vector_load %arg4[%swap3A] {strides = array<i32>} : memref<10112xf32, #tpu.memory_space<vmem>>, vector<16xf32>,
      tpu.vector_store %arg4[%swap3A], %broadcast_in_dim3A_1 {strides = array<i32>} : memref<10112xf32, #tpu.memory_space<vmem>>, vector<16xf32>,
    }
    %scan3A_6 = arith.constant 632 : i32
    %broadcast_in_dim3A_7 = arith.constant 1.000000e+00 : f32
    %broadcast_in_dim3A_8 = vector.broadcast %broadcast_in_dim3A_7 : f32 to vector<16xf32>
    %scan3A_9 = arith.constant 0 : i32
    %scan3A_10 = arith.constant 0 : i32
    %scan3A_11 = arith.constant 81 : i32
    %scan3A_12 = arith.addi %scan3A_10, %scan3A_11 : i32
    %scan3A_13 = arith.constant 1 : i32
    scf.for %scan3A_17 = %scan3A_10 to %scan3A_12 step %scan3A_13  : i32 {
      %mul3A_18 = arith.constant 81 : i32
      %mul3A_19 = arith.muli %add3A, %mul3A_18 : i32
      %add3A_20 = arith.addi %mul3A_19, %scan3A_17 : i32
      %mul3A_21 = arith.constant 128 : i32
      %mul3A_22 = arith.muli %add3A_20, %mul3A_21 : i32
      "tpu.region"() ({
        %run_scoped3A = tpu.sem_alloc : memref<!tpu.dma_semaphore, #tpu.memory_space<semaphore_mem>>
        %dma_start3A = tpu.memref_slice %arg2[%mul3A_22] : memref<331776xi32, #tpu.memory_space<hbm>> -> memref<128xi32, #tpu.memory_space<hbm>>
        %dma_start3A_38 = tpu.memref_slice %arg2[%mul3A_22] : memref<331776xi32, #tpu.memory_space<hbm>> -> memref<128xi32, #tpu.memory_space<hbm>>
        tpu.enqueue_dma source(%dma_start3A_38 : memref<128xi32, #tpu.memory_space<hbm>>) target(%arg5 : memref<128xi32, #tpu.memory_space<vmem>>) target_semaphore(%run_scoped3A : memref<!tpu.dma_semaphore, #tpu.memory_space<semaphore_mem>>)
        %dma_wait3A = tpu.memref_slice %arg2[%mul3A_22] : memref<331776xi32, #tpu.memory_space<hbm>> -> memref<128xi32, #tpu.memory_space<hbm>>
        %dma_wait3A_39 = tpu.memref_slice %arg2[%mul3A_22] : memref<331776xi32, #tpu.memory_space<hbm>> -> memref<128xi32, #tpu.memory_space<hbm>>
        tpu.wait_dma2 semaphore(%run_scoped3A : memref<!tpu.dma_semaphore, #tpu.memory_space<semaphore_mem>>) src(%dma_wait3A_39 : memref<128xi32, #tpu.memory_space<hbm>>) dst(%arg5 : memref<128xi32, #tpu.memory_space<vmem>>)
        tpu.yield
      }) : () -> ()
      %get3A = arith.constant 0 : index
      %get3A_23 = tpu.vector_load %arg5[%get3A] {strides = array<i32>} : memref<128xi32, #tpu.memory_space<vmem>>, vector<16xi32>,
      tpu.vector_store_idx %arg4[%get3A_23], %broadcast_in_dim3A_8 {add = true} : memref<10112xf32, #tpu.memory_space<vmem>>[vector<16xi32>], vector<16xf32>,
      %get3A_24 = arith.constant 16 : index
      %get3A_25 = tpu.vector_load %arg5[%get3A_24] {strides = array<i32>} : memref<128xi32, #tpu.memory_space<vmem>>, vector<16xi32>,
      tpu.vector_store_idx %arg4[%get3A_25], %broadcast_in_dim3A_8 {add = true} : memref<10112xf32, #tpu.memory_space<vmem>>[vector<16xi32>], vector<16xf32>,
      %get3A_26 = arith.constant 32 : index
      %get3A_27 = tpu.vector_load %arg5[%get3A_26] {strides = array<i32>} : memref<128xi32, #tpu.memory_space<vmem>>, vector<16xi32>,
      tpu.vector_store_idx %arg4[%get3A_27], %broadcast_in_dim3A_8 {add = true} : memref<10112xf32, #tpu.memory_space<vmem>>[vector<16xi32>], vector<16xf32>,
      %get3A_28 = arith.constant 48 : index
      %get3A_29 = tpu.vector_load %arg5[%get3A_28] {strides = array<i32>} : memref<128xi32, #tpu.memory_space<vmem>>, vector<16xi32>,
      tpu.vector_store_idx %arg4[%get3A_29], %broadcast_in_dim3A_8 {add = true} : memref<10112xf32, #tpu.memory_space<vmem>>[vector<16xi32>], vector<16xf32>,
      %get3A_30 = arith.constant 64 : index
      %get3A_31 = tpu.vector_load %arg5[%get3A_30] {strides = array<i32>} : memref<128xi32, #tpu.memory_space<vmem>>, vector<16xi32>,
      tpu.vector_store_idx %arg4[%get3A_31], %broadcast_in_dim3A_8 {add = true} : memref<10112xf32, #tpu.memory_space<vmem>>[vector<16xi32>], vector<16xf32>,
      %get3A_32 = arith.constant 80 : index
      %get3A_33 = tpu.vector_load %arg5[%get3A_32] {strides = array<i32>} : memref<128xi32, #tpu.memory_space<vmem>>, vector<16xi32>,
      tpu.vector_store_idx %arg4[%get3A_33], %broadcast_in_dim3A_8 {add = true} : memref<10112xf32, #tpu.memory_space<vmem>>[vector<16xi32>], vector<16xf32>,
      %get3A_34 = arith.constant 96 : index
      %get3A_35 = tpu.vector_load %arg5[%get3A_34] {strides = array<i32>} : memref<128xi32, #tpu.memory_space<vmem>>, vector<16xi32>,
      tpu.vector_store_idx %arg4[%get3A_35], %broadcast_in_dim3A_8 {add = true} : memref<10112xf32, #tpu.memory_space<vmem>>[vector<16xi32>], vector<16xf32>,
      %get3A_36 = arith.constant 112 : index
      %get3A_37 = tpu.vector_load %arg5[%get3A_36] {strides = array<i32>} : memref<128xi32, #tpu.memory_space<vmem>>, vector<16xi32>,
      tpu.vector_store_idx %arg4[%get3A_37], %broadcast_in_dim3A_8 {add = true} : memref<10112xf32, #tpu.memory_space<vmem>>[vector<16xi32>], vector<16xf32>,
    }
    %scan3A_14 = arith.constant 81 : i32
    %mul3A_15 = arith.constant 10112 : i32
    %mul3A_16 = arith.muli %add3A, %mul3A_15 : i32
    "tpu.region"() ({
      %run_scoped3A = tpu.sem_alloc : memref<!tpu.dma_semaphore, #tpu.memory_space<semaphore_mem>>
      %dma_start3A = tpu.memref_slice %arg3[%mul3A_16] : memref<323584xf32, #tpu.memory_space<hbm>> -> memref<10112xf32, #tpu.memory_space<hbm>>
      %dma_start3A_17 = tpu.memref_slice %arg3[%mul3A_16] : memref<323584xf32, #tpu.memory_space<hbm>> -> memref<10112xf32, #tpu.memory_space<hbm>>
      tpu.enqueue_dma source(%arg4 : memref<10112xf32, #tpu.memory_space<vmem>>) target(%dma_start3A_17 : memref<10112xf32, #tpu.memory_space<hbm>>) target_semaphore(%run_scoped3A : memref<!tpu.dma_semaphore, #tpu.memory_space<semaphore_mem>>)
      %dma_wait3A = tpu.memref_slice %arg3[%mul3A_16] : memref<323584xf32, #tpu.memory_space<hbm>> -> memref<10112xf32, #tpu.memory_space<hbm>>
      %dma_wait3A_18 = tpu.memref_slice %arg3[%mul3A_16] : memref<323584xf32, #tpu.memory_space<hbm>> -> memref<10112xf32, #tpu.memory_space<hbm>>
      tpu.wait_dma2 semaphore(%run_scoped3A : memref<!tpu.dma_semaphore, #tpu.memory_space<semaphore_mem>>) src(%arg4 : memref<10112xf32, #tpu.memory_space<vmem>>) dst(%dma_wait3A_18 : memref<10112xf32, #tpu.memory_space<hbm>>)
      tpu.yield
    }) : () -> ()
    return
  }
}

#map = affine_map<(d0, d1) -> (0, 0)>
#map1 = affine_map<(d0, d1) -> (0)>
#map2 = affine_map<(d0, d1) -> (0, 0, 0)>
module attributes {stable_mosaic.version = 14 : i64} {
  func.func @body(%arg0: i32, %arg1: i32, %arg2: memref<10000x128xf32, #tpu.memory_space<hbm>>, %arg3: memref<331776xi32, #tpu.memory_space<hbm>>, %arg4: memref<331776xi32, #tpu.memory_space<hbm>>, %arg5: memref<10112x128xf32, #tpu.memory_space<hbm>>, %arg6: memref<2x10112x128xf32, #tpu.memory_space<hbm>>, %arg7: memref<10112x128xf32, #tpu.memory_space<vmem_shared>>, %arg8: memref<128xi32, #tpu.memory_space<vmem>>, %arg9: memref<128xi32, #tpu.memory_space<vmem>>, %arg10: memref<128xf32, #tpu.memory_space<vmem>>, %arg11: memref<128x128xf32, #tpu.memory_space<vmem>>, %arg12: memref<!tpu.dma_semaphore, #tpu.memory_space<semaphore_mem>>) attributes {dimension_semantics = [#tpu.dimension_semantics<core_parallel>, #tpu.dimension_semantics<subcore_parallel>], iteration_bounds = array<i64: 2, 16>, scalar_prefetch = 0 : i64, scratch_operands = 6 : i64, tpu.core_type = #tpu.core_type<sc_vector_subcore>, window_params = [{transform_indices = #map}, {transform_indices = #map1}, {transform_indices = #map1}, {transform_indices = #map}, {transform_indices = #map2}]} {
    %mul3A = arith.constant 2 : i32
    %mul3A_0 = arith.muli %arg1, %mul3A : i32
    %add3A = arith.addi %mul3A_0, %arg0 : i32
    %mul3A_1 = arith.constant 632 : i32
    %mul3A_2 = arith.muli %arg1, %mul3A_1 : i32
    "tpu.region"() ({
      %run_scoped3A = tpu.sem_alloc : memref<!tpu.dma_semaphore, #tpu.memory_space<semaphore_mem>>
      %dma_start3A = arith.constant 0 : i32
      %dma_start3A_9 = tpu.memref_slice %arg7[%mul3A_2, %dma_start3A] : memref<10112x128xf32, #tpu.memory_space<vmem_shared>> -> memref<632x128xf32, #tpu.memory_space<vmem_shared>>
      %dma_start3A_10 = arith.constant 0 : i32
      %dma_start3A_11 = tpu.memref_slice %arg5[%mul3A_2, %dma_start3A_10] : memref<10112x128xf32, #tpu.memory_space<hbm>> -> memref<632x128xf32, #tpu.memory_space<hbm>>
      tpu.enqueue_dma source(%dma_start3A_11 : memref<632x128xf32, #tpu.memory_space<hbm>>) target(%dma_start3A_9 : memref<632x128xf32, #tpu.memory_space<vmem_shared>>) target_semaphore(%run_scoped3A : memref<!tpu.dma_semaphore, #tpu.memory_space<semaphore_mem>>)
      %dma_wait3A = arith.constant 0 : i32
      %dma_wait3A_12 = tpu.memref_slice %arg7[%mul3A_2, %dma_wait3A] : memref<10112x128xf32, #tpu.memory_space<vmem_shared>> -> memref<632x128xf32, #tpu.memory_space<vmem_shared>>
      %dma_wait3A_13 = arith.constant 0 : i32
      %dma_wait3A_14 = tpu.memref_slice %arg5[%mul3A_2, %dma_wait3A_13] : memref<10112x128xf32, #tpu.memory_space<hbm>> -> memref<632x128xf32, #tpu.memory_space<hbm>>
      tpu.wait_dma2 semaphore(%run_scoped3A : memref<!tpu.dma_semaphore, #tpu.memory_space<semaphore_mem>>) src(%dma_wait3A_14 : memref<632x128xf32, #tpu.memory_space<hbm>>) dst(%dma_wait3A_12 : memref<632x128xf32, #tpu.memory_space<vmem_shared>>)
      tpu.yield
    }) : () -> ()
    %barrier3A = arith.constant 0 : index
    tpu.barrier barrier_id(%barrier3A)
    %scan3A = arith.constant 0 : i32
    %scan3A_3 = arith.constant 0 : i32
    %scan3A_4 = arith.constant 81 : i32
    %scan3A_5 = arith.addi %scan3A_3, %scan3A_4 : i32
    %scan3A_6 = arith.constant 1 : i32
    scf.for %scan3A_9 = %scan3A_3 to %scan3A_5 step %scan3A_6  : i32 {
      %mul3A_10 = arith.constant 81 : i32
      %mul3A_11 = arith.muli %add3A, %mul3A_10 : i32
      %add3A_12 = arith.addi %mul3A_11, %scan3A_9 : i32
      %mul3A_13 = arith.constant 128 : i32
      %mul3A_14 = arith.muli %add3A_12, %mul3A_13 : i32
      "tpu.region"() ({
        %run_scoped3A = tpu.sem_alloc : memref<!tpu.dma_semaphore, #tpu.memory_space<semaphore_mem>>
        %dma_start3A_19 = tpu.memref_slice %arg3[%mul3A_14] : memref<331776xi32, #tpu.memory_space<hbm>> -> memref<128xi32, #tpu.memory_space<hbm>>
        %dma_start3A_20 = tpu.memref_slice %arg3[%mul3A_14] : memref<331776xi32, #tpu.memory_space<hbm>> -> memref<128xi32, #tpu.memory_space<hbm>>
        tpu.enqueue_dma source(%dma_start3A_20 : memref<128xi32, #tpu.memory_space<hbm>>) target(%arg8 : memref<128xi32, #tpu.memory_space<vmem>>) target_semaphore(%run_scoped3A : memref<!tpu.dma_semaphore, #tpu.memory_space<semaphore_mem>>)
        %dma_wait3A_21 = tpu.memref_slice %arg3[%mul3A_14] : memref<331776xi32, #tpu.memory_space<hbm>> -> memref<128xi32, #tpu.memory_space<hbm>>
        %dma_wait3A_22 = tpu.memref_slice %arg3[%mul3A_14] : memref<331776xi32, #tpu.memory_space<hbm>> -> memref<128xi32, #tpu.memory_space<hbm>>
        tpu.wait_dma2 semaphore(%run_scoped3A : memref<!tpu.dma_semaphore, #tpu.memory_space<semaphore_mem>>) src(%dma_wait3A_22 : memref<128xi32, #tpu.memory_space<hbm>>) dst(%arg8 : memref<128xi32, #tpu.memory_space<vmem>>)
        tpu.yield
      }) : () -> ()
      %dma_start3A = arith.constant 0 : i32
      %dma_start3A_15 = arith.constant 0 : i32
      %dma_start3A_16 = tpu.memref_slice %arg2[%dma_start3A, %dma_start3A_15] : memref<10000x128xf32, #tpu.memory_space<hbm>> -> memref<10000x128xf32, #tpu.memory_space<hbm>>
      tpu.enqueue_indirect_dma source(%dma_start3A_16 : memref<10000x128xf32, #tpu.memory_space<hbm>>) target(%arg11 : memref<128x128xf32, #tpu.memory_space<vmem>>) offsets(%arg8 : memref<128xi32, #tpu.memory_space<vmem>>) semaphore(%arg12 : memref<!tpu.dma_semaphore, #tpu.memory_space<semaphore_mem>>)
      %dma_wait3A = arith.constant 0 : i32
      %dma_wait3A_17 = arith.constant 0 : i32
      %dma_wait3A_18 = tpu.memref_slice %arg2[%dma_wait3A, %dma_wait3A_17] : memref<10000x128xf32, #tpu.memory_space<hbm>> -> memref<10000x128xf32, #tpu.memory_space<hbm>>
      tpu.wait_indirect_dma semaphore(%arg12 : memref<!tpu.dma_semaphore, #tpu.memory_space<semaphore_mem>>) src(%dma_wait3A_18 : memref<10000x128xf32, #tpu.memory_space<hbm>>) dst(%arg11 : memref<128x128xf32, #tpu.memory_space<vmem>>)
      "tpu.region"() ({
        %run_scoped3A = tpu.sem_alloc : memref<!tpu.dma_semaphore, #tpu.memory_space<semaphore_mem>>
        %dma_start3A_19 = tpu.memref_slice %arg4[%mul3A_14] : memref<331776xi32, #tpu.memory_space<hbm>> -> memref<128xi32, #tpu.memory_space<hbm>>
        %dma_start3A_20 = tpu.memref_slice %arg4[%mul3A_14] : memref<331776xi32, #tpu.memory_space<hbm>> -> memref<128xi32, #tpu.memory_space<hbm>>
        tpu.enqueue_dma source(%dma_start3A_20 : memref<128xi32, #tpu.memory_space<hbm>>) target(%arg9 : memref<128xi32, #tpu.memory_space<vmem>>) target_semaphore(%run_scoped3A : memref<!tpu.dma_semaphore, #tpu.memory_space<semaphore_mem>>)
        %dma_wait3A_21 = tpu.memref_slice %arg4[%mul3A_14] : memref<331776xi32, #tpu.memory_space<hbm>> -> memref<128xi32, #tpu.memory_space<hbm>>
        %dma_wait3A_22 = tpu.memref_slice %arg4[%mul3A_14] : memref<331776xi32, #tpu.memory_space<hbm>> -> memref<128xi32, #tpu.memory_space<hbm>>
        tpu.wait_dma2 semaphore(%run_scoped3A : memref<!tpu.dma_semaphore, #tpu.memory_space<semaphore_mem>>) src(%dma_wait3A_22 : memref<128xi32, #tpu.memory_space<hbm>>) dst(%arg9 : memref<128xi32, #tpu.memory_space<vmem>>)
        tpu.yield
      }) : () -> ()
      "tpu.region"() ({
        %run_scoped3A = tpu.sem_alloc : memref<!tpu.dma_semaphore, #tpu.memory_space<semaphore_mem>>
        %dma_start3A_19 = arith.constant 0 : i32
        %dma_start3A_20 = arith.constant 0 : i32
        %dma_start3A_21 = tpu.memref_slice %arg7[%dma_start3A_19, %dma_start3A_20] : memref<10112x128xf32, #tpu.memory_space<vmem_shared>> -> memref<10112x128xf32, #tpu.memory_space<vmem_shared>>
        tpu.enqueue_indirect_dma source(%arg11 : memref<128x128xf32, #tpu.memory_space<vmem>>) target(%dma_start3A_21 : memref<10112x128xf32, #tpu.memory_space<vmem_shared>>) offsets(%arg9 : memref<128xi32, #tpu.memory_space<vmem>>) semaphore(%run_scoped3A : memref<!tpu.dma_semaphore, #tpu.memory_space<semaphore_mem>>) {add = true}
        %dma_wait3A_22 = arith.constant 0 : i32
        %dma_wait3A_23 = arith.constant 0 : i32
        %dma_wait3A_24 = tpu.memref_slice %arg7[%dma_wait3A_22, %dma_wait3A_23] : memref<10112x128xf32, #tpu.memory_space<vmem_shared>> -> memref<10112x128xf32, #tpu.memory_space<vmem_shared>>
        tpu.wait_indirect_dma semaphore(%run_scoped3A : memref<!tpu.dma_semaphore, #tpu.memory_space<semaphore_mem>>) src(%arg11 : memref<128x128xf32, #tpu.memory_space<vmem>>) dst(%dma_wait3A_24 : memref<10112x128xf32, #tpu.memory_space<vmem_shared>>)
        tpu.yield
      }) : () -> ()
    }
    %scan3A_7 = arith.constant 81 : i32
    %barrier3A_8 = arith.constant 0 : index
    tpu.barrier barrier_id(%barrier3A_8)
    "tpu.region"() ({
      %run_scoped3A = tpu.sem_alloc : memref<!tpu.dma_semaphore, #tpu.memory_space<semaphore_mem>>
      %dma_start3A = arith.constant 0 : i32
      %dma_start3A_9 = tpu.memref_slice %arg6[%arg0, %mul3A_2, %dma_start3A] : memref<2x10112x128xf32, #tpu.memory_space<hbm>> -> memref<1x632x128xf32, #tpu.memory_space<hbm>>
      %dma_start3A_10 = tpu.memref_squeeze %dma_start3A_9 : memref<1x632x128xf32, #tpu.memory_space<hbm>> -> memref<632x128xf32, #tpu.memory_space<hbm>>
      %dma_start3A_11 = arith.constant 0 : i32
      %dma_start3A_12 = tpu.memref_slice %arg7[%mul3A_2, %dma_start3A_11] : memref<10112x128xf32, #tpu.memory_space<vmem_shared>> -> memref<632x128xf32, #tpu.memory_space<vmem_shared>>
      tpu.enqueue_dma source(%dma_start3A_12 : memref<632x128xf32, #tpu.memory_space<vmem_shared>>) target(%dma_start3A_10 : memref<632x128xf32, #tpu.memory_space<hbm>>) target_semaphore(%run_scoped3A : memref<!tpu.dma_semaphore, #tpu.memory_space<semaphore_mem>>)
      %dma_wait3A = arith.constant 0 : i32
      %dma_wait3A_13 = tpu.memref_slice %arg6[%arg0, %mul3A_2, %dma_wait3A] : memref<2x10112x128xf32, #tpu.memory_space<hbm>> -> memref<1x632x128xf32, #tpu.memory_space<hbm>>
      %dma_wait3A_14 = tpu.memref_squeeze %dma_wait3A_13 : memref<1x632x128xf32, #tpu.memory_space<hbm>> -> memref<632x128xf32, #tpu.memory_space<hbm>>
      %dma_wait3A_15 = arith.constant 0 : i32
      %dma_wait3A_16 = tpu.memref_slice %arg7[%mul3A_2, %dma_wait3A_15] : memref<10112x128xf32, #tpu.memory_space<vmem_shared>> -> memref<632x128xf32, #tpu.memory_space<vmem_shared>>
      tpu.wait_dma2 semaphore(%run_scoped3A : memref<!tpu.dma_semaphore, #tpu.memory_space<semaphore_mem>>) src(%dma_wait3A_16 : memref<632x128xf32, #tpu.memory_space<vmem_shared>>) dst(%dma_wait3A_14 : memref<632x128xf32, #tpu.memory_space<hbm>>)
      tpu.yield
    }) : () -> ()
    return
  }
}

#map = affine_map<(d0, d1) -> (0, 0)>
#map1 = affine_map<(d0, d1) -> (0)>
#map2 = affine_map<(d0, d1) -> (0, 0, 0)>
module attributes {stable_mosaic.version = 14 : i64} {
  func.func @body(%arg0: i32, %arg1: i32, %arg2: memref<10000x128xf32, #tpu.memory_space<hbm>>, %arg3: memref<331776xi32, #tpu.memory_space<hbm>>, %arg4: memref<331776xi32, #tpu.memory_space<hbm>>, %arg5: memref<10112x128xf32, #tpu.memory_space<hbm>>, %arg6: memref<2x10112x128xf32, #tpu.memory_space<hbm>>, %arg7: memref<10112x128xf32, #tpu.memory_space<vmem_shared>>, %arg8: memref<128xi32, #tpu.memory_space<vmem>>, %arg9: memref<128xi32, #tpu.memory_space<vmem>>, %arg10: memref<128xf32, #tpu.memory_space<vmem>>, %arg11: memref<128x128xf32, #tpu.memory_space<vmem>>, %arg12: memref<!tpu.dma_semaphore, #tpu.memory_space<semaphore_mem>>) attributes {dimension_semantics = [#tpu.dimension_semantics<core_parallel>, #tpu.dimension_semantics<subcore_parallel>], iteration_bounds = array<i64: 2, 16>, scalar_prefetch = 0 : i64, scratch_operands = 6 : i64, tpu.core_type = #tpu.core_type<sc_vector_subcore>, window_params = [{transform_indices = #map}, {transform_indices = #map1}, {transform_indices = #map1}, {transform_indices = #map}, {transform_indices = #map2}]} {
    %mul3A = arith.constant 2 : i32
    %mul3A_0 = arith.muli %arg1, %mul3A : i32
    %add3A = arith.addi %mul3A_0, %arg0 : i32
    %mul3A_1 = arith.constant 632 : i32
    %mul3A_2 = arith.muli %arg1, %mul3A_1 : i32
    "tpu.region"() ({
      %run_scoped3A = tpu.sem_alloc : memref<!tpu.dma_semaphore, #tpu.memory_space<semaphore_mem>>
      %dma_start3A = arith.constant 0 : i32
      %dma_start3A_9 = tpu.memref_slice %arg7[%mul3A_2, %dma_start3A] : memref<10112x128xf32, #tpu.memory_space<vmem_shared>> -> memref<632x128xf32, #tpu.memory_space<vmem_shared>>
      %dma_start3A_10 = arith.constant 0 : i32
      %dma_start3A_11 = tpu.memref_slice %arg5[%mul3A_2, %dma_start3A_10] : memref<10112x128xf32, #tpu.memory_space<hbm>> -> memref<632x128xf32, #tpu.memory_space<hbm>>
      tpu.enqueue_dma source(%dma_start3A_11 : memref<632x128xf32, #tpu.memory_space<hbm>>) target(%dma_start3A_9 : memref<632x128xf32, #tpu.memory_space<vmem_shared>>) target_semaphore(%run_scoped3A : memref<!tpu.dma_semaphore, #tpu.memory_space<semaphore_mem>>)
      %dma_wait3A = arith.constant 0 : i32
      %dma_wait3A_12 = tpu.memref_slice %arg7[%mul3A_2, %dma_wait3A] : memref<10112x128xf32, #tpu.memory_space<vmem_shared>> -> memref<632x128xf32, #tpu.memory_space<vmem_shared>>
      %dma_wait3A_13 = arith.constant 0 : i32
      %dma_wait3A_14 = tpu.memref_slice %arg5[%mul3A_2, %dma_wait3A_13] : memref<10112x128xf32, #tpu.memory_space<hbm>> -> memref<632x128xf32, #tpu.memory_space<hbm>>
      tpu.wait_dma2 semaphore(%run_scoped3A : memref<!tpu.dma_semaphore, #tpu.memory_space<semaphore_mem>>) src(%dma_wait3A_14 : memref<632x128xf32, #tpu.memory_space<hbm>>) dst(%dma_wait3A_12 : memref<632x128xf32, #tpu.memory_space<vmem_shared>>)
      tpu.yield
    }) : () -> ()
    %barrier3A = arith.constant 0 : index
    tpu.barrier barrier_id(%barrier3A)
    %scan3A = arith.constant 0 : i32
    %scan3A_3 = arith.constant 0 : i32
    %scan3A_4 = arith.constant 81 : i32
    %scan3A_5 = arith.addi %scan3A_3, %scan3A_4 : i32
    %scan3A_6 = arith.constant 1 : i32
    scf.for %scan3A_9 = %scan3A_3 to %scan3A_5 step %scan3A_6  : i32 {
      %mul3A_10 = arith.constant 81 : i32
      %mul3A_11 = arith.muli %add3A, %mul3A_10 : i32
      %add3A_12 = arith.addi %mul3A_11, %scan3A_9 : i32
      %mul3A_13 = arith.constant 128 : i32
      %mul3A_14 = arith.muli %add3A_12, %mul3A_13 : i32
      "tpu.region"() ({
        %run_scoped3A = tpu.sem_alloc : memref<!tpu.dma_semaphore, #tpu.memory_space<semaphore_mem>>
        %dma_start3A_19 = tpu.memref_slice %arg3[%mul3A_14] : memref<331776xi32, #tpu.memory_space<hbm>> -> memref<128xi32, #tpu.memory_space<hbm>>
        %dma_start3A_20 = tpu.memref_slice %arg3[%mul3A_14] : memref<331776xi32, #tpu.memory_space<hbm>> -> memref<128xi32, #tpu.memory_space<hbm>>
        tpu.enqueue_dma source(%dma_start3A_20 : memref<128xi32, #tpu.memory_space<hbm>>) target(%arg8 : memref<128xi32, #tpu.memory_space<vmem>>) target_semaphore(%run_scoped3A : memref<!tpu.dma_semaphore, #tpu.memory_space<semaphore_mem>>)
        %dma_wait3A_21 = tpu.memref_slice %arg3[%mul3A_14] : memref<331776xi32, #tpu.memory_space<hbm>> -> memref<128xi32, #tpu.memory_space<hbm>>
        %dma_wait3A_22 = tpu.memref_slice %arg3[%mul3A_14] : memref<331776xi32, #tpu.memory_space<hbm>> -> memref<128xi32, #tpu.memory_space<hbm>>
        tpu.wait_dma2 semaphore(%run_scoped3A : memref<!tpu.dma_semaphore, #tpu.memory_space<semaphore_mem>>) src(%dma_wait3A_22 : memref<128xi32, #tpu.memory_space<hbm>>) dst(%arg8 : memref<128xi32, #tpu.memory_space<vmem>>)
        tpu.yield
      }) : () -> ()
      %dma_start3A = arith.constant 0 : i32
      %dma_start3A_15 = arith.constant 0 : i32
      %dma_start3A_16 = tpu.memref_slice %arg2[%dma_start3A, %dma_start3A_15] : memref<10000x128xf32, #tpu.memory_space<hbm>> -> memref<10000x128xf32, #tpu.memory_space<hbm>>
      tpu.enqueue_indirect_dma source(%dma_start3A_16 : memref<10000x128xf32, #tpu.memory_space<hbm>>) target(%arg11 : memref<128x128xf32, #tpu.memory_space<vmem>>) offsets(%arg8 : memref<128xi32, #tpu.memory_space<vmem>>) semaphore(%arg12 : memref<!tpu.dma_semaphore, #tpu.memory_space<semaphore_mem>>)
      %dma_wait3A = arith.constant 0 : i32
      %dma_wait3A_17 = arith.constant 0 : i32
      %dma_wait3A_18 = tpu.memref_slice %arg2[%dma_wait3A, %dma_wait3A_17] : memref<10000x128xf32, #tpu.memory_space<hbm>> -> memref<10000x128xf32, #tpu.memory_space<hbm>>
      tpu.wait_indirect_dma semaphore(%arg12 : memref<!tpu.dma_semaphore, #tpu.memory_space<semaphore_mem>>) src(%dma_wait3A_18 : memref<10000x128xf32, #tpu.memory_space<hbm>>) dst(%arg11 : memref<128x128xf32, #tpu.memory_space<vmem>>)
      "tpu.region"() ({
        %run_scoped3A = tpu.sem_alloc : memref<!tpu.dma_semaphore, #tpu.memory_space<semaphore_mem>>
        %dma_start3A_19 = tpu.memref_slice %arg4[%mul3A_14] : memref<331776xi32, #tpu.memory_space<hbm>> -> memref<128xi32, #tpu.memory_space<hbm>>
        %dma_start3A_20 = tpu.memref_slice %arg4[%mul3A_14] : memref<331776xi32, #tpu.memory_space<hbm>> -> memref<128xi32, #tpu.memory_space<hbm>>
        tpu.enqueue_dma source(%dma_start3A_20 : memref<128xi32, #tpu.memory_space<hbm>>) target(%arg9 : memref<128xi32, #tpu.memory_space<vmem>>) target_semaphore(%run_scoped3A : memref<!tpu.dma_semaphore, #tpu.memory_space<semaphore_mem>>)
        %dma_wait3A_21 = tpu.memref_slice %arg4[%mul3A_14] : memref<331776xi32, #tpu.memory_space<hbm>> -> memref<128xi32, #tpu.memory_space<hbm>>
        %dma_wait3A_22 = tpu.memref_slice %arg4[%mul3A_14] : memref<331776xi32, #tpu.memory_space<hbm>> -> memref<128xi32, #tpu.memory_space<hbm>>
        tpu.wait_dma2 semaphore(%run_scoped3A : memref<!tpu.dma_semaphore, #tpu.memory_space<semaphore_mem>>) src(%dma_wait3A_22 : memref<128xi32, #tpu.memory_space<hbm>>) dst(%arg9 : memref<128xi32, #tpu.memory_space<vmem>>)
        tpu.yield
      }) : () -> ()
      "tpu.region"() ({
        %run_scoped3A = tpu.sem_alloc : memref<!tpu.dma_semaphore, #tpu.memory_space<semaphore_mem>>
        %dma_start3A_19 = arith.constant 0 : i32
        %dma_start3A_20 = arith.constant 0 : i32
        %dma_start3A_21 = tpu.memref_slice %arg7[%dma_start3A_19, %dma_start3A_20] : memref<10112x128xf32, #tpu.memory_space<vmem_shared>> -> memref<10112x128xf32, #tpu.memory_space<vmem_shared>>
        tpu.enqueue_indirect_dma source(%arg11 : memref<128x128xf32, #tpu.memory_space<vmem>>) target(%dma_start3A_21 : memref<10112x128xf32, #tpu.memory_space<vmem_shared>>) offsets(%arg9 : memref<128xi32, #tpu.memory_space<vmem>>) semaphore(%run_scoped3A : memref<!tpu.dma_semaphore, #tpu.memory_space<semaphore_mem>>) {add = true}
        %dma_wait3A_22 = arith.constant 0 : i32
        %dma_wait3A_23 = arith.constant 0 : i32
        %dma_wait3A_24 = tpu.memref_slice %arg7[%dma_wait3A_22, %dma_wait3A_23] : memref<10112x128xf32, #tpu.memory_space<vmem_shared>> -> memref<10112x128xf32, #tpu.memory_space<vmem_shared>>
        tpu.wait_indirect_dma semaphore(%run_scoped3A : memref<!tpu.dma_semaphore, #tpu.memory_space<semaphore_mem>>) src(%arg11 : memref<128x128xf32, #tpu.memory_space<vmem>>) dst(%dma_wait3A_24 : memref<10112x128xf32, #tpu.memory_space<vmem_shared>>)
        tpu.yield
      }) : () -> ()
    }
    %scan3A_7 = arith.constant 81 : i32
    %barrier3A_8 = arith.constant 0 : index
    tpu.barrier barrier_id(%barrier3A_8)
    "tpu.region"() ({
      %run_scoped3A = tpu.sem_alloc : memref<!tpu.dma_semaphore, #tpu.memory_space<semaphore_mem>>
      %dma_start3A = arith.constant 0 : i32
      %dma_start3A_9 = tpu.memref_slice %arg6[%arg0, %mul3A_2, %dma_start3A] : memref<2x10112x128xf32, #tpu.memory_space<hbm>> -> memref<1x632x128xf32, #tpu.memory_space<hbm>>
      %dma_start3A_10 = tpu.memref_squeeze %dma_start3A_9 : memref<1x632x128xf32, #tpu.memory_space<hbm>> -> memref<632x128xf32, #tpu.memory_space<hbm>>
      %dma_start3A_11 = arith.constant 0 : i32
      %dma_start3A_12 = tpu.memref_slice %arg7[%mul3A_2, %dma_start3A_11] : memref<10112x128xf32, #tpu.memory_space<vmem_shared>> -> memref<632x128xf32, #tpu.memory_space<vmem_shared>>
      tpu.enqueue_dma source(%dma_start3A_12 : memref<632x128xf32, #tpu.memory_space<vmem_shared>>) target(%dma_start3A_10 : memref<632x128xf32, #tpu.memory_space<hbm>>) target_semaphore(%run_scoped3A : memref<!tpu.dma_semaphore, #tpu.memory_space<semaphore_mem>>)
      %dma_wait3A = arith.constant 0 : i32
      %dma_wait3A_13 = tpu.memref_slice %arg6[%arg0, %mul3A_2, %dma_wait3A] : memref<2x10112x128xf32, #tpu.memory_space<hbm>> -> memref<1x632x128xf32, #tpu.memory_space<hbm>>
      %dma_wait3A_14 = tpu.memref_squeeze %dma_wait3A_13 : memref<1x632x128xf32, #tpu.memory_space<hbm>> -> memref<632x128xf32, #tpu.memory_space<hbm>>
      %dma_wait3A_15 = arith.constant 0 : i32
      %dma_wait3A_16 = tpu.memref_slice %arg7[%mul3A_2, %dma_wait3A_15] : memref<10112x128xf32, #tpu.memory_space<vmem_shared>> -> memref<632x128xf32, #tpu.memory_space<vmem_shared>>
      tpu.wait_dma2 semaphore(%run_scoped3A : memref<!tpu.dma_semaphore, #tpu.memory_space<semaphore_mem>>) src(%dma_wait3A_16 : memref<632x128xf32, #tpu.memory_space<vmem_shared>>) dst(%dma_wait3A_14 : memref<632x128xf32, #tpu.memory_space<hbm>>)
      tpu.yield
    }) : () -> ()
    return
  }
}

#map = affine_map<(d0, d1) -> (0, 0)>
#map1 = affine_map<(d0, d1) -> (0)>
#map2 = affine_map<(d0, d1) -> (0, 0, 0)>
module attributes {stable_mosaic.version = 14 : i64} {
  func.func @body(%arg0: i32, %arg1: i32, %arg2: memref<10000x128xf32, #tpu.memory_space<hbm>>, %arg3: memref<331776xi32, #tpu.memory_space<hbm>>, %arg4: memref<331776xi32, #tpu.memory_space<hbm>>, %arg5: memref<10112x128xf32, #tpu.memory_space<hbm>>, %arg6: memref<2x10112x128xf32, #tpu.memory_space<hbm>>, %arg7: memref<10112x128xf32, #tpu.memory_space<vmem_shared>>, %arg8: memref<128xi32, #tpu.memory_space<vmem>>, %arg9: memref<128xi32, #tpu.memory_space<vmem>>, %arg10: memref<128xf32, #tpu.memory_space<vmem>>, %arg11: memref<128x128xf32, #tpu.memory_space<vmem>>, %arg12: memref<!tpu.dma_semaphore, #tpu.memory_space<semaphore_mem>>) attributes {dimension_semantics = [#tpu.dimension_semantics<core_parallel>, #tpu.dimension_semantics<subcore_parallel>], iteration_bounds = array<i64: 2, 16>, scalar_prefetch = 0 : i64, scratch_operands = 6 : i64, tpu.core_type = #tpu.core_type<sc_vector_subcore>, window_params = [{transform_indices = #map}, {transform_indices = #map1}, {transform_indices = #map1}, {transform_indices = #map}, {transform_indices = #map2}]} {
    %mul3A = arith.constant 2 : i32
    %mul3A_0 = arith.muli %arg1, %mul3A : i32
    %add3A = arith.addi %mul3A_0, %arg0 : i32
    %mul3A_1 = arith.constant 632 : i32
    %mul3A_2 = arith.muli %arg1, %mul3A_1 : i32
    "tpu.region"() ({
      %run_scoped3A = tpu.sem_alloc : memref<!tpu.dma_semaphore, #tpu.memory_space<semaphore_mem>>
      %dma_start3A = arith.constant 0 : i32
      %dma_start3A_9 = tpu.memref_slice %arg7[%mul3A_2, %dma_start3A] : memref<10112x128xf32, #tpu.memory_space<vmem_shared>> -> memref<632x128xf32, #tpu.memory_space<vmem_shared>>
      %dma_start3A_10 = arith.constant 0 : i32
      %dma_start3A_11 = tpu.memref_slice %arg5[%mul3A_2, %dma_start3A_10] : memref<10112x128xf32, #tpu.memory_space<hbm>> -> memref<632x128xf32, #tpu.memory_space<hbm>>
      tpu.enqueue_dma source(%dma_start3A_11 : memref<632x128xf32, #tpu.memory_space<hbm>>) target(%dma_start3A_9 : memref<632x128xf32, #tpu.memory_space<vmem_shared>>) target_semaphore(%run_scoped3A : memref<!tpu.dma_semaphore, #tpu.memory_space<semaphore_mem>>)
      %dma_wait3A = arith.constant 0 : i32
      %dma_wait3A_12 = tpu.memref_slice %arg7[%mul3A_2, %dma_wait3A] : memref<10112x128xf32, #tpu.memory_space<vmem_shared>> -> memref<632x128xf32, #tpu.memory_space<vmem_shared>>
      %dma_wait3A_13 = arith.constant 0 : i32
      %dma_wait3A_14 = tpu.memref_slice %arg5[%mul3A_2, %dma_wait3A_13] : memref<10112x128xf32, #tpu.memory_space<hbm>> -> memref<632x128xf32, #tpu.memory_space<hbm>>
      tpu.wait_dma2 semaphore(%run_scoped3A : memref<!tpu.dma_semaphore, #tpu.memory_space<semaphore_mem>>) src(%dma_wait3A_14 : memref<632x128xf32, #tpu.memory_space<hbm>>) dst(%dma_wait3A_12 : memref<632x128xf32, #tpu.memory_space<vmem_shared>>)
      tpu.yield
    }) : () -> ()
    %barrier3A = arith.constant 0 : index
    tpu.barrier barrier_id(%barrier3A)
    %scan3A = arith.constant 0 : i32
    %scan3A_3 = arith.constant 0 : i32
    %scan3A_4 = arith.constant 81 : i32
    %scan3A_5 = arith.addi %scan3A_3, %scan3A_4 : i32
    %scan3A_6 = arith.constant 1 : i32
    scf.for %scan3A_9 = %scan3A_3 to %scan3A_5 step %scan3A_6  : i32 {
      %mul3A_10 = arith.constant 81 : i32
      %mul3A_11 = arith.muli %add3A, %mul3A_10 : i32
      %add3A_12 = arith.addi %mul3A_11, %scan3A_9 : i32
      %mul3A_13 = arith.constant 128 : i32
      %mul3A_14 = arith.muli %add3A_12, %mul3A_13 : i32
      "tpu.region"() ({
        %run_scoped3A = tpu.sem_alloc : memref<!tpu.dma_semaphore, #tpu.memory_space<semaphore_mem>>
        %dma_start3A_19 = tpu.memref_slice %arg3[%mul3A_14] : memref<331776xi32, #tpu.memory_space<hbm>> -> memref<128xi32, #tpu.memory_space<hbm>>
        %dma_start3A_20 = tpu.memref_slice %arg3[%mul3A_14] : memref<331776xi32, #tpu.memory_space<hbm>> -> memref<128xi32, #tpu.memory_space<hbm>>
        tpu.enqueue_dma source(%dma_start3A_20 : memref<128xi32, #tpu.memory_space<hbm>>) target(%arg8 : memref<128xi32, #tpu.memory_space<vmem>>) target_semaphore(%run_scoped3A : memref<!tpu.dma_semaphore, #tpu.memory_space<semaphore_mem>>)
        %dma_wait3A_21 = tpu.memref_slice %arg3[%mul3A_14] : memref<331776xi32, #tpu.memory_space<hbm>> -> memref<128xi32, #tpu.memory_space<hbm>>
        %dma_wait3A_22 = tpu.memref_slice %arg3[%mul3A_14] : memref<331776xi32, #tpu.memory_space<hbm>> -> memref<128xi32, #tpu.memory_space<hbm>>
        tpu.wait_dma2 semaphore(%run_scoped3A : memref<!tpu.dma_semaphore, #tpu.memory_space<semaphore_mem>>) src(%dma_wait3A_22 : memref<128xi32, #tpu.memory_space<hbm>>) dst(%arg8 : memref<128xi32, #tpu.memory_space<vmem>>)
        tpu.yield
      }) : () -> ()
      %dma_start3A = arith.constant 0 : i32
      %dma_start3A_15 = arith.constant 0 : i32
      %dma_start3A_16 = tpu.memref_slice %arg2[%dma_start3A, %dma_start3A_15] : memref<10000x128xf32, #tpu.memory_space<hbm>> -> memref<10000x128xf32, #tpu.memory_space<hbm>>
      tpu.enqueue_indirect_dma source(%dma_start3A_16 : memref<10000x128xf32, #tpu.memory_space<hbm>>) target(%arg11 : memref<128x128xf32, #tpu.memory_space<vmem>>) offsets(%arg8 : memref<128xi32, #tpu.memory_space<vmem>>) semaphore(%arg12 : memref<!tpu.dma_semaphore, #tpu.memory_space<semaphore_mem>>)
      %dma_wait3A = arith.constant 0 : i32
      %dma_wait3A_17 = arith.constant 0 : i32
      %dma_wait3A_18 = tpu.memref_slice %arg2[%dma_wait3A, %dma_wait3A_17] : memref<10000x128xf32, #tpu.memory_space<hbm>> -> memref<10000x128xf32, #tpu.memory_space<hbm>>
      tpu.wait_indirect_dma semaphore(%arg12 : memref<!tpu.dma_semaphore, #tpu.memory_space<semaphore_mem>>) src(%dma_wait3A_18 : memref<10000x128xf32, #tpu.memory_space<hbm>>) dst(%arg11 : memref<128x128xf32, #tpu.memory_space<vmem>>)
      "tpu.region"() ({
        %run_scoped3A = tpu.sem_alloc : memref<!tpu.dma_semaphore, #tpu.memory_space<semaphore_mem>>
        %dma_start3A_19 = tpu.memref_slice %arg4[%mul3A_14] : memref<331776xi32, #tpu.memory_space<hbm>> -> memref<128xi32, #tpu.memory_space<hbm>>
        %dma_start3A_20 = tpu.memref_slice %arg4[%mul3A_14] : memref<331776xi32, #tpu.memory_space<hbm>> -> memref<128xi32, #tpu.memory_space<hbm>>
        tpu.enqueue_dma source(%dma_start3A_20 : memref<128xi32, #tpu.memory_space<hbm>>) target(%arg9 : memref<128xi32, #tpu.memory_space<vmem>>) target_semaphore(%run_scoped3A : memref<!tpu.dma_semaphore, #tpu.memory_space<semaphore_mem>>)
        %dma_wait3A_21 = tpu.memref_slice %arg4[%mul3A_14] : memref<331776xi32, #tpu.memory_space<hbm>> -> memref<128xi32, #tpu.memory_space<hbm>>
        %dma_wait3A_22 = tpu.memref_slice %arg4[%mul3A_14] : memref<331776xi32, #tpu.memory_space<hbm>> -> memref<128xi32, #tpu.memory_space<hbm>>
        tpu.wait_dma2 semaphore(%run_scoped3A : memref<!tpu.dma_semaphore, #tpu.memory_space<semaphore_mem>>) src(%dma_wait3A_22 : memref<128xi32, #tpu.memory_space<hbm>>) dst(%arg9 : memref<128xi32, #tpu.memory_space<vmem>>)
        tpu.yield
      }) : () -> ()
      "tpu.region"() ({
        %run_scoped3A = tpu.sem_alloc : memref<!tpu.dma_semaphore, #tpu.memory_space<semaphore_mem>>
        %dma_start3A_19 = arith.constant 0 : i32
        %dma_start3A_20 = arith.constant 0 : i32
        %dma_start3A_21 = tpu.memref_slice %arg7[%dma_start3A_19, %dma_start3A_20] : memref<10112x128xf32, #tpu.memory_space<vmem_shared>> -> memref<10112x128xf32, #tpu.memory_space<vmem_shared>>
        tpu.enqueue_indirect_dma source(%arg11 : memref<128x128xf32, #tpu.memory_space<vmem>>) target(%dma_start3A_21 : memref<10112x128xf32, #tpu.memory_space<vmem_shared>>) offsets(%arg9 : memref<128xi32, #tpu.memory_space<vmem>>) semaphore(%run_scoped3A : memref<!tpu.dma_semaphore, #tpu.memory_space<semaphore_mem>>) {add = true}
        %dma_wait3A_22 = arith.constant 0 : i32
        %dma_wait3A_23 = arith.constant 0 : i32
        %dma_wait3A_24 = tpu.memref_slice %arg7[%dma_wait3A_22, %dma_wait3A_23] : memref<10112x128xf32, #tpu.memory_space<vmem_shared>> -> memref<10112x128xf32, #tpu.memory_space<vmem_shared>>
        tpu.wait_indirect_dma semaphore(%run_scoped3A : memref<!tpu.dma_semaphore, #tpu.memory_space<semaphore_mem>>) src(%arg11 : memref<128x128xf32, #tpu.memory_space<vmem>>) dst(%dma_wait3A_24 : memref<10112x128xf32, #tpu.memory_space<vmem_shared>>)
        tpu.yield
      }) : () -> ()
    }
    %scan3A_7 = arith.constant 81 : i32
    %barrier3A_8 = arith.constant 0 : index
    tpu.barrier barrier_id(%barrier3A_8)
    "tpu.region"() ({
      %run_scoped3A = tpu.sem_alloc : memref<!tpu.dma_semaphore, #tpu.memory_space<semaphore_mem>>
      %dma_start3A = arith.constant 0 : i32
      %dma_start3A_9 = tpu.memref_slice %arg6[%arg0, %mul3A_2, %dma_start3A] : memref<2x10112x128xf32, #tpu.memory_space<hbm>> -> memref<1x632x128xf32, #tpu.memory_space<hbm>>
      %dma_start3A_10 = tpu.memref_squeeze %dma_start3A_9 : memref<1x632x128xf32, #tpu.memory_space<hbm>> -> memref<632x128xf32, #tpu.memory_space<hbm>>
      %dma_start3A_11 = arith.constant 0 : i32
      %dma_start3A_12 = tpu.memref_slice %arg7[%mul3A_2, %dma_start3A_11] : memref<10112x128xf32, #tpu.memory_space<vmem_shared>> -> memref<632x128xf32, #tpu.memory_space<vmem_shared>>
      tpu.enqueue_dma source(%dma_start3A_12 : memref<632x128xf32, #tpu.memory_space<vmem_shared>>) target(%dma_start3A_10 : memref<632x128xf32, #tpu.memory_space<hbm>>) target_semaphore(%run_scoped3A : memref<!tpu.dma_semaphore, #tpu.memory_space<semaphore_mem>>)
      %dma_wait3A = arith.constant 0 : i32
      %dma_wait3A_13 = tpu.memref_slice %arg6[%arg0, %mul3A_2, %dma_wait3A] : memref<2x10112x128xf32, #tpu.memory_space<hbm>> -> memref<1x632x128xf32, #tpu.memory_space<hbm>>
      %dma_wait3A_14 = tpu.memref_squeeze %dma_wait3A_13 : memref<1x632x128xf32, #tpu.memory_space<hbm>> -> memref<632x128xf32, #tpu.memory_space<hbm>>
      %dma_wait3A_15 = arith.constant 0 : i32
      %dma_wait3A_16 = tpu.memref_slice %arg7[%mul3A_2, %dma_wait3A_15] : memref<10112x128xf32, #tpu.memory_space<vmem_shared>> -> memref<632x128xf32, #tpu.memory_space<vmem_shared>>
      tpu.wait_dma2 semaphore(%run_scoped3A : memref<!tpu.dma_semaphore, #tpu.memory_space<semaphore_mem>>) src(%dma_wait3A_16 : memref<632x128xf32, #tpu.memory_space<vmem_shared>>) dst(%dma_wait3A_14 : memref<632x128xf32, #tpu.memory_space<hbm>>)
      tpu.yield
    }) : () -> ()
    return
  }
}

#map = affine_map<(d0, d1) -> (0)>
module attributes {stable_mosaic.version = 14 : i64} {
  func.func @_gat_body(%arg0: i32, %arg1: i32, %arg2: memref<331776xi32, #tpu.memory_space<hbm>>, %arg3: memref<331776xi32, #tpu.memory_space<hbm>>, %arg4: memref<10112xf32, #tpu.memory_space<hbm>>, %arg5: memref<10112xf32, #tpu.memory_space<hbm>>, %arg6: memref<331776xf32, #tpu.memory_space<hbm>>, %arg7: memref<323584xf32, #tpu.memory_space<hbm>>, %arg8: memref<10112xf32, #tpu.memory_space<vmem>>, %arg9: memref<10112xf32, #tpu.memory_space<vmem>>, %arg10: memref<10112xf32, #tpu.memory_space<vmem>>, %arg11: memref<128xi32, #tpu.memory_space<vmem>>, %arg12: memref<128xi32, #tpu.memory_space<vmem>>, %arg13: memref<128xf32, #tpu.memory_space<vmem>>) attributes {dimension_semantics = [#tpu.dimension_semantics<core_parallel>, #tpu.dimension_semantics<subcore_parallel>], iteration_bounds = array<i64: 2, 16>, scalar_prefetch = 0 : i64, scratch_operands = 6 : i64, tpu.core_type = #tpu.core_type<sc_vector_subcore>, window_params = [{transform_indices = #map}, {transform_indices = #map}, {transform_indices = #map}, {transform_indices = #map}, {transform_indices = #map}, {transform_indices = #map}]} {
    %mul3A = arith.constant 2 : i32
    %mul3A_0 = arith.muli %arg1, %mul3A : i32
    %add3A = arith.addi %mul3A_0, %arg0 : i32
    "tpu.region"() ({
      %run_scoped3A = tpu.sem_alloc : memref<!tpu.dma_semaphore, #tpu.memory_space<semaphore_mem>>
      tpu.enqueue_dma source(%arg4 : memref<10112xf32, #tpu.memory_space<hbm>>) target(%arg8 : memref<10112xf32, #tpu.memory_space<vmem>>) target_semaphore(%run_scoped3A : memref<!tpu.dma_semaphore, #tpu.memory_space<semaphore_mem>>)
      tpu.wait_dma2 semaphore(%run_scoped3A : memref<!tpu.dma_semaphore, #tpu.memory_space<semaphore_mem>>) src(%arg4 : memref<10112xf32, #tpu.memory_space<hbm>>) dst(%arg8 : memref<10112xf32, #tpu.memory_space<vmem>>)
      tpu.yield
    }) : () -> ()
    "tpu.region"() ({
      %run_scoped3A = tpu.sem_alloc : memref<!tpu.dma_semaphore, #tpu.memory_space<semaphore_mem>>
      tpu.enqueue_dma source(%arg5 : memref<10112xf32, #tpu.memory_space<hbm>>) target(%arg9 : memref<10112xf32, #tpu.memory_space<vmem>>) target_semaphore(%run_scoped3A : memref<!tpu.dma_semaphore, #tpu.memory_space<semaphore_mem>>)
      tpu.wait_dma2 semaphore(%run_scoped3A : memref<!tpu.dma_semaphore, #tpu.memory_space<semaphore_mem>>) src(%arg5 : memref<10112xf32, #tpu.memory_space<hbm>>) dst(%arg9 : memref<10112xf32, #tpu.memory_space<vmem>>)
      tpu.yield
    }) : () -> ()
    %broadcast_in_dim3A = arith.constant 0.000000e+00 : f32
    %broadcast_in_dim3A_1 = vector.broadcast %broadcast_in_dim3A : f32 to vector<16xf32>
    %scan3A = arith.constant 0 : i32
    %scan3A_2 = arith.constant 0 : i32
    %scan3A_3 = arith.constant 632 : i32
    %scan3A_4 = arith.addi %scan3A_2, %scan3A_3 : i32
    %scan3A_5 = arith.constant 1 : i32
    scf.for %scan3A_15 = %scan3A_2 to %scan3A_4 step %scan3A_5  : i32 {
      %mul3A_16 = arith.constant 16 : i32
      %mul3A_17 = arith.muli %scan3A_15, %mul3A_16 : i32
      %swap3A = arith.index_cast %mul3A_17 : i32 to index
      %swap3A_18 = tpu.vector_load %arg10[%swap3A] {strides = array<i32>} : memref<10112xf32, #tpu.memory_space<vmem>>, vector<16xf32>,
      tpu.vector_store %arg10[%swap3A], %broadcast_in_dim3A_1 {strides = array<i32>} : memref<10112xf32, #tpu.memory_space<vmem>>, vector<16xf32>,
    }
    %scan3A_6 = arith.constant 632 : i32
    %scan3A_7 = arith.constant 0 : i32
    %scan3A_8 = arith.constant 0 : i32
    %scan3A_9 = arith.constant 81 : i32
    %scan3A_10 = arith.addi %scan3A_8, %scan3A_9 : i32
    %scan3A_11 = arith.constant 1 : i32
    scf.for %scan3A_15 = %scan3A_8 to %scan3A_10 step %scan3A_11  : i32 {
      %mul3A_16 = arith.constant 81 : i32
      %mul3A_17 = arith.muli %add3A, %mul3A_16 : i32
      %add3A_18 = arith.addi %mul3A_17, %scan3A_15 : i32
      %mul3A_19 = arith.constant 128 : i32
      %mul3A_20 = arith.muli %add3A_18, %mul3A_19 : i32
      "tpu.region"() ({
        %run_scoped3A = tpu.sem_alloc : memref<!tpu.dma_semaphore, #tpu.memory_space<semaphore_mem>>
        %dma_start3A = tpu.memref_slice %arg2[%mul3A_20] : memref<331776xi32, #tpu.memory_space<hbm>> -> memref<128xi32, #tpu.memory_space<hbm>>
        %dma_start3A_151 = tpu.memref_slice %arg2[%mul3A_20] : memref<331776xi32, #tpu.memory_space<hbm>> -> memref<128xi32, #tpu.memory_space<hbm>>
        tpu.enqueue_dma source(%dma_start3A_151 : memref<128xi32, #tpu.memory_space<hbm>>) target(%arg11 : memref<128xi32, #tpu.memory_space<vmem>>) target_semaphore(%run_scoped3A : memref<!tpu.dma_semaphore, #tpu.memory_space<semaphore_mem>>)
        %dma_wait3A = tpu.memref_slice %arg2[%mul3A_20] : memref<331776xi32, #tpu.memory_space<hbm>> -> memref<128xi32, #tpu.memory_space<hbm>>
        %dma_wait3A_152 = tpu.memref_slice %arg2[%mul3A_20] : memref<331776xi32, #tpu.memory_space<hbm>> -> memref<128xi32, #tpu.memory_space<hbm>>
        tpu.wait_dma2 semaphore(%run_scoped3A : memref<!tpu.dma_semaphore, #tpu.memory_space<semaphore_mem>>) src(%dma_wait3A_152 : memref<128xi32, #tpu.memory_space<hbm>>) dst(%arg11 : memref<128xi32, #tpu.memory_space<vmem>>)
        tpu.yield
      }) : () -> ()
      "tpu.region"() ({
        %run_scoped3A = tpu.sem_alloc : memref<!tpu.dma_semaphore, #tpu.memory_space<semaphore_mem>>
        %dma_start3A = tpu.memref_slice %arg3[%mul3A_20] : memref<331776xi32, #tpu.memory_space<hbm>> -> memref<128xi32, #tpu.memory_space<hbm>>
        %dma_start3A_151 = tpu.memref_slice %arg3[%mul3A_20] : memref<331776xi32, #tpu.memory_space<hbm>> -> memref<128xi32, #tpu.memory_space<hbm>>
        tpu.enqueue_dma source(%dma_start3A_151 : memref<128xi32, #tpu.memory_space<hbm>>) target(%arg12 : memref<128xi32, #tpu.memory_space<vmem>>) target_semaphore(%run_scoped3A : memref<!tpu.dma_semaphore, #tpu.memory_space<semaphore_mem>>)
        %dma_wait3A = tpu.memref_slice %arg3[%mul3A_20] : memref<331776xi32, #tpu.memory_space<hbm>> -> memref<128xi32, #tpu.memory_space<hbm>>
        %dma_wait3A_152 = tpu.memref_slice %arg3[%mul3A_20] : memref<331776xi32, #tpu.memory_space<hbm>> -> memref<128xi32, #tpu.memory_space<hbm>>
        tpu.wait_dma2 semaphore(%run_scoped3A : memref<!tpu.dma_semaphore, #tpu.memory_space<semaphore_mem>>) src(%dma_wait3A_152 : memref<128xi32, #tpu.memory_space<hbm>>) dst(%arg12 : memref<128xi32, #tpu.memory_space<vmem>>)
        tpu.yield
      }) : () -> ()
      %get3A = arith.constant 0 : index
      %get3A_21 = tpu.vector_load %arg11[%get3A] {strides = array<i32>} : memref<128xi32, #tpu.memory_space<vmem>>, vector<16xi32>,
      %get3A_22 = arith.constant 0 : index
      %get3A_23 = tpu.vector_load %arg12[%get3A_22] {strides = array<i32>} : memref<128xi32, #tpu.memory_space<vmem>>, vector<16xi32>,
      %gather3A = tpu.vector_load_idx %arg8[%get3A_21] : memref<10112xf32, #tpu.memory_space<vmem>>[vector<16xi32>], vector<16xf32>,
      %gather3A_24 = tpu.vector_load_idx %arg9[%get3A_23] : memref<10112xf32, #tpu.memory_space<vmem>>[vector<16xi32>], vector<16xf32>,
      %add3A_25 = arith.addf %gather3A, %gather3A_24 : vector<16xf32>
      %gt3A = arith.constant 0.000000e+00 : f32
      %gt3A_26 = vector.broadcast %gt3A : f32 to vector<16xf32>
      %gt3A_27 = arith.cmpf ogt, %add3A_25, %gt3A_26 : vector<16xf32>
      %mul3A_28 = arith.constant 2.000000e-01 : f32
      %mul3A_29 = vector.broadcast %mul3A_28 : f32 to vector<16xf32>
      %mul3A_30 = arith.mulf %mul3A_29, %add3A_25 : vector<16xf32>
      %select_n3A = arith.select %gt3A_27, %add3A_25, %mul3A_30 : vector<16xi1>, vector<16xf32>
      %exp3A = math.exp %select_n3A : vector<16xf32>
      tpu.vector_store_idx %arg10[%get3A_23], %exp3A {add = true} : memref<10112xf32, #tpu.memory_space<vmem>>[vector<16xi32>], vector<16xf32>,
      %swap3A = arith.constant 0 : index
      %swap3A_31 = tpu.vector_load %arg13[%swap3A] {strides = array<i32>} : memref<128xf32, #tpu.memory_space<vmem>>, vector<16xf32>,
      tpu.vector_store %arg13[%swap3A], %exp3A {strides = array<i32>} : memref<128xf32, #tpu.memory_space<vmem>>, vector<16xf32>,
      %get3A_32 = arith.constant 16 : index
      %get3A_33 = tpu.vector_load %arg11[%get3A_32] {strides = array<i32>} : memref<128xi32, #tpu.memory_space<vmem>>, vector<16xi32>,
      %get3A_34 = arith.constant 16 : index
      %get3A_35 = tpu.vector_load %arg12[%get3A_34] {strides = array<i32>} : memref<128xi32, #tpu.memory_space<vmem>>, vector<16xi32>,
      %gather3A_36 = tpu.vector_load_idx %arg8[%get3A_33] : memref<10112xf32, #tpu.memory_space<vmem>>[vector<16xi32>], vector<16xf32>,
      %gather3A_37 = tpu.vector_load_idx %arg9[%get3A_35] : memref<10112xf32, #tpu.memory_space<vmem>>[vector<16xi32>], vector<16xf32>,
      %add3A_38 = arith.addf %gather3A_36, %gather3A_37 : vector<16xf32>
      %gt3A_39 = arith.constant 0.000000e+00 : f32
      %gt3A_40 = vector.broadcast %gt3A_39 : f32 to vector<16xf32>
      %gt3A_41 = arith.cmpf ogt, %add3A_38, %gt3A_40 : vector<16xf32>
      %mul3A_42 = arith.constant 2.000000e-01 : f32
      %mul3A_43 = vector.broadcast %mul3A_42 : f32 to vector<16xf32>
      %mul3A_44 = arith.mulf %mul3A_43, %add3A_38 : vector<16xf32>
      %select_n3A_45 = arith.select %gt3A_41, %add3A_38, %mul3A_44 : vector<16xi1>, vector<16xf32>
      %exp3A_46 = math.exp %select_n3A_45 : vector<16xf32>
      tpu.vector_store_idx %arg10[%get3A_35], %exp3A_46 {add = true} : memref<10112xf32, #tpu.memory_space<vmem>>[vector<16xi32>], vector<16xf32>,
      %swap3A_47 = arith.constant 16 : index
      %swap3A_48 = tpu.vector_load %arg13[%swap3A_47] {strides = array<i32>} : memref<128xf32, #tpu.memory_space<vmem>>, vector<16xf32>,
      tpu.vector_store %arg13[%swap3A_47], %exp3A_46 {strides = array<i32>} : memref<128xf32, #tpu.memory_space<vmem>>, vector<16xf32>,
      %get3A_49 = arith.constant 32 : index
      %get3A_50 = tpu.vector_load %arg11[%get3A_49] {strides = array<i32>} : memref<128xi32, #tpu.memory_space<vmem>>, vector<16xi32>,
      %get3A_51 = arith.constant 32 : index
      %get3A_52 = tpu.vector_load %arg12[%get3A_51] {strides = array<i32>} : memref<128xi32, #tpu.memory_space<vmem>>, vector<16xi32>,
      %gather3A_53 = tpu.vector_load_idx %arg8[%get3A_50] : memref<10112xf32, #tpu.memory_space<vmem>>[vector<16xi32>], vector<16xf32>,
      %gather3A_54 = tpu.vector_load_idx %arg9[%get3A_52] : memref<10112xf32, #tpu.memory_space<vmem>>[vector<16xi32>], vector<16xf32>,
      %add3A_55 = arith.addf %gather3A_53, %gather3A_54 : vector<16xf32>
      %gt3A_56 = arith.constant 0.000000e+00 : f32
      %gt3A_57 = vector.broadcast %gt3A_56 : f32 to vector<16xf32>
      %gt3A_58 = arith.cmpf ogt, %add3A_55, %gt3A_57 : vector<16xf32>
      %mul3A_59 = arith.constant 2.000000e-01 : f32
      %mul3A_60 = vector.broadcast %mul3A_59 : f32 to vector<16xf32>
      %mul3A_61 = arith.mulf %mul3A_60, %add3A_55 : vector<16xf32>
      %select_n3A_62 = arith.select %gt3A_58, %add3A_55, %mul3A_61 : vector<16xi1>, vector<16xf32>
      %exp3A_63 = math.exp %select_n3A_62 : vector<16xf32>
      tpu.vector_store_idx %arg10[%get3A_52], %exp3A_63 {add = true} : memref<10112xf32, #tpu.memory_space<vmem>>[vector<16xi32>], vector<16xf32>,
      %swap3A_64 = arith.constant 32 : index
      %swap3A_65 = tpu.vector_load %arg13[%swap3A_64] {strides = array<i32>} : memref<128xf32, #tpu.memory_space<vmem>>, vector<16xf32>,
      tpu.vector_store %arg13[%swap3A_64], %exp3A_63 {strides = array<i32>} : memref<128xf32, #tpu.memory_space<vmem>>, vector<16xf32>,
      %get3A_66 = arith.constant 48 : index
      %get3A_67 = tpu.vector_load %arg11[%get3A_66] {strides = array<i32>} : memref<128xi32, #tpu.memory_space<vmem>>, vector<16xi32>,
      %get3A_68 = arith.constant 48 : index
      %get3A_69 = tpu.vector_load %arg12[%get3A_68] {strides = array<i32>} : memref<128xi32, #tpu.memory_space<vmem>>, vector<16xi32>,
      %gather3A_70 = tpu.vector_load_idx %arg8[%get3A_67] : memref<10112xf32, #tpu.memory_space<vmem>>[vector<16xi32>], vector<16xf32>,
      %gather3A_71 = tpu.vector_load_idx %arg9[%get3A_69] : memref<10112xf32, #tpu.memory_space<vmem>>[vector<16xi32>], vector<16xf32>,
      %add3A_72 = arith.addf %gather3A_70, %gather3A_71 : vector<16xf32>
      %gt3A_73 = arith.constant 0.000000e+00 : f32
      %gt3A_74 = vector.broadcast %gt3A_73 : f32 to vector<16xf32>
      %gt3A_75 = arith.cmpf ogt, %add3A_72, %gt3A_74 : vector<16xf32>
      %mul3A_76 = arith.constant 2.000000e-01 : f32
      %mul3A_77 = vector.broadcast %mul3A_76 : f32 to vector<16xf32>
      %mul3A_78 = arith.mulf %mul3A_77, %add3A_72 : vector<16xf32>
      %select_n3A_79 = arith.select %gt3A_75, %add3A_72, %mul3A_78 : vector<16xi1>, vector<16xf32>
      %exp3A_80 = math.exp %select_n3A_79 : vector<16xf32>
      tpu.vector_store_idx %arg10[%get3A_69], %exp3A_80 {add = true} : memref<10112xf32, #tpu.memory_space<vmem>>[vector<16xi32>], vector<16xf32>,
      %swap3A_81 = arith.constant 48 : index
      %swap3A_82 = tpu.vector_load %arg13[%swap3A_81] {strides = array<i32>} : memref<128xf32, #tpu.memory_space<vmem>>, vector<16xf32>,
      tpu.vector_store %arg13[%swap3A_81], %exp3A_80 {strides = array<i32>} : memref<128xf32, #tpu.memory_space<vmem>>, vector<16xf32>,
      %get3A_83 = arith.constant 64 : index
      %get3A_84 = tpu.vector_load %arg11[%get3A_83] {strides = array<i32>} : memref<128xi32, #tpu.memory_space<vmem>>, vector<16xi32>,
      %get3A_85 = arith.constant 64 : index
      %get3A_86 = tpu.vector_load %arg12[%get3A_85] {strides = array<i32>} : memref<128xi32, #tpu.memory_space<vmem>>, vector<16xi32>,
      %gather3A_87 = tpu.vector_load_idx %arg8[%get3A_84] : memref<10112xf32, #tpu.memory_space<vmem>>[vector<16xi32>], vector<16xf32>,
      %gather3A_88 = tpu.vector_load_idx %arg9[%get3A_86] : memref<10112xf32, #tpu.memory_space<vmem>>[vector<16xi32>], vector<16xf32>,
      %add3A_89 = arith.addf %gather3A_87, %gather3A_88 : vector<16xf32>
      %gt3A_90 = arith.constant 0.000000e+00 : f32
      %gt3A_91 = vector.broadcast %gt3A_90 : f32 to vector<16xf32>
      %gt3A_92 = arith.cmpf ogt, %add3A_89, %gt3A_91 : vector<16xf32>
      %mul3A_93 = arith.constant 2.000000e-01 : f32
      %mul3A_94 = vector.broadcast %mul3A_93 : f32 to vector<16xf32>
      %mul3A_95 = arith.mulf %mul3A_94, %add3A_89 : vector<16xf32>
      %select_n3A_96 = arith.select %gt3A_92, %add3A_89, %mul3A_95 : vector<16xi1>, vector<16xf32>
      %exp3A_97 = math.exp %select_n3A_96 : vector<16xf32>
      tpu.vector_store_idx %arg10[%get3A_86], %exp3A_97 {add = true} : memref<10112xf32, #tpu.memory_space<vmem>>[vector<16xi32>], vector<16xf32>,
      %swap3A_98 = arith.constant 64 : index
      %swap3A_99 = tpu.vector_load %arg13[%swap3A_98] {strides = array<i32>} : memref<128xf32, #tpu.memory_space<vmem>>, vector<16xf32>,
      tpu.vector_store %arg13[%swap3A_98], %exp3A_97 {strides = array<i32>} : memref<128xf32, #tpu.memory_space<vmem>>, vector<16xf32>,
      %get3A_100 = arith.constant 80 : index
      %get3A_101 = tpu.vector_load %arg11[%get3A_100] {strides = array<i32>} : memref<128xi32, #tpu.memory_space<vmem>>, vector<16xi32>,
      %get3A_102 = arith.constant 80 : index
      %get3A_103 = tpu.vector_load %arg12[%get3A_102] {strides = array<i32>} : memref<128xi32, #tpu.memory_space<vmem>>, vector<16xi32>,
      %gather3A_104 = tpu.vector_load_idx %arg8[%get3A_101] : memref<10112xf32, #tpu.memory_space<vmem>>[vector<16xi32>], vector<16xf32>,
      %gather3A_105 = tpu.vector_load_idx %arg9[%get3A_103] : memref<10112xf32, #tpu.memory_space<vmem>>[vector<16xi32>], vector<16xf32>,
      %add3A_106 = arith.addf %gather3A_104, %gather3A_105 : vector<16xf32>
      %gt3A_107 = arith.constant 0.000000e+00 : f32
      %gt3A_108 = vector.broadcast %gt3A_107 : f32 to vector<16xf32>
      %gt3A_109 = arith.cmpf ogt, %add3A_106, %gt3A_108 : vector<16xf32>
      %mul3A_110 = arith.constant 2.000000e-01 : f32
      %mul3A_111 = vector.broadcast %mul3A_110 : f32 to vector<16xf32>
      %mul3A_112 = arith.mulf %mul3A_111, %add3A_106 : vector<16xf32>
      %select_n3A_113 = arith.select %gt3A_109, %add3A_106, %mul3A_112 : vector<16xi1>, vector<16xf32>
      %exp3A_114 = math.exp %select_n3A_113 : vector<16xf32>
      tpu.vector_store_idx %arg10[%get3A_103], %exp3A_114 {add = true} : memref<10112xf32, #tpu.memory_space<vmem>>[vector<16xi32>], vector<16xf32>,
      %swap3A_115 = arith.constant 80 : index
      %swap3A_116 = tpu.vector_load %arg13[%swap3A_115] {strides = array<i32>} : memref<128xf32, #tpu.memory_space<vmem>>, vector<16xf32>,
      tpu.vector_store %arg13[%swap3A_115], %exp3A_114 {strides = array<i32>} : memref<128xf32, #tpu.memory_space<vmem>>, vector<16xf32>,
      %get3A_117 = arith.constant 96 : index
      %get3A_118 = tpu.vector_load %arg11[%get3A_117] {strides = array<i32>} : memref<128xi32, #tpu.memory_space<vmem>>, vector<16xi32>,
      %get3A_119 = arith.constant 96 : index
      %get3A_120 = tpu.vector_load %arg12[%get3A_119] {strides = array<i32>} : memref<128xi32, #tpu.memory_space<vmem>>, vector<16xi32>,
      %gather3A_121 = tpu.vector_load_idx %arg8[%get3A_118] : memref<10112xf32, #tpu.memory_space<vmem>>[vector<16xi32>], vector<16xf32>,
      %gather3A_122 = tpu.vector_load_idx %arg9[%get3A_120] : memref<10112xf32, #tpu.memory_space<vmem>>[vector<16xi32>], vector<16xf32>,
      %add3A_123 = arith.addf %gather3A_121, %gather3A_122 : vector<16xf32>
      %gt3A_124 = arith.constant 0.000000e+00 : f32
      %gt3A_125 = vector.broadcast %gt3A_124 : f32 to vector<16xf32>
      %gt3A_126 = arith.cmpf ogt, %add3A_123, %gt3A_125 : vector<16xf32>
      %mul3A_127 = arith.constant 2.000000e-01 : f32
      %mul3A_128 = vector.broadcast %mul3A_127 : f32 to vector<16xf32>
      %mul3A_129 = arith.mulf %mul3A_128, %add3A_123 : vector<16xf32>
      %select_n3A_130 = arith.select %gt3A_126, %add3A_123, %mul3A_129 : vector<16xi1>, vector<16xf32>
      %exp3A_131 = math.exp %select_n3A_130 : vector<16xf32>
      tpu.vector_store_idx %arg10[%get3A_120], %exp3A_131 {add = true} : memref<10112xf32, #tpu.memory_space<vmem>>[vector<16xi32>], vector<16xf32>,
      %swap3A_132 = arith.constant 96 : index
      %swap3A_133 = tpu.vector_load %arg13[%swap3A_132] {strides = array<i32>} : memref<128xf32, #tpu.memory_space<vmem>>, vector<16xf32>,
      tpu.vector_store %arg13[%swap3A_132], %exp3A_131 {strides = array<i32>} : memref<128xf32, #tpu.memory_space<vmem>>, vector<16xf32>,
      %get3A_134 = arith.constant 112 : index
      %get3A_135 = tpu.vector_load %arg11[%get3A_134] {strides = array<i32>} : memref<128xi32, #tpu.memory_space<vmem>>, vector<16xi32>,
      %get3A_136 = arith.constant 112 : index
      %get3A_137 = tpu.vector_load %arg12[%get3A_136] {strides = array<i32>} : memref<128xi32, #tpu.memory_space<vmem>>, vector<16xi32>,
      %gather3A_138 = tpu.vector_load_idx %arg8[%get3A_135] : memref<10112xf32, #tpu.memory_space<vmem>>[vector<16xi32>], vector<16xf32>,
      %gather3A_139 = tpu.vector_load_idx %arg9[%get3A_137] : memref<10112xf32, #tpu.memory_space<vmem>>[vector<16xi32>], vector<16xf32>,
      %add3A_140 = arith.addf %gather3A_138, %gather3A_139 : vector<16xf32>
      %gt3A_141 = arith.constant 0.000000e+00 : f32
      %gt3A_142 = vector.broadcast %gt3A_141 : f32 to vector<16xf32>
      %gt3A_143 = arith.cmpf ogt, %add3A_140, %gt3A_142 : vector<16xf32>
      %mul3A_144 = arith.constant 2.000000e-01 : f32
      %mul3A_145 = vector.broadcast %mul3A_144 : f32 to vector<16xf32>
      %mul3A_146 = arith.mulf %mul3A_145, %add3A_140 : vector<16xf32>
      %select_n3A_147 = arith.select %gt3A_143, %add3A_140, %mul3A_146 : vector<16xi1>, vector<16xf32>
      %exp3A_148 = math.exp %select_n3A_147 : vector<16xf32>
      tpu.vector_store_idx %arg10[%get3A_137], %exp3A_148 {add = true} : memref<10112xf32, #tpu.memory_space<vmem>>[vector<16xi32>], vector<16xf32>,
      %swap3A_149 = arith.constant 112 : index
      %swap3A_150 = tpu.vector_load %arg13[%swap3A_149] {strides = array<i32>} : memref<128xf32, #tpu.memory_space<vmem>>, vector<16xf32>,
      tpu.vector_store %arg13[%swap3A_149], %exp3A_148 {strides = array<i32>} : memref<128xf32, #tpu.memory_space<vmem>>, vector<16xf32>,
      "tpu.region"() ({
        %run_scoped3A = tpu.sem_alloc : memref<!tpu.dma_semaphore, #tpu.memory_space<semaphore_mem>>
        %dma_start3A = tpu.memref_slice %arg6[%mul3A_20] : memref<331776xf32, #tpu.memory_space<hbm>> -> memref<128xf32, #tpu.memory_space<hbm>>
        %dma_start3A_151 = tpu.memref_slice %arg6[%mul3A_20] : memref<331776xf32, #tpu.memory_space<hbm>> -> memref<128xf32, #tpu.memory_space<hbm>>
        tpu.enqueue_dma source(%arg13 : memref<128xf32, #tpu.memory_space<vmem>>) target(%dma_start3A_151 : memref<128xf32, #tpu.memory_space<hbm>>) target_semaphore(%run_scoped3A : memref<!tpu.dma_semaphore, #tpu.memory_space<semaphore_mem>>)
        %dma_wait3A = tpu.memref_slice %arg6[%mul3A_20] : memref<331776xf32, #tpu.memory_space<hbm>> -> memref<128xf32, #tpu.memory_space<hbm>>
        %dma_wait3A_152 = tpu.memref_slice %arg6[%mul3A_20] : memref<331776xf32, #tpu.memory_space<hbm>> -> memref<128xf32, #tpu.memory_space<hbm>>
        tpu.wait_dma2 semaphore(%run_scoped3A : memref<!tpu.dma_semaphore, #tpu.memory_space<semaphore_mem>>) src(%arg13 : memref<128xf32, #tpu.memory_space<vmem>>) dst(%dma_wait3A_152 : memref<128xf32, #tpu.memory_space<hbm>>)
        tpu.yield
      }) : () -> ()
    }
    %scan3A_12 = arith.constant 81 : i32
    %mul3A_13 = arith.constant 10112 : i32
    %mul3A_14 = arith.muli %add3A, %mul3A_13 : i32
    "tpu.region"() ({
      %run_scoped3A = tpu.sem_alloc : memref<!tpu.dma_semaphore, #tpu.memory_space<semaphore_mem>>
      %dma_start3A = tpu.memref_slice %arg7[%mul3A_14] : memref<323584xf32, #tpu.memory_space<hbm>> -> memref<10112xf32, #tpu.memory_space<hbm>>
      %dma_start3A_15 = tpu.memref_slice %arg7[%mul3A_14] : memref<323584xf32, #tpu.memory_space<hbm>> -> memref<10112xf32, #tpu.memory_space<hbm>>
      tpu.enqueue_dma source(%arg10 : memref<10112xf32, #tpu.memory_space<vmem>>) target(%dma_start3A_15 : memref<10112xf32, #tpu.memory_space<hbm>>) target_semaphore(%run_scoped3A : memref<!tpu.dma_semaphore, #tpu.memory_space<semaphore_mem>>)
      %dma_wait3A = tpu.memref_slice %arg7[%mul3A_14] : memref<323584xf32, #tpu.memory_space<hbm>> -> memref<10112xf32, #tpu.memory_space<hbm>>
      %dma_wait3A_16 = tpu.memref_slice %arg7[%mul3A_14] : memref<323584xf32, #tpu.memory_space<hbm>> -> memref<10112xf32, #tpu.memory_space<hbm>>
      tpu.wait_dma2 semaphore(%run_scoped3A : memref<!tpu.dma_semaphore, #tpu.memory_space<semaphore_mem>>) src(%arg10 : memref<10112xf32, #tpu.memory_space<vmem>>) dst(%dma_wait3A_16 : memref<10112xf32, #tpu.memory_space<hbm>>)
      tpu.yield
    }) : () -> ()
    return
  }
}

#map = affine_map<(d0, d1) -> (0, 0)>
#map1 = affine_map<(d0, d1) -> (0)>
#map2 = affine_map<(d0, d1) -> (0, 0, 0)>
module attributes {stable_mosaic.version = 14 : i64} {
  func.func @_msg_body(%arg0: i32, %arg1: i32, %arg2: memref<10000x128xf32, #tpu.memory_space<hbm>>, %arg3: memref<331776xi32, #tpu.memory_space<hbm>>, %arg4: memref<331776xi32, #tpu.memory_space<hbm>>, %arg5: memref<331776xf32, #tpu.memory_space<hbm>>, %arg6: memref<10112x128xf32, #tpu.memory_space<hbm>>, %arg7: memref<2x10112x128xf32, #tpu.memory_space<hbm>>, %arg8: memref<10112x128xf32, #tpu.memory_space<vmem_shared>>, %arg9: memref<128xi32, #tpu.memory_space<vmem>>, %arg10: memref<128xi32, #tpu.memory_space<vmem>>, %arg11: memref<128xf32, #tpu.memory_space<vmem>>, %arg12: memref<128x128xf32, #tpu.memory_space<vmem>>, %arg13: memref<!tpu.dma_semaphore, #tpu.memory_space<semaphore_mem>>) attributes {dimension_semantics = [#tpu.dimension_semantics<core_parallel>, #tpu.dimension_semantics<subcore_parallel>], iteration_bounds = array<i64: 2, 16>, scalar_prefetch = 0 : i64, scratch_operands = 6 : i64, tpu.core_type = #tpu.core_type<sc_vector_subcore>, window_params = [{transform_indices = #map}, {transform_indices = #map1}, {transform_indices = #map1}, {transform_indices = #map1}, {transform_indices = #map}, {transform_indices = #map2}]} {
    %mul3A = arith.constant 2 : i32
    %mul3A_0 = arith.muli %arg1, %mul3A : i32
    %add3A = arith.addi %mul3A_0, %arg0 : i32
    %mul3A_1 = arith.constant 632 : i32
    %mul3A_2 = arith.muli %arg1, %mul3A_1 : i32
    "tpu.region"() ({
      %run_scoped3A = tpu.sem_alloc : memref<!tpu.dma_semaphore, #tpu.memory_space<semaphore_mem>>
      %dma_start3A = arith.constant 0 : i32
      %dma_start3A_9 = tpu.memref_slice %arg8[%mul3A_2, %dma_start3A] : memref<10112x128xf32, #tpu.memory_space<vmem_shared>> -> memref<632x128xf32, #tpu.memory_space<vmem_shared>>
      %dma_start3A_10 = arith.constant 0 : i32
      %dma_start3A_11 = tpu.memref_slice %arg6[%mul3A_2, %dma_start3A_10] : memref<10112x128xf32, #tpu.memory_space<hbm>> -> memref<632x128xf32, #tpu.memory_space<hbm>>
      tpu.enqueue_dma source(%dma_start3A_11 : memref<632x128xf32, #tpu.memory_space<hbm>>) target(%dma_start3A_9 : memref<632x128xf32, #tpu.memory_space<vmem_shared>>) target_semaphore(%run_scoped3A : memref<!tpu.dma_semaphore, #tpu.memory_space<semaphore_mem>>)
      %dma_wait3A = arith.constant 0 : i32
      %dma_wait3A_12 = tpu.memref_slice %arg8[%mul3A_2, %dma_wait3A] : memref<10112x128xf32, #tpu.memory_space<vmem_shared>> -> memref<632x128xf32, #tpu.memory_space<vmem_shared>>
      %dma_wait3A_13 = arith.constant 0 : i32
      %dma_wait3A_14 = tpu.memref_slice %arg6[%mul3A_2, %dma_wait3A_13] : memref<10112x128xf32, #tpu.memory_space<hbm>> -> memref<632x128xf32, #tpu.memory_space<hbm>>
      tpu.wait_dma2 semaphore(%run_scoped3A : memref<!tpu.dma_semaphore, #tpu.memory_space<semaphore_mem>>) src(%dma_wait3A_14 : memref<632x128xf32, #tpu.memory_space<hbm>>) dst(%dma_wait3A_12 : memref<632x128xf32, #tpu.memory_space<vmem_shared>>)
      tpu.yield
    }) : () -> ()
    %barrier3A = arith.constant 0 : index
    tpu.barrier barrier_id(%barrier3A)
    %scan3A = arith.constant 0 : i32
    %scan3A_3 = arith.constant 0 : i32
    %scan3A_4 = arith.constant 81 : i32
    %scan3A_5 = arith.addi %scan3A_3, %scan3A_4 : i32
    %scan3A_6 = arith.constant 1 : i32
    scf.for %scan3A_9 = %scan3A_3 to %scan3A_5 step %scan3A_6  : i32 {
      %mul3A_10 = arith.constant 81 : i32
      %mul3A_11 = arith.muli %add3A, %mul3A_10 : i32
      %add3A_12 = arith.addi %mul3A_11, %scan3A_9 : i32
      %mul3A_13 = arith.constant 128 : i32
      %mul3A_14 = arith.muli %add3A_12, %mul3A_13 : i32
      "tpu.region"() ({
        %run_scoped3A = tpu.sem_alloc : memref<!tpu.dma_semaphore, #tpu.memory_space<semaphore_mem>>
        %dma_start3A_25 = tpu.memref_slice %arg3[%mul3A_14] : memref<331776xi32, #tpu.memory_space<hbm>> -> memref<128xi32, #tpu.memory_space<hbm>>
        %dma_start3A_26 = tpu.memref_slice %arg3[%mul3A_14] : memref<331776xi32, #tpu.memory_space<hbm>> -> memref<128xi32, #tpu.memory_space<hbm>>
        tpu.enqueue_dma source(%dma_start3A_26 : memref<128xi32, #tpu.memory_space<hbm>>) target(%arg9 : memref<128xi32, #tpu.memory_space<vmem>>) target_semaphore(%run_scoped3A : memref<!tpu.dma_semaphore, #tpu.memory_space<semaphore_mem>>)
        %dma_wait3A_27 = tpu.memref_slice %arg3[%mul3A_14] : memref<331776xi32, #tpu.memory_space<hbm>> -> memref<128xi32, #tpu.memory_space<hbm>>
        %dma_wait3A_28 = tpu.memref_slice %arg3[%mul3A_14] : memref<331776xi32, #tpu.memory_space<hbm>> -> memref<128xi32, #tpu.memory_space<hbm>>
        tpu.wait_dma2 semaphore(%run_scoped3A : memref<!tpu.dma_semaphore, #tpu.memory_space<semaphore_mem>>) src(%dma_wait3A_28 : memref<128xi32, #tpu.memory_space<hbm>>) dst(%arg9 : memref<128xi32, #tpu.memory_space<vmem>>)
        tpu.yield
      }) : () -> ()
      %dma_start3A = arith.constant 0 : i32
      %dma_start3A_15 = arith.constant 0 : i32
      %dma_start3A_16 = tpu.memref_slice %arg2[%dma_start3A, %dma_start3A_15] : memref<10000x128xf32, #tpu.memory_space<hbm>> -> memref<10000x128xf32, #tpu.memory_space<hbm>>
      tpu.enqueue_indirect_dma source(%dma_start3A_16 : memref<10000x128xf32, #tpu.memory_space<hbm>>) target(%arg12 : memref<128x128xf32, #tpu.memory_space<vmem>>) offsets(%arg9 : memref<128xi32, #tpu.memory_space<vmem>>) semaphore(%arg13 : memref<!tpu.dma_semaphore, #tpu.memory_space<semaphore_mem>>)
      %dma_wait3A = arith.constant 0 : i32
      %dma_wait3A_17 = arith.constant 0 : i32
      %dma_wait3A_18 = tpu.memref_slice %arg2[%dma_wait3A, %dma_wait3A_17] : memref<10000x128xf32, #tpu.memory_space<hbm>> -> memref<10000x128xf32, #tpu.memory_space<hbm>>
      tpu.wait_indirect_dma semaphore(%arg13 : memref<!tpu.dma_semaphore, #tpu.memory_space<semaphore_mem>>) src(%dma_wait3A_18 : memref<10000x128xf32, #tpu.memory_space<hbm>>) dst(%arg12 : memref<128x128xf32, #tpu.memory_space<vmem>>)
      "tpu.region"() ({
        %run_scoped3A = tpu.sem_alloc : memref<!tpu.dma_semaphore, #tpu.memory_space<semaphore_mem>>
        %dma_start3A_25 = tpu.memref_slice %arg4[%mul3A_14] : memref<331776xi32, #tpu.memory_space<hbm>> -> memref<128xi32, #tpu.memory_space<hbm>>
        %dma_start3A_26 = tpu.memref_slice %arg4[%mul3A_14] : memref<331776xi32, #tpu.memory_space<hbm>> -> memref<128xi32, #tpu.memory_space<hbm>>
        tpu.enqueue_dma source(%dma_start3A_26 : memref<128xi32, #tpu.memory_space<hbm>>) target(%arg10 : memref<128xi32, #tpu.memory_space<vmem>>) target_semaphore(%run_scoped3A : memref<!tpu.dma_semaphore, #tpu.memory_space<semaphore_mem>>)
        %dma_wait3A_27 = tpu.memref_slice %arg4[%mul3A_14] : memref<331776xi32, #tpu.memory_space<hbm>> -> memref<128xi32, #tpu.memory_space<hbm>>
        %dma_wait3A_28 = tpu.memref_slice %arg4[%mul3A_14] : memref<331776xi32, #tpu.memory_space<hbm>> -> memref<128xi32, #tpu.memory_space<hbm>>
        tpu.wait_dma2 semaphore(%run_scoped3A : memref<!tpu.dma_semaphore, #tpu.memory_space<semaphore_mem>>) src(%dma_wait3A_28 : memref<128xi32, #tpu.memory_space<hbm>>) dst(%arg10 : memref<128xi32, #tpu.memory_space<vmem>>)
        tpu.yield
      }) : () -> ()
      "tpu.region"() ({
        %run_scoped3A = tpu.sem_alloc : memref<!tpu.dma_semaphore, #tpu.memory_space<semaphore_mem>>
        %dma_start3A_25 = tpu.memref_slice %arg5[%mul3A_14] : memref<331776xf32, #tpu.memory_space<hbm>> -> memref<128xf32, #tpu.memory_space<hbm>>
        %dma_start3A_26 = tpu.memref_slice %arg5[%mul3A_14] : memref<331776xf32, #tpu.memory_space<hbm>> -> memref<128xf32, #tpu.memory_space<hbm>>
        tpu.enqueue_dma source(%dma_start3A_26 : memref<128xf32, #tpu.memory_space<hbm>>) target(%arg11 : memref<128xf32, #tpu.memory_space<vmem>>) target_semaphore(%run_scoped3A : memref<!tpu.dma_semaphore, #tpu.memory_space<semaphore_mem>>)
        %dma_wait3A_27 = tpu.memref_slice %arg5[%mul3A_14] : memref<331776xf32, #tpu.memory_space<hbm>> -> memref<128xf32, #tpu.memory_space<hbm>>
        %dma_wait3A_28 = tpu.memref_slice %arg5[%mul3A_14] : memref<331776xf32, #tpu.memory_space<hbm>> -> memref<128xf32, #tpu.memory_space<hbm>>
        tpu.wait_dma2 semaphore(%run_scoped3A : memref<!tpu.dma_semaphore, #tpu.memory_space<semaphore_mem>>) src(%dma_wait3A_28 : memref<128xf32, #tpu.memory_space<hbm>>) dst(%arg11 : memref<128xf32, #tpu.memory_space<vmem>>)
        tpu.yield
      }) : () -> ()
      %scan3A_19 = arith.constant 0 : i32
      %scan3A_20 = arith.constant 0 : i32
      %scan3A_21 = arith.constant 128 : i32
      %scan3A_22 = arith.addi %scan3A_20, %scan3A_21 : i32
      %scan3A_23 = arith.constant 1 : i32
      scf.for %scan3A_25 = %scan3A_20 to %scan3A_22 step %scan3A_23  : i32 {
        %broadcast_in_dim3A = arith.constant 0 : i32
        %broadcast_in_dim3A_26 = vector.broadcast %broadcast_in_dim3A : i32 to vector<16xi32>
        %add3A_27 = vector.broadcast %scan3A_25 : i32 to vector<16xi32>
        %add3A_28 = arith.addi %broadcast_in_dim3A_26, %add3A_27 : vector<16xi32>
        %gather3A = tpu.vector_load_idx %arg11[%add3A_28] : memref<128xf32, #tpu.memory_space<vmem>>[vector<16xi32>], vector<16xf32>,
        %get3A = arith.index_cast %scan3A_25 : i32 to index
        %get3A_29 = arith.constant 0 : index
        %get3A_30 = tpu.vector_load %arg12[%get3A, %get3A_29] {strides = array<i32>} : memref<128x128xf32, #tpu.memory_space<vmem>>, vector<16xf32>,
        %mul3A_31 = arith.mulf %get3A_30, %gather3A : vector<16xf32>
        %swap3A = arith.index_cast %scan3A_25 : i32 to index
        %swap3A_32 = arith.constant 0 : index
        %swap3A_33 = tpu.vector_load %arg12[%swap3A, %swap3A_32] {strides = array<i32>} : memref<128x128xf32, #tpu.memory_space<vmem>>, vector<16xf32>,
        tpu.vector_store %arg12[%swap3A, %swap3A_32], %mul3A_31 {strides = array<i32>} : memref<128x128xf32, #tpu.memory_space<vmem>>, vector<16xf32>,
        %get3A_34 = arith.index_cast %scan3A_25 : i32 to index
        %get3A_35 = arith.constant 16 : index
        %get3A_36 = tpu.vector_load %arg12[%get3A_34, %get3A_35] {strides = array<i32>} : memref<128x128xf32, #tpu.memory_space<vmem>>, vector<16xf32>,
        %mul3A_37 = arith.mulf %get3A_36, %gather3A : vector<16xf32>
        %swap3A_38 = arith.index_cast %scan3A_25 : i32 to index
        %swap3A_39 = arith.constant 16 : index
        %swap3A_40 = tpu.vector_load %arg12[%swap3A_38, %swap3A_39] {strides = array<i32>} : memref<128x128xf32, #tpu.memory_space<vmem>>, vector<16xf32>,
        tpu.vector_store %arg12[%swap3A_38, %swap3A_39], %mul3A_37 {strides = array<i32>} : memref<128x128xf32, #tpu.memory_space<vmem>>, vector<16xf32>,
        %get3A_41 = arith.index_cast %scan3A_25 : i32 to index
        %get3A_42 = arith.constant 32 : index
        %get3A_43 = tpu.vector_load %arg12[%get3A_41, %get3A_42] {strides = array<i32>} : memref<128x128xf32, #tpu.memory_space<vmem>>, vector<16xf32>,
        %mul3A_44 = arith.mulf %get3A_43, %gather3A : vector<16xf32>
        %swap3A_45 = arith.index_cast %scan3A_25 : i32 to index
        %swap3A_46 = arith.constant 32 : index
        %swap3A_47 = tpu.vector_load %arg12[%swap3A_45, %swap3A_46] {strides = array<i32>} : memref<128x128xf32, #tpu.memory_space<vmem>>, vector<16xf32>,
        tpu.vector_store %arg12[%swap3A_45, %swap3A_46], %mul3A_44 {strides = array<i32>} : memref<128x128xf32, #tpu.memory_space<vmem>>, vector<16xf32>,
        %get3A_48 = arith.index_cast %scan3A_25 : i32 to index
        %get3A_49 = arith.constant 48 : index
        %get3A_50 = tpu.vector_load %arg12[%get3A_48, %get3A_49] {strides = array<i32>} : memref<128x128xf32, #tpu.memory_space<vmem>>, vector<16xf32>,
        %mul3A_51 = arith.mulf %get3A_50, %gather3A : vector<16xf32>
        %swap3A_52 = arith.index_cast %scan3A_25 : i32 to index
        %swap3A_53 = arith.constant 48 : index
        %swap3A_54 = tpu.vector_load %arg12[%swap3A_52, %swap3A_53] {strides = array<i32>} : memref<128x128xf32, #tpu.memory_space<vmem>>, vector<16xf32>,
        tpu.vector_store %arg12[%swap3A_52, %swap3A_53], %mul3A_51 {strides = array<i32>} : memref<128x128xf32, #tpu.memory_space<vmem>>, vector<16xf32>,
        %get3A_55 = arith.index_cast %scan3A_25 : i32 to index
        %get3A_56 = arith.constant 64 : index
        %get3A_57 = tpu.vector_load %arg12[%get3A_55, %get3A_56] {strides = array<i32>} : memref<128x128xf32, #tpu.memory_space<vmem>>, vector<16xf32>,
        %mul3A_58 = arith.mulf %get3A_57, %gather3A : vector<16xf32>
        %swap3A_59 = arith.index_cast %scan3A_25 : i32 to index
        %swap3A_60 = arith.constant 64 : index
        %swap3A_61 = tpu.vector_load %arg12[%swap3A_59, %swap3A_60] {strides = array<i32>} : memref<128x128xf32, #tpu.memory_space<vmem>>, vector<16xf32>,
        tpu.vector_store %arg12[%swap3A_59, %swap3A_60], %mul3A_58 {strides = array<i32>} : memref<128x128xf32, #tpu.memory_space<vmem>>, vector<16xf32>,
        %get3A_62 = arith.index_cast %scan3A_25 : i32 to index
        %get3A_63 = arith.constant 80 : index
        %get3A_64 = tpu.vector_load %arg12[%get3A_62, %get3A_63] {strides = array<i32>} : memref<128x128xf32, #tpu.memory_space<vmem>>, vector<16xf32>,
        %mul3A_65 = arith.mulf %get3A_64, %gather3A : vector<16xf32>
        %swap3A_66 = arith.index_cast %scan3A_25 : i32 to index
        %swap3A_67 = arith.constant 80 : index
        %swap3A_68 = tpu.vector_load %arg12[%swap3A_66, %swap3A_67] {strides = array<i32>} : memref<128x128xf32, #tpu.memory_space<vmem>>, vector<16xf32>,
        tpu.vector_store %arg12[%swap3A_66, %swap3A_67], %mul3A_65 {strides = array<i32>} : memref<128x128xf32, #tpu.memory_space<vmem>>, vector<16xf32>,
        %get3A_69 = arith.index_cast %scan3A_25 : i32 to index
        %get3A_70 = arith.constant 96 : index
        %get3A_71 = tpu.vector_load %arg12[%get3A_69, %get3A_70] {strides = array<i32>} : memref<128x128xf32, #tpu.memory_space<vmem>>, vector<16xf32>,
        %mul3A_72 = arith.mulf %get3A_71, %gather3A : vector<16xf32>
        %swap3A_73 = arith.index_cast %scan3A_25 : i32 to index
        %swap3A_74 = arith.constant 96 : index
        %swap3A_75 = tpu.vector_load %arg12[%swap3A_73, %swap3A_74] {strides = array<i32>} : memref<128x128xf32, #tpu.memory_space<vmem>>, vector<16xf32>,
        tpu.vector_store %arg12[%swap3A_73, %swap3A_74], %mul3A_72 {strides = array<i32>} : memref<128x128xf32, #tpu.memory_space<vmem>>, vector<16xf32>,
        %get3A_76 = arith.index_cast %scan3A_25 : i32 to index
        %get3A_77 = arith.constant 112 : index
        %get3A_78 = tpu.vector_load %arg12[%get3A_76, %get3A_77] {strides = array<i32>} : memref<128x128xf32, #tpu.memory_space<vmem>>, vector<16xf32>,
        %mul3A_79 = arith.mulf %get3A_78, %gather3A : vector<16xf32>
        %swap3A_80 = arith.index_cast %scan3A_25 : i32 to index
        %swap3A_81 = arith.constant 112 : index
        %swap3A_82 = tpu.vector_load %arg12[%swap3A_80, %swap3A_81] {strides = array<i32>} : memref<128x128xf32, #tpu.memory_space<vmem>>, vector<16xf32>,
        tpu.vector_store %arg12[%swap3A_80, %swap3A_81], %mul3A_79 {strides = array<i32>} : memref<128x128xf32, #tpu.memory_space<vmem>>, vector<16xf32>,
      }
      %scan3A_24 = arith.constant 128 : i32
      "tpu.region"() ({
        %run_scoped3A = tpu.sem_alloc : memref<!tpu.dma_semaphore, #tpu.memory_space<semaphore_mem>>
        %dma_start3A_25 = arith.constant 0 : i32
        %dma_start3A_26 = arith.constant 0 : i32
        %dma_start3A_27 = tpu.memref_slice %arg8[%dma_start3A_25, %dma_start3A_26] : memref<10112x128xf32, #tpu.memory_space<vmem_shared>> -> memref<10112x128xf32, #tpu.memory_space<vmem_shared>>
        tpu.enqueue_indirect_dma source(%arg12 : memref<128x128xf32, #tpu.memory_space<vmem>>) target(%dma_start3A_27 : memref<10112x128xf32, #tpu.memory_space<vmem_shared>>) offsets(%arg10 : memref<128xi32, #tpu.memory_space<vmem>>) semaphore(%run_scoped3A : memref<!tpu.dma_semaphore, #tpu.memory_space<semaphore_mem>>) {add = true}
        %dma_wait3A_28 = arith.constant 0 : i32
        %dma_wait3A_29 = arith.constant 0 : i32
        %dma_wait3A_30 = tpu.memref_slice %arg8[%dma_wait3A_28, %dma_wait3A_29] : memref<10112x128xf32, #tpu.memory_space<vmem_shared>> -> memref<10112x128xf32, #tpu.memory_space<vmem_shared>>
        tpu.wait_indirect_dma semaphore(%run_scoped3A : memref<!tpu.dma_semaphore, #tpu.memory_space<semaphore_mem>>) src(%arg12 : memref<128x128xf32, #tpu.memory_space<vmem>>) dst(%dma_wait3A_30 : memref<10112x128xf32, #tpu.memory_space<vmem_shared>>)
        tpu.yield
      }) : () -> ()
    }
    %scan3A_7 = arith.constant 81 : i32
    %barrier3A_8 = arith.constant 0 : index
    tpu.barrier barrier_id(%barrier3A_8)
    "tpu.region"() ({
      %run_scoped3A = tpu.sem_alloc : memref<!tpu.dma_semaphore, #tpu.memory_space<semaphore_mem>>
      %dma_start3A = arith.constant 0 : i32
      %dma_start3A_9 = tpu.memref_slice %arg7[%arg0, %mul3A_2, %dma_start3A] : memref<2x10112x128xf32, #tpu.memory_space<hbm>> -> memref<1x632x128xf32, #tpu.memory_space<hbm>>
      %dma_start3A_10 = tpu.memref_squeeze %dma_start3A_9 : memref<1x632x128xf32, #tpu.memory_space<hbm>> -> memref<632x128xf32, #tpu.memory_space<hbm>>
      %dma_start3A_11 = arith.constant 0 : i32
      %dma_start3A_12 = tpu.memref_slice %arg8[%mul3A_2, %dma_start3A_11] : memref<10112x128xf32, #tpu.memory_space<vmem_shared>> -> memref<632x128xf32, #tpu.memory_space<vmem_shared>>
      tpu.enqueue_dma source(%dma_start3A_12 : memref<632x128xf32, #tpu.memory_space<vmem_shared>>) target(%dma_start3A_10 : memref<632x128xf32, #tpu.memory_space<hbm>>) target_semaphore(%run_scoped3A : memref<!tpu.dma_semaphore, #tpu.memory_space<semaphore_mem>>)
      %dma_wait3A = arith.constant 0 : i32
      %dma_wait3A_13 = tpu.memref_slice %arg7[%arg0, %mul3A_2, %dma_wait3A] : memref<2x10112x128xf32, #tpu.memory_space<hbm>> -> memref<1x632x128xf32, #tpu.memory_space<hbm>>
      %dma_wait3A_14 = tpu.memref_squeeze %dma_wait3A_13 : memref<1x632x128xf32, #tpu.memory_space<hbm>> -> memref<632x128xf32, #tpu.memory_space<hbm>>
      %dma_wait3A_15 = arith.constant 0 : i32
      %dma_wait3A_16 = tpu.memref_slice %arg8[%mul3A_2, %dma_wait3A_15] : memref<10112x128xf32, #tpu.memory_space<vmem_shared>> -> memref<632x128xf32, #tpu.memory_space<vmem_shared>>
      tpu.wait_dma2 semaphore(%run_scoped3A : memref<!tpu.dma_semaphore, #tpu.memory_space<semaphore_mem>>) src(%dma_wait3A_16 : memref<632x128xf32, #tpu.memory_space<vmem_shared>>) dst(%dma_wait3A_14 : memref<632x128xf32, #tpu.memory_space<hbm>>)
      tpu.yield
    }) : () -> ()
    return
  }
}

#map = affine_map<(d0, d1) -> (0, 0)>
#map1 = affine_map<(d0, d1) -> (0)>
#map2 = affine_map<(d0, d1) -> (0, 0, 0)>
module attributes {stable_mosaic.version = 14 : i64} {
  func.func @_msg_body(%arg0: i32, %arg1: i32, %arg2: memref<10000x128xf32, #tpu.memory_space<hbm>>, %arg3: memref<331776xi32, #tpu.memory_space<hbm>>, %arg4: memref<331776xi32, #tpu.memory_space<hbm>>, %arg5: memref<331776xf32, #tpu.memory_space<hbm>>, %arg6: memref<10112x128xf32, #tpu.memory_space<hbm>>, %arg7: memref<2x10112x128xf32, #tpu.memory_space<hbm>>, %arg8: memref<10112x128xf32, #tpu.memory_space<vmem_shared>>, %arg9: memref<128xi32, #tpu.memory_space<vmem>>, %arg10: memref<128xi32, #tpu.memory_space<vmem>>, %arg11: memref<128xf32, #tpu.memory_space<vmem>>, %arg12: memref<128x128xf32, #tpu.memory_space<vmem>>, %arg13: memref<!tpu.dma_semaphore, #tpu.memory_space<semaphore_mem>>) attributes {dimension_semantics = [#tpu.dimension_semantics<core_parallel>, #tpu.dimension_semantics<subcore_parallel>], iteration_bounds = array<i64: 2, 16>, scalar_prefetch = 0 : i64, scratch_operands = 6 : i64, tpu.core_type = #tpu.core_type<sc_vector_subcore>, window_params = [{transform_indices = #map}, {transform_indices = #map1}, {transform_indices = #map1}, {transform_indices = #map1}, {transform_indices = #map}, {transform_indices = #map2}]} {
    %mul3A = arith.constant 2 : i32
    %mul3A_0 = arith.muli %arg1, %mul3A : i32
    %add3A = arith.addi %mul3A_0, %arg0 : i32
    %mul3A_1 = arith.constant 632 : i32
    %mul3A_2 = arith.muli %arg1, %mul3A_1 : i32
    "tpu.region"() ({
      %run_scoped3A = tpu.sem_alloc : memref<!tpu.dma_semaphore, #tpu.memory_space<semaphore_mem>>
      %dma_start3A = arith.constant 0 : i32
      %dma_start3A_9 = tpu.memref_slice %arg8[%mul3A_2, %dma_start3A] : memref<10112x128xf32, #tpu.memory_space<vmem_shared>> -> memref<632x128xf32, #tpu.memory_space<vmem_shared>>
      %dma_start3A_10 = arith.constant 0 : i32
      %dma_start3A_11 = tpu.memref_slice %arg6[%mul3A_2, %dma_start3A_10] : memref<10112x128xf32, #tpu.memory_space<hbm>> -> memref<632x128xf32, #tpu.memory_space<hbm>>
      tpu.enqueue_dma source(%dma_start3A_11 : memref<632x128xf32, #tpu.memory_space<hbm>>) target(%dma_start3A_9 : memref<632x128xf32, #tpu.memory_space<vmem_shared>>) target_semaphore(%run_scoped3A : memref<!tpu.dma_semaphore, #tpu.memory_space<semaphore_mem>>)
      %dma_wait3A = arith.constant 0 : i32
      %dma_wait3A_12 = tpu.memref_slice %arg8[%mul3A_2, %dma_wait3A] : memref<10112x128xf32, #tpu.memory_space<vmem_shared>> -> memref<632x128xf32, #tpu.memory_space<vmem_shared>>
      %dma_wait3A_13 = arith.constant 0 : i32
      %dma_wait3A_14 = tpu.memref_slice %arg6[%mul3A_2, %dma_wait3A_13] : memref<10112x128xf32, #tpu.memory_space<hbm>> -> memref<632x128xf32, #tpu.memory_space<hbm>>
      tpu.wait_dma2 semaphore(%run_scoped3A : memref<!tpu.dma_semaphore, #tpu.memory_space<semaphore_mem>>) src(%dma_wait3A_14 : memref<632x128xf32, #tpu.memory_space<hbm>>) dst(%dma_wait3A_12 : memref<632x128xf32, #tpu.memory_space<vmem_shared>>)
      tpu.yield
    }) : () -> ()
    %barrier3A = arith.constant 0 : index
    tpu.barrier barrier_id(%barrier3A)
    %scan3A = arith.constant 0 : i32
    %scan3A_3 = arith.constant 0 : i32
    %scan3A_4 = arith.constant 81 : i32
    %scan3A_5 = arith.addi %scan3A_3, %scan3A_4 : i32
    %scan3A_6 = arith.constant 1 : i32
    scf.for %scan3A_9 = %scan3A_3 to %scan3A_5 step %scan3A_6  : i32 {
      %mul3A_10 = arith.constant 81 : i32
      %mul3A_11 = arith.muli %add3A, %mul3A_10 : i32
      %add3A_12 = arith.addi %mul3A_11, %scan3A_9 : i32
      %mul3A_13 = arith.constant 128 : i32
      %mul3A_14 = arith.muli %add3A_12, %mul3A_13 : i32
      "tpu.region"() ({
        %run_scoped3A = tpu.sem_alloc : memref<!tpu.dma_semaphore, #tpu.memory_space<semaphore_mem>>
        %dma_start3A_25 = tpu.memref_slice %arg3[%mul3A_14] : memref<331776xi32, #tpu.memory_space<hbm>> -> memref<128xi32, #tpu.memory_space<hbm>>
        %dma_start3A_26 = tpu.memref_slice %arg3[%mul3A_14] : memref<331776xi32, #tpu.memory_space<hbm>> -> memref<128xi32, #tpu.memory_space<hbm>>
        tpu.enqueue_dma source(%dma_start3A_26 : memref<128xi32, #tpu.memory_space<hbm>>) target(%arg9 : memref<128xi32, #tpu.memory_space<vmem>>) target_semaphore(%run_scoped3A : memref<!tpu.dma_semaphore, #tpu.memory_space<semaphore_mem>>)
        %dma_wait3A_27 = tpu.memref_slice %arg3[%mul3A_14] : memref<331776xi32, #tpu.memory_space<hbm>> -> memref<128xi32, #tpu.memory_space<hbm>>
        %dma_wait3A_28 = tpu.memref_slice %arg3[%mul3A_14] : memref<331776xi32, #tpu.memory_space<hbm>> -> memref<128xi32, #tpu.memory_space<hbm>>
        tpu.wait_dma2 semaphore(%run_scoped3A : memref<!tpu.dma_semaphore, #tpu.memory_space<semaphore_mem>>) src(%dma_wait3A_28 : memref<128xi32, #tpu.memory_space<hbm>>) dst(%arg9 : memref<128xi32, #tpu.memory_space<vmem>>)
        tpu.yield
      }) : () -> ()
      %dma_start3A = arith.constant 0 : i32
      %dma_start3A_15 = arith.constant 0 : i32
      %dma_start3A_16 = tpu.memref_slice %arg2[%dma_start3A, %dma_start3A_15] : memref<10000x128xf32, #tpu.memory_space<hbm>> -> memref<10000x128xf32, #tpu.memory_space<hbm>>
      tpu.enqueue_indirect_dma source(%dma_start3A_16 : memref<10000x128xf32, #tpu.memory_space<hbm>>) target(%arg12 : memref<128x128xf32, #tpu.memory_space<vmem>>) offsets(%arg9 : memref<128xi32, #tpu.memory_space<vmem>>) semaphore(%arg13 : memref<!tpu.dma_semaphore, #tpu.memory_space<semaphore_mem>>)
      %dma_wait3A = arith.constant 0 : i32
      %dma_wait3A_17 = arith.constant 0 : i32
      %dma_wait3A_18 = tpu.memref_slice %arg2[%dma_wait3A, %dma_wait3A_17] : memref<10000x128xf32, #tpu.memory_space<hbm>> -> memref<10000x128xf32, #tpu.memory_space<hbm>>
      tpu.wait_indirect_dma semaphore(%arg13 : memref<!tpu.dma_semaphore, #tpu.memory_space<semaphore_mem>>) src(%dma_wait3A_18 : memref<10000x128xf32, #tpu.memory_space<hbm>>) dst(%arg12 : memref<128x128xf32, #tpu.memory_space<vmem>>)
      "tpu.region"() ({
        %run_scoped3A = tpu.sem_alloc : memref<!tpu.dma_semaphore, #tpu.memory_space<semaphore_mem>>
        %dma_start3A_25 = tpu.memref_slice %arg4[%mul3A_14] : memref<331776xi32, #tpu.memory_space<hbm>> -> memref<128xi32, #tpu.memory_space<hbm>>
        %dma_start3A_26 = tpu.memref_slice %arg4[%mul3A_14] : memref<331776xi32, #tpu.memory_space<hbm>> -> memref<128xi32, #tpu.memory_space<hbm>>
        tpu.enqueue_dma source(%dma_start3A_26 : memref<128xi32, #tpu.memory_space<hbm>>) target(%arg10 : memref<128xi32, #tpu.memory_space<vmem>>) target_semaphore(%run_scoped3A : memref<!tpu.dma_semaphore, #tpu.memory_space<semaphore_mem>>)
        %dma_wait3A_27 = tpu.memref_slice %arg4[%mul3A_14] : memref<331776xi32, #tpu.memory_space<hbm>> -> memref<128xi32, #tpu.memory_space<hbm>>
        %dma_wait3A_28 = tpu.memref_slice %arg4[%mul3A_14] : memref<331776xi32, #tpu.memory_space<hbm>> -> memref<128xi32, #tpu.memory_space<hbm>>
        tpu.wait_dma2 semaphore(%run_scoped3A : memref<!tpu.dma_semaphore, #tpu.memory_space<semaphore_mem>>) src(%dma_wait3A_28 : memref<128xi32, #tpu.memory_space<hbm>>) dst(%arg10 : memref<128xi32, #tpu.memory_space<vmem>>)
        tpu.yield
      }) : () -> ()
      "tpu.region"() ({
        %run_scoped3A = tpu.sem_alloc : memref<!tpu.dma_semaphore, #tpu.memory_space<semaphore_mem>>
        %dma_start3A_25 = tpu.memref_slice %arg5[%mul3A_14] : memref<331776xf32, #tpu.memory_space<hbm>> -> memref<128xf32, #tpu.memory_space<hbm>>
        %dma_start3A_26 = tpu.memref_slice %arg5[%mul3A_14] : memref<331776xf32, #tpu.memory_space<hbm>> -> memref<128xf32, #tpu.memory_space<hbm>>
        tpu.enqueue_dma source(%dma_start3A_26 : memref<128xf32, #tpu.memory_space<hbm>>) target(%arg11 : memref<128xf32, #tpu.memory_space<vmem>>) target_semaphore(%run_scoped3A : memref<!tpu.dma_semaphore, #tpu.memory_space<semaphore_mem>>)
        %dma_wait3A_27 = tpu.memref_slice %arg5[%mul3A_14] : memref<331776xf32, #tpu.memory_space<hbm>> -> memref<128xf32, #tpu.memory_space<hbm>>
        %dma_wait3A_28 = tpu.memref_slice %arg5[%mul3A_14] : memref<331776xf32, #tpu.memory_space<hbm>> -> memref<128xf32, #tpu.memory_space<hbm>>
        tpu.wait_dma2 semaphore(%run_scoped3A : memref<!tpu.dma_semaphore, #tpu.memory_space<semaphore_mem>>) src(%dma_wait3A_28 : memref<128xf32, #tpu.memory_space<hbm>>) dst(%arg11 : memref<128xf32, #tpu.memory_space<vmem>>)
        tpu.yield
      }) : () -> ()
      %scan3A_19 = arith.constant 0 : i32
      %scan3A_20 = arith.constant 0 : i32
      %scan3A_21 = arith.constant 128 : i32
      %scan3A_22 = arith.addi %scan3A_20, %scan3A_21 : i32
      %scan3A_23 = arith.constant 1 : i32
      scf.for %scan3A_25 = %scan3A_20 to %scan3A_22 step %scan3A_23  : i32 {
        %broadcast_in_dim3A = arith.constant 0 : i32
        %broadcast_in_dim3A_26 = vector.broadcast %broadcast_in_dim3A : i32 to vector<16xi32>
        %add3A_27 = vector.broadcast %scan3A_25 : i32 to vector<16xi32>
        %add3A_28 = arith.addi %broadcast_in_dim3A_26, %add3A_27 : vector<16xi32>
        %gather3A = tpu.vector_load_idx %arg11[%add3A_28] : memref<128xf32, #tpu.memory_space<vmem>>[vector<16xi32>], vector<16xf32>,
        %get3A = arith.index_cast %scan3A_25 : i32 to index
        %get3A_29 = arith.constant 0 : index
        %get3A_30 = tpu.vector_load %arg12[%get3A, %get3A_29] {strides = array<i32>} : memref<128x128xf32, #tpu.memory_space<vmem>>, vector<16xf32>,
        %mul3A_31 = arith.mulf %get3A_30, %gather3A : vector<16xf32>
        %swap3A = arith.index_cast %scan3A_25 : i32 to index
        %swap3A_32 = arith.constant 0 : index
        %swap3A_33 = tpu.vector_load %arg12[%swap3A, %swap3A_32] {strides = array<i32>} : memref<128x128xf32, #tpu.memory_space<vmem>>, vector<16xf32>,
        tpu.vector_store %arg12[%swap3A, %swap3A_32], %mul3A_31 {strides = array<i32>} : memref<128x128xf32, #tpu.memory_space<vmem>>, vector<16xf32>,
        %get3A_34 = arith.index_cast %scan3A_25 : i32 to index
        %get3A_35 = arith.constant 16 : index
        %get3A_36 = tpu.vector_load %arg12[%get3A_34, %get3A_35] {strides = array<i32>} : memref<128x128xf32, #tpu.memory_space<vmem>>, vector<16xf32>,
        %mul3A_37 = arith.mulf %get3A_36, %gather3A : vector<16xf32>
        %swap3A_38 = arith.index_cast %scan3A_25 : i32 to index
        %swap3A_39 = arith.constant 16 : index
        %swap3A_40 = tpu.vector_load %arg12[%swap3A_38, %swap3A_39] {strides = array<i32>} : memref<128x128xf32, #tpu.memory_space<vmem>>, vector<16xf32>,
        tpu.vector_store %arg12[%swap3A_38, %swap3A_39], %mul3A_37 {strides = array<i32>} : memref<128x128xf32, #tpu.memory_space<vmem>>, vector<16xf32>,
        %get3A_41 = arith.index_cast %scan3A_25 : i32 to index
        %get3A_42 = arith.constant 32 : index
        %get3A_43 = tpu.vector_load %arg12[%get3A_41, %get3A_42] {strides = array<i32>} : memref<128x128xf32, #tpu.memory_space<vmem>>, vector<16xf32>,
        %mul3A_44 = arith.mulf %get3A_43, %gather3A : vector<16xf32>
        %swap3A_45 = arith.index_cast %scan3A_25 : i32 to index
        %swap3A_46 = arith.constant 32 : index
        %swap3A_47 = tpu.vector_load %arg12[%swap3A_45, %swap3A_46] {strides = array<i32>} : memref<128x128xf32, #tpu.memory_space<vmem>>, vector<16xf32>,
        tpu.vector_store %arg12[%swap3A_45, %swap3A_46], %mul3A_44 {strides = array<i32>} : memref<128x128xf32, #tpu.memory_space<vmem>>, vector<16xf32>,
        %get3A_48 = arith.index_cast %scan3A_25 : i32 to index
        %get3A_49 = arith.constant 48 : index
        %get3A_50 = tpu.vector_load %arg12[%get3A_48, %get3A_49] {strides = array<i32>} : memref<128x128xf32, #tpu.memory_space<vmem>>, vector<16xf32>,
        %mul3A_51 = arith.mulf %get3A_50, %gather3A : vector<16xf32>
        %swap3A_52 = arith.index_cast %scan3A_25 : i32 to index
        %swap3A_53 = arith.constant 48 : index
        %swap3A_54 = tpu.vector_load %arg12[%swap3A_52, %swap3A_53] {strides = array<i32>} : memref<128x128xf32, #tpu.memory_space<vmem>>, vector<16xf32>,
        tpu.vector_store %arg12[%swap3A_52, %swap3A_53], %mul3A_51 {strides = array<i32>} : memref<128x128xf32, #tpu.memory_space<vmem>>, vector<16xf32>,
        %get3A_55 = arith.index_cast %scan3A_25 : i32 to index
        %get3A_56 = arith.constant 64 : index
        %get3A_57 = tpu.vector_load %arg12[%get3A_55, %get3A_56] {strides = array<i32>} : memref<128x128xf32, #tpu.memory_space<vmem>>, vector<16xf32>,
        %mul3A_58 = arith.mulf %get3A_57, %gather3A : vector<16xf32>
        %swap3A_59 = arith.index_cast %scan3A_25 : i32 to index
        %swap3A_60 = arith.constant 64 : index
        %swap3A_61 = tpu.vector_load %arg12[%swap3A_59, %swap3A_60] {strides = array<i32>} : memref<128x128xf32, #tpu.memory_space<vmem>>, vector<16xf32>,
        tpu.vector_store %arg12[%swap3A_59, %swap3A_60], %mul3A_58 {strides = array<i32>} : memref<128x128xf32, #tpu.memory_space<vmem>>, vector<16xf32>,
        %get3A_62 = arith.index_cast %scan3A_25 : i32 to index
        %get3A_63 = arith.constant 80 : index
        %get3A_64 = tpu.vector_load %arg12[%get3A_62, %get3A_63] {strides = array<i32>} : memref<128x128xf32, #tpu.memory_space<vmem>>, vector<16xf32>,
        %mul3A_65 = arith.mulf %get3A_64, %gather3A : vector<16xf32>
        %swap3A_66 = arith.index_cast %scan3A_25 : i32 to index
        %swap3A_67 = arith.constant 80 : index
        %swap3A_68 = tpu.vector_load %arg12[%swap3A_66, %swap3A_67] {strides = array<i32>} : memref<128x128xf32, #tpu.memory_space<vmem>>, vector<16xf32>,
        tpu.vector_store %arg12[%swap3A_66, %swap3A_67], %mul3A_65 {strides = array<i32>} : memref<128x128xf32, #tpu.memory_space<vmem>>, vector<16xf32>,
        %get3A_69 = arith.index_cast %scan3A_25 : i32 to index
        %get3A_70 = arith.constant 96 : index
        %get3A_71 = tpu.vector_load %arg12[%get3A_69, %get3A_70] {strides = array<i32>} : memref<128x128xf32, #tpu.memory_space<vmem>>, vector<16xf32>,
        %mul3A_72 = arith.mulf %get3A_71, %gather3A : vector<16xf32>
        %swap3A_73 = arith.index_cast %scan3A_25 : i32 to index
        %swap3A_74 = arith.constant 96 : index
        %swap3A_75 = tpu.vector_load %arg12[%swap3A_73, %swap3A_74] {strides = array<i32>} : memref<128x128xf32, #tpu.memory_space<vmem>>, vector<16xf32>,
        tpu.vector_store %arg12[%swap3A_73, %swap3A_74], %mul3A_72 {strides = array<i32>} : memref<128x128xf32, #tpu.memory_space<vmem>>, vector<16xf32>,
        %get3A_76 = arith.index_cast %scan3A_25 : i32 to index
        %get3A_77 = arith.constant 112 : index
        %get3A_78 = tpu.vector_load %arg12[%get3A_76, %get3A_77] {strides = array<i32>} : memref<128x128xf32, #tpu.memory_space<vmem>>, vector<16xf32>,
        %mul3A_79 = arith.mulf %get3A_78, %gather3A : vector<16xf32>
        %swap3A_80 = arith.index_cast %scan3A_25 : i32 to index
        %swap3A_81 = arith.constant 112 : index
        %swap3A_82 = tpu.vector_load %arg12[%swap3A_80, %swap3A_81] {strides = array<i32>} : memref<128x128xf32, #tpu.memory_space<vmem>>, vector<16xf32>,
        tpu.vector_store %arg12[%swap3A_80, %swap3A_81], %mul3A_79 {strides = array<i32>} : memref<128x128xf32, #tpu.memory_space<vmem>>, vector<16xf32>,
      }
      %scan3A_24 = arith.constant 128 : i32
      "tpu.region"() ({
        %run_scoped3A = tpu.sem_alloc : memref<!tpu.dma_semaphore, #tpu.memory_space<semaphore_mem>>
        %dma_start3A_25 = arith.constant 0 : i32
        %dma_start3A_26 = arith.constant 0 : i32
        %dma_start3A_27 = tpu.memref_slice %arg8[%dma_start3A_25, %dma_start3A_26] : memref<10112x128xf32, #tpu.memory_space<vmem_shared>> -> memref<10112x128xf32, #tpu.memory_space<vmem_shared>>
        tpu.enqueue_indirect_dma source(%arg12 : memref<128x128xf32, #tpu.memory_space<vmem>>) target(%dma_start3A_27 : memref<10112x128xf32, #tpu.memory_space<vmem_shared>>) offsets(%arg10 : memref<128xi32, #tpu.memory_space<vmem>>) semaphore(%run_scoped3A : memref<!tpu.dma_semaphore, #tpu.memory_space<semaphore_mem>>) {add = true}
        %dma_wait3A_28 = arith.constant 0 : i32
        %dma_wait3A_29 = arith.constant 0 : i32
        %dma_wait3A_30 = tpu.memref_slice %arg8[%dma_wait3A_28, %dma_wait3A_29] : memref<10112x128xf32, #tpu.memory_space<vmem_shared>> -> memref<10112x128xf32, #tpu.memory_space<vmem_shared>>
        tpu.wait_indirect_dma semaphore(%run_scoped3A : memref<!tpu.dma_semaphore, #tpu.memory_space<semaphore_mem>>) src(%arg12 : memref<128x128xf32, #tpu.memory_space<vmem>>) dst(%dma_wait3A_30 : memref<10112x128xf32, #tpu.memory_space<vmem_shared>>)
        tpu.yield
      }) : () -> ()
    }
    %scan3A_7 = arith.constant 81 : i32
    %barrier3A_8 = arith.constant 0 : index
    tpu.barrier barrier_id(%barrier3A_8)
    "tpu.region"() ({
      %run_scoped3A = tpu.sem_alloc : memref<!tpu.dma_semaphore, #tpu.memory_space<semaphore_mem>>
      %dma_start3A = arith.constant 0 : i32
      %dma_start3A_9 = tpu.memref_slice %arg7[%arg0, %mul3A_2, %dma_start3A] : memref<2x10112x128xf32, #tpu.memory_space<hbm>> -> memref<1x632x128xf32, #tpu.memory_space<hbm>>
      %dma_start3A_10 = tpu.memref_squeeze %dma_start3A_9 : memref<1x632x128xf32, #tpu.memory_space<hbm>> -> memref<632x128xf32, #tpu.memory_space<hbm>>
      %dma_start3A_11 = arith.constant 0 : i32
      %dma_start3A_12 = tpu.memref_slice %arg8[%mul3A_2, %dma_start3A_11] : memref<10112x128xf32, #tpu.memory_space<vmem_shared>> -> memref<632x128xf32, #tpu.memory_space<vmem_shared>>
      tpu.enqueue_dma source(%dma_start3A_12 : memref<632x128xf32, #tpu.memory_space<vmem_shared>>) target(%dma_start3A_10 : memref<632x128xf32, #tpu.memory_space<hbm>>) target_semaphore(%run_scoped3A : memref<!tpu.dma_semaphore, #tpu.memory_space<semaphore_mem>>)
      %dma_wait3A = arith.constant 0 : i32
      %dma_wait3A_13 = tpu.memref_slice %arg7[%arg0, %mul3A_2, %dma_wait3A] : memref<2x10112x128xf32, #tpu.memory_space<hbm>> -> memref<1x632x128xf32, #tpu.memory_space<hbm>>
      %dma_wait3A_14 = tpu.memref_squeeze %dma_wait3A_13 : memref<1x632x128xf32, #tpu.memory_space<hbm>> -> memref<632x128xf32, #tpu.memory_space<hbm>>
      %dma_wait3A_15 = arith.constant 0 : i32
      %dma_wait3A_16 = tpu.memref_slice %arg8[%mul3A_2, %dma_wait3A_15] : memref<10112x128xf32, #tpu.memory_space<vmem_shared>> -> memref<632x128xf32, #tpu.memory_space<vmem_shared>>
      tpu.wait_dma2 semaphore(%run_scoped3A : memref<!tpu.dma_semaphore, #tpu.memory_space<semaphore_mem>>) src(%dma_wait3A_16 : memref<632x128xf32, #tpu.memory_space<vmem_shared>>) dst(%dma_wait3A_14 : memref<632x128xf32, #tpu.memory_space<hbm>>)
      tpu.yield
    }) : () -> ()
    return
  }
}

#map = affine_map<(d0, d1) -> (0, 0)>
#map1 = affine_map<(d0, d1) -> (0)>
#map2 = affine_map<(d0, d1) -> (0, 0, 0)>
module attributes {stable_mosaic.version = 14 : i64} {
  func.func @_msg_body(%arg0: i32, %arg1: i32, %arg2: memref<10000x128xf32, #tpu.memory_space<hbm>>, %arg3: memref<331776xi32, #tpu.memory_space<hbm>>, %arg4: memref<331776xi32, #tpu.memory_space<hbm>>, %arg5: memref<331776xf32, #tpu.memory_space<hbm>>, %arg6: memref<10112x128xf32, #tpu.memory_space<hbm>>, %arg7: memref<2x10112x128xf32, #tpu.memory_space<hbm>>, %arg8: memref<10112x128xf32, #tpu.memory_space<vmem_shared>>, %arg9: memref<128xi32, #tpu.memory_space<vmem>>, %arg10: memref<128xi32, #tpu.memory_space<vmem>>, %arg11: memref<128xf32, #tpu.memory_space<vmem>>, %arg12: memref<128x128xf32, #tpu.memory_space<vmem>>, %arg13: memref<!tpu.dma_semaphore, #tpu.memory_space<semaphore_mem>>) attributes {dimension_semantics = [#tpu.dimension_semantics<core_parallel>, #tpu.dimension_semantics<subcore_parallel>], iteration_bounds = array<i64: 2, 16>, scalar_prefetch = 0 : i64, scratch_operands = 6 : i64, tpu.core_type = #tpu.core_type<sc_vector_subcore>, window_params = [{transform_indices = #map}, {transform_indices = #map1}, {transform_indices = #map1}, {transform_indices = #map1}, {transform_indices = #map}, {transform_indices = #map2}]} {
    %mul3A = arith.constant 2 : i32
    %mul3A_0 = arith.muli %arg1, %mul3A : i32
    %add3A = arith.addi %mul3A_0, %arg0 : i32
    %mul3A_1 = arith.constant 632 : i32
    %mul3A_2 = arith.muli %arg1, %mul3A_1 : i32
    "tpu.region"() ({
      %run_scoped3A = tpu.sem_alloc : memref<!tpu.dma_semaphore, #tpu.memory_space<semaphore_mem>>
      %dma_start3A = arith.constant 0 : i32
      %dma_start3A_9 = tpu.memref_slice %arg8[%mul3A_2, %dma_start3A] : memref<10112x128xf32, #tpu.memory_space<vmem_shared>> -> memref<632x128xf32, #tpu.memory_space<vmem_shared>>
      %dma_start3A_10 = arith.constant 0 : i32
      %dma_start3A_11 = tpu.memref_slice %arg6[%mul3A_2, %dma_start3A_10] : memref<10112x128xf32, #tpu.memory_space<hbm>> -> memref<632x128xf32, #tpu.memory_space<hbm>>
      tpu.enqueue_dma source(%dma_start3A_11 : memref<632x128xf32, #tpu.memory_space<hbm>>) target(%dma_start3A_9 : memref<632x128xf32, #tpu.memory_space<vmem_shared>>) target_semaphore(%run_scoped3A : memref<!tpu.dma_semaphore, #tpu.memory_space<semaphore_mem>>)
      %dma_wait3A = arith.constant 0 : i32
      %dma_wait3A_12 = tpu.memref_slice %arg8[%mul3A_2, %dma_wait3A] : memref<10112x128xf32, #tpu.memory_space<vmem_shared>> -> memref<632x128xf32, #tpu.memory_space<vmem_shared>>
      %dma_wait3A_13 = arith.constant 0 : i32
      %dma_wait3A_14 = tpu.memref_slice %arg6[%mul3A_2, %dma_wait3A_13] : memref<10112x128xf32, #tpu.memory_space<hbm>> -> memref<632x128xf32, #tpu.memory_space<hbm>>
      tpu.wait_dma2 semaphore(%run_scoped3A : memref<!tpu.dma_semaphore, #tpu.memory_space<semaphore_mem>>) src(%dma_wait3A_14 : memref<632x128xf32, #tpu.memory_space<hbm>>) dst(%dma_wait3A_12 : memref<632x128xf32, #tpu.memory_space<vmem_shared>>)
      tpu.yield
    }) : () -> ()
    %barrier3A = arith.constant 0 : index
    tpu.barrier barrier_id(%barrier3A)
    %scan3A = arith.constant 0 : i32
    %scan3A_3 = arith.constant 0 : i32
    %scan3A_4 = arith.constant 81 : i32
    %scan3A_5 = arith.addi %scan3A_3, %scan3A_4 : i32
    %scan3A_6 = arith.constant 1 : i32
    scf.for %scan3A_9 = %scan3A_3 to %scan3A_5 step %scan3A_6  : i32 {
      %mul3A_10 = arith.constant 81 : i32
      %mul3A_11 = arith.muli %add3A, %mul3A_10 : i32
      %add3A_12 = arith.addi %mul3A_11, %scan3A_9 : i32
      %mul3A_13 = arith.constant 128 : i32
      %mul3A_14 = arith.muli %add3A_12, %mul3A_13 : i32
      "tpu.region"() ({
        %run_scoped3A = tpu.sem_alloc : memref<!tpu.dma_semaphore, #tpu.memory_space<semaphore_mem>>
        %dma_start3A_25 = tpu.memref_slice %arg3[%mul3A_14] : memref<331776xi32, #tpu.memory_space<hbm>> -> memref<128xi32, #tpu.memory_space<hbm>>
        %dma_start3A_26 = tpu.memref_slice %arg3[%mul3A_14] : memref<331776xi32, #tpu.memory_space<hbm>> -> memref<128xi32, #tpu.memory_space<hbm>>
        tpu.enqueue_dma source(%dma_start3A_26 : memref<128xi32, #tpu.memory_space<hbm>>) target(%arg9 : memref<128xi32, #tpu.memory_space<vmem>>) target_semaphore(%run_scoped3A : memref<!tpu.dma_semaphore, #tpu.memory_space<semaphore_mem>>)
        %dma_wait3A_27 = tpu.memref_slice %arg3[%mul3A_14] : memref<331776xi32, #tpu.memory_space<hbm>> -> memref<128xi32, #tpu.memory_space<hbm>>
        %dma_wait3A_28 = tpu.memref_slice %arg3[%mul3A_14] : memref<331776xi32, #tpu.memory_space<hbm>> -> memref<128xi32, #tpu.memory_space<hbm>>
        tpu.wait_dma2 semaphore(%run_scoped3A : memref<!tpu.dma_semaphore, #tpu.memory_space<semaphore_mem>>) src(%dma_wait3A_28 : memref<128xi32, #tpu.memory_space<hbm>>) dst(%arg9 : memref<128xi32, #tpu.memory_space<vmem>>)
        tpu.yield
      }) : () -> ()
      %dma_start3A = arith.constant 0 : i32
      %dma_start3A_15 = arith.constant 0 : i32
      %dma_start3A_16 = tpu.memref_slice %arg2[%dma_start3A, %dma_start3A_15] : memref<10000x128xf32, #tpu.memory_space<hbm>> -> memref<10000x128xf32, #tpu.memory_space<hbm>>
      tpu.enqueue_indirect_dma source(%dma_start3A_16 : memref<10000x128xf32, #tpu.memory_space<hbm>>) target(%arg12 : memref<128x128xf32, #tpu.memory_space<vmem>>) offsets(%arg9 : memref<128xi32, #tpu.memory_space<vmem>>) semaphore(%arg13 : memref<!tpu.dma_semaphore, #tpu.memory_space<semaphore_mem>>)
      %dma_wait3A = arith.constant 0 : i32
      %dma_wait3A_17 = arith.constant 0 : i32
      %dma_wait3A_18 = tpu.memref_slice %arg2[%dma_wait3A, %dma_wait3A_17] : memref<10000x128xf32, #tpu.memory_space<hbm>> -> memref<10000x128xf32, #tpu.memory_space<hbm>>
      tpu.wait_indirect_dma semaphore(%arg13 : memref<!tpu.dma_semaphore, #tpu.memory_space<semaphore_mem>>) src(%dma_wait3A_18 : memref<10000x128xf32, #tpu.memory_space<hbm>>) dst(%arg12 : memref<128x128xf32, #tpu.memory_space<vmem>>)
      "tpu.region"() ({
        %run_scoped3A = tpu.sem_alloc : memref<!tpu.dma_semaphore, #tpu.memory_space<semaphore_mem>>
        %dma_start3A_25 = tpu.memref_slice %arg4[%mul3A_14] : memref<331776xi32, #tpu.memory_space<hbm>> -> memref<128xi32, #tpu.memory_space<hbm>>
        %dma_start3A_26 = tpu.memref_slice %arg4[%mul3A_14] : memref<331776xi32, #tpu.memory_space<hbm>> -> memref<128xi32, #tpu.memory_space<hbm>>
        tpu.enqueue_dma source(%dma_start3A_26 : memref<128xi32, #tpu.memory_space<hbm>>) target(%arg10 : memref<128xi32, #tpu.memory_space<vmem>>) target_semaphore(%run_scoped3A : memref<!tpu.dma_semaphore, #tpu.memory_space<semaphore_mem>>)
        %dma_wait3A_27 = tpu.memref_slice %arg4[%mul3A_14] : memref<331776xi32, #tpu.memory_space<hbm>> -> memref<128xi32, #tpu.memory_space<hbm>>
        %dma_wait3A_28 = tpu.memref_slice %arg4[%mul3A_14] : memref<331776xi32, #tpu.memory_space<hbm>> -> memref<128xi32, #tpu.memory_space<hbm>>
        tpu.wait_dma2 semaphore(%run_scoped3A : memref<!tpu.dma_semaphore, #tpu.memory_space<semaphore_mem>>) src(%dma_wait3A_28 : memref<128xi32, #tpu.memory_space<hbm>>) dst(%arg10 : memref<128xi32, #tpu.memory_space<vmem>>)
        tpu.yield
      }) : () -> ()
      "tpu.region"() ({
        %run_scoped3A = tpu.sem_alloc : memref<!tpu.dma_semaphore, #tpu.memory_space<semaphore_mem>>
        %dma_start3A_25 = tpu.memref_slice %arg5[%mul3A_14] : memref<331776xf32, #tpu.memory_space<hbm>> -> memref<128xf32, #tpu.memory_space<hbm>>
        %dma_start3A_26 = tpu.memref_slice %arg5[%mul3A_14] : memref<331776xf32, #tpu.memory_space<hbm>> -> memref<128xf32, #tpu.memory_space<hbm>>
        tpu.enqueue_dma source(%dma_start3A_26 : memref<128xf32, #tpu.memory_space<hbm>>) target(%arg11 : memref<128xf32, #tpu.memory_space<vmem>>) target_semaphore(%run_scoped3A : memref<!tpu.dma_semaphore, #tpu.memory_space<semaphore_mem>>)
        %dma_wait3A_27 = tpu.memref_slice %arg5[%mul3A_14] : memref<331776xf32, #tpu.memory_space<hbm>> -> memref<128xf32, #tpu.memory_space<hbm>>
        %dma_wait3A_28 = tpu.memref_slice %arg5[%mul3A_14] : memref<331776xf32, #tpu.memory_space<hbm>> -> memref<128xf32, #tpu.memory_space<hbm>>
        tpu.wait_dma2 semaphore(%run_scoped3A : memref<!tpu.dma_semaphore, #tpu.memory_space<semaphore_mem>>) src(%dma_wait3A_28 : memref<128xf32, #tpu.memory_space<hbm>>) dst(%arg11 : memref<128xf32, #tpu.memory_space<vmem>>)
        tpu.yield
      }) : () -> ()
      %scan3A_19 = arith.constant 0 : i32
      %scan3A_20 = arith.constant 0 : i32
      %scan3A_21 = arith.constant 128 : i32
      %scan3A_22 = arith.addi %scan3A_20, %scan3A_21 : i32
      %scan3A_23 = arith.constant 1 : i32
      scf.for %scan3A_25 = %scan3A_20 to %scan3A_22 step %scan3A_23  : i32 {
        %broadcast_in_dim3A = arith.constant 0 : i32
        %broadcast_in_dim3A_26 = vector.broadcast %broadcast_in_dim3A : i32 to vector<16xi32>
        %add3A_27 = vector.broadcast %scan3A_25 : i32 to vector<16xi32>
        %add3A_28 = arith.addi %broadcast_in_dim3A_26, %add3A_27 : vector<16xi32>
        %gather3A = tpu.vector_load_idx %arg11[%add3A_28] : memref<128xf32, #tpu.memory_space<vmem>>[vector<16xi32>], vector<16xf32>,
        %get3A = arith.index_cast %scan3A_25 : i32 to index
        %get3A_29 = arith.constant 0 : index
        %get3A_30 = tpu.vector_load %arg12[%get3A, %get3A_29] {strides = array<i32>} : memref<128x128xf32, #tpu.memory_space<vmem>>, vector<16xf32>,
        %mul3A_31 = arith.mulf %get3A_30, %gather3A : vector<16xf32>
        %swap3A = arith.index_cast %scan3A_25 : i32 to index
        %swap3A_32 = arith.constant 0 : index
        %swap3A_33 = tpu.vector_load %arg12[%swap3A, %swap3A_32] {strides = array<i32>} : memref<128x128xf32, #tpu.memory_space<vmem>>, vector<16xf32>,
        tpu.vector_store %arg12[%swap3A, %swap3A_32], %mul3A_31 {strides = array<i32>} : memref<128x128xf32, #tpu.memory_space<vmem>>, vector<16xf32>,
        %get3A_34 = arith.index_cast %scan3A_25 : i32 to index
        %get3A_35 = arith.constant 16 : index
        %get3A_36 = tpu.vector_load %arg12[%get3A_34, %get3A_35] {strides = array<i32>} : memref<128x128xf32, #tpu.memory_space<vmem>>, vector<16xf32>,
        %mul3A_37 = arith.mulf %get3A_36, %gather3A : vector<16xf32>
        %swap3A_38 = arith.index_cast %scan3A_25 : i32 to index
        %swap3A_39 = arith.constant 16 : index
        %swap3A_40 = tpu.vector_load %arg12[%swap3A_38, %swap3A_39] {strides = array<i32>} : memref<128x128xf32, #tpu.memory_space<vmem>>, vector<16xf32>,
        tpu.vector_store %arg12[%swap3A_38, %swap3A_39], %mul3A_37 {strides = array<i32>} : memref<128x128xf32, #tpu.memory_space<vmem>>, vector<16xf32>,
        %get3A_41 = arith.index_cast %scan3A_25 : i32 to index
        %get3A_42 = arith.constant 32 : index
        %get3A_43 = tpu.vector_load %arg12[%get3A_41, %get3A_42] {strides = array<i32>} : memref<128x128xf32, #tpu.memory_space<vmem>>, vector<16xf32>,
        %mul3A_44 = arith.mulf %get3A_43, %gather3A : vector<16xf32>
        %swap3A_45 = arith.index_cast %scan3A_25 : i32 to index
        %swap3A_46 = arith.constant 32 : index
        %swap3A_47 = tpu.vector_load %arg12[%swap3A_45, %swap3A_46] {strides = array<i32>} : memref<128x128xf32, #tpu.memory_space<vmem>>, vector<16xf32>,
        tpu.vector_store %arg12[%swap3A_45, %swap3A_46], %mul3A_44 {strides = array<i32>} : memref<128x128xf32, #tpu.memory_space<vmem>>, vector<16xf32>,
        %get3A_48 = arith.index_cast %scan3A_25 : i32 to index
        %get3A_49 = arith.constant 48 : index
        %get3A_50 = tpu.vector_load %arg12[%get3A_48, %get3A_49] {strides = array<i32>} : memref<128x128xf32, #tpu.memory_space<vmem>>, vector<16xf32>,
        %mul3A_51 = arith.mulf %get3A_50, %gather3A : vector<16xf32>
        %swap3A_52 = arith.index_cast %scan3A_25 : i32 to index
        %swap3A_53 = arith.constant 48 : index
        %swap3A_54 = tpu.vector_load %arg12[%swap3A_52, %swap3A_53] {strides = array<i32>} : memref<128x128xf32, #tpu.memory_space<vmem>>, vector<16xf32>,
        tpu.vector_store %arg12[%swap3A_52, %swap3A_53], %mul3A_51 {strides = array<i32>} : memref<128x128xf32, #tpu.memory_space<vmem>>, vector<16xf32>,
        %get3A_55 = arith.index_cast %scan3A_25 : i32 to index
        %get3A_56 = arith.constant 64 : index
        %get3A_57 = tpu.vector_load %arg12[%get3A_55, %get3A_56] {strides = array<i32>} : memref<128x128xf32, #tpu.memory_space<vmem>>, vector<16xf32>,
        %mul3A_58 = arith.mulf %get3A_57, %gather3A : vector<16xf32>
        %swap3A_59 = arith.index_cast %scan3A_25 : i32 to index
        %swap3A_60 = arith.constant 64 : index
        %swap3A_61 = tpu.vector_load %arg12[%swap3A_59, %swap3A_60] {strides = array<i32>} : memref<128x128xf32, #tpu.memory_space<vmem>>, vector<16xf32>,
        tpu.vector_store %arg12[%swap3A_59, %swap3A_60], %mul3A_58 {strides = array<i32>} : memref<128x128xf32, #tpu.memory_space<vmem>>, vector<16xf32>,
        %get3A_62 = arith.index_cast %scan3A_25 : i32 to index
        %get3A_63 = arith.constant 80 : index
        %get3A_64 = tpu.vector_load %arg12[%get3A_62, %get3A_63] {strides = array<i32>} : memref<128x128xf32, #tpu.memory_space<vmem>>, vector<16xf32>,
        %mul3A_65 = arith.mulf %get3A_64, %gather3A : vector<16xf32>
        %swap3A_66 = arith.index_cast %scan3A_25 : i32 to index
        %swap3A_67 = arith.constant 80 : index
        %swap3A_68 = tpu.vector_load %arg12[%swap3A_66, %swap3A_67] {strides = array<i32>} : memref<128x128xf32, #tpu.memory_space<vmem>>, vector<16xf32>,
        tpu.vector_store %arg12[%swap3A_66, %swap3A_67], %mul3A_65 {strides = array<i32>} : memref<128x128xf32, #tpu.memory_space<vmem>>, vector<16xf32>,
        %get3A_69 = arith.index_cast %scan3A_25 : i32 to index
        %get3A_70 = arith.constant 96 : index
        %get3A_71 = tpu.vector_load %arg12[%get3A_69, %get3A_70] {strides = array<i32>} : memref<128x128xf32, #tpu.memory_space<vmem>>, vector<16xf32>,
        %mul3A_72 = arith.mulf %get3A_71, %gather3A : vector<16xf32>
        %swap3A_73 = arith.index_cast %scan3A_25 : i32 to index
        %swap3A_74 = arith.constant 96 : index
        %swap3A_75 = tpu.vector_load %arg12[%swap3A_73, %swap3A_74] {strides = array<i32>} : memref<128x128xf32, #tpu.memory_space<vmem>>, vector<16xf32>,
        tpu.vector_store %arg12[%swap3A_73, %swap3A_74], %mul3A_72 {strides = array<i32>} : memref<128x128xf32, #tpu.memory_space<vmem>>, vector<16xf32>,
        %get3A_76 = arith.index_cast %scan3A_25 : i32 to index
        %get3A_77 = arith.constant 112 : index
        %get3A_78 = tpu.vector_load %arg12[%get3A_76, %get3A_77] {strides = array<i32>} : memref<128x128xf32, #tpu.memory_space<vmem>>, vector<16xf32>,
        %mul3A_79 = arith.mulf %get3A_78, %gather3A : vector<16xf32>
        %swap3A_80 = arith.index_cast %scan3A_25 : i32 to index
        %swap3A_81 = arith.constant 112 : index
        %swap3A_82 = tpu.vector_load %arg12[%swap3A_80, %swap3A_81] {strides = array<i32>} : memref<128x128xf32, #tpu.memory_space<vmem>>, vector<16xf32>,
        tpu.vector_store %arg12[%swap3A_80, %swap3A_81], %mul3A_79 {strides = array<i32>} : memref<128x128xf32, #tpu.memory_space<vmem>>, vector<16xf32>,
      }
      %scan3A_24 = arith.constant 128 : i32
      "tpu.region"() ({
        %run_scoped3A = tpu.sem_alloc : memref<!tpu.dma_semaphore, #tpu.memory_space<semaphore_mem>>
        %dma_start3A_25 = arith.constant 0 : i32
        %dma_start3A_26 = arith.constant 0 : i32
        %dma_start3A_27 = tpu.memref_slice %arg8[%dma_start3A_25, %dma_start3A_26] : memref<10112x128xf32, #tpu.memory_space<vmem_shared>> -> memref<10112x128xf32, #tpu.memory_space<vmem_shared>>
        tpu.enqueue_indirect_dma source(%arg12 : memref<128x128xf32, #tpu.memory_space<vmem>>) target(%dma_start3A_27 : memref<10112x128xf32, #tpu.memory_space<vmem_shared>>) offsets(%arg10 : memref<128xi32, #tpu.memory_space<vmem>>) semaphore(%run_scoped3A : memref<!tpu.dma_semaphore, #tpu.memory_space<semaphore_mem>>) {add = true}
        %dma_wait3A_28 = arith.constant 0 : i32
        %dma_wait3A_29 = arith.constant 0 : i32
        %dma_wait3A_30 = tpu.memref_slice %arg8[%dma_wait3A_28, %dma_wait3A_29] : memref<10112x128xf32, #tpu.memory_space<vmem_shared>> -> memref<10112x128xf32, #tpu.memory_space<vmem_shared>>
        tpu.wait_indirect_dma semaphore(%run_scoped3A : memref<!tpu.dma_semaphore, #tpu.memory_space<semaphore_mem>>) src(%arg12 : memref<128x128xf32, #tpu.memory_space<vmem>>) dst(%dma_wait3A_30 : memref<10112x128xf32, #tpu.memory_space<vmem_shared>>)
        tpu.yield
      }) : () -> ()
    }
    %scan3A_7 = arith.constant 81 : i32
    %barrier3A_8 = arith.constant 0 : index
    tpu.barrier barrier_id(%barrier3A_8)
    "tpu.region"() ({
      %run_scoped3A = tpu.sem_alloc : memref<!tpu.dma_semaphore, #tpu.memory_space<semaphore_mem>>
      %dma_start3A = arith.constant 0 : i32
      %dma_start3A_9 = tpu.memref_slice %arg7[%arg0, %mul3A_2, %dma_start3A] : memref<2x10112x128xf32, #tpu.memory_space<hbm>> -> memref<1x632x128xf32, #tpu.memory_space<hbm>>
      %dma_start3A_10 = tpu.memref_squeeze %dma_start3A_9 : memref<1x632x128xf32, #tpu.memory_space<hbm>> -> memref<632x128xf32, #tpu.memory_space<hbm>>
      %dma_start3A_11 = arith.constant 0 : i32
      %dma_start3A_12 = tpu.memref_slice %arg8[%mul3A_2, %dma_start3A_11] : memref<10112x128xf32, #tpu.memory_space<vmem_shared>> -> memref<632x128xf32, #tpu.memory_space<vmem_shared>>
      tpu.enqueue_dma source(%dma_start3A_12 : memref<632x128xf32, #tpu.memory_space<vmem_shared>>) target(%dma_start3A_10 : memref<632x128xf32, #tpu.memory_space<hbm>>) target_semaphore(%run_scoped3A : memref<!tpu.dma_semaphore, #tpu.memory_space<semaphore_mem>>)
      %dma_wait3A = arith.constant 0 : i32
      %dma_wait3A_13 = tpu.memref_slice %arg7[%arg0, %mul3A_2, %dma_wait3A] : memref<2x10112x128xf32, #tpu.memory_space<hbm>> -> memref<1x632x128xf32, #tpu.memory_space<hbm>>
      %dma_wait3A_14 = tpu.memref_squeeze %dma_wait3A_13 : memref<1x632x128xf32, #tpu.memory_space<hbm>> -> memref<632x128xf32, #tpu.memory_space<hbm>>
      %dma_wait3A_15 = arith.constant 0 : i32
      %dma_wait3A_16 = tpu.memref_slice %arg8[%mul3A_2, %dma_wait3A_15] : memref<10112x128xf32, #tpu.memory_space<vmem_shared>> -> memref<632x128xf32, #tpu.memory_space<vmem_shared>>
      tpu.wait_dma2 semaphore(%run_scoped3A : memref<!tpu.dma_semaphore, #tpu.memory_space<semaphore_mem>>) src(%dma_wait3A_16 : memref<632x128xf32, #tpu.memory_space<vmem_shared>>) dst(%dma_wait3A_14 : memref<632x128xf32, #tpu.memory_space<hbm>>)
      tpu.yield
    }) : () -> ()
    return
  }
}

#map = affine_map<(d0, d1) -> (0, 0)>
#map1 = affine_map<(d0, d1) -> (0)>
#map2 = affine_map<(d0, d1) -> (0, 0, 0)>
module attributes {stable_mosaic.version = 14 : i64} {
  func.func @_msg_body(%arg0: i32, %arg1: i32, %arg2: memref<10000x128xf32, #tpu.memory_space<hbm>>, %arg3: memref<331776xi32, #tpu.memory_space<hbm>>, %arg4: memref<331776xi32, #tpu.memory_space<hbm>>, %arg5: memref<331776xf32, #tpu.memory_space<hbm>>, %arg6: memref<10112x128xf32, #tpu.memory_space<hbm>>, %arg7: memref<2x10112x128xf32, #tpu.memory_space<hbm>>, %arg8: memref<10112x128xf32, #tpu.memory_space<vmem_shared>>, %arg9: memref<128xi32, #tpu.memory_space<vmem>>, %arg10: memref<128xi32, #tpu.memory_space<vmem>>, %arg11: memref<128xf32, #tpu.memory_space<vmem>>, %arg12: memref<128x128xf32, #tpu.memory_space<vmem>>, %arg13: memref<!tpu.dma_semaphore, #tpu.memory_space<semaphore_mem>>) attributes {dimension_semantics = [#tpu.dimension_semantics<core_parallel>, #tpu.dimension_semantics<subcore_parallel>], iteration_bounds = array<i64: 2, 16>, scalar_prefetch = 0 : i64, scratch_operands = 6 : i64, tpu.core_type = #tpu.core_type<sc_vector_subcore>, window_params = [{transform_indices = #map}, {transform_indices = #map1}, {transform_indices = #map1}, {transform_indices = #map1}, {transform_indices = #map}, {transform_indices = #map2}]} {
    %mul3A = arith.constant 2 : i32
    %mul3A_0 = arith.muli %arg1, %mul3A : i32
    %add3A = arith.addi %mul3A_0, %arg0 : i32
    %mul3A_1 = arith.constant 632 : i32
    %mul3A_2 = arith.muli %arg1, %mul3A_1 : i32
    "tpu.region"() ({
      %run_scoped3A = tpu.sem_alloc : memref<!tpu.dma_semaphore, #tpu.memory_space<semaphore_mem>>
      %dma_start3A = arith.constant 0 : i32
      %dma_start3A_9 = tpu.memref_slice %arg8[%mul3A_2, %dma_start3A] : memref<10112x128xf32, #tpu.memory_space<vmem_shared>> -> memref<632x128xf32, #tpu.memory_space<vmem_shared>>
      %dma_start3A_10 = arith.constant 0 : i32
      %dma_start3A_11 = tpu.memref_slice %arg6[%mul3A_2, %dma_start3A_10] : memref<10112x128xf32, #tpu.memory_space<hbm>> -> memref<632x128xf32, #tpu.memory_space<hbm>>
      tpu.enqueue_dma source(%dma_start3A_11 : memref<632x128xf32, #tpu.memory_space<hbm>>) target(%dma_start3A_9 : memref<632x128xf32, #tpu.memory_space<vmem_shared>>) target_semaphore(%run_scoped3A : memref<!tpu.dma_semaphore, #tpu.memory_space<semaphore_mem>>)
      %dma_wait3A = arith.constant 0 : i32
      %dma_wait3A_12 = tpu.memref_slice %arg8[%mul3A_2, %dma_wait3A] : memref<10112x128xf32, #tpu.memory_space<vmem_shared>> -> memref<632x128xf32, #tpu.memory_space<vmem_shared>>
      %dma_wait3A_13 = arith.constant 0 : i32
      %dma_wait3A_14 = tpu.memref_slice %arg6[%mul3A_2, %dma_wait3A_13] : memref<10112x128xf32, #tpu.memory_space<hbm>> -> memref<632x128xf32, #tpu.memory_space<hbm>>
      tpu.wait_dma2 semaphore(%run_scoped3A : memref<!tpu.dma_semaphore, #tpu.memory_space<semaphore_mem>>) src(%dma_wait3A_14 : memref<632x128xf32, #tpu.memory_space<hbm>>) dst(%dma_wait3A_12 : memref<632x128xf32, #tpu.memory_space<vmem_shared>>)
      tpu.yield
    }) : () -> ()
    %barrier3A = arith.constant 0 : index
    tpu.barrier barrier_id(%barrier3A)
    %scan3A = arith.constant 0 : i32
    %scan3A_3 = arith.constant 0 : i32
    %scan3A_4 = arith.constant 81 : i32
    %scan3A_5 = arith.addi %scan3A_3, %scan3A_4 : i32
    %scan3A_6 = arith.constant 1 : i32
    scf.for %scan3A_9 = %scan3A_3 to %scan3A_5 step %scan3A_6  : i32 {
      %mul3A_10 = arith.constant 81 : i32
      %mul3A_11 = arith.muli %add3A, %mul3A_10 : i32
      %add3A_12 = arith.addi %mul3A_11, %scan3A_9 : i32
      %mul3A_13 = arith.constant 128 : i32
      %mul3A_14 = arith.muli %add3A_12, %mul3A_13 : i32
      "tpu.region"() ({
        %run_scoped3A = tpu.sem_alloc : memref<!tpu.dma_semaphore, #tpu.memory_space<semaphore_mem>>
        %dma_start3A_25 = tpu.memref_slice %arg3[%mul3A_14] : memref<331776xi32, #tpu.memory_space<hbm>> -> memref<128xi32, #tpu.memory_space<hbm>>
        %dma_start3A_26 = tpu.memref_slice %arg3[%mul3A_14] : memref<331776xi32, #tpu.memory_space<hbm>> -> memref<128xi32, #tpu.memory_space<hbm>>
        tpu.enqueue_dma source(%dma_start3A_26 : memref<128xi32, #tpu.memory_space<hbm>>) target(%arg9 : memref<128xi32, #tpu.memory_space<vmem>>) target_semaphore(%run_scoped3A : memref<!tpu.dma_semaphore, #tpu.memory_space<semaphore_mem>>)
        %dma_wait3A_27 = tpu.memref_slice %arg3[%mul3A_14] : memref<331776xi32, #tpu.memory_space<hbm>> -> memref<128xi32, #tpu.memory_space<hbm>>
        %dma_wait3A_28 = tpu.memref_slice %arg3[%mul3A_14] : memref<331776xi32, #tpu.memory_space<hbm>> -> memref<128xi32, #tpu.memory_space<hbm>>
        tpu.wait_dma2 semaphore(%run_scoped3A : memref<!tpu.dma_semaphore, #tpu.memory_space<semaphore_mem>>) src(%dma_wait3A_28 : memref<128xi32, #tpu.memory_space<hbm>>) dst(%arg9 : memref<128xi32, #tpu.memory_space<vmem>>)
        tpu.yield
      }) : () -> ()
      %dma_start3A = arith.constant 0 : i32
      %dma_start3A_15 = arith.constant 0 : i32
      %dma_start3A_16 = tpu.memref_slice %arg2[%dma_start3A, %dma_start3A_15] : memref<10000x128xf32, #tpu.memory_space<hbm>> -> memref<10000x128xf32, #tpu.memory_space<hbm>>
      tpu.enqueue_indirect_dma source(%dma_start3A_16 : memref<10000x128xf32, #tpu.memory_space<hbm>>) target(%arg12 : memref<128x128xf32, #tpu.memory_space<vmem>>) offsets(%arg9 : memref<128xi32, #tpu.memory_space<vmem>>) semaphore(%arg13 : memref<!tpu.dma_semaphore, #tpu.memory_space<semaphore_mem>>)
      %dma_wait3A = arith.constant 0 : i32
      %dma_wait3A_17 = arith.constant 0 : i32
      %dma_wait3A_18 = tpu.memref_slice %arg2[%dma_wait3A, %dma_wait3A_17] : memref<10000x128xf32, #tpu.memory_space<hbm>> -> memref<10000x128xf32, #tpu.memory_space<hbm>>
      tpu.wait_indirect_dma semaphore(%arg13 : memref<!tpu.dma_semaphore, #tpu.memory_space<semaphore_mem>>) src(%dma_wait3A_18 : memref<10000x128xf32, #tpu.memory_space<hbm>>) dst(%arg12 : memref<128x128xf32, #tpu.memory_space<vmem>>)
      "tpu.region"() ({
        %run_scoped3A = tpu.sem_alloc : memref<!tpu.dma_semaphore, #tpu.memory_space<semaphore_mem>>
        %dma_start3A_25 = tpu.memref_slice %arg4[%mul3A_14] : memref<331776xi32, #tpu.memory_space<hbm>> -> memref<128xi32, #tpu.memory_space<hbm>>
        %dma_start3A_26 = tpu.memref_slice %arg4[%mul3A_14] : memref<331776xi32, #tpu.memory_space<hbm>> -> memref<128xi32, #tpu.memory_space<hbm>>
        tpu.enqueue_dma source(%dma_start3A_26 : memref<128xi32, #tpu.memory_space<hbm>>) target(%arg10 : memref<128xi32, #tpu.memory_space<vmem>>) target_semaphore(%run_scoped3A : memref<!tpu.dma_semaphore, #tpu.memory_space<semaphore_mem>>)
        %dma_wait3A_27 = tpu.memref_slice %arg4[%mul3A_14] : memref<331776xi32, #tpu.memory_space<hbm>> -> memref<128xi32, #tpu.memory_space<hbm>>
        %dma_wait3A_28 = tpu.memref_slice %arg4[%mul3A_14] : memref<331776xi32, #tpu.memory_space<hbm>> -> memref<128xi32, #tpu.memory_space<hbm>>
        tpu.wait_dma2 semaphore(%run_scoped3A : memref<!tpu.dma_semaphore, #tpu.memory_space<semaphore_mem>>) src(%dma_wait3A_28 : memref<128xi32, #tpu.memory_space<hbm>>) dst(%arg10 : memref<128xi32, #tpu.memory_space<vmem>>)
        tpu.yield
      }) : () -> ()
      "tpu.region"() ({
        %run_scoped3A = tpu.sem_alloc : memref<!tpu.dma_semaphore, #tpu.memory_space<semaphore_mem>>
        %dma_start3A_25 = tpu.memref_slice %arg5[%mul3A_14] : memref<331776xf32, #tpu.memory_space<hbm>> -> memref<128xf32, #tpu.memory_space<hbm>>
        %dma_start3A_26 = tpu.memref_slice %arg5[%mul3A_14] : memref<331776xf32, #tpu.memory_space<hbm>> -> memref<128xf32, #tpu.memory_space<hbm>>
        tpu.enqueue_dma source(%dma_start3A_26 : memref<128xf32, #tpu.memory_space<hbm>>) target(%arg11 : memref<128xf32, #tpu.memory_space<vmem>>) target_semaphore(%run_scoped3A : memref<!tpu.dma_semaphore, #tpu.memory_space<semaphore_mem>>)
        %dma_wait3A_27 = tpu.memref_slice %arg5[%mul3A_14] : memref<331776xf32, #tpu.memory_space<hbm>> -> memref<128xf32, #tpu.memory_space<hbm>>
        %dma_wait3A_28 = tpu.memref_slice %arg5[%mul3A_14] : memref<331776xf32, #tpu.memory_space<hbm>> -> memref<128xf32, #tpu.memory_space<hbm>>
        tpu.wait_dma2 semaphore(%run_scoped3A : memref<!tpu.dma_semaphore, #tpu.memory_space<semaphore_mem>>) src(%dma_wait3A_28 : memref<128xf32, #tpu.memory_space<hbm>>) dst(%arg11 : memref<128xf32, #tpu.memory_space<vmem>>)
        tpu.yield
      }) : () -> ()
      %scan3A_19 = arith.constant 0 : i32
      %scan3A_20 = arith.constant 0 : i32
      %scan3A_21 = arith.constant 128 : i32
      %scan3A_22 = arith.addi %scan3A_20, %scan3A_21 : i32
      %scan3A_23 = arith.constant 1 : i32
      scf.for %scan3A_25 = %scan3A_20 to %scan3A_22 step %scan3A_23  : i32 {
        %broadcast_in_dim3A = arith.constant 0 : i32
        %broadcast_in_dim3A_26 = vector.broadcast %broadcast_in_dim3A : i32 to vector<16xi32>
        %add3A_27 = vector.broadcast %scan3A_25 : i32 to vector<16xi32>
        %add3A_28 = arith.addi %broadcast_in_dim3A_26, %add3A_27 : vector<16xi32>
        %gather3A = tpu.vector_load_idx %arg11[%add3A_28] : memref<128xf32, #tpu.memory_space<vmem>>[vector<16xi32>], vector<16xf32>,
        %get3A = arith.index_cast %scan3A_25 : i32 to index
        %get3A_29 = arith.constant 0 : index
        %get3A_30 = tpu.vector_load %arg12[%get3A, %get3A_29] {strides = array<i32>} : memref<128x128xf32, #tpu.memory_space<vmem>>, vector<16xf32>,
        %mul3A_31 = arith.mulf %get3A_30, %gather3A : vector<16xf32>
        %swap3A = arith.index_cast %scan3A_25 : i32 to index
        %swap3A_32 = arith.constant 0 : index
        %swap3A_33 = tpu.vector_load %arg12[%swap3A, %swap3A_32] {strides = array<i32>} : memref<128x128xf32, #tpu.memory_space<vmem>>, vector<16xf32>,
        tpu.vector_store %arg12[%swap3A, %swap3A_32], %mul3A_31 {strides = array<i32>} : memref<128x128xf32, #tpu.memory_space<vmem>>, vector<16xf32>,
        %get3A_34 = arith.index_cast %scan3A_25 : i32 to index
        %get3A_35 = arith.constant 16 : index
        %get3A_36 = tpu.vector_load %arg12[%get3A_34, %get3A_35] {strides = array<i32>} : memref<128x128xf32, #tpu.memory_space<vmem>>, vector<16xf32>,
        %mul3A_37 = arith.mulf %get3A_36, %gather3A : vector<16xf32>
        %swap3A_38 = arith.index_cast %scan3A_25 : i32 to index
        %swap3A_39 = arith.constant 16 : index
        %swap3A_40 = tpu.vector_load %arg12[%swap3A_38, %swap3A_39] {strides = array<i32>} : memref<128x128xf32, #tpu.memory_space<vmem>>, vector<16xf32>,
        tpu.vector_store %arg12[%swap3A_38, %swap3A_39], %mul3A_37 {strides = array<i32>} : memref<128x128xf32, #tpu.memory_space<vmem>>, vector<16xf32>,
        %get3A_41 = arith.index_cast %scan3A_25 : i32 to index
        %get3A_42 = arith.constant 32 : index
        %get3A_43 = tpu.vector_load %arg12[%get3A_41, %get3A_42] {strides = array<i32>} : memref<128x128xf32, #tpu.memory_space<vmem>>, vector<16xf32>,
        %mul3A_44 = arith.mulf %get3A_43, %gather3A : vector<16xf32>
        %swap3A_45 = arith.index_cast %scan3A_25 : i32 to index
        %swap3A_46 = arith.constant 32 : index
        %swap3A_47 = tpu.vector_load %arg12[%swap3A_45, %swap3A_46] {strides = array<i32>} : memref<128x128xf32, #tpu.memory_space<vmem>>, vector<16xf32>,
        tpu.vector_store %arg12[%swap3A_45, %swap3A_46], %mul3A_44 {strides = array<i32>} : memref<128x128xf32, #tpu.memory_space<vmem>>, vector<16xf32>,
        %get3A_48 = arith.index_cast %scan3A_25 : i32 to index
        %get3A_49 = arith.constant 48 : index
        %get3A_50 = tpu.vector_load %arg12[%get3A_48, %get3A_49] {strides = array<i32>} : memref<128x128xf32, #tpu.memory_space<vmem>>, vector<16xf32>,
        %mul3A_51 = arith.mulf %get3A_50, %gather3A : vector<16xf32>
        %swap3A_52 = arith.index_cast %scan3A_25 : i32 to index
        %swap3A_53 = arith.constant 48 : index
        %swap3A_54 = tpu.vector_load %arg12[%swap3A_52, %swap3A_53] {strides = array<i32>} : memref<128x128xf32, #tpu.memory_space<vmem>>, vector<16xf32>,
        tpu.vector_store %arg12[%swap3A_52, %swap3A_53], %mul3A_51 {strides = array<i32>} : memref<128x128xf32, #tpu.memory_space<vmem>>, vector<16xf32>,
        %get3A_55 = arith.index_cast %scan3A_25 : i32 to index
        %get3A_56 = arith.constant 64 : index
        %get3A_57 = tpu.vector_load %arg12[%get3A_55, %get3A_56] {strides = array<i32>} : memref<128x128xf32, #tpu.memory_space<vmem>>, vector<16xf32>,
        %mul3A_58 = arith.mulf %get3A_57, %gather3A : vector<16xf32>
        %swap3A_59 = arith.index_cast %scan3A_25 : i32 to index
        %swap3A_60 = arith.constant 64 : index
        %swap3A_61 = tpu.vector_load %arg12[%swap3A_59, %swap3A_60] {strides = array<i32>} : memref<128x128xf32, #tpu.memory_space<vmem>>, vector<16xf32>,
        tpu.vector_store %arg12[%swap3A_59, %swap3A_60], %mul3A_58 {strides = array<i32>} : memref<128x128xf32, #tpu.memory_space<vmem>>, vector<16xf32>,
        %get3A_62 = arith.index_cast %scan3A_25 : i32 to index
        %get3A_63 = arith.constant 80 : index
        %get3A_64 = tpu.vector_load %arg12[%get3A_62, %get3A_63] {strides = array<i32>} : memref<128x128xf32, #tpu.memory_space<vmem>>, vector<16xf32>,
        %mul3A_65 = arith.mulf %get3A_64, %gather3A : vector<16xf32>
        %swap3A_66 = arith.index_cast %scan3A_25 : i32 to index
        %swap3A_67 = arith.constant 80 : index
        %swap3A_68 = tpu.vector_load %arg12[%swap3A_66, %swap3A_67] {strides = array<i32>} : memref<128x128xf32, #tpu.memory_space<vmem>>, vector<16xf32>,
        tpu.vector_store %arg12[%swap3A_66, %swap3A_67], %mul3A_65 {strides = array<i32>} : memref<128x128xf32, #tpu.memory_space<vmem>>, vector<16xf32>,
        %get3A_69 = arith.index_cast %scan3A_25 : i32 to index
        %get3A_70 = arith.constant 96 : index
        %get3A_71 = tpu.vector_load %arg12[%get3A_69, %get3A_70] {strides = array<i32>} : memref<128x128xf32, #tpu.memory_space<vmem>>, vector<16xf32>,
        %mul3A_72 = arith.mulf %get3A_71, %gather3A : vector<16xf32>
        %swap3A_73 = arith.index_cast %scan3A_25 : i32 to index
        %swap3A_74 = arith.constant 96 : index
        %swap3A_75 = tpu.vector_load %arg12[%swap3A_73, %swap3A_74] {strides = array<i32>} : memref<128x128xf32, #tpu.memory_space<vmem>>, vector<16xf32>,
        tpu.vector_store %arg12[%swap3A_73, %swap3A_74], %mul3A_72 {strides = array<i32>} : memref<128x128xf32, #tpu.memory_space<vmem>>, vector<16xf32>,
        %get3A_76 = arith.index_cast %scan3A_25 : i32 to index
        %get3A_77 = arith.constant 112 : index
        %get3A_78 = tpu.vector_load %arg12[%get3A_76, %get3A_77] {strides = array<i32>} : memref<128x128xf32, #tpu.memory_space<vmem>>, vector<16xf32>,
        %mul3A_79 = arith.mulf %get3A_78, %gather3A : vector<16xf32>
        %swap3A_80 = arith.index_cast %scan3A_25 : i32 to index
        %swap3A_81 = arith.constant 112 : index
        %swap3A_82 = tpu.vector_load %arg12[%swap3A_80, %swap3A_81] {strides = array<i32>} : memref<128x128xf32, #tpu.memory_space<vmem>>, vector<16xf32>,
        tpu.vector_store %arg12[%swap3A_80, %swap3A_81], %mul3A_79 {strides = array<i32>} : memref<128x128xf32, #tpu.memory_space<vmem>>, vector<16xf32>,
      }
      %scan3A_24 = arith.constant 128 : i32
      "tpu.region"() ({
        %run_scoped3A = tpu.sem_alloc : memref<!tpu.dma_semaphore, #tpu.memory_space<semaphore_mem>>
        %dma_start3A_25 = arith.constant 0 : i32
        %dma_start3A_26 = arith.constant 0 : i32
        %dma_start3A_27 = tpu.memref_slice %arg8[%dma_start3A_25, %dma_start3A_26] : memref<10112x128xf32, #tpu.memory_space<vmem_shared>> -> memref<10112x128xf32, #tpu.memory_space<vmem_shared>>
        tpu.enqueue_indirect_dma source(%arg12 : memref<128x128xf32, #tpu.memory_space<vmem>>) target(%dma_start3A_27 : memref<10112x128xf32, #tpu.memory_space<vmem_shared>>) offsets(%arg10 : memref<128xi32, #tpu.memory_space<vmem>>) semaphore(%run_scoped3A : memref<!tpu.dma_semaphore, #tpu.memory_space<semaphore_mem>>) {add = true}
        %dma_wait3A_28 = arith.constant 0 : i32
        %dma_wait3A_29 = arith.constant 0 : i32
        %dma_wait3A_30 = tpu.memref_slice %arg8[%dma_wait3A_28, %dma_wait3A_29] : memref<10112x128xf32, #tpu.memory_space<vmem_shared>> -> memref<10112x128xf32, #tpu.memory_space<vmem_shared>>
        tpu.wait_indirect_dma semaphore(%run_scoped3A : memref<!tpu.dma_semaphore, #tpu.memory_space<semaphore_mem>>) src(%arg12 : memref<128x128xf32, #tpu.memory_space<vmem>>) dst(%dma_wait3A_30 : memref<10112x128xf32, #tpu.memory_space<vmem_shared>>)
        tpu.yield
      }) : () -> ()
    }
    %scan3A_7 = arith.constant 81 : i32
    %barrier3A_8 = arith.constant 0 : index
    tpu.barrier barrier_id(%barrier3A_8)
    "tpu.region"() ({
      %run_scoped3A = tpu.sem_alloc : memref<!tpu.dma_semaphore, #tpu.memory_space<semaphore_mem>>
      %dma_start3A = arith.constant 0 : i32
      %dma_start3A_9 = tpu.memref_slice %arg7[%arg0, %mul3A_2, %dma_start3A] : memref<2x10112x128xf32, #tpu.memory_space<hbm>> -> memref<1x632x128xf32, #tpu.memory_space<hbm>>
      %dma_start3A_10 = tpu.memref_squeeze %dma_start3A_9 : memref<1x632x128xf32, #tpu.memory_space<hbm>> -> memref<632x128xf32, #tpu.memory_space<hbm>>
      %dma_start3A_11 = arith.constant 0 : i32
      %dma_start3A_12 = tpu.memref_slice %arg8[%mul3A_2, %dma_start3A_11] : memref<10112x128xf32, #tpu.memory_space<vmem_shared>> -> memref<632x128xf32, #tpu.memory_space<vmem_shared>>
      tpu.enqueue_dma source(%dma_start3A_12 : memref<632x128xf32, #tpu.memory_space<vmem_shared>>) target(%dma_start3A_10 : memref<632x128xf32, #tpu.memory_space<hbm>>) target_semaphore(%run_scoped3A : memref<!tpu.dma_semaphore, #tpu.memory_space<semaphore_mem>>)
      %dma_wait3A = arith.constant 0 : i32
      %dma_wait3A_13 = tpu.memref_slice %arg7[%arg0, %mul3A_2, %dma_wait3A] : memref<2x10112x128xf32, #tpu.memory_space<hbm>> -> memref<1x632x128xf32, #tpu.memory_space<hbm>>
      %dma_wait3A_14 = tpu.memref_squeeze %dma_wait3A_13 : memref<1x632x128xf32, #tpu.memory_space<hbm>> -> memref<632x128xf32, #tpu.memory_space<hbm>>
      %dma_wait3A_15 = arith.constant 0 : i32
      %dma_wait3A_16 = tpu.memref_slice %arg8[%mul3A_2, %dma_wait3A_15] : memref<10112x128xf32, #tpu.memory_space<vmem_shared>> -> memref<632x128xf32, #tpu.memory_space<vmem_shared>>
      tpu.wait_dma2 semaphore(%run_scoped3A : memref<!tpu.dma_semaphore, #tpu.memory_space<semaphore_mem>>) src(%dma_wait3A_16 : memref<632x128xf32, #tpu.memory_space<vmem_shared>>) dst(%dma_wait3A_14 : memref<632x128xf32, #tpu.memory_space<hbm>>)
      tpu.yield
    }) : () -> ()
    return
  }
}

module attributes {stable_mosaic.version = 14 : i64} {
  func.func @_tc0_body(%arg0: memref<10000x128xf32, #tpu.memory_space<vmem>>, %arg1: memref<128x128xf32, #tpu.memory_space<vmem>>, %arg2: memref<10112x32xf32, #tpu.memory_space<vmem>>, %arg3: memref<10000x128xf32, #tpu.memory_space<vmem>>, %arg4: memref<10112x1xf32, #tpu.memory_space<vmem>>) attributes {dimension_semantics = [], scalar_prefetch = 0 : i64, scratch_operands = 0 : i64, tpu.core_type = #tpu.core_type<tc>} {
    %get3A = arith.constant 0 : index
    %get3A_0 = arith.constant 0 : index
    %get3A_1 = vector.load %arg2[%get3A, %get3A_0] : memref<10112x32xf32, #tpu.memory_space<vmem>>, vector<10112x32xf32>
    %reduce_sum3A = arith.constant dense<0.000000e+00> : vector<10112xf32>
    %reduce_sum3A_2 = vector.multi_reduction <add>, %get3A_1, %reduce_sum3A [1] : vector<10112x32xf32> to vector<10112xf32>
    %broadcast_in_dim3A = vector.shape_cast %reduce_sum3A_2 : vector<10112xf32> to vector<10112x1xf32>
    %gt3A = arith.constant 0.000000e+00 : f32
    %gt3A_3 = vector.broadcast %gt3A : f32 to vector<10112x1xf32>
    %gt3A_4 = arith.cmpf ogt, %broadcast_in_dim3A, %gt3A_3 : vector<10112x1xf32>
    %rsqrt3A = math.rsqrt %broadcast_in_dim3A : vector<10112x1xf32>
    %jit3A = arith.constant 0.000000e+00 : f32
    %broadcast_in_dim3A_5 = vector.broadcast %jit3A : f32 to vector<10112x1xf32>
    %select_n3A = arith.select %gt3A_4, %rsqrt3A, %broadcast_in_dim3A_5 : vector<10112x1xi1>, vector<10112x1xf32>
    %get3A_6 = arith.constant 0 : index
    %get3A_7 = arith.constant 0 : index
    %get3A_8 = vector.load %arg0[%get3A_6, %get3A_7] : memref<10000x128xf32, #tpu.memory_space<vmem>>, vector<10000x128xf32>
    %get3A_9 = arith.constant 0 : index
    %get3A_10 = arith.constant 0 : index
    %get3A_11 = vector.load %arg1[%get3A_9, %get3A_10] : memref<128x128xf32, #tpu.memory_space<vmem>>, vector<128x128xf32>
    %dot_general3A = arith.constant dense<0.000000e+00> : vector<10000x128xf32>
    %dot_general3A_12 = tpu.matmul %get3A_8, %get3A_11, %dot_general3A {dimension_numbers = #tpu.dot_dimension_numbers<[1], [0], [0], [1], [0, 0, 1, 1], [], []>, transpose_lhs_hint = false} : vector<10000x128xf32>, vector<128x128xf32>, vector<10000x128xf32> -> vector<10000x128xf32>
    %slice3A = vector.extract_strided_slice %select_n3A {offsets = [0, 0], sizes = [10000, 1], strides = [1, 1]} : vector<10112x1xf32> to vector<10000x1xf32>
    %mul3A = vector.broadcast %slice3A : vector<10000x1xf32> to vector<10000x128xf32>
    %mul3A_13 = arith.mulf %dot_general3A_12, %mul3A : vector<10000x128xf32>
    %swap3A = arith.constant 0 : index
    %swap3A_14 = arith.constant 0 : index
    %swap3A_15 = vector.load %arg3[%swap3A, %swap3A_14] : memref<10000x128xf32, #tpu.memory_space<vmem>>, vector<10000x128xf32>
    tpu.vector_store %arg3[%swap3A, %swap3A_14], %mul3A_13 {strides = array<i32>} : memref<10000x128xf32, #tpu.memory_space<vmem>>, vector<10000x128xf32>,
    %swap3A_16 = arith.constant 0 : index
    %swap3A_17 = arith.constant 0 : index
    %swap3A_18 = vector.load %arg4[%swap3A_16, %swap3A_17] : memref<10112x1xf32, #tpu.memory_space<vmem>>, vector<10112x1xf32>
    tpu.vector_store %arg4[%swap3A_16, %swap3A_17], %select_n3A {strides = array<i32>} : memref<10112x1xf32, #tpu.memory_space<vmem>>, vector<10112x1xf32>,
    return
  }
}

module attributes {stable_mosaic.version = 14 : i64} {
  func.func @_tcbn2_body(%arg0: memref<2x10112x128xf32, #tpu.memory_space<vmem>>, %arg1: memref<2x10112x128xf32, #tpu.memory_space<vmem>>, %arg2: memref<10112x1xf32, #tpu.memory_space<vmem>>, %arg3: memref<1x256xf32, #tpu.memory_space<vmem>>, %arg4: memref<1x256xf32, #tpu.memory_space<vmem>>, %arg5: memref<1x256xf32, #tpu.memory_space<vmem>>, %arg6: memref<10000x128xf32, #tpu.memory_space<vmem>>, %arg7: memref<10000x128xf32, #tpu.memory_space<vmem>>) attributes {dimension_semantics = [], scalar_prefetch = 0 : i64, scratch_operands = 0 : i64, tpu.core_type = #tpu.core_type<tc>} {
    %get3A = arith.constant 0 : index
    %get3A_0 = arith.constant 0 : index
    %get3A_1 = vector.load %arg2[%get3A, %get3A_0] : memref<10112x1xf32, #tpu.memory_space<vmem>>, vector<10112x1xf32>
    %slice3A = vector.extract_strided_slice %get3A_1 {offsets = [0, 0], sizes = [10000, 1], strides = [1, 1]} : vector<10112x1xf32> to vector<10000x1xf32>
    %get3A_2 = arith.constant 0 : index
    %get3A_3 = arith.constant 0 : index
    %get3A_4 = arith.constant 0 : index
    %get3A_5 = vector.load %arg0[%get3A_2, %get3A_3, %get3A_4] : memref<2x10112x128xf32, #tpu.memory_space<vmem>>, vector<2x10112x128xf32>
    %slice3A_6 = vector.extract_strided_slice %get3A_5 {offsets = [0, 0, 0], sizes = [1, 10112, 128], strides = [1, 1, 1]} : vector<2x10112x128xf32> to vector<1x10112x128xf32>
    %squeeze3A = vector.shape_cast %slice3A_6 : vector<1x10112x128xf32> to vector<10112x128xf32>
    %slice3A_7 = vector.extract_strided_slice %get3A_5 {offsets = [1, 0, 0], sizes = [1, 10112, 128], strides = [1, 1, 1]} : vector<2x10112x128xf32> to vector<1x10112x128xf32>
    %squeeze3A_8 = vector.shape_cast %slice3A_7 : vector<1x10112x128xf32> to vector<10112x128xf32>
    %add3A = arith.addf %squeeze3A, %squeeze3A_8 : vector<10112x128xf32>
    %slice3A_9 = vector.extract_strided_slice %add3A {offsets = [0, 0], sizes = [10000, 128], strides = [1, 1]} : vector<10112x128xf32> to vector<10000x128xf32>
    %mul3A = vector.broadcast %slice3A : vector<10000x1xf32> to vector<10000x128xf32>
    %mul3A_10 = arith.mulf %slice3A_9, %mul3A : vector<10000x128xf32>
    %get3A_11 = arith.constant 0 : index
    %get3A_12 = arith.constant 0 : index
    %get3A_13 = vector.load %arg3[%get3A_11, %get3A_12] : memref<1x256xf32, #tpu.memory_space<vmem>>, vector<1x256xf32>
    %slice3A_14 = vector.extract_strided_slice %get3A_13 {offsets = [0, 0], sizes = [1, 128], strides = [1, 1]} : vector<1x256xf32> to vector<1x128xf32>
    %add3A_15 = vector.broadcast %slice3A_14 : vector<1x128xf32> to vector<10000x128xf32>
    %add3A_16 = arith.addf %mul3A_10, %add3A_15 : vector<10000x128xf32>
    %max3A = arith.constant 0.000000e+00 : f32
    %max3A_17 = vector.broadcast %max3A : f32 to vector<10000x128xf32>
    %max3A_18 = arith.maximumf %add3A_16, %max3A_17 : vector<10000x128xf32>
    %get3A_19 = arith.constant 0 : index
    %get3A_20 = arith.constant 0 : index
    %get3A_21 = vector.load %arg4[%get3A_19, %get3A_20] : memref<1x256xf32, #tpu.memory_space<vmem>>, vector<1x256xf32>
    %slice3A_22 = vector.extract_strided_slice %get3A_21 {offsets = [0, 0], sizes = [1, 128], strides = [1, 1]} : vector<1x256xf32> to vector<1x128xf32>
    %get3A_23 = arith.constant 0 : index
    %get3A_24 = arith.constant 0 : index
    %get3A_25 = vector.load %arg5[%get3A_23, %get3A_24] : memref<1x256xf32, #tpu.memory_space<vmem>>, vector<1x256xf32>
    %slice3A_26 = vector.extract_strided_slice %get3A_25 {offsets = [0, 0], sizes = [1, 128], strides = [1, 1]} : vector<1x256xf32> to vector<1x128xf32>
    %reduce_sum3A = arith.constant dense<0.000000e+00> : vector<128xf32>
    %reduce_sum3A_27 = vector.multi_reduction <add>, %max3A_18, %reduce_sum3A [0] : vector<10000x128xf32> to vector<128xf32>
    %div3A = arith.constant 1.000000e+04 : f32
    %div3A_28 = vector.broadcast %div3A : f32 to vector<128xf32>
    %div3A_29 = arith.divf %reduce_sum3A_27, %div3A_28 : vector<128xf32>
    %jit3A = arith.constant 0 : i32
    %reduce_sum3A_30 = arith.constant dense<0.000000e+00> : vector<128xf32>
    %reduce_sum3A_31 = vector.multi_reduction <add>, %max3A_18, %reduce_sum3A_30 [0] : vector<10000x128xf32> to vector<128xf32>
    %broadcast_in_dim3A = vector.shape_cast %reduce_sum3A_31 : vector<128xf32> to vector<1x128xf32>
    %div3A_32 = arith.constant 1.000000e+04 : f32
    %div3A_33 = vector.broadcast %div3A_32 : f32 to vector<1x128xf32>
    %div3A_34 = arith.divf %broadcast_in_dim3A, %div3A_33 : vector<1x128xf32>
    %sub3A = vector.broadcast %div3A_34 : vector<1x128xf32> to vector<10000x128xf32>
    %sub3A_35 = arith.subf %max3A_18, %sub3A : vector<10000x128xf32>
    %square3A = arith.mulf %sub3A_35, %sub3A_35 : vector<10000x128xf32>
    %convert_element_type3A = arith.sitofp %jit3A : i32 to f32
    %sub3A_36 = arith.constant 1.000000e+04 : f32
    %sub3A_37 = arith.subf %sub3A_36, %convert_element_type3A : f32
    %reduce_sum3A_38 = arith.constant dense<0.000000e+00> : vector<128xf32>
    %reduce_sum3A_39 = vector.multi_reduction <add>, %square3A, %reduce_sum3A_38 [0] : vector<10000x128xf32> to vector<128xf32>
    %div3A_40 = vector.broadcast %sub3A_37 : f32 to vector<128xf32>
    %div3A_41 = arith.divf %reduce_sum3A_39, %div3A_40 : vector<128xf32>
    %gt3A = arith.constant 0.000000e+00 : f32
    %gt3A_42 = arith.cmpf ogt, %sub3A_37, %gt3A : f32
    %jit3A_43 = arith.constant 0x7FC00000 : f32
    %broadcast_in_dim3A_44 = vector.broadcast %jit3A_43 : f32 to vector<128xf32>
    %select_n3A = arith.select %gt3A_42, %div3A_41, %broadcast_in_dim3A_44 : vector<128xf32>
    %broadcast_in_dim3A_45 = vector.shape_cast %div3A_29 : vector<128xf32> to vector<1x128xf32>
    %sub3A_46 = vector.broadcast %broadcast_in_dim3A_45 : vector<1x128xf32> to vector<10000x128xf32>
    %sub3A_47 = arith.subf %max3A_18, %sub3A_46 : vector<10000x128xf32>
    %mul3A_48 = vector.broadcast %slice3A_22 : vector<1x128xf32> to vector<10000x128xf32>
    %mul3A_49 = arith.mulf %mul3A_48, %sub3A_47 : vector<10000x128xf32>
    %add3A_50 = arith.constant 9.99999974E-6 : f32
    %add3A_51 = vector.broadcast %add3A_50 : f32 to vector<128xf32>
    %add3A_52 = arith.addf %select_n3A, %add3A_51 : vector<128xf32>
    %sqrt3A = math.sqrt %add3A_52 : vector<128xf32>
    %broadcast_in_dim3A_53 = vector.shape_cast %sqrt3A : vector<128xf32> to vector<1x128xf32>
    %div3A_54 = vector.broadcast %broadcast_in_dim3A_53 : vector<1x128xf32> to vector<10000x128xf32>
    %div3A_55 = arith.divf %mul3A_49, %div3A_54 : vector<10000x128xf32>
    %add3A_56 = vector.broadcast %slice3A_26 : vector<1x128xf32> to vector<10000x128xf32>
    %add3A_57 = arith.addf %div3A_55, %add3A_56 : vector<10000x128xf32>
    %swap3A = arith.constant 0 : index
    %swap3A_58 = arith.constant 0 : index
    %swap3A_59 = vector.load %arg6[%swap3A, %swap3A_58] : memref<10000x128xf32, #tpu.memory_space<vmem>>, vector<10000x128xf32>
    tpu.vector_store %arg6[%swap3A, %swap3A_58], %add3A_57 {strides = array<i32>} : memref<10000x128xf32, #tpu.memory_space<vmem>>, vector<10000x128xf32>,
    %get3A_60 = arith.constant 0 : index
    %get3A_61 = arith.constant 0 : index
    %get3A_62 = arith.constant 0 : index
    %get3A_63 = vector.load %arg1[%get3A_60, %get3A_61, %get3A_62] : memref<2x10112x128xf32, #tpu.memory_space<vmem>>, vector<2x10112x128xf32>
    %slice3A_64 = vector.extract_strided_slice %get3A_63 {offsets = [0, 0, 0], sizes = [1, 10112, 128], strides = [1, 1, 1]} : vector<2x10112x128xf32> to vector<1x10112x128xf32>
    %squeeze3A_65 = vector.shape_cast %slice3A_64 : vector<1x10112x128xf32> to vector<10112x128xf32>
    %slice3A_66 = vector.extract_strided_slice %get3A_63 {offsets = [1, 0, 0], sizes = [1, 10112, 128], strides = [1, 1, 1]} : vector<2x10112x128xf32> to vector<1x10112x128xf32>
    %squeeze3A_67 = vector.shape_cast %slice3A_66 : vector<1x10112x128xf32> to vector<10112x128xf32>
    %add3A_68 = arith.addf %squeeze3A_65, %squeeze3A_67 : vector<10112x128xf32>
    %slice3A_69 = vector.extract_strided_slice %add3A_68 {offsets = [0, 0], sizes = [10000, 128], strides = [1, 1]} : vector<10112x128xf32> to vector<10000x128xf32>
    %mul3A_70 = vector.broadcast %slice3A : vector<10000x1xf32> to vector<10000x128xf32>
    %mul3A_71 = arith.mulf %slice3A_69, %mul3A_70 : vector<10000x128xf32>
    %get3A_72 = arith.constant 0 : index
    %get3A_73 = arith.constant 0 : index
    %get3A_74 = vector.load %arg3[%get3A_72, %get3A_73] : memref<1x256xf32, #tpu.memory_space<vmem>>, vector<1x256xf32>
    %slice3A_75 = vector.extract_strided_slice %get3A_74 {offsets = [0, 128], sizes = [1, 128], strides = [1, 1]} : vector<1x256xf32> to vector<1x128xf32>
    %add3A_76 = vector.broadcast %slice3A_75 : vector<1x128xf32> to vector<10000x128xf32>
    %add3A_77 = arith.addf %mul3A_71, %add3A_76 : vector<10000x128xf32>
    %max3A_78 = arith.constant 0.000000e+00 : f32
    %max3A_79 = vector.broadcast %max3A_78 : f32 to vector<10000x128xf32>
    %max3A_80 = arith.maximumf %add3A_77, %max3A_79 : vector<10000x128xf32>
    %get3A_81 = arith.constant 0 : index
    %get3A_82 = arith.constant 0 : index
    %get3A_83 = vector.load %arg4[%get3A_81, %get3A_82] : memref<1x256xf32, #tpu.memory_space<vmem>>, vector<1x256xf32>
    %slice3A_84 = vector.extract_strided_slice %get3A_83 {offsets = [0, 128], sizes = [1, 128], strides = [1, 1]} : vector<1x256xf32> to vector<1x128xf32>
    %get3A_85 = arith.constant 0 : index
    %get3A_86 = arith.constant 0 : index
    %get3A_87 = vector.load %arg5[%get3A_85, %get3A_86] : memref<1x256xf32, #tpu.memory_space<vmem>>, vector<1x256xf32>
    %slice3A_88 = vector.extract_strided_slice %get3A_87 {offsets = [0, 128], sizes = [1, 128], strides = [1, 1]} : vector<1x256xf32> to vector<1x128xf32>
    %reduce_sum3A_89 = arith.constant dense<0.000000e+00> : vector<128xf32>
    %reduce_sum3A_90 = vector.multi_reduction <add>, %max3A_80, %reduce_sum3A_89 [0] : vector<10000x128xf32> to vector<128xf32>
    %div3A_91 = arith.constant 1.000000e+04 : f32
    %div3A_92 = vector.broadcast %div3A_91 : f32 to vector<128xf32>
    %div3A_93 = arith.divf %reduce_sum3A_90, %div3A_92 : vector<128xf32>
    %jit3A_94 = arith.constant 0 : i32
    %reduce_sum3A_95 = arith.constant dense<0.000000e+00> : vector<128xf32>
    %reduce_sum3A_96 = vector.multi_reduction <add>, %max3A_80, %reduce_sum3A_95 [0] : vector<10000x128xf32> to vector<128xf32>
    %broadcast_in_dim3A_97 = vector.shape_cast %reduce_sum3A_96 : vector<128xf32> to vector<1x128xf32>
    %div3A_98 = arith.constant 1.000000e+04 : f32
    %div3A_99 = vector.broadcast %div3A_98 : f32 to vector<1x128xf32>
    %div3A_100 = arith.divf %broadcast_in_dim3A_97, %div3A_99 : vector<1x128xf32>
    %sub3A_101 = vector.broadcast %div3A_100 : vector<1x128xf32> to vector<10000x128xf32>
    %sub3A_102 = arith.subf %max3A_80, %sub3A_101 : vector<10000x128xf32>
    %square3A_103 = arith.mulf %sub3A_102, %sub3A_102 : vector<10000x128xf32>
    %convert_element_type3A_104 = arith.sitofp %jit3A_94 : i32 to f32
    %sub3A_105 = arith.constant 1.000000e+04 : f32
    %sub3A_106 = arith.subf %sub3A_105, %convert_element_type3A_104 : f32
    %reduce_sum3A_107 = arith.constant dense<0.000000e+00> : vector<128xf32>
    %reduce_sum3A_108 = vector.multi_reduction <add>, %square3A_103, %reduce_sum3A_107 [0] : vector<10000x128xf32> to vector<128xf32>
    %div3A_109 = vector.broadcast %sub3A_106 : f32 to vector<128xf32>
    %div3A_110 = arith.divf %reduce_sum3A_108, %div3A_109 : vector<128xf32>
    %gt3A_111 = arith.constant 0.000000e+00 : f32
    %gt3A_112 = arith.cmpf ogt, %sub3A_106, %gt3A_111 : f32
    %jit3A_113 = arith.constant 0x7FC00000 : f32
    %broadcast_in_dim3A_114 = vector.broadcast %jit3A_113 : f32 to vector<128xf32>
    %select_n3A_115 = arith.select %gt3A_112, %div3A_110, %broadcast_in_dim3A_114 : vector<128xf32>
    %broadcast_in_dim3A_116 = vector.shape_cast %div3A_93 : vector<128xf32> to vector<1x128xf32>
    %sub3A_117 = vector.broadcast %broadcast_in_dim3A_116 : vector<1x128xf32> to vector<10000x128xf32>
    %sub3A_118 = arith.subf %max3A_80, %sub3A_117 : vector<10000x128xf32>
    %mul3A_119 = vector.broadcast %slice3A_84 : vector<1x128xf32> to vector<10000x128xf32>
    %mul3A_120 = arith.mulf %mul3A_119, %sub3A_118 : vector<10000x128xf32>
    %add3A_121 = arith.constant 9.99999974E-6 : f32
    %add3A_122 = vector.broadcast %add3A_121 : f32 to vector<128xf32>
    %add3A_123 = arith.addf %select_n3A_115, %add3A_122 : vector<128xf32>
    %sqrt3A_124 = math.sqrt %add3A_123 : vector<128xf32>
    %broadcast_in_dim3A_125 = vector.shape_cast %sqrt3A_124 : vector<128xf32> to vector<1x128xf32>
    %div3A_126 = vector.broadcast %broadcast_in_dim3A_125 : vector<1x128xf32> to vector<10000x128xf32>
    %div3A_127 = arith.divf %mul3A_120, %div3A_126 : vector<10000x128xf32>
    %add3A_128 = vector.broadcast %slice3A_88 : vector<1x128xf32> to vector<10000x128xf32>
    %add3A_129 = arith.addf %div3A_127, %add3A_128 : vector<10000x128xf32>
    %swap3A_130 = arith.constant 0 : index
    %swap3A_131 = arith.constant 0 : index
    %swap3A_132 = vector.load %arg7[%swap3A_130, %swap3A_131] : memref<10000x128xf32, #tpu.memory_space<vmem>>, vector<10000x128xf32>
    tpu.vector_store %arg7[%swap3A_130, %swap3A_131], %add3A_129 {strides = array<i32>} : memref<10000x128xf32, #tpu.memory_space<vmem>>, vector<10000x128xf32>,
    return
  }
}

module attributes {stable_mosaic.version = 14 : i64} {
  func.func @_tcl1_body(%arg0: memref<2x10112x128xf32, #tpu.memory_space<vmem>>, %arg1: memref<10112x1xf32, #tpu.memory_space<vmem>>, %arg2: memref<1x128xf32, #tpu.memory_space<vmem>>, %arg3: memref<1x128xf32, #tpu.memory_space<vmem>>, %arg4: memref<1x128xf32, #tpu.memory_space<vmem>>, %arg5: memref<128x256xf32, #tpu.memory_space<vmem>>, %arg6: memref<10000x128xf32, #tpu.memory_space<vmem>>, %arg7: memref<10000x128xf32, #tpu.memory_space<vmem>>) attributes {dimension_semantics = [], scalar_prefetch = 0 : i64, scratch_operands = 0 : i64, tpu.core_type = #tpu.core_type<tc>} {
    %get3A = arith.constant 0 : index
    %get3A_0 = arith.constant 0 : index
    %get3A_1 = arith.constant 0 : index
    %get3A_2 = vector.load %arg0[%get3A, %get3A_0, %get3A_1] : memref<2x10112x128xf32, #tpu.memory_space<vmem>>, vector<2x10112x128xf32>
    %slice3A = vector.extract_strided_slice %get3A_2 {offsets = [0, 0, 0], sizes = [1, 10112, 128], strides = [1, 1, 1]} : vector<2x10112x128xf32> to vector<1x10112x128xf32>
    %squeeze3A = vector.shape_cast %slice3A : vector<1x10112x128xf32> to vector<10112x128xf32>
    %slice3A_3 = vector.extract_strided_slice %get3A_2 {offsets = [1, 0, 0], sizes = [1, 10112, 128], strides = [1, 1, 1]} : vector<2x10112x128xf32> to vector<1x10112x128xf32>
    %squeeze3A_4 = vector.shape_cast %slice3A_3 : vector<1x10112x128xf32> to vector<10112x128xf32>
    %add3A = arith.addf %squeeze3A, %squeeze3A_4 : vector<10112x128xf32>
    %slice3A_5 = vector.extract_strided_slice %add3A {offsets = [0, 0], sizes = [10000, 128], strides = [1, 1]} : vector<10112x128xf32> to vector<10000x128xf32>
    %get3A_6 = arith.constant 0 : index
    %get3A_7 = arith.constant 0 : index
    %get3A_8 = vector.load %arg1[%get3A_6, %get3A_7] : memref<10112x1xf32, #tpu.memory_space<vmem>>, vector<10112x1xf32>
    %slice3A_9 = vector.extract_strided_slice %get3A_8 {offsets = [0, 0], sizes = [10000, 1], strides = [1, 1]} : vector<10112x1xf32> to vector<10000x1xf32>
    %mul3A = vector.broadcast %slice3A_9 : vector<10000x1xf32> to vector<10000x128xf32>
    %mul3A_10 = arith.mulf %slice3A_5, %mul3A : vector<10000x128xf32>
    %get3A_11 = arith.constant 0 : index
    %get3A_12 = arith.constant 0 : index
    %get3A_13 = vector.load %arg2[%get3A_11, %get3A_12] : memref<1x128xf32, #tpu.memory_space<vmem>>, vector<1x128xf32>
    %add3A_14 = vector.broadcast %get3A_13 : vector<1x128xf32> to vector<10000x128xf32>
    %add3A_15 = arith.addf %mul3A_10, %add3A_14 : vector<10000x128xf32>
    %max3A = arith.constant 0.000000e+00 : f32
    %max3A_16 = vector.broadcast %max3A : f32 to vector<10000x128xf32>
    %max3A_17 = arith.maximumf %add3A_15, %max3A_16 : vector<10000x128xf32>
    %get3A_18 = arith.constant 0 : index
    %get3A_19 = arith.constant 0 : index
    %get3A_20 = vector.load %arg3[%get3A_18, %get3A_19] : memref<1x128xf32, #tpu.memory_space<vmem>>, vector<1x128xf32>
    %get3A_21 = arith.constant 0 : index
    %get3A_22 = arith.constant 0 : index
    %get3A_23 = vector.load %arg4[%get3A_21, %get3A_22] : memref<1x128xf32, #tpu.memory_space<vmem>>, vector<1x128xf32>
    %reduce_sum3A = arith.constant dense<0.000000e+00> : vector<128xf32>
    %reduce_sum3A_24 = vector.multi_reduction <add>, %max3A_17, %reduce_sum3A [0] : vector<10000x128xf32> to vector<128xf32>
    %div3A = arith.constant 1.000000e+04 : f32
    %div3A_25 = vector.broadcast %div3A : f32 to vector<128xf32>
    %div3A_26 = arith.divf %reduce_sum3A_24, %div3A_25 : vector<128xf32>
    %jit3A = arith.constant 0 : i32
    %reduce_sum3A_27 = arith.constant dense<0.000000e+00> : vector<128xf32>
    %reduce_sum3A_28 = vector.multi_reduction <add>, %max3A_17, %reduce_sum3A_27 [0] : vector<10000x128xf32> to vector<128xf32>
    %broadcast_in_dim3A = vector.shape_cast %reduce_sum3A_28 : vector<128xf32> to vector<1x128xf32>
    %div3A_29 = arith.constant 1.000000e+04 : f32
    %div3A_30 = vector.broadcast %div3A_29 : f32 to vector<1x128xf32>
    %div3A_31 = arith.divf %broadcast_in_dim3A, %div3A_30 : vector<1x128xf32>
    %sub3A = vector.broadcast %div3A_31 : vector<1x128xf32> to vector<10000x128xf32>
    %sub3A_32 = arith.subf %max3A_17, %sub3A : vector<10000x128xf32>
    %square3A = arith.mulf %sub3A_32, %sub3A_32 : vector<10000x128xf32>
    %convert_element_type3A = arith.sitofp %jit3A : i32 to f32
    %sub3A_33 = arith.constant 1.000000e+04 : f32
    %sub3A_34 = arith.subf %sub3A_33, %convert_element_type3A : f32
    %reduce_sum3A_35 = arith.constant dense<0.000000e+00> : vector<128xf32>
    %reduce_sum3A_36 = vector.multi_reduction <add>, %square3A, %reduce_sum3A_35 [0] : vector<10000x128xf32> to vector<128xf32>
    %div3A_37 = vector.broadcast %sub3A_34 : f32 to vector<128xf32>
    %div3A_38 = arith.divf %reduce_sum3A_36, %div3A_37 : vector<128xf32>
    %gt3A = arith.constant 0.000000e+00 : f32
    %gt3A_39 = arith.cmpf ogt, %sub3A_34, %gt3A : f32
    %jit3A_40 = arith.constant 0x7FC00000 : f32
    %broadcast_in_dim3A_41 = vector.broadcast %jit3A_40 : f32 to vector<128xf32>
    %select_n3A = arith.select %gt3A_39, %div3A_38, %broadcast_in_dim3A_41 : vector<128xf32>
    %broadcast_in_dim3A_42 = vector.shape_cast %div3A_26 : vector<128xf32> to vector<1x128xf32>
    %sub3A_43 = vector.broadcast %broadcast_in_dim3A_42 : vector<1x128xf32> to vector<10000x128xf32>
    %sub3A_44 = arith.subf %max3A_17, %sub3A_43 : vector<10000x128xf32>
    %mul3A_45 = vector.broadcast %get3A_20 : vector<1x128xf32> to vector<10000x128xf32>
    %mul3A_46 = arith.mulf %mul3A_45, %sub3A_44 : vector<10000x128xf32>
    %add3A_47 = arith.constant 9.99999974E-6 : f32
    %add3A_48 = vector.broadcast %add3A_47 : f32 to vector<128xf32>
    %add3A_49 = arith.addf %select_n3A, %add3A_48 : vector<128xf32>
    %sqrt3A = math.sqrt %add3A_49 : vector<128xf32>
    %broadcast_in_dim3A_50 = vector.shape_cast %sqrt3A : vector<128xf32> to vector<1x128xf32>
    %div3A_51 = vector.broadcast %broadcast_in_dim3A_50 : vector<1x128xf32> to vector<10000x128xf32>
    %div3A_52 = arith.divf %mul3A_46, %div3A_51 : vector<10000x128xf32>
    %add3A_53 = vector.broadcast %get3A_23 : vector<1x128xf32> to vector<10000x128xf32>
    %add3A_54 = arith.addf %div3A_52, %add3A_53 : vector<10000x128xf32>
    %get3A_55 = arith.constant 0 : index
    %get3A_56 = arith.constant 0 : index
    %get3A_57 = vector.load %arg5[%get3A_55, %get3A_56] : memref<128x256xf32, #tpu.memory_space<vmem>>, vector<128x256xf32>
    %dot_general3A = arith.constant dense<0.000000e+00> : vector<10000x256xf32>
    %dot_general3A_58 = tpu.matmul %add3A_54, %get3A_57, %dot_general3A {dimension_numbers = #tpu.dot_dimension_numbers<[1], [0], [0], [1], [0, 0, 1, 1], [], []>, transpose_lhs_hint = false} : vector<10000x128xf32>, vector<128x256xf32>, vector<10000x256xf32> -> vector<10000x256xf32>
    %mul3A_59 = vector.broadcast %slice3A_9 : vector<10000x1xf32> to vector<10000x256xf32>
    %mul3A_60 = arith.mulf %dot_general3A_58, %mul3A_59 : vector<10000x256xf32>
    %slice3A_61 = vector.extract_strided_slice %mul3A_60 {offsets = [0, 0], sizes = [10000, 128], strides = [1, 1]} : vector<10000x256xf32> to vector<10000x128xf32>
    %swap3A = arith.constant 0 : index
    %swap3A_62 = arith.constant 0 : index
    %swap3A_63 = vector.load %arg6[%swap3A, %swap3A_62] : memref<10000x128xf32, #tpu.memory_space<vmem>>, vector<10000x128xf32>
    tpu.vector_store %arg6[%swap3A, %swap3A_62], %slice3A_61 {strides = array<i32>} : memref<10000x128xf32, #tpu.memory_space<vmem>>, vector<10000x128xf32>,
    %slice3A_64 = vector.extract_strided_slice %mul3A_60 {offsets = [0, 128], sizes = [10000, 128], strides = [1, 1]} : vector<10000x256xf32> to vector<10000x128xf32>
    %swap3A_65 = arith.constant 0 : index
    %swap3A_66 = arith.constant 0 : index
    %swap3A_67 = vector.load %arg7[%swap3A_65, %swap3A_66] : memref<10000x128xf32, #tpu.memory_space<vmem>>, vector<10000x128xf32>
    tpu.vector_store %arg7[%swap3A_65, %swap3A_66], %slice3A_64 {strides = array<i32>} : memref<10000x128xf32, #tpu.memory_space<vmem>>, vector<10000x128xf32>,
    return
  }
}

module attributes {stable_mosaic.version = 14 : i64} {
  func.func @_tcmm2_body(%arg0: memref<10000x128xf32, #tpu.memory_space<vmem>>, %arg1: memref<10000x128xf32, #tpu.memory_space<vmem>>, %arg2: memref<256x512xf32, #tpu.memory_space<vmem>>, %arg3: memref<512x1xf32, #tpu.memory_space<vmem>>, %arg4: memref<512x1xf32, #tpu.memory_space<vmem>>, %arg5: memref<10000x128xf32, #tpu.memory_space<vmem>>, %arg6: memref<10000x128xf32, #tpu.memory_space<vmem>>, %arg7: memref<10000x128xf32, #tpu.memory_space<vmem>>, %arg8: memref<10000x128xf32, #tpu.memory_space<vmem>>, %arg9: memref<10112x1xf32, #tpu.memory_space<vmem>>, %arg10: memref<10112x1xf32, #tpu.memory_space<vmem>>) attributes {dimension_semantics = [], scalar_prefetch = 0 : i64, scratch_operands = 0 : i64, tpu.core_type = #tpu.core_type<tc>} {
    %get3A = arith.constant 0 : index
    %get3A_0 = arith.constant 0 : index
    %get3A_1 = vector.load %arg0[%get3A, %get3A_0] : memref<10000x128xf32, #tpu.memory_space<vmem>>, vector<10000x128xf32>
    %get3A_2 = arith.constant 0 : index
    %get3A_3 = arith.constant 0 : index
    %get3A_4 = vector.load %arg1[%get3A_2, %get3A_3] : memref<10000x128xf32, #tpu.memory_space<vmem>>, vector<10000x128xf32>
    %get3A_5 = arith.constant 0 : index
    %get3A_6 = arith.constant 0 : index
    %get3A_7 = vector.load %arg2[%get3A_5, %get3A_6] : memref<256x512xf32, #tpu.memory_space<vmem>>, vector<256x512xf32>
    %slice3A = vector.extract_strided_slice %get3A_7 {offsets = [0, 0], sizes = [128, 128], strides = [1, 1]} : vector<256x512xf32> to vector<128x128xf32>
    %dot_general3A = arith.constant dense<0.000000e+00> : vector<10000x128xf32>
    %dot_general3A_8 = tpu.matmul %get3A_1, %slice3A, %dot_general3A {dimension_numbers = #tpu.dot_dimension_numbers<[1], [0], [0], [1], [0, 0, 1, 1], [], []>, transpose_lhs_hint = false} : vector<10000x128xf32>, vector<128x128xf32>, vector<10000x128xf32> -> vector<10000x128xf32>
    %slice3A_9 = vector.extract_strided_slice %get3A_7 {offsets = [128, 0], sizes = [128, 128], strides = [1, 1]} : vector<256x512xf32> to vector<128x128xf32>
    %dot_general3A_10 = arith.constant dense<0.000000e+00> : vector<10000x128xf32>
    %dot_general3A_11 = tpu.matmul %get3A_4, %slice3A_9, %dot_general3A_10 {dimension_numbers = #tpu.dot_dimension_numbers<[1], [0], [0], [1], [0, 0, 1, 1], [], []>, transpose_lhs_hint = false} : vector<10000x128xf32>, vector<128x128xf32>, vector<10000x128xf32> -> vector<10000x128xf32>
    %add3A = arith.addf %dot_general3A_8, %dot_general3A_11 : vector<10000x128xf32>
    %swap3A = arith.constant 0 : index
    %swap3A_12 = arith.constant 0 : index
    %swap3A_13 = vector.load %arg5[%swap3A, %swap3A_12] : memref<10000x128xf32, #tpu.memory_space<vmem>>, vector<10000x128xf32>
    tpu.vector_store %arg5[%swap3A, %swap3A_12], %add3A {strides = array<i32>} : memref<10000x128xf32, #tpu.memory_space<vmem>>, vector<10000x128xf32>,
    %slice3A_14 = vector.extract_strided_slice %get3A_7 {offsets = [0, 128], sizes = [128, 128], strides = [1, 1]} : vector<256x512xf32> to vector<128x128xf32>
    %dot_general3A_15 = arith.constant dense<0.000000e+00> : vector<10000x128xf32>
    %dot_general3A_16 = tpu.matmul %get3A_1, %slice3A_14, %dot_general3A_15 {dimension_numbers = #tpu.dot_dimension_numbers<[1], [0], [0], [1], [0, 0, 1, 1], [], []>, transpose_lhs_hint = false} : vector<10000x128xf32>, vector<128x128xf32>, vector<10000x128xf32> -> vector<10000x128xf32>
    %slice3A_17 = vector.extract_strided_slice %get3A_7 {offsets = [128, 128], sizes = [128, 128], strides = [1, 1]} : vector<256x512xf32> to vector<128x128xf32>
    %dot_general3A_18 = arith.constant dense<0.000000e+00> : vector<10000x128xf32>
    %dot_general3A_19 = tpu.matmul %get3A_4, %slice3A_17, %dot_general3A_18 {dimension_numbers = #tpu.dot_dimension_numbers<[1], [0], [0], [1], [0, 0, 1, 1], [], []>, transpose_lhs_hint = false} : vector<10000x128xf32>, vector<128x128xf32>, vector<10000x128xf32> -> vector<10000x128xf32>
    %add3A_20 = arith.addf %dot_general3A_16, %dot_general3A_19 : vector<10000x128xf32>
    %swap3A_21 = arith.constant 0 : index
    %swap3A_22 = arith.constant 0 : index
    %swap3A_23 = vector.load %arg6[%swap3A_21, %swap3A_22] : memref<10000x128xf32, #tpu.memory_space<vmem>>, vector<10000x128xf32>
    tpu.vector_store %arg6[%swap3A_21, %swap3A_22], %add3A_20 {strides = array<i32>} : memref<10000x128xf32, #tpu.memory_space<vmem>>, vector<10000x128xf32>,
    %slice3A_24 = vector.extract_strided_slice %get3A_7 {offsets = [0, 256], sizes = [128, 128], strides = [1, 1]} : vector<256x512xf32> to vector<128x128xf32>
    %dot_general3A_25 = arith.constant dense<0.000000e+00> : vector<10000x128xf32>
    %dot_general3A_26 = tpu.matmul %get3A_1, %slice3A_24, %dot_general3A_25 {dimension_numbers = #tpu.dot_dimension_numbers<[1], [0], [0], [1], [0, 0, 1, 1], [], []>, transpose_lhs_hint = false} : vector<10000x128xf32>, vector<128x128xf32>, vector<10000x128xf32> -> vector<10000x128xf32>
    %slice3A_27 = vector.extract_strided_slice %get3A_7 {offsets = [128, 256], sizes = [128, 128], strides = [1, 1]} : vector<256x512xf32> to vector<128x128xf32>
    %dot_general3A_28 = arith.constant dense<0.000000e+00> : vector<10000x128xf32>
    %dot_general3A_29 = tpu.matmul %get3A_4, %slice3A_27, %dot_general3A_28 {dimension_numbers = #tpu.dot_dimension_numbers<[1], [0], [0], [1], [0, 0, 1, 1], [], []>, transpose_lhs_hint = false} : vector<10000x128xf32>, vector<128x128xf32>, vector<10000x128xf32> -> vector<10000x128xf32>
    %add3A_30 = arith.addf %dot_general3A_26, %dot_general3A_29 : vector<10000x128xf32>
    %swap3A_31 = arith.constant 0 : index
    %swap3A_32 = arith.constant 0 : index
    %swap3A_33 = vector.load %arg7[%swap3A_31, %swap3A_32] : memref<10000x128xf32, #tpu.memory_space<vmem>>, vector<10000x128xf32>
    tpu.vector_store %arg7[%swap3A_31, %swap3A_32], %add3A_30 {strides = array<i32>} : memref<10000x128xf32, #tpu.memory_space<vmem>>, vector<10000x128xf32>,
    %slice3A_34 = vector.extract_strided_slice %get3A_7 {offsets = [0, 384], sizes = [128, 128], strides = [1, 1]} : vector<256x512xf32> to vector<128x128xf32>
    %dot_general3A_35 = arith.constant dense<0.000000e+00> : vector<10000x128xf32>
    %dot_general3A_36 = tpu.matmul %get3A_1, %slice3A_34, %dot_general3A_35 {dimension_numbers = #tpu.dot_dimension_numbers<[1], [0], [0], [1], [0, 0, 1, 1], [], []>, transpose_lhs_hint = false} : vector<10000x128xf32>, vector<128x128xf32>, vector<10000x128xf32> -> vector<10000x128xf32>
    %slice3A_37 = vector.extract_strided_slice %get3A_7 {offsets = [128, 384], sizes = [128, 128], strides = [1, 1]} : vector<256x512xf32> to vector<128x128xf32>
    %dot_general3A_38 = arith.constant dense<0.000000e+00> : vector<10000x128xf32>
    %dot_general3A_39 = tpu.matmul %get3A_4, %slice3A_37, %dot_general3A_38 {dimension_numbers = #tpu.dot_dimension_numbers<[1], [0], [0], [1], [0, 0, 1, 1], [], []>, transpose_lhs_hint = false} : vector<10000x128xf32>, vector<128x128xf32>, vector<10000x128xf32> -> vector<10000x128xf32>
    %add3A_40 = arith.addf %dot_general3A_36, %dot_general3A_39 : vector<10000x128xf32>
    %swap3A_41 = arith.constant 0 : index
    %swap3A_42 = arith.constant 0 : index
    %swap3A_43 = vector.load %arg8[%swap3A_41, %swap3A_42] : memref<10000x128xf32, #tpu.memory_space<vmem>>, vector<10000x128xf32>
    tpu.vector_store %arg8[%swap3A_41, %swap3A_42], %add3A_40 {strides = array<i32>} : memref<10000x128xf32, #tpu.memory_space<vmem>>, vector<10000x128xf32>,
    %get3A_44 = arith.constant 0 : index
    %get3A_45 = arith.constant 0 : index
    %get3A_46 = vector.load %arg3[%get3A_44, %get3A_45] : memref<512x1xf32, #tpu.memory_space<vmem>>, vector<512x1xf32>
    %dot_general3A_47 = arith.constant dense<0.000000e+00> : vector<256x1xf32>
    %dot_general3A_48 = tpu.matmul %get3A_7, %get3A_46, %dot_general3A_47 {dimension_numbers = #tpu.dot_dimension_numbers<[1], [0], [0], [1], [0, 0, 1, 1], [], []>, transpose_lhs_hint = false} : vector<256x512xf32>, vector<512x1xf32>, vector<256x1xf32> -> vector<256x1xf32>
    %get3A_49 = arith.constant 0 : index
    %get3A_50 = arith.constant 0 : index
    %get3A_51 = vector.load %arg4[%get3A_49, %get3A_50] : memref<512x1xf32, #tpu.memory_space<vmem>>, vector<512x1xf32>
    %dot_general3A_52 = arith.constant dense<0.000000e+00> : vector<256x1xf32>
    %dot_general3A_53 = tpu.matmul %get3A_7, %get3A_51, %dot_general3A_52 {dimension_numbers = #tpu.dot_dimension_numbers<[1], [0], [0], [1], [0, 0, 1, 1], [], []>, transpose_lhs_hint = false} : vector<256x512xf32>, vector<512x1xf32>, vector<256x1xf32> -> vector<256x1xf32>
    %slice3A_54 = vector.extract_strided_slice %dot_general3A_48 {offsets = [0, 0], sizes = [128, 1], strides = [1, 1]} : vector<256x1xf32> to vector<128x1xf32>
    %dot_general3A_55 = arith.constant dense<0.000000e+00> : vector<10000x1xf32>
    %dot_general3A_56 = tpu.matmul %get3A_1, %slice3A_54, %dot_general3A_55 {dimension_numbers = #tpu.dot_dimension_numbers<[1], [0], [0], [1], [0, 0, 1, 1], [], []>, transpose_lhs_hint = false} : vector<10000x128xf32>, vector<128x1xf32>, vector<10000x1xf32> -> vector<10000x1xf32>
    %slice3A_57 = vector.extract_strided_slice %dot_general3A_48 {offsets = [128, 0], sizes = [128, 1], strides = [1, 1]} : vector<256x1xf32> to vector<128x1xf32>
    %dot_general3A_58 = arith.constant dense<0.000000e+00> : vector<10000x1xf32>
    %dot_general3A_59 = tpu.matmul %get3A_4, %slice3A_57, %dot_general3A_58 {dimension_numbers = #tpu.dot_dimension_numbers<[1], [0], [0], [1], [0, 0, 1, 1], [], []>, transpose_lhs_hint = false} : vector<10000x128xf32>, vector<128x1xf32>, vector<10000x1xf32> -> vector<10000x1xf32>
    %add3A_60 = arith.addf %dot_general3A_56, %dot_general3A_59 : vector<10000x1xf32>
    %slice3A_61 = vector.extract_strided_slice %dot_general3A_53 {offsets = [0, 0], sizes = [128, 1], strides = [1, 1]} : vector<256x1xf32> to vector<128x1xf32>
    %dot_general3A_62 = arith.constant dense<0.000000e+00> : vector<10000x1xf32>
    %dot_general3A_63 = tpu.matmul %get3A_1, %slice3A_61, %dot_general3A_62 {dimension_numbers = #tpu.dot_dimension_numbers<[1], [0], [0], [1], [0, 0, 1, 1], [], []>, transpose_lhs_hint = false} : vector<10000x128xf32>, vector<128x1xf32>, vector<10000x1xf32> -> vector<10000x1xf32>
    %slice3A_64 = vector.extract_strided_slice %dot_general3A_53 {offsets = [128, 0], sizes = [128, 1], strides = [1, 1]} : vector<256x1xf32> to vector<128x1xf32>
    %dot_general3A_65 = arith.constant dense<0.000000e+00> : vector<10000x1xf32>
    %dot_general3A_66 = tpu.matmul %get3A_4, %slice3A_64, %dot_general3A_65 {dimension_numbers = #tpu.dot_dimension_numbers<[1], [0], [0], [1], [0, 0, 1, 1], [], []>, transpose_lhs_hint = false} : vector<10000x128xf32>, vector<128x1xf32>, vector<10000x1xf32> -> vector<10000x1xf32>
    %add3A_67 = arith.addf %dot_general3A_63, %dot_general3A_66 : vector<10000x1xf32>
    %broadcast_in_dim3A = arith.constant 0.000000e+00 : f32
    %broadcast_in_dim3A_68 = vector.broadcast %broadcast_in_dim3A : f32 to vector<112x1xf32>
    %concatenate3A = tpu.concatenate %add3A_60, %broadcast_in_dim3A_68 in 0 : vector<10000x1xf32>, vector<112x1xf32> -> vector<10112x1xf32>
    %swap3A_69 = arith.constant 0 : index
    %swap3A_70 = arith.constant 0 : index
    %swap3A_71 = vector.load %arg9[%swap3A_69, %swap3A_70] : memref<10112x1xf32, #tpu.memory_space<vmem>>, vector<10112x1xf32>
    tpu.vector_store %arg9[%swap3A_69, %swap3A_70], %concatenate3A {strides = array<i32>} : memref<10112x1xf32, #tpu.memory_space<vmem>>, vector<10112x1xf32>,
    %concatenate3A_72 = tpu.concatenate %add3A_67, %broadcast_in_dim3A_68 in 0 : vector<10000x1xf32>, vector<112x1xf32> -> vector<10112x1xf32>
    %swap3A_73 = arith.constant 0 : index
    %swap3A_74 = arith.constant 0 : index
    %swap3A_75 = vector.load %arg10[%swap3A_73, %swap3A_74] : memref<10112x1xf32, #tpu.memory_space<vmem>>, vector<10112x1xf32>
    tpu.vector_store %arg10[%swap3A_73, %swap3A_74], %concatenate3A_72 {strides = array<i32>} : memref<10112x1xf32, #tpu.memory_space<vmem>>, vector<10112x1xf32>,
    return
  }
}

module attributes {stable_mosaic.version = 14 : i64} {
  func.func @_tcpost_body(%arg0: memref<2x10112x128xf32, #tpu.memory_space<vmem>>, %arg1: memref<10112x32xf32, #tpu.memory_space<vmem>>, %arg2: memref<1x128xf32, #tpu.memory_space<vmem>>, %arg3: memref<10000x128xf32, #tpu.memory_space<vmem>>) attributes {dimension_semantics = [], scalar_prefetch = 0 : i64, scratch_operands = 0 : i64, tpu.core_type = #tpu.core_type<tc>} {
    %get3A = arith.constant 0 : index
    %get3A_0 = arith.constant 0 : index
    %get3A_1 = arith.constant 0 : index
    %get3A_2 = vector.load %arg0[%get3A, %get3A_0, %get3A_1] : memref<2x10112x128xf32, #tpu.memory_space<vmem>>, vector<2x10112x128xf32>
    %slice3A = vector.extract_strided_slice %get3A_2 {offsets = [0, 0, 0], sizes = [1, 10112, 128], strides = [1, 1, 1]} : vector<2x10112x128xf32> to vector<1x10112x128xf32>
    %squeeze3A = vector.shape_cast %slice3A : vector<1x10112x128xf32> to vector<10112x128xf32>
    %slice3A_3 = vector.extract_strided_slice %get3A_2 {offsets = [1, 0, 0], sizes = [1, 10112, 128], strides = [1, 1, 1]} : vector<2x10112x128xf32> to vector<1x10112x128xf32>
    %squeeze3A_4 = vector.shape_cast %slice3A_3 : vector<1x10112x128xf32> to vector<10112x128xf32>
    %add3A = arith.addf %squeeze3A, %squeeze3A_4 : vector<10112x128xf32>
    %slice3A_5 = vector.extract_strided_slice %add3A {offsets = [0, 0], sizes = [10000, 128], strides = [1, 1]} : vector<10112x128xf32> to vector<10000x128xf32>
    %get3A_6 = arith.constant 0 : index
    %get3A_7 = arith.constant 0 : index
    %get3A_8 = vector.load %arg1[%get3A_6, %get3A_7] : memref<10112x32xf32, #tpu.memory_space<vmem>>, vector<10112x32xf32>
    %reduce_sum3A = arith.constant dense<0.000000e+00> : vector<10112xf32>
    %reduce_sum3A_9 = vector.multi_reduction <add>, %get3A_8, %reduce_sum3A [1] : vector<10112x32xf32> to vector<10112xf32>
    %broadcast_in_dim3A = vector.shape_cast %reduce_sum3A_9 : vector<10112xf32> to vector<10112x1xf32>
    %slice3A_10 = vector.extract_strided_slice %broadcast_in_dim3A {offsets = [0, 0], sizes = [10000, 1], strides = [1, 1]} : vector<10112x1xf32> to vector<10000x1xf32>
    %max3A = arith.constant 1.000000e-16 : f32
    %max3A_11 = vector.broadcast %max3A : f32 to vector<10000x1xf32>
    %max3A_12 = arith.maximumf %slice3A_10, %max3A_11 : vector<10000x1xf32>
    %div3A = vector.broadcast %max3A_12 : vector<10000x1xf32> to vector<10000x128xf32>
    %div3A_13 = arith.divf %slice3A_5, %div3A : vector<10000x128xf32>
    %get3A_14 = arith.constant 0 : index
    %get3A_15 = arith.constant 0 : index
    %get3A_16 = vector.load %arg2[%get3A_14, %get3A_15] : memref<1x128xf32, #tpu.memory_space<vmem>>, vector<1x128xf32>
    %add3A_17 = vector.broadcast %get3A_16 : vector<1x128xf32> to vector<10000x128xf32>
    %add3A_18 = arith.addf %div3A_13, %add3A_17 : vector<10000x128xf32>
    %gt3A = arith.constant 0.000000e+00 : f32
    %gt3A_19 = vector.broadcast %gt3A : f32 to vector<10000x128xf32>
    %gt3A_20 = arith.cmpf ogt, %add3A_18, %gt3A_19 : vector<10000x128xf32>
    %min3A = arith.constant 0.000000e+00 : f32
    %min3A_21 = vector.broadcast %min3A : f32 to vector<10000x128xf32>
    %min3A_22 = arith.minimumf %add3A_18, %min3A_21 : vector<10000x128xf32>
    %exp3A = math.exp %min3A_22 : vector<10000x128xf32>
    %sub3A = arith.constant 1.000000e+00 : f32
    %sub3A_23 = vector.broadcast %sub3A : f32 to vector<10000x128xf32>
    %sub3A_24 = arith.subf %exp3A, %sub3A_23 : vector<10000x128xf32>
    %select_n3A = arith.select %gt3A_20, %add3A_18, %sub3A_24 : vector<10000x128xi1>, vector<10000x128xf32>
    %swap3A = arith.constant 0 : index
    %swap3A_25 = arith.constant 0 : index
    %swap3A_26 = vector.load %arg3[%swap3A, %swap3A_25] : memref<10000x128xf32, #tpu.memory_space<vmem>>, vector<10000x128xf32>
    tpu.vector_store %arg3[%swap3A, %swap3A_25], %select_n3A {strides = array<i32>} : memref<10000x128xf32, #tpu.memory_space<vmem>>, vector<10000x128xf32>,
    return
  }
}

module attributes {stable_mosaic.version = 14 : i64} {
  func.func @_tcfinal_body(%arg0: memref<10000x128xf32, #tpu.memory_space<vmem>>, %arg1: memref<10000x128xf32, #tpu.memory_space<vmem>>, %arg2: memref<10000x128xf32, #tpu.memory_space<vmem>>, %arg3: memref<10000x128xf32, #tpu.memory_space<vmem>>, %arg4: memref<1x512xf32, #tpu.memory_space<vmem>>, %arg5: memref<1x512xf32, #tpu.memory_space<vmem>>, %arg6: memref<10112x1xi32, #tpu.memory_space<vmem>>, %arg7: memref<512x256xf32, #tpu.memory_space<vmem>>, %arg8: memref<1x256xf32, #tpu.memory_space<vmem>>, %arg9: memref<256x31xf32, #tpu.memory_space<vmem>>, %arg10: memref<1x31xf32, #tpu.memory_space<vmem>>, %arg11: memref<64x31xf32, #tpu.memory_space<vmem>>) attributes {dimension_semantics = [], scalar_prefetch = 0 : i64, scratch_operands = 0 : i64, tpu.core_type = #tpu.core_type<tc>} {
    %get3A = arith.constant 0 : index
    %get3A_0 = arith.constant 0 : index
    %get3A_1 = vector.load %arg6[%get3A, %get3A_0] : memref<10112x1xi32, #tpu.memory_space<vmem>>, vector<10112x1xi32>
    %slice3A = vector.extract_strided_slice %get3A_1 {offsets = [0, 0], sizes = [10000, 1], strides = [1, 1]} : vector<10112x1xi32> to vector<10000x1xi32>
    %iota3A = tpu.iota {dimensions = array<i32: 1>} : vector<10000x64xi32>
    %eq3A = vector.broadcast %slice3A : vector<10000x1xi32> to vector<10000x64xi32>
    %eq3A_2 = arith.cmpi eq, %eq3A, %iota3A : vector<10000x64xi32>
    %convert_element_type3A = arith.extui %eq3A_2 : vector<10000x64xi1> to vector<10000x64xi32>
    %convert_element_type3A_3 = arith.sitofp %convert_element_type3A : vector<10000x64xi32> to vector<10000x64xf32>
    %broadcast_in_dim3A = arith.constant 1.000000e+00 : f32
    %broadcast_in_dim3A_4 = vector.broadcast %broadcast_in_dim3A : f32 to vector<10000x1xf32>
    %dot_general3A = arith.constant dense<0.000000e+00> : vector<64x1xf32>
    %dot_general3A_5 = tpu.matmul %convert_element_type3A_3, %broadcast_in_dim3A_4, %dot_general3A {dimension_numbers = #tpu.dot_dimension_numbers<[0], [0], [1], [1], [0, 1, 1, 1], [], []>, transpose_lhs_hint = false} : vector<10000x64xf32>, vector<10000x1xf32>, vector<64x1xf32> -> vector<64x1xf32>
    %max3A = arith.constant 1.000000e+00 : f32
    %max3A_6 = vector.broadcast %max3A : f32 to vector<64x1xf32>
    %max3A_7 = arith.maximumf %dot_general3A_5, %max3A_6 : vector<64x1xf32>
    %div3A = arith.constant 1.000000e+00 : f32
    %div3A_8 = vector.broadcast %div3A : f32 to vector<64x1xf32>
    %div3A_9 = arith.divf %div3A_8, %max3A_7 : vector<64x1xf32>
    %broadcast_in_dim3A_10 = arith.constant 0.000000e+00 : f32
    %broadcast_in_dim3A_11 = vector.broadcast %broadcast_in_dim3A_10 : f32 to vector<64x256xf32>
    %get3A_12 = arith.constant 0 : index
    %get3A_13 = arith.constant 0 : index
    %get3A_14 = vector.load %arg0[%get3A_12, %get3A_13] : memref<10000x128xf32, #tpu.memory_space<vmem>>, vector<10000x128xf32>
    %get3A_15 = arith.constant 0 : index
    %get3A_16 = arith.constant 0 : index
    %get3A_17 = vector.load %arg4[%get3A_15, %get3A_16] : memref<1x512xf32, #tpu.memory_space<vmem>>, vector<1x512xf32>
    %slice3A_18 = vector.extract_strided_slice %get3A_17 {offsets = [0, 0], sizes = [1, 128], strides = [1, 1]} : vector<1x512xf32> to vector<1x128xf32>
    %get3A_19 = arith.constant 0 : index
    %get3A_20 = arith.constant 0 : index
    %get3A_21 = vector.load %arg5[%get3A_19, %get3A_20] : memref<1x512xf32, #tpu.memory_space<vmem>>, vector<1x512xf32>
    %slice3A_22 = vector.extract_strided_slice %get3A_21 {offsets = [0, 0], sizes = [1, 128], strides = [1, 1]} : vector<1x512xf32> to vector<1x128xf32>
    %reduce_sum3A = arith.constant dense<0.000000e+00> : vector<128xf32>
    %reduce_sum3A_23 = vector.multi_reduction <add>, %get3A_14, %reduce_sum3A [0] : vector<10000x128xf32> to vector<128xf32>
    %div3A_24 = arith.constant 1.000000e+04 : f32
    %div3A_25 = vector.broadcast %div3A_24 : f32 to vector<128xf32>
    %div3A_26 = arith.divf %reduce_sum3A_23, %div3A_25 : vector<128xf32>
    %jit3A = arith.constant 0 : i32
    %reduce_sum3A_27 = arith.constant dense<0.000000e+00> : vector<128xf32>
    %reduce_sum3A_28 = vector.multi_reduction <add>, %get3A_14, %reduce_sum3A_27 [0] : vector<10000x128xf32> to vector<128xf32>
    %broadcast_in_dim3A_29 = vector.shape_cast %reduce_sum3A_28 : vector<128xf32> to vector<1x128xf32>
    %div3A_30 = arith.constant 1.000000e+04 : f32
    %div3A_31 = vector.broadcast %div3A_30 : f32 to vector<1x128xf32>
    %div3A_32 = arith.divf %broadcast_in_dim3A_29, %div3A_31 : vector<1x128xf32>
    %sub3A = vector.broadcast %div3A_32 : vector<1x128xf32> to vector<10000x128xf32>
    %sub3A_33 = arith.subf %get3A_14, %sub3A : vector<10000x128xf32>
    %square3A = arith.mulf %sub3A_33, %sub3A_33 : vector<10000x128xf32>
    %convert_element_type3A_34 = arith.sitofp %jit3A : i32 to f32
    %sub3A_35 = arith.constant 1.000000e+04 : f32
    %sub3A_36 = arith.subf %sub3A_35, %convert_element_type3A_34 : f32
    %reduce_sum3A_37 = arith.constant dense<0.000000e+00> : vector<128xf32>
    %reduce_sum3A_38 = vector.multi_reduction <add>, %square3A, %reduce_sum3A_37 [0] : vector<10000x128xf32> to vector<128xf32>
    %div3A_39 = vector.broadcast %sub3A_36 : f32 to vector<128xf32>
    %div3A_40 = arith.divf %reduce_sum3A_38, %div3A_39 : vector<128xf32>
    %gt3A = arith.constant 0.000000e+00 : f32
    %gt3A_41 = arith.cmpf ogt, %sub3A_36, %gt3A : f32
    %jit3A_42 = arith.constant 0x7FC00000 : f32
    %broadcast_in_dim3A_43 = vector.broadcast %jit3A_42 : f32 to vector<128xf32>
    %select_n3A = arith.select %gt3A_41, %div3A_40, %broadcast_in_dim3A_43 : vector<128xf32>
    %broadcast_in_dim3A_44 = vector.shape_cast %div3A_26 : vector<128xf32> to vector<1x128xf32>
    %sub3A_45 = vector.broadcast %broadcast_in_dim3A_44 : vector<1x128xf32> to vector<10000x128xf32>
    %sub3A_46 = arith.subf %get3A_14, %sub3A_45 : vector<10000x128xf32>
    %mul3A = vector.broadcast %slice3A_18 : vector<1x128xf32> to vector<10000x128xf32>
    %mul3A_47 = arith.mulf %mul3A, %sub3A_46 : vector<10000x128xf32>
    %add3A = arith.constant 9.99999974E-6 : f32
    %add3A_48 = vector.broadcast %add3A : f32 to vector<128xf32>
    %add3A_49 = arith.addf %select_n3A, %add3A_48 : vector<128xf32>
    %sqrt3A = math.sqrt %add3A_49 : vector<128xf32>
    %broadcast_in_dim3A_50 = vector.shape_cast %sqrt3A : vector<128xf32> to vector<1x128xf32>
    %div3A_51 = vector.broadcast %broadcast_in_dim3A_50 : vector<1x128xf32> to vector<10000x128xf32>
    %div3A_52 = arith.divf %mul3A_47, %div3A_51 : vector<10000x128xf32>
    %add3A_53 = vector.broadcast %slice3A_22 : vector<1x128xf32> to vector<10000x128xf32>
    %add3A_54 = arith.addf %div3A_52, %add3A_53 : vector<10000x128xf32>
    %dot_general3A_55 = arith.constant dense<0.000000e+00> : vector<64x128xf32>
    %dot_general3A_56 = tpu.matmul %convert_element_type3A_3, %add3A_54, %dot_general3A_55 {dimension_numbers = #tpu.dot_dimension_numbers<[0], [0], [1], [1], [0, 1, 1, 1], [], []>, transpose_lhs_hint = false} : vector<10000x64xf32>, vector<10000x128xf32>, vector<64x128xf32> -> vector<64x128xf32>
    %mul3A_57 = vector.broadcast %div3A_9 : vector<64x1xf32> to vector<64x128xf32>
    %mul3A_58 = arith.mulf %dot_general3A_56, %mul3A_57 : vector<64x128xf32>
    %get3A_59 = arith.constant 0 : index
    %get3A_60 = arith.constant 0 : index
    %get3A_61 = vector.load %arg7[%get3A_59, %get3A_60] : memref<512x256xf32, #tpu.memory_space<vmem>>, vector<512x256xf32>
    %slice3A_62 = vector.extract_strided_slice %get3A_61 {offsets = [0, 0], sizes = [128, 256], strides = [1, 1]} : vector<512x256xf32> to vector<128x256xf32>
    %dot_general3A_63 = arith.constant dense<0.000000e+00> : vector<64x256xf32>
    %dot_general3A_64 = tpu.matmul %mul3A_58, %slice3A_62, %dot_general3A_63 {dimension_numbers = #tpu.dot_dimension_numbers<[1], [0], [0], [1], [0, 0, 1, 1], [], []>, transpose_lhs_hint = false} : vector<64x128xf32>, vector<128x256xf32>, vector<64x256xf32> -> vector<64x256xf32>
    %add3A_65 = arith.addf %broadcast_in_dim3A_11, %dot_general3A_64 : vector<64x256xf32>
    %get3A_66 = arith.constant 0 : index
    %get3A_67 = arith.constant 0 : index
    %get3A_68 = vector.load %arg1[%get3A_66, %get3A_67] : memref<10000x128xf32, #tpu.memory_space<vmem>>, vector<10000x128xf32>
    %get3A_69 = arith.constant 0 : index
    %get3A_70 = arith.constant 0 : index
    %get3A_71 = vector.load %arg4[%get3A_69, %get3A_70] : memref<1x512xf32, #tpu.memory_space<vmem>>, vector<1x512xf32>
    %slice3A_72 = vector.extract_strided_slice %get3A_71 {offsets = [0, 128], sizes = [1, 128], strides = [1, 1]} : vector<1x512xf32> to vector<1x128xf32>
    %get3A_73 = arith.constant 0 : index
    %get3A_74 = arith.constant 0 : index
    %get3A_75 = vector.load %arg5[%get3A_73, %get3A_74] : memref<1x512xf32, #tpu.memory_space<vmem>>, vector<1x512xf32>
    %slice3A_76 = vector.extract_strided_slice %get3A_75 {offsets = [0, 128], sizes = [1, 128], strides = [1, 1]} : vector<1x512xf32> to vector<1x128xf32>
    %reduce_sum3A_77 = arith.constant dense<0.000000e+00> : vector<128xf32>
    %reduce_sum3A_78 = vector.multi_reduction <add>, %get3A_68, %reduce_sum3A_77 [0] : vector<10000x128xf32> to vector<128xf32>
    %div3A_79 = arith.constant 1.000000e+04 : f32
    %div3A_80 = vector.broadcast %div3A_79 : f32 to vector<128xf32>
    %div3A_81 = arith.divf %reduce_sum3A_78, %div3A_80 : vector<128xf32>
    %jit3A_82 = arith.constant 0 : i32
    %reduce_sum3A_83 = arith.constant dense<0.000000e+00> : vector<128xf32>
    %reduce_sum3A_84 = vector.multi_reduction <add>, %get3A_68, %reduce_sum3A_83 [0] : vector<10000x128xf32> to vector<128xf32>
    %broadcast_in_dim3A_85 = vector.shape_cast %reduce_sum3A_84 : vector<128xf32> to vector<1x128xf32>
    %div3A_86 = arith.constant 1.000000e+04 : f32
    %div3A_87 = vector.broadcast %div3A_86 : f32 to vector<1x128xf32>
    %div3A_88 = arith.divf %broadcast_in_dim3A_85, %div3A_87 : vector<1x128xf32>
    %sub3A_89 = vector.broadcast %div3A_88 : vector<1x128xf32> to vector<10000x128xf32>
    %sub3A_90 = arith.subf %get3A_68, %sub3A_89 : vector<10000x128xf32>
    %square3A_91 = arith.mulf %sub3A_90, %sub3A_90 : vector<10000x128xf32>
    %convert_element_type3A_92 = arith.sitofp %jit3A_82 : i32 to f32
    %sub3A_93 = arith.constant 1.000000e+04 : f32
    %sub3A_94 = arith.subf %sub3A_93, %convert_element_type3A_92 : f32
    %reduce_sum3A_95 = arith.constant dense<0.000000e+00> : vector<128xf32>
    %reduce_sum3A_96 = vector.multi_reduction <add>, %square3A_91, %reduce_sum3A_95 [0] : vector<10000x128xf32> to vector<128xf32>
    %div3A_97 = vector.broadcast %sub3A_94 : f32 to vector<128xf32>
    %div3A_98 = arith.divf %reduce_sum3A_96, %div3A_97 : vector<128xf32>
    %gt3A_99 = arith.constant 0.000000e+00 : f32
    %gt3A_100 = arith.cmpf ogt, %sub3A_94, %gt3A_99 : f32
    %jit3A_101 = arith.constant 0x7FC00000 : f32
    %broadcast_in_dim3A_102 = vector.broadcast %jit3A_101 : f32 to vector<128xf32>
    %select_n3A_103 = arith.select %gt3A_100, %div3A_98, %broadcast_in_dim3A_102 : vector<128xf32>
    %broadcast_in_dim3A_104 = vector.shape_cast %div3A_81 : vector<128xf32> to vector<1x128xf32>
    %sub3A_105 = vector.broadcast %broadcast_in_dim3A_104 : vector<1x128xf32> to vector<10000x128xf32>
    %sub3A_106 = arith.subf %get3A_68, %sub3A_105 : vector<10000x128xf32>
    %mul3A_107 = vector.broadcast %slice3A_72 : vector<1x128xf32> to vector<10000x128xf32>
    %mul3A_108 = arith.mulf %mul3A_107, %sub3A_106 : vector<10000x128xf32>
    %add3A_109 = arith.constant 9.99999974E-6 : f32
    %add3A_110 = vector.broadcast %add3A_109 : f32 to vector<128xf32>
    %add3A_111 = arith.addf %select_n3A_103, %add3A_110 : vector<128xf32>
    %sqrt3A_112 = math.sqrt %add3A_111 : vector<128xf32>
    %broadcast_in_dim3A_113 = vector.shape_cast %sqrt3A_112 : vector<128xf32> to vector<1x128xf32>
    %div3A_114 = vector.broadcast %broadcast_in_dim3A_113 : vector<1x128xf32> to vector<10000x128xf32>
    %div3A_115 = arith.divf %mul3A_108, %div3A_114 : vector<10000x128xf32>
    %add3A_116 = vector.broadcast %slice3A_76 : vector<1x128xf32> to vector<10000x128xf32>
    %add3A_117 = arith.addf %div3A_115, %add3A_116 : vector<10000x128xf32>
    %dot_general3A_118 = arith.constant dense<0.000000e+00> : vector<64x128xf32>
    %dot_general3A_119 = tpu.matmul %convert_element_type3A_3, %add3A_117, %dot_general3A_118 {dimension_numbers = #tpu.dot_dimension_numbers<[0], [0], [1], [1], [0, 1, 1, 1], [], []>, transpose_lhs_hint = false} : vector<10000x64xf32>, vector<10000x128xf32>, vector<64x128xf32> -> vector<64x128xf32>
    %mul3A_120 = vector.broadcast %div3A_9 : vector<64x1xf32> to vector<64x128xf32>
    %mul3A_121 = arith.mulf %dot_general3A_119, %mul3A_120 : vector<64x128xf32>
    %get3A_122 = arith.constant 0 : index
    %get3A_123 = arith.constant 0 : index
    %get3A_124 = vector.load %arg7[%get3A_122, %get3A_123] : memref<512x256xf32, #tpu.memory_space<vmem>>, vector<512x256xf32>
    %slice3A_125 = vector.extract_strided_slice %get3A_124 {offsets = [128, 0], sizes = [128, 256], strides = [1, 1]} : vector<512x256xf32> to vector<128x256xf32>
    %dot_general3A_126 = arith.constant dense<0.000000e+00> : vector<64x256xf32>
    %dot_general3A_127 = tpu.matmul %mul3A_121, %slice3A_125, %dot_general3A_126 {dimension_numbers = #tpu.dot_dimension_numbers<[1], [0], [0], [1], [0, 0, 1, 1], [], []>, transpose_lhs_hint = false} : vector<64x128xf32>, vector<128x256xf32>, vector<64x256xf32> -> vector<64x256xf32>
    %add3A_128 = arith.addf %add3A_65, %dot_general3A_127 : vector<64x256xf32>
    %get3A_129 = arith.constant 0 : index
    %get3A_130 = arith.constant 0 : index
    %get3A_131 = vector.load %arg2[%get3A_129, %get3A_130] : memref<10000x128xf32, #tpu.memory_space<vmem>>, vector<10000x128xf32>
    %get3A_132 = arith.constant 0 : index
    %get3A_133 = arith.constant 0 : index
    %get3A_134 = vector.load %arg4[%get3A_132, %get3A_133] : memref<1x512xf32, #tpu.memory_space<vmem>>, vector<1x512xf32>
    %slice3A_135 = vector.extract_strided_slice %get3A_134 {offsets = [0, 256], sizes = [1, 128], strides = [1, 1]} : vector<1x512xf32> to vector<1x128xf32>
    %get3A_136 = arith.constant 0 : index
    %get3A_137 = arith.constant 0 : index
    %get3A_138 = vector.load %arg5[%get3A_136, %get3A_137] : memref<1x512xf32, #tpu.memory_space<vmem>>, vector<1x512xf32>
    %slice3A_139 = vector.extract_strided_slice %get3A_138 {offsets = [0, 256], sizes = [1, 128], strides = [1, 1]} : vector<1x512xf32> to vector<1x128xf32>
    %reduce_sum3A_140 = arith.constant dense<0.000000e+00> : vector<128xf32>
    %reduce_sum3A_141 = vector.multi_reduction <add>, %get3A_131, %reduce_sum3A_140 [0] : vector<10000x128xf32> to vector<128xf32>
    %div3A_142 = arith.constant 1.000000e+04 : f32
    %div3A_143 = vector.broadcast %div3A_142 : f32 to vector<128xf32>
    %div3A_144 = arith.divf %reduce_sum3A_141, %div3A_143 : vector<128xf32>
    %jit3A_145 = arith.constant 0 : i32
    %reduce_sum3A_146 = arith.constant dense<0.000000e+00> : vector<128xf32>
    %reduce_sum3A_147 = vector.multi_reduction <add>, %get3A_131, %reduce_sum3A_146 [0] : vector<10000x128xf32> to vector<128xf32>
    %broadcast_in_dim3A_148 = vector.shape_cast %reduce_sum3A_147 : vector<128xf32> to vector<1x128xf32>
    %div3A_149 = arith.constant 1.000000e+04 : f32
    %div3A_150 = vector.broadcast %div3A_149 : f32 to vector<1x128xf32>
    %div3A_151 = arith.divf %broadcast_in_dim3A_148, %div3A_150 : vector<1x128xf32>
    %sub3A_152 = vector.broadcast %div3A_151 : vector<1x128xf32> to vector<10000x128xf32>
    %sub3A_153 = arith.subf %get3A_131, %sub3A_152 : vector<10000x128xf32>
    %square3A_154 = arith.mulf %sub3A_153, %sub3A_153 : vector<10000x128xf32>
    %convert_element_type3A_155 = arith.sitofp %jit3A_145 : i32 to f32
    %sub3A_156 = arith.constant 1.000000e+04 : f32
    %sub3A_157 = arith.subf %sub3A_156, %convert_element_type3A_155 : f32
    %reduce_sum3A_158 = arith.constant dense<0.000000e+00> : vector<128xf32>
    %reduce_sum3A_159 = vector.multi_reduction <add>, %square3A_154, %reduce_sum3A_158 [0] : vector<10000x128xf32> to vector<128xf32>
    %div3A_160 = vector.broadcast %sub3A_157 : f32 to vector<128xf32>
    %div3A_161 = arith.divf %reduce_sum3A_159, %div3A_160 : vector<128xf32>
    %gt3A_162 = arith.constant 0.000000e+00 : f32
    %gt3A_163 = arith.cmpf ogt, %sub3A_157, %gt3A_162 : f32
    %jit3A_164 = arith.constant 0x7FC00000 : f32
    %broadcast_in_dim3A_165 = vector.broadcast %jit3A_164 : f32 to vector<128xf32>
    %select_n3A_166 = arith.select %gt3A_163, %div3A_161, %broadcast_in_dim3A_165 : vector<128xf32>
    %broadcast_in_dim3A_167 = vector.shape_cast %div3A_144 : vector<128xf32> to vector<1x128xf32>
    %sub3A_168 = vector.broadcast %broadcast_in_dim3A_167 : vector<1x128xf32> to vector<10000x128xf32>
    %sub3A_169 = arith.subf %get3A_131, %sub3A_168 : vector<10000x128xf32>
    %mul3A_170 = vector.broadcast %slice3A_135 : vector<1x128xf32> to vector<10000x128xf32>
    %mul3A_171 = arith.mulf %mul3A_170, %sub3A_169 : vector<10000x128xf32>
    %add3A_172 = arith.constant 9.99999974E-6 : f32
    %add3A_173 = vector.broadcast %add3A_172 : f32 to vector<128xf32>
    %add3A_174 = arith.addf %select_n3A_166, %add3A_173 : vector<128xf32>
    %sqrt3A_175 = math.sqrt %add3A_174 : vector<128xf32>
    %broadcast_in_dim3A_176 = vector.shape_cast %sqrt3A_175 : vector<128xf32> to vector<1x128xf32>
    %div3A_177 = vector.broadcast %broadcast_in_dim3A_176 : vector<1x128xf32> to vector<10000x128xf32>
    %div3A_178 = arith.divf %mul3A_171, %div3A_177 : vector<10000x128xf32>
    %add3A_179 = vector.broadcast %slice3A_139 : vector<1x128xf32> to vector<10000x128xf32>
    %add3A_180 = arith.addf %div3A_178, %add3A_179 : vector<10000x128xf32>
    %dot_general3A_181 = arith.constant dense<0.000000e+00> : vector<64x128xf32>
    %dot_general3A_182 = tpu.matmul %convert_element_type3A_3, %add3A_180, %dot_general3A_181 {dimension_numbers = #tpu.dot_dimension_numbers<[0], [0], [1], [1], [0, 1, 1, 1], [], []>, transpose_lhs_hint = false} : vector<10000x64xf32>, vector<10000x128xf32>, vector<64x128xf32> -> vector<64x128xf32>
    %mul3A_183 = vector.broadcast %div3A_9 : vector<64x1xf32> to vector<64x128xf32>
    %mul3A_184 = arith.mulf %dot_general3A_182, %mul3A_183 : vector<64x128xf32>
    %get3A_185 = arith.constant 0 : index
    %get3A_186 = arith.constant 0 : index
    %get3A_187 = vector.load %arg7[%get3A_185, %get3A_186] : memref<512x256xf32, #tpu.memory_space<vmem>>, vector<512x256xf32>
    %slice3A_188 = vector.extract_strided_slice %get3A_187 {offsets = [256, 0], sizes = [128, 256], strides = [1, 1]} : vector<512x256xf32> to vector<128x256xf32>
    %dot_general3A_189 = arith.constant dense<0.000000e+00> : vector<64x256xf32>
    %dot_general3A_190 = tpu.matmul %mul3A_184, %slice3A_188, %dot_general3A_189 {dimension_numbers = #tpu.dot_dimension_numbers<[1], [0], [0], [1], [0, 0, 1, 1], [], []>, transpose_lhs_hint = false} : vector<64x128xf32>, vector<128x256xf32>, vector<64x256xf32> -> vector<64x256xf32>
    %add3A_191 = arith.addf %add3A_128, %dot_general3A_190 : vector<64x256xf32>
    %get3A_192 = arith.constant 0 : index
    %get3A_193 = arith.constant 0 : index
    %get3A_194 = vector.load %arg3[%get3A_192, %get3A_193] : memref<10000x128xf32, #tpu.memory_space<vmem>>, vector<10000x128xf32>
    %get3A_195 = arith.constant 0 : index
    %get3A_196 = arith.constant 0 : index
    %get3A_197 = vector.load %arg4[%get3A_195, %get3A_196] : memref<1x512xf32, #tpu.memory_space<vmem>>, vector<1x512xf32>
    %slice3A_198 = vector.extract_strided_slice %get3A_197 {offsets = [0, 384], sizes = [1, 128], strides = [1, 1]} : vector<1x512xf32> to vector<1x128xf32>
    %get3A_199 = arith.constant 0 : index
    %get3A_200 = arith.constant 0 : index
    %get3A_201 = vector.load %arg5[%get3A_199, %get3A_200] : memref<1x512xf32, #tpu.memory_space<vmem>>, vector<1x512xf32>
    %slice3A_202 = vector.extract_strided_slice %get3A_201 {offsets = [0, 384], sizes = [1, 128], strides = [1, 1]} : vector<1x512xf32> to vector<1x128xf32>
    %reduce_sum3A_203 = arith.constant dense<0.000000e+00> : vector<128xf32>
    %reduce_sum3A_204 = vector.multi_reduction <add>, %get3A_194, %reduce_sum3A_203 [0] : vector<10000x128xf32> to vector<128xf32>
    %div3A_205 = arith.constant 1.000000e+04 : f32
    %div3A_206 = vector.broadcast %div3A_205 : f32 to vector<128xf32>
    %div3A_207 = arith.divf %reduce_sum3A_204, %div3A_206 : vector<128xf32>
    %jit3A_208 = arith.constant 0 : i32
    %reduce_sum3A_209 = arith.constant dense<0.000000e+00> : vector<128xf32>
    %reduce_sum3A_210 = vector.multi_reduction <add>, %get3A_194, %reduce_sum3A_209 [0] : vector<10000x128xf32> to vector<128xf32>
    %broadcast_in_dim3A_211 = vector.shape_cast %reduce_sum3A_210 : vector<128xf32> to vector<1x128xf32>
    %div3A_212 = arith.constant 1.000000e+04 : f32
    %div3A_213 = vector.broadcast %div3A_212 : f32 to vector<1x128xf32>
    %div3A_214 = arith.divf %broadcast_in_dim3A_211, %div3A_213 : vector<1x128xf32>
    %sub3A_215 = vector.broadcast %div3A_214 : vector<1x128xf32> to vector<10000x128xf32>
    %sub3A_216 = arith.subf %get3A_194, %sub3A_215 : vector<10000x128xf32>
    %square3A_217 = arith.mulf %sub3A_216, %sub3A_216 : vector<10000x128xf32>
    %convert_element_type3A_218 = arith.sitofp %jit3A_208 : i32 to f32
    %sub3A_219 = arith.constant 1.000000e+04 : f32
    %sub3A_220 = arith.subf %sub3A_219, %convert_element_type3A_218 : f32
    %reduce_sum3A_221 = arith.constant dense<0.000000e+00> : vector<128xf32>
    %reduce_sum3A_222 = vector.multi_reduction <add>, %square3A_217, %reduce_sum3A_221 [0] : vector<10000x128xf32> to vector<128xf32>
    %div3A_223 = vector.broadcast %sub3A_220 : f32 to vector<128xf32>
    %div3A_224 = arith.divf %reduce_sum3A_222, %div3A_223 : vector<128xf32>
    %gt3A_225 = arith.constant 0.000000e+00 : f32
    %gt3A_226 = arith.cmpf ogt, %sub3A_220, %gt3A_225 : f32
    %jit3A_227 = arith.constant 0x7FC00000 : f32
    %broadcast_in_dim3A_228 = vector.broadcast %jit3A_227 : f32 to vector<128xf32>
    %select_n3A_229 = arith.select %gt3A_226, %div3A_224, %broadcast_in_dim3A_228 : vector<128xf32>
    %broadcast_in_dim3A_230 = vector.shape_cast %div3A_207 : vector<128xf32> to vector<1x128xf32>
    %sub3A_231 = vector.broadcast %broadcast_in_dim3A_230 : vector<1x128xf32> to vector<10000x128xf32>
    %sub3A_232 = arith.subf %get3A_194, %sub3A_231 : vector<10000x128xf32>
    %mul3A_233 = vector.broadcast %slice3A_198 : vector<1x128xf32> to vector<10000x128xf32>
    %mul3A_234 = arith.mulf %mul3A_233, %sub3A_232 : vector<10000x128xf32>
    %add3A_235 = arith.constant 9.99999974E-6 : f32
    %add3A_236 = vector.broadcast %add3A_235 : f32 to vector<128xf32>
    %add3A_237 = arith.addf %select_n3A_229, %add3A_236 : vector<128xf32>
    %sqrt3A_238 = math.sqrt %add3A_237 : vector<128xf32>
    %broadcast_in_dim3A_239 = vector.shape_cast %sqrt3A_238 : vector<128xf32> to vector<1x128xf32>
    %div3A_240 = vector.broadcast %broadcast_in_dim3A_239 : vector<1x128xf32> to vector<10000x128xf32>
    %div3A_241 = arith.divf %mul3A_234, %div3A_240 : vector<10000x128xf32>
    %add3A_242 = vector.broadcast %slice3A_202 : vector<1x128xf32> to vector<10000x128xf32>
    %add3A_243 = arith.addf %div3A_241, %add3A_242 : vector<10000x128xf32>
    %dot_general3A_244 = arith.constant dense<0.000000e+00> : vector<64x128xf32>
    %dot_general3A_245 = tpu.matmul %convert_element_type3A_3, %add3A_243, %dot_general3A_244 {dimension_numbers = #tpu.dot_dimension_numbers<[0], [0], [1], [1], [0, 1, 1, 1], [], []>, transpose_lhs_hint = false} : vector<10000x64xf32>, vector<10000x128xf32>, vector<64x128xf32> -> vector<64x128xf32>
    %mul3A_246 = vector.broadcast %div3A_9 : vector<64x1xf32> to vector<64x128xf32>
    %mul3A_247 = arith.mulf %dot_general3A_245, %mul3A_246 : vector<64x128xf32>
    %get3A_248 = arith.constant 0 : index
    %get3A_249 = arith.constant 0 : index
    %get3A_250 = vector.load %arg7[%get3A_248, %get3A_249] : memref<512x256xf32, #tpu.memory_space<vmem>>, vector<512x256xf32>
    %slice3A_251 = vector.extract_strided_slice %get3A_250 {offsets = [384, 0], sizes = [128, 256], strides = [1, 1]} : vector<512x256xf32> to vector<128x256xf32>
    %dot_general3A_252 = arith.constant dense<0.000000e+00> : vector<64x256xf32>
    %dot_general3A_253 = tpu.matmul %mul3A_247, %slice3A_251, %dot_general3A_252 {dimension_numbers = #tpu.dot_dimension_numbers<[1], [0], [0], [1], [0, 0, 1, 1], [], []>, transpose_lhs_hint = false} : vector<64x128xf32>, vector<128x256xf32>, vector<64x256xf32> -> vector<64x256xf32>
    %add3A_254 = arith.addf %add3A_191, %dot_general3A_253 : vector<64x256xf32>
    %get3A_255 = arith.constant 0 : index
    %get3A_256 = arith.constant 0 : index
    %get3A_257 = vector.load %arg8[%get3A_255, %get3A_256] : memref<1x256xf32, #tpu.memory_space<vmem>>, vector<1x256xf32>
    %add3A_258 = vector.broadcast %get3A_257 : vector<1x256xf32> to vector<64x256xf32>
    %add3A_259 = arith.addf %add3A_254, %add3A_258 : vector<64x256xf32>
    %max3A_260 = arith.constant 0.000000e+00 : f32
    %max3A_261 = vector.broadcast %max3A_260 : f32 to vector<64x256xf32>
    %max3A_262 = arith.maximumf %add3A_259, %max3A_261 : vector<64x256xf32>
    %get3A_263 = arith.constant 0 : index
    %get3A_264 = arith.constant 0 : index
    %get3A_265 = vector.load %arg9[%get3A_263, %get3A_264] : memref<256x31xf32, #tpu.memory_space<vmem>>, vector<256x31xf32>
    %dot_general3A_266 = arith.constant dense<0.000000e+00> : vector<64x31xf32>
    %dot_general3A_267 = tpu.matmul %max3A_262, %get3A_265, %dot_general3A_266 {dimension_numbers = #tpu.dot_dimension_numbers<[1], [0], [0], [1], [0, 0, 1, 1], [], []>, transpose_lhs_hint = false} : vector<64x256xf32>, vector<256x31xf32>, vector<64x31xf32> -> vector<64x31xf32>
    %get3A_268 = arith.constant 0 : index
    %get3A_269 = arith.constant 0 : index
    %get3A_270 = vector.load %arg10[%get3A_268, %get3A_269] : memref<1x31xf32, #tpu.memory_space<vmem>>, vector<1x31xf32>
    %add3A_271 = vector.broadcast %get3A_270 : vector<1x31xf32> to vector<64x31xf32>
    %add3A_272 = arith.addf %dot_general3A_267, %add3A_271 : vector<64x31xf32>
    %reduce_max3A = arith.constant dense<0xFF800000> : vector<64xf32>
    %reduce_max3A_273 = vector.multi_reduction <maximumf>, %add3A_272, %reduce_max3A [1] : vector<64x31xf32> to vector<64xf32>
    %broadcast_in_dim3A_274 = vector.shape_cast %reduce_max3A_273 : vector<64xf32> to vector<64x1xf32>
    %sub3A_275 = vector.broadcast %broadcast_in_dim3A_274 : vector<64x1xf32> to vector<64x31xf32>
    %sub3A_276 = arith.subf %add3A_272, %sub3A_275 : vector<64x31xf32>
    %exp3A = math.exp %sub3A_276 : vector<64x31xf32>
    %reduce_sum3A_277 = arith.constant dense<0.000000e+00> : vector<64xf32>
    %reduce_sum3A_278 = vector.multi_reduction <add>, %exp3A, %reduce_sum3A_277 [1] : vector<64x31xf32> to vector<64xf32>
    %broadcast_in_dim3A_279 = vector.shape_cast %reduce_sum3A_278 : vector<64xf32> to vector<64x1xf32>
    %log3A = math.log %broadcast_in_dim3A_279 : vector<64x1xf32>
    %add3A_280 = arith.addf %log3A, %broadcast_in_dim3A_274 : vector<64x1xf32>
    %sub3A_281 = vector.broadcast %add3A_280 : vector<64x1xf32> to vector<64x31xf32>
    %sub3A_282 = arith.subf %add3A_272, %sub3A_281 : vector<64x31xf32>
    %swap3A = arith.constant 0 : index
    %swap3A_283 = arith.constant 0 : index
    %swap3A_284 = vector.load %arg11[%swap3A, %swap3A_283] : memref<64x31xf32, #tpu.memory_space<vmem>>, vector<64x31xf32>
    tpu.vector_store %arg11[%swap3A, %swap3A_283], %sub3A_282 {strides = array<i32>} : memref<64x31xf32, #tpu.memory_space<vmem>>, vector<64x31xf32>,
    return
  }
}

</mosaic_0001>

<sc_bundles>
// kernel: kernel.20.cloned.1.call-start
scs
__scs_entry_jumppad:
0x0: {  	(pc) =	sbr.rel $0x88, $3  }
0x1: {  	(tag) =	ssettag $0x0;
	lr =	simm.s32 $0x1  }
0x2: {  	[smem:$0x3F8C] =	sst lr;
	_ =	strace $0xD0000000  }
0x3: {  	_ = 	snop  }
0x4: {  	_ = 	snop  }
0x5: {  	_ = 	snop  }
0x6: {  	_ = 	snop  }
0x7: {  	_ = 	snop  }
__scs_overlays_trampoline_lowered:
0x8: {  	[smem:$0x3F9B] =	sst s0  }
0x9: {  	[smem:$0x3F9C] =	sst s1  }
0xa: {  	[smem:$0x3F9D] =	sst s2  }
0xb: {  	[smem:$0x3F9E] =	sst s3  }
0xc: {  	[smem:$0x3F9F] =	sst s4  }
0xd: {  	[smem:$0x3FA0] =	sst s5  }
0xe: {  	[smem:$0x3FA1] =	sst s6  }
0xf: {  	[smem:$0x3FA2] =	sst s7  }
0x10: {  	[smem:$0x3FA3] =	sst s8  }
0x11: {  	[smem:$0x3FA4] =	sst s9;
	s0 =	simm.s32 @!p0 $0x0  }
0x12: {  	s1 =	sld [smem:$0x3F8A];
	s0 =	simm.s32 @p0 $0x1  }
0x13: {  	[smem:$0x3FA5] =	sst s0;
	s0 =	simm.s32 @!p1 $0x0  }
0x14: {  	s2 =	sld [smem:$0x3F89];
	s0 =	simm.s32 @p1 $0x1  }
0x15: {  	[smem:$0x3FA6] =	sst s0;
	s0 =	simm.s32 @!p2 $0x0  }
0x16: {  	s3 =	sld [smem:$0x3FDB];
	s0 =	simm.s32 @p2 $0x1  }
0x17: {  	s4 =	simm.s32 $0x1BF5;
	[smem:$0x3FA8] =	sst s0  }
0x18: {  	s0 =	sld [smem:$0x3F8B];
	_ =	swait.ge [sflag:s4], $0x0  }
0x19: {  	s7 =	sld [smem:$0x3F8C]  }
0x1a: {  	s8 =	sadd.s32 $0xFFFFE003, lr  }
0x1b: {  	s9 =	sadd.s32 $0xFFFFFEF7, lr;
	s5 =	simm.s32 $0xFFFFFFFF;
	p2 =	slt.u32 s8, $0xFFFFF086  }
0x1c: {  	p1 =	slt.u32 s9, $0xF7A;
	s5 =	simm.s32 @!p2 $0x0  }
0x1d: {  	s5 =	simm.s32 @p1 $0x1;
	p0 =	seq.s32 s7, s2  }
0x1e: {  	s7 =	smul.u32 @!p0 $0xF7A, s2;
	p2 =	seq.s32 @!p0 s5, $0x0  }
0x1f: {  	s9 =	smul.u32 $0xF7A, s1;
	s8 =	simm.s32 @!p0 $0x1BF5;
	p2 =	por !p2, p0  }
0x20: {  	[sflag:s8] =	ssyncset.s32 @!p0 $0xFFFFF086;
	s6 =	sadd.s32 @!p0 s3, s7;
	s7 =	simm.s32 @!p0 $0x108  }
0x21: {  	s3 =	sadd.s32 s3, s9;
	s6 =	sadd.s32 @!p0 $0x88, s6;
	s7 =	simm.s32 @p2 $0x1082  }
0x22: {  	[simem:s7], [sflag:s8] =	dma.local @!p0 [hbm:s6], $0xF7A  }
0x23: {  	s9 =	sor.u32 $0xD0000000, s2;
	s6 =	simm.s32 $0x108;
	_ =	swait.ge @!p0 [sflag:s8], $0x0  }
0x24: {  	s3 =	sadd.s32 $0x88, s3;
	s6 =	simm.s32 @!p1 $0x1082;
	[sflag:s4] =	ssyncset.s32 $0xFFFFF086  }
0x25: {  	[simem:s6], [sflag:s4] =	dma.local [hbm:s3], $0xF7A  }
0x26: {  	[smem:$0x3F8C] =	sst s1;
	(tag) =	ssettag s2;
	_ =	strace s9  }
0x27: {  	s1 =	sld [smem:$0x3F9C]  }
0x28: {  	s2 =	sld [smem:$0x3F9D]  }
0x29: {  	s4 =	sld [smem:$0x3F9F]  }
0x2a: {  	p0 =	seq.s32 s5, $0x0;
	s5 =	sld [smem:$0x3FA0]  }
0x2b: {  	s6 =	sld [smem:$0x3FA1]  }
0x2c: {  	s7 =	sld [smem:$0x3FA2]  }
0x2d: {  	s3 =	simm.s32 $0x108;
	s8 =	sld [smem:$0x3FA3]  }
0x2e: {  	s3 =	simm.s32 @!p0 $0x1082;
	s9 =	sld [smem:$0x3FA4]  }
0x2f: {  	lr =	sadd.s32 s0, s3;
	s0 =	sld [smem:$0x3F9B]  }
0x30: {  	s3 =	sld [smem:$0x3F9E]  }
0x31: {  	[smem:$0x3FA7] =	sst s10  }
0x32: {  	s10 =	sld [smem:$0x3FA5];
	_ =	sdelay $0x3  }
0x33: {  	p0 =	seq.s32 s10, $0x1;
	s10 =	sld [smem:$0x3FA7];
	_ =	sdelay $0x3  }
0x34: {  	[smem:$0x3FA7] =	sst s10  }
0x35: {  	s10 =	sld [smem:$0x3FA6];
	_ =	sdelay $0x3  }
0x36: {  	p1 =	seq.s32 s10, $0x1;
	s10 =	sld [smem:$0x3FA7];
	_ =	sdelay $0x3  }
0x37: {  	[smem:$0x3FA7] =	sst s10  }
0x38: {  	s10 =	sld [smem:$0x3FA8]  }
0x39: {  	_ = 	snop;
	(pc) =	sbr.ind lr, $3  }
0x3a: {  	_ = 	snop  }
0x3b: {  	_ = 	snop  }
0x3c: {  	p2 =	seq.s32 s10, $0x1;
	s10 =	sld [smem:$0x3FA7]  }
0x3d: {  	_ =	shalt  }
0x3e: {  	_ =	shalt  }
0x3f: {  	_ =	shalt  }
0x40: {  	_ =	shalt  }
0x41: {  	_ =	shalt  }
0x42: {  	_ =	shalt  }
0x43: {  	_ =	shalt  }
0x44: {  	_ =	shalt  }
0x45: {  	_ =	shalt  }
0x46: {  	_ =	shalt  }
0x47: {  	_ =	shalt  }
0x48: {  	_ =	shalt  }
0x49: {  	_ =	shalt  }
0x4a: {  	_ =	shalt  }
0x4b: {  	_ =	shalt  }
0x4c: {  	_ =	shalt  }
0x4d: {  	_ =	shalt  }
0x4e: {  	_ =	shalt  }
0x4f: {  	_ =	shalt  }
0x50: {  	_ =	shalt  }
0x51: {  	_ =	shalt  }
0x52: {  	_ =	shalt  }
0x53: {  	_ =	shalt  }
0x54: {  	_ =	shalt  }
0x55: {  	_ =	shalt  }
0x56: {  	_ =	shalt  }
0x57: {  	_ =	shalt  }
0x58: {  	_ =	shalt  }
0x59: {  	_ =	shalt  }
0x5a: {  	_ =	shalt  }
0x5b: {  	_ =	shalt  }
0x5c: {  	_ =	shalt  }
0x5d: {  	_ =	shalt  }
0x5e: {  	_ =	shalt  }
0x5f: {  	_ =	shalt  }
0x60: {  	_ =	shalt  }
0x61: {  	_ =	shalt  }
0x62: {  	_ =	shalt  }
0x63: {  	_ =	shalt  }
0x64: {  	_ =	shalt  }
0x65: {  	_ =	shalt  }
0x66: {  	_ =	shalt  }
0x67: {  	_ =	shalt  }
0x68: {  	_ =	shalt  }
0x69: {  	_ =	shalt  }
0x6a: {  	_ =	shalt  }
0x6b: {  	_ =	shalt  }
0x6c: {  	_ =	shalt  }
0x6d: {  	_ =	shalt  }
0x6e: {  	_ =	shalt  }
0x6f: {  	_ =	shalt  }
0x70: {  	_ =	shalt  }
0x71: {  	_ =	shalt  }
0x72: {  	_ =	shalt  }
0x73: {  	_ =	shalt  }
0x74: {  	_ =	shalt  }
0x75: {  	_ =	shalt  }
0x76: {  	_ =	shalt  }
0x77: {  	_ =	shalt  }
0x78: {  	_ =	shalt  }
0x79: {  	_ =	shalt  }
0x7a: {  	_ =	shalt  }
0x7b: {  	_ =	shalt  }
0x7c: {  	_ =	shalt  }
0x7d: {  	_ =	shalt  }
0x7e: {  	_ =	shalt  }
0x7f: {  	_ =	shalt  }
0x80: {  	_ =	shalt  }
0x81: {  	_ =	shalt  }
0x82: {  	_ =	shalt  }
0x83: {  	_ =	shalt  }
0x84: {  	_ =	shalt  }
0x85: {  	_ =	shalt  }
0x86: {  	_ =	shalt  }
0x87: {  	_ =	shalt  }
.Lfunc_end0:
.L_simem_size_0:
called_computation_lowered:
.L_overlay_start_0:
0x88: {  	s2 =	sld [smem:$0x3FD9]  }
0x89: {  	s3 =	sld [smem:$0x3FFE];
	_ =	sdelay $0x1  }
0x8a: {  	s1 =	srdreg.scid  }
0x8b: {  	s0 =	sand.u32 $0x1, s1  }
0x8c: {  	s16 =	sshll.u32 s0, $0xA;
	s2 =	sadd.s32 s3, s2  }
0x8d: {  	s2 =	sadd.s32 s2, s16  }
0x8e: {  	[smem:$0x3FB3] =	sst s2  }
0x8f: {  	_ = 	snop  }
0x90: {  	(tm) =	ssettm $0x1  }
0x91: {  	s17 =	sld [smem:$0x3FFB];
	_ =	sdelay $0x3  }
0x92: {  	_ =	strace s17  }
0x93: {  	s2 =	sld [smem:$0x3FFC];
	_ =	sdelay $0x3  }
0x94: {  	_ =	strace s2  }
0x95: {  	s2 =	sld [smem:$0x3FFD];
	_ =	sdelay $0x3  }
0x96: {  	_ =	strace s2  }
0x97: {  	_ =	strace $0x8FFFFFFF  }
0x98: {  	s18 =	sld [smem:$0x3FDB];
	_ =	sdelay $0x1  }
0x99: {  	s19 =	simm.s32 $_scs_section_size  }
0x9a: {  	s4 =	simm.s32 $_size__tile_overlayer_lowered;
	s5 =	simm.s32 $_tile_overlayer_lowered  }
0x9b: {  	s22 =	simm.s32 $0x1BFF;
	s21 =	sshll.u32 s5, $0x1;
	s2 =	sadd.s32 s19, s18  }
0x9c: {  	s6 =	simm.s32 $0x0;
	s20 =	sshll.u32 s4, $0x1;
	s4 =	sadd.s32 s21, s2  }
0x9d: {  	[timem:s6], [sflag:s22] =	dma.local [hbm:s4], s20  }
0x9e: {  	_ =	swait.ge [sflag:s22], s20  }
0x9f: {  	s3 =	ssub.s32 $0x0, s20;
	[sflag:s22] =	ssyncset.done $0x0  }
0xa0: {  	[sflag:s22] =	ssyncadd.s32 s3;
	_ =	sdelay $0x1  }
0xa1: {  	s23 =	simm.s32 $0x1B8B  }
0xa2: {  	_ =	swait.ge [sflag:s23], $0x1  }
0xa3: {  	[sflag:s23] =	ssyncset.done $0x0  }
0xa4: {  	s25 =	simm.s32 $0x1B8E;
	s24 =	sld [smem:$0x3FFE];
	[sflag:s23] =	ssyncadd.s32 $0xFFFFFFFF  }
0xa5: {  	s26 =	simm.s32 $execute0_lowered;
	[smem:$0x3FD2] =	sst s25  }
0xa6: {  	s4 =	sshll.u32 s26, $0x1;
	_ =	strace $0x80000046;
	[dreg:$0x1] =	wrdreg $0xFFFFFFFF  }
0xa7: {  	s28 =	simm.s32 $_size_execute0_lowered;
	s2 =	sadd.s32 s2, s4;
	[dreg:$0x0] =	wrdreg $0x0  }
0xa8: {  	s4 =	sshll.u32 s28, $0x1;
	[dreg:$0x2] =	wrdreg s2  }
0xa9: {  	[dreg:$0x3] =	wrdreg s4  }
0xaa: {  	[dreg:$0x4] =	wrdreg $0xC0  }
0xab: {  	_ =	task [dreg:s6], $0x5FFFF  }
0xac: {  	[dreg:$0x1] =	wrdreg $0xFFFFFFFF  }
0xad: {  	[dreg:$0x0] =	wrdreg $0x60  }
0xae: {  	[dreg:$0x2] =	wrdreg s24  }
0xaf: {  	[dreg:$0x3] =	wrdreg $0x9  }
0xb0: {  	_ =	task.clear_ibuf [dreg:s6], $0x4FFFF;
	_ =	strace $0x90000046  }
0xb1: {  	s29 =	simm.s32 $0x9;
	_ =	strace $0x80000048  }
0xb2: {  	_ =	swait.ge [sflag:s29], $0x1  }
0xb3: {  	[sflag:s29] =	ssyncadd.s32 $0xFFFFFFFF  }
0xb4: {  	_ =	strace $0x90000048  }
0xb5: {  	_ =	sfence  }
0xb6: {  	s30 =	sld [smem:$0x0];
	_ =	sdelay $0x2  }
0xb7: {  	s31 =	sshll.u32 s1, $0xD;
	s1 =	sshrl.u32 s1, $0x2  }
0xb8: {  	s3 =	sand.u32 $0x4000, s31;
	s1 =	sadd.s32 s1, s30  }
0xb9: {  	s0 =	sor.u32 s3, s0;
	s1 =	sshll.u32 s1, $0x11  }
0xba: {  	s0 =	sor.u32 s1, s0  }
0xbb: {  	s0 =	sadd.s32 $0x8F2B, s0  }
0xbc: {  	[sflag:s0] =	ssyncadd.remote.s32 $0x1  }
0xbd: {  	_ =	sfence.sel $0xFFFF  }
0xbe: {  	[dreg:$0x0] =	wrdreg $0xFFFFFFFF;
	(pc) =	sbr.abs _section_cstart, $3  }
0xbf: {  	[dreg:$0x1] =	wrdreg $0xFFFFFFFF  }
0xc0: {  	_ =	task.clear_ibuf [dreg:s6], $0x2FFFF;
	_ =	strace $0x9FFFFFFF  }
0xc1: {  	(tm) =	ssettm $0x7FFFFFFF  }
tec
execute0_lowered:
.L_overlay_start_1:
0x0: {  	(tag) =	ssettag $0x1  }
0x1: {  	s0 =	stileid.u32  }
0x2: {  	s1 =	srdreg.scid;
	s4 =	rddreg [dreg:$0x0];
	s2 =	simm.s32 $0x0  }
0x3: {  	s3 =	sand.u32 $0x1, s1;
	s30 =	sshll.u32 s0, $0x1;
	s1 =	rddreg [dreg:$0x1]  }
0x4: {  	s5 =	smul.u32 $0xA20, s0;
	[smem:$0x7FF] =	sst s2;
	s6 =	sor.u32 s3, s30  }
0x5: {  	s7 =	ssub.s32 $0x2, s3;
	s3 =	smul.u32 $0x510, s3;
	_ =	strace $0x80000047  }
0x6: {  	s6 =	smul.u32 $0x4F0, s6;
	s5 =	sadd.s32 s5, s4;
	s8 =	sshrl.u32 s7, $0x1  }
0x7: {  	s31 =	ssub.s32 s7, s8;
	s5 =	sadd.s32 s3, s5;
	s7 =	simm.s32 $0x1  }
0x8: {  	s8 =	simm.s32 $0x0;
	s4 =	sadd.s32 s6, s4;
	s5 =	sadd.s32 $0x2C00, s5  }
0x9: {  	v0 =	vimm.f32 $0.0e+00;
	v1 =	vimm.f32 $1.000000000e+00;
	s6 =	simm.s32 $0x2780;
	s3 =	sadd.s32 $0xCE00, s4;
	s4 =	smax.u32 s31, $0x1  }
.LBB2_1:
0xa: {  	s9 =	simm.s32 $0x0  }
.LBB2_2:
0xb: {  	p0 =	sne.s32 s9, $0x9DC0  }
.Ltmp0:
0xc: {  	_ = 	snop;
	(pc) =	sbr.rel @p0 .LBB2_2-.Ltmp0, $3  }
0xd: {  	_ =	sdelay $0x1  }
0xe: {  	s10 =	sshra.s32 s9, $0x2  }
0xf: {  	s9 =	sadd.s32 $0x40, s9;
	[tilespmem:s10+$0x0] =	vst v0  }
0x10: {  	s9 =	simm.s32 $0x0  }
.LBB2_4:
0x11: {  	s10 =	sadd.s32 s9, s5  }
0x12: {  	[tilespmem:s6], [sflag:$0x1] =	stream.linear.gather [hbm4b:s10+s2], $0x80, $0x38;
	[tilespmem:$0x2800] =	vst v63  }
0x13: {  	_ =	swait.ge [sflag:s7], $0x80  }
0x14: {  	[sflag:s7] =	ssyncset.done $0x0  }
0x15: {  	[sflag:s7] =	ssyncadd.s32 $0xFFFFFF80  }
0x16: {  	v2 =	vld [tilespmem:$0x2780];
	_ =	sdelay $0x7  }
0x17: {  	[tilespmem:v2+s2+$0x0] =	vst.idx.add.f32.msk $0xffff, v1  }
0x18: {  	v2 =	vld [tilespmem:$0x2790];
	_ =	sdelay $0x7  }
0x19: {  	[tilespmem:v2+s2+$0x0] =	vst.idx.add.f32.msk $0xffff, v1  }
0x1a: {  	v2 =	vld [tilespmem:$0x27A0];
	_ =	sdelay $0x7  }
0x1b: {  	[tilespmem:v2+s2+$0x0] =	vst.idx.add.f32.msk $0xffff, v1  }
0x1c: {  	v2 =	vld [tilespmem:$0x27B0];
	_ =	sdelay $0x7  }
0x1d: {  	[tilespmem:v2+s2+$0x0] =	vst.idx.add.f32.msk $0xffff, v1  }
0x1e: {  	v2 =	vld [tilespmem:$0x27C0];
	_ =	sdelay $0x7  }
0x1f: {  	[tilespmem:v2+s2+$0x0] =	vst.idx.add.f32.msk $0xffff, v1  }
0x20: {  	v2 =	vld [tilespmem:$0x27D0];
	_ =	sdelay $0x7  }
0x21: {  	[tilespmem:v2+s2+$0x0] =	vst.idx.add.f32.msk $0xffff, v1  }
0x22: {  	v2 =	vld [tilespmem:$0x27E0];
	_ =	sdelay $0x7  }
0x23: {  	[tilespmem:v2+s2+$0x0] =	vst.idx.add.f32.msk $0xffff, v1  }
0x24: {  	v2 =	vld [tilespmem:$0x27F0];
	_ =	sdelay $0x2  }
0x25: {  	p0 =	sne.s32 s9, $0x500  }
.Ltmp1:
0x26: {  	_ = 	snop;
	(pc) =	sbr.rel @p0 .LBB2_4-.Ltmp1, $2  }
0x27: {  	_ =	sdelay $0x2  }
0x28: {  	s9 =	sadd.s32 $0x10, s9;
	[tilespmem:v2+s2+$0x0] =	vst.idx.add.f32.msk $0xffff, v1  }
0x29: {  	s8 =	sadd.s32 $0x1, s8  }
0x2a: {  	p0 =	sne.s32 s8, s4  }
.Ltmp2:
0x2b: {  	_ = 	snop;
	(pc) =	sbr.rel @p0 .LBB2_1-.Ltmp2, $4  }
0x2c: {  	[hbm4b:s3+s2] =	stream.linear.scatter [tilespmem:s2], [sflag:$0x1], $0x2780, $0x38;
	[tilespmem:$0x2800] =	vst v63  }
0x2d: {  	_ =	swait.ge [sflag:s7], $0x2780  }
0x2e: {  	[sflag:s7] =	ssyncset.done $0x0  }
0x2f: {  	[sflag:s7] =	ssyncadd.s32 $0xFFFFD880  }
0x30: {  	_ =	sfence.sel $0x180000  }
0x31: {  	[bflag:$0x0] =	sbarrier.arrive $0xFFFF  }
0x32: {  	p0 =	sne.s32 s0, $0x0;
	_ =	strace $0x90000047  }
0x33: {  	s0 =	sadd.s32 @!p0 $0x100000, s1;
	[bflag:$0x2] =	sbarrier.arrive $0xFFFF  }
0x34: {  	[sflag:s0] =	ssyncadd.tile.s32 @!p0 $0x1;
	_ =	shalt  }
.Lfunc_end2:
_tile_overlayer_lowered:
.L_overlay_start_2:
0x35: {  	(tag) =	ssettag $0x2  }
0x36: {  	s0 =	rddreg [dreg:$0x0];
	s2 =	stileid.u32  }
0x37: {  	s1 =	rddreg [dreg:$0x1];
	p0 =	sne.s32 s2, $0x0  }
0x38: {  	s3 =	rddreg [dreg:$0x2];
	[bflag:$0x3] =	sbarrier.arrive $0xFFFF;
	s2 =	simm.s32 @!p0 $0x1C01  }
0x39: {  	[timem:s3], [sflag:s2] =	dma.local @!p0 [hbm:s0], s1  }
0x3a: {  	s0 =	simm.s32 @!p0 $0x1  }
0x3b: {  	_ =	swait.ge @!p0 [sflag:s0], s1  }
0x3c: {  	s1 =	ssub.s32 @!p0 $0x0, s1;
	[sflag:s0] =	ssyncset.done @!p0 $0x0  }
0x3d: {  	[sflag:s0] =	ssyncadd.s32 @!p0 s1  }
0x3e: {  	[bflag:$0x3] =	sbarrier.arrive $0xFFFF  }
0x3f: {  	_ =	shalt  }

// kernel: kernel.23.cloned.1.call-start
scs
__scs_entry_jumppad:
0x0: {  	(pc) =	sbr.rel $0x88, $3  }
0x1: {  	(tag) =	ssettag $0x0;
	lr =	simm.s32 $0x1  }
0x2: {  	[smem:$0x3F8C] =	sst lr;
	_ =	strace $0xD0000000  }
0x3: {  	_ = 	snop  }
0x4: {  	_ = 	snop  }
0x5: {  	_ = 	snop  }
0x6: {  	_ = 	snop  }
0x7: {  	_ = 	snop  }
__scs_overlays_trampoline_lowered:
0x8: {  	[smem:$0x3F9B] =	sst s0  }
0x9: {  	[smem:$0x3F9C] =	sst s1  }
0xa: {  	[smem:$0x3F9D] =	sst s2  }
0xb: {  	[smem:$0x3F9E] =	sst s3  }
0xc: {  	[smem:$0x3F9F] =	sst s4  }
0xd: {  	[smem:$0x3FA0] =	sst s5  }
0xe: {  	[smem:$0x3FA1] =	sst s6  }
0xf: {  	[smem:$0x3FA2] =	sst s7  }
0x10: {  	[smem:$0x3FA3] =	sst s8  }
0x11: {  	[smem:$0x3FA4] =	sst s9;
	s0 =	simm.s32 @!p0 $0x0  }
0x12: {  	s1 =	sld [smem:$0x3F8A];
	s0 =	simm.s32 @p0 $0x1  }
0x13: {  	[smem:$0x3FA5] =	sst s0;
	s0 =	simm.s32 @!p1 $0x0  }
0x14: {  	s2 =	sld [smem:$0x3F89];
	s0 =	simm.s32 @p1 $0x1  }
0x15: {  	[smem:$0x3FA6] =	sst s0;
	s0 =	simm.s32 @!p2 $0x0  }
0x16: {  	s3 =	sld [smem:$0x3FDB];
	s0 =	simm.s32 @p2 $0x1  }
0x17: {  	s4 =	simm.s32 $0x1BF5;
	[smem:$0x3FA8] =	sst s0  }
0x18: {  	s0 =	sld [smem:$0x3F8B];
	_ =	swait.ge [sflag:s4], $0x0  }
0x19: {  	s7 =	sld [smem:$0x3F8C]  }
0x1a: {  	s8 =	sadd.s32 $0xFFFFE003, lr  }
0x1b: {  	s9 =	sadd.s32 $0xFFFFFEF7, lr;
	s5 =	simm.s32 $0xFFFFFFFF;
	p2 =	slt.u32 s8, $0xFFFFF086  }
0x1c: {  	p1 =	slt.u32 s9, $0xF7A;
	s5 =	simm.s32 @!p2 $0x0  }
0x1d: {  	s5 =	simm.s32 @p1 $0x1;
	p0 =	seq.s32 s7, s2  }
0x1e: {  	s7 =	smul.u32 @!p0 $0xF7A, s2;
	p2 =	seq.s32 @!p0 s5, $0x0  }
0x1f: {  	s9 =	smul.u32 $0xF7A, s1;
	s8 =	simm.s32 @!p0 $0x1BF5;
	p2 =	por !p2, p0  }
0x20: {  	[sflag:s8] =	ssyncset.s32 @!p0 $0xFFFFF086;
	s6 =	sadd.s32 @!p0 s3, s7;
	s7 =	simm.s32 @!p0 $0x108  }
0x21: {  	s3 =	sadd.s32 s3, s9;
	s6 =	sadd.s32 @!p0 $0x88, s6;
	s7 =	simm.s32 @p2 $0x1082  }
0x22: {  	[simem:s7], [sflag:s8] =	dma.local @!p0 [hbm:s6], $0xF7A  }
0x23: {  	s9 =	sor.u32 $0xD0000000, s2;
	s6 =	simm.s32 $0x108;
	_ =	swait.ge @!p0 [sflag:s8], $0x0  }
0x24: {  	s3 =	sadd.s32 $0x88, s3;
	s6 =	simm.s32 @!p1 $0x1082;
	[sflag:s4] =	ssyncset.s32 $0xFFFFF086  }
0x25: {  	[simem:s6], [sflag:s4] =	dma.local [hbm:s3], $0xF7A  }
0x26: {  	[smem:$0x3F8C] =	sst s1;
	(tag) =	ssettag s2;
	_ =	strace s9  }
0x27: {  	s1 =	sld [smem:$0x3F9C]  }
0x28: {  	s2 =	sld [smem:$0x3F9D]  }
0x29: {  	s4 =	sld [smem:$0x3F9F]  }
0x2a: {  	p0 =	seq.s32 s5, $0x0;
	s5 =	sld [smem:$0x3FA0]  }
0x2b: {  	s6 =	sld [smem:$0x3FA1]  }
0x2c: {  	s7 =	sld [smem:$0x3FA2]  }
0x2d: {  	s3 =	simm.s32 $0x108;
	s8 =	sld [smem:$0x3FA3]  }
0x2e: {  	s3 =	simm.s32 @!p0 $0x1082;
	s9 =	sld [smem:$0x3FA4]  }
0x2f: {  	lr =	sadd.s32 s0, s3;
	s0 =	sld [smem:$0x3F9B]  }
0x30: {  	s3 =	sld [smem:$0x3F9E]  }
0x31: {  	[smem:$0x3FA7] =	sst s10  }
0x32: {  	s10 =	sld [smem:$0x3FA5];
	_ =	sdelay $0x3  }
0x33: {  	p0 =	seq.s32 s10, $0x1;
	s10 =	sld [smem:$0x3FA7];
	_ =	sdelay $0x3  }
0x34: {  	[smem:$0x3FA7] =	sst s10  }
0x35: {  	s10 =	sld [smem:$0x3FA6];
	_ =	sdelay $0x3  }
0x36: {  	p1 =	seq.s32 s10, $0x1;
	s10 =	sld [smem:$0x3FA7];
	_ =	sdelay $0x3  }
0x37: {  	[smem:$0x3FA7] =	sst s10  }
0x38: {  	s10 =	sld [smem:$0x3FA8]  }
0x39: {  	_ = 	snop;
	(pc) =	sbr.ind lr, $3  }
0x3a: {  	_ = 	snop  }
0x3b: {  	_ = 	snop  }
0x3c: {  	p2 =	seq.s32 s10, $0x1;
	s10 =	sld [smem:$0x3FA7]  }
0x3d: {  	_ =	shalt  }
0x3e: {  	_ =	shalt  }
0x3f: {  	_ =	shalt  }
0x40: {  	_ =	shalt  }
0x41: {  	_ =	shalt  }
0x42: {  	_ =	shalt  }
0x43: {  	_ =	shalt  }
0x44: {  	_ =	shalt  }
0x45: {  	_ =	shalt  }
0x46: {  	_ =	shalt  }
0x47: {  	_ =	shalt  }
0x48: {  	_ =	shalt  }
0x49: {  	_ =	shalt  }
0x4a: {  	_ =	shalt  }
0x4b: {  	_ =	shalt  }
0x4c: {  	_ =	shalt  }
0x4d: {  	_ =	shalt  }
0x4e: {  	_ =	shalt  }
0x4f: {  	_ =	shalt  }
0x50: {  	_ =	shalt  }
0x51: {  	_ =	shalt  }
0x52: {  	_ =	shalt  }
0x53: {  	_ =	shalt  }
0x54: {  	_ =	shalt  }
0x55: {  	_ =	shalt  }
0x56: {  	_ =	shalt  }
0x57: {  	_ =	shalt  }
0x58: {  	_ =	shalt  }
0x59: {  	_ =	shalt  }
0x5a: {  	_ =	shalt  }
0x5b: {  	_ =	shalt  }
0x5c: {  	_ =	shalt  }
0x5d: {  	_ =	shalt  }
0x5e: {  	_ =	shalt  }
0x5f: {  	_ =	shalt  }
0x60: {  	_ =	shalt  }
0x61: {  	_ =	shalt  }
0x62: {  	_ =	shalt  }
0x63: {  	_ =	shalt  }
0x64: {  	_ =	shalt  }
0x65: {  	_ =	shalt  }
0x66: {  	_ =	shalt  }
0x67: {  	_ =	shalt  }
0x68: {  	_ =	shalt  }
0x69: {  	_ =	shalt  }
0x6a: {  	_ =	shalt  }
0x6b: {  	_ =	shalt  }
0x6c: {  	_ =	shalt  }
0x6d: {  	_ =	shalt  }
0x6e: {  	_ =	shalt  }
0x6f: {  	_ =	shalt  }
0x70: {  	_ =	shalt  }
0x71: {  	_ =	shalt  }
0x72: {  	_ =	shalt  }
0x73: {  	_ =	shalt  }
0x74: {  	_ =	shalt  }
0x75: {  	_ =	shalt  }
0x76: {  	_ =	shalt  }
0x77: {  	_ =	shalt  }
0x78: {  	_ =	shalt  }
0x79: {  	_ =	shalt  }
0x7a: {  	_ =	shalt  }
0x7b: {  	_ =	shalt  }
0x7c: {  	_ =	shalt  }
0x7d: {  	_ =	shalt  }
0x7e: {  	_ =	shalt  }
0x7f: {  	_ =	shalt  }
0x80: {  	_ =	shalt  }
0x81: {  	_ =	shalt  }
0x82: {  	_ =	shalt  }
0x83: {  	_ =	shalt  }
0x84: {  	_ =	shalt  }
0x85: {  	_ =	shalt  }
0x86: {  	_ =	shalt  }
0x87: {  	_ =	shalt  }
.Lfunc_end0:
.L_simem_size_0:
called_computation.1_lowered:
.L_overlay_start_0:
0x88: {  	s2 =	sld [smem:$0x3FD9]  }
0x89: {  	s3 =	sld [smem:$0x3FFE];
	_ =	sdelay $0x1  }
0x8a: {  	s1 =	srdreg.scid  }
0x8b: {  	s0 =	sand.u32 $0x1, s1  }
0x8c: {  	s16 =	sshll.u32 s0, $0xA;
	s2 =	sadd.s32 s3, s2  }
0x8d: {  	s2 =	sadd.s32 s2, s16  }
0x8e: {  	[smem:$0x3FB3] =	sst s2  }
0x8f: {  	_ = 	snop  }
0x90: {  	(tm) =	ssettm $0x1  }
0x91: {  	s17 =	sld [smem:$0x3FFB];
	_ =	sdelay $0x3  }
0x92: {  	_ =	strace s17  }
0x93: {  	s2 =	sld [smem:$0x3FFC];
	_ =	sdelay $0x3  }
0x94: {  	_ =	strace s2  }
0x95: {  	s2 =	sld [smem:$0x3FFD];
	_ =	sdelay $0x3  }
0x96: {  	_ =	strace s2  }
0x97: {  	_ =	strace $0x8FFFFFFF  }
0x98: {  	s18 =	sld [smem:$0x3FDB];
	_ =	sdelay $0x1  }
0x99: {  	s19 =	simm.s32 $_scs_section_size  }
0x9a: {  	s4 =	simm.s32 $_size__tile_overlayer_lowered;
	s5 =	simm.s32 $_tile_overlayer_lowered  }
0x9b: {  	s22 =	simm.s32 $0x1BFF;
	s21 =	sshll.u32 s5, $0x1;
	s2 =	sadd.s32 s19, s18  }
0x9c: {  	s6 =	simm.s32 $0x0;
	s20 =	sshll.u32 s4, $0x1;
	s4 =	sadd.s32 s21, s2  }
0x9d: {  	[timem:s6], [sflag:s22] =	dma.local [hbm:s4], s20  }
0x9e: {  	_ =	swait.ge [sflag:s22], s20  }
0x9f: {  	s3 =	ssub.s32 $0x0, s20;
	[sflag:s22] =	ssyncset.done $0x0  }
0xa0: {  	[sflag:s22] =	ssyncadd.s32 s3;
	_ =	sdelay $0x1  }
0xa1: {  	s23 =	simm.s32 $0x1B8B  }
0xa2: {  	_ =	swait.ge [sflag:s23], $0x1  }
0xa3: {  	[sflag:s23] =	ssyncset.done $0x0  }
0xa4: {  	s25 =	simm.s32 $0x1B8E;
	s24 =	sld [smem:$0x3FFE];
	[sflag:s23] =	ssyncadd.s32 $0xFFFFFFFF  }
0xa5: {  	s26 =	simm.s32 $execute0_lowered;
	[smem:$0x3FD2] =	sst s25  }
0xa6: {  	s4 =	sshll.u32 s26, $0x1;
	_ =	strace $0x80000049;
	[dreg:$0x1] =	wrdreg $0xFFFFFFFF  }
0xa7: {  	s28 =	simm.s32 $_size_execute0_lowered;
	s2 =	sadd.s32 s2, s4;
	[dreg:$0x0] =	wrdreg $0x0  }
0xa8: {  	s4 =	sshll.u32 s28, $0x1;
	[dreg:$0x2] =	wrdreg s2  }
0xa9: {  	[dreg:$0x3] =	wrdreg s4  }
0xaa: {  	[dreg:$0x4] =	wrdreg $0xC0  }
0xab: {  	_ =	task [dreg:s6], $0x5FFFF  }
0xac: {  	[dreg:$0x1] =	wrdreg $0xFFFFFFFF  }
0xad: {  	[dreg:$0x0] =	wrdreg $0x60  }
0xae: {  	[dreg:$0x2] =	wrdreg s24  }
0xaf: {  	[dreg:$0x3] =	wrdreg $0x0  }
0xb0: {  	[dreg:$0x4] =	wrdreg $0x9  }
0xb1: {  	_ =	task.clear_ibuf [dreg:s6], $0x5FFFF;
	_ =	strace $0x90000049  }
0xb2: {  	s29 =	simm.s32 $0x9;
	_ =	strace $0x8000004B  }
0xb3: {  	_ =	swait.ge [sflag:s29], $0x1  }
0xb4: {  	[sflag:s29] =	ssyncadd.s32 $0xFFFFFFFF  }
0xb5: {  	_ =	strace $0x9000004B  }
0xb6: {  	_ =	sfence  }
0xb7: {  	s30 =	sld [smem:$0x0];
	_ =	sdelay $0x2  }
0xb8: {  	s31 =	sshll.u32 s1, $0xD;
	s1 =	sshrl.u32 s1, $0x2  }
0xb9: {  	s3 =	sand.u32 $0x4000, s31;
	s1 =	sadd.s32 s1, s30  }
0xba: {  	s0 =	sor.u32 s3, s0;
	s1 =	sshll.u32 s1, $0x11  }
0xbb: {  	s0 =	sor.u32 s1, s0  }
0xbc: {  	s0 =	sadd.s32 $0x8F2B, s0  }
0xbd: {  	[sflag:s0] =	ssyncadd.remote.s32 $0x1  }
0xbe: {  	_ =	sfence.sel $0xFFFF  }
0xbf: {  	[dreg:$0x0] =	wrdreg $0xFFFFFFFF;
	(pc) =	sbr.abs _section_cstart, $3  }
0xc0: {  	[dreg:$0x1] =	wrdreg $0xFFFFFFFF  }
0xc1: {  	_ =	task.clear_ibuf [dreg:s6], $0x2FFFF;
	_ =	strace $0x9FFFFFFF  }
0xc2: {  	(tm) =	ssettm $0x7FFFFFFF  }
0xc3: {  	_ =	shalt  }
tec
execute0_lowered:
.L_overlay_start_1:
0x0: {  	(tag) =	ssettag $0x1  }
0x1: {  	s5 =	rddreg [dreg:$0x0]  }
0x2: {  	s2 =	rddreg [dreg:$0x1]  }
0x3: {  	s0 =	rddreg [dreg:$0x2]  }
0x4: {  	s1 =	stileid.u32;
	s4 =	srdreg.scid;
	s3 =	simm.s32 $0x0  }
0x5: {  	s14 =	simm.s32 $0x80;
	s15 =	simm.s32 $0x13D00;
	s16 =	simm.s32 $0x1  }
0x6: {  	s17 =	simm.s32 $0x13C80;
	s18 =	simm.s32 $0x0;
	s6 =	smul.u32 $0xA20, s1  }
0x7: {  	s7 =	smul.u32 $0x13C00, s1;
	s8 =	sand.u32 $0x1, s4;
	[smem:$0x7FF] =	sst s3  }
0x8: {  	s4 =	sadd.s32 $0x48600, s5;
	s28 =	smul.u32 $0x4F000, s1;
	s31 =	sshll.u32 s1, $0x6  }
0x9: {  	s9 =	smul.u32 $0x13C000, s8;
	_ =	strace $0x8000004A;
	s29 =	ssub.s32 $0x2, s8  }
0xa: {  	s8 =	smul.u32 $0x510, s8;
	s10 =	sadd.s32 s6, s5;
	s30 =	sshrl.u32 s29, $0x1  }
0xb: {  	s26 =	sadd.s32 s7, s9;
	s7 =	sshrl.u32 s7, $0x3;
	s9 =	sshrl.u32 s28, $0x2  }
0xc: {  	s12 =	ssub.s32 s29, s30;
	s10 =	sadd.s32 s8, s10;
	s6 =	sshrl.u32 s26, $0x3  }
0xd: {  	s7 =	sadd.s32 s7, s5;
	s13 =	sadd.s32 s9, s2;
	s8 =	smax.u32 s12, $0x1  }
0xe: {  	s9 =	sadd.s32 $0x2C00, s10;
	s10 =	sadd.s32 $0x16C00, s10;
	s12 =	simm.s32 $0x2  }
0xf: {  	s11 =	sadd.s32 s6, s5;
	s5 =	sadd.s32 $0x20E00, s7;
	s6 =	sor.u32 $0x1C02, s31  }
0x10: {  	s7 =	sadd.s32 $0x97000, s11;
	s11 =	sshrl.u32 s13, $0x3;
	s13 =	simm.s32 $0x13C00  }
.LBB2_1:
0x11: {  	[spmem:s11], [sflag:s6] =	dma.local [hbm:s5], $0x2780  }
0x12: {  	_ =	swait.ge [sflag:s12], $0x2780  }
0x13: {  	[sflag:s12] =	ssyncset.done $0x0  }
0x14: {  	[sflag:s12] =	ssyncadd.s32 $0xFFFFD880  }
0x15: {  	s19 =	sadd.s32 $0x0, s10;
	[bflag:$0x0] =	sbarrier.arrive $0xFFFF  }
0x16: {  	[tilespmem:s13], [sflag:$0x2] =	stream.linear.gather [hbm4b:s19+s3], $0x80, $0x38;
	[tilespmem:$0x17D00] =	vst v63  }
0x17: {  	_ =	swait.ge [sflag:s12], $0x80  }
0x18: {  	[sflag:s12] =	ssyncset.done $0x0  }
0x19: {  	[sflag:s12] =	ssyncadd.s32 $0xFFFFFF80  }
0x1a: {  	[tilespmem:s15], [sflag:$0x1] =	stream.indirect.gather [hbm4b:s4+s14], $0x80, s13, s14, $0xb8;
	[tilespmem:$0x17D00] =	vst v63  }
0x1b: {  	_ =	swait.ge [sflag:s16], $0x4000  }
0x1c: {  	[sflag:s16] =	ssyncset.done $0x0  }
0x1d: {  	s31 =	sadd.s32 $0x0, s9;
	[sflag:s16] =	ssyncadd.s32 $0xFFFFC000  }
0x1e: {  	[tilespmem:s17], [sflag:$0x2] =	stream.linear.gather [hbm4b:s31+s3], $0x80, $0x38;
	[tilespmem:$0x17D00] =	vst v63  }
0x1f: {  	_ =	swait.ge [sflag:s12], $0x80  }
0x20: {  	[sflag:s12] =	ssyncset.done $0x0  }
0x21: {  	[sflag:s12] =	ssyncadd.s32 $0xFFFFFF80  }
0x22: {  	[spmem:s2] =	stream.indirect.scatter.add.f32 [tilespmem:s15], [sflag:$0x2], $0x80, s17, s14, $0xb8;
	[tilespmem:$0x17D00] =	vst v63  }
0x23: {  	_ =	swait.ge [sflag:s12], $0x4000  }
0x24: {  	s20 =	simm.s32 $0x20;
	s19 =	simm.s32 $0x10;
	[sflag:s12] =	ssyncset.done $0x0  }
.LBB2_2:
0x25: {  	s21 =	sadd.s32 s19, s10  }
0x26: {  	[sflag:s12] =	ssyncadd.s32 $0xFFFFC000;
	s22 =	smov.u32 s20;
	s23 =	sadd.s32 $0x10, s20  }
0x27: {  	[tilespmem:s13], [sflag:$0x2] =	stream.linear.gather [hbm4b:s21+s3], $0x80, $0x38;
	[tilespmem:$0x17D00] =	vst v63  }
0x28: {  	p0 =	sne.s32 s20, $0x500;
	_ =	swait.ge [sflag:s12], $0x80  }
0x29: {  	[sflag:s12] =	ssyncset.done $0x0  }
0x2a: {  	[sflag:s12] =	ssyncadd.s32 $0xFFFFFF80  }
0x2b: {  	[tilespmem:s15], [sflag:$0x1] =	stream.indirect.gather [hbm4b:s4+s14], $0x80, s13, s14, $0xb8;
	[tilespmem:$0x17D00] =	vst v63  }
0x2c: {  	_ =	swait.ge [sflag:s16], $0x4000  }
0x2d: {  	[sflag:s16] =	ssyncset.done $0x0  }
0x2e: {  	s20 =	sadd.s32 s19, s9;
	s19 =	smov.u32 s22;
	[sflag:s16] =	ssyncadd.s32 $0xFFFFC000  }
0x2f: {  	[tilespmem:s17], [sflag:$0x2] =	stream.linear.gather [hbm4b:s20+s3], $0x80, $0x38;
	[tilespmem:$0x17D00] =	vst v63  }
0x30: {  	_ =	swait.ge [sflag:s12], $0x80  }
.Ltmp0:
0x31: {  	[sflag:s12] =	ssyncset.done $0x0;
	(pc) =	sbr.rel @p0 .LBB2_2-.Ltmp0, $4  }
0x32: {  	[sflag:s12] =	ssyncadd.s32 $0xFFFFFF80  }
0x33: {  	[spmem:s2] =	stream.indirect.scatter.add.f32 [tilespmem:s15], [sflag:$0x2], $0x80, s17, s14, $0xb8;
	[tilespmem:$0x17D00] =	vst v63  }
0x34: {  	_ =	swait.ge [sflag:s12], $0x4000  }
0x35: {  	s20 =	smov.u32 s23;
	[sflag:s12] =	ssyncset.done $0x0  }
0x36: {  	s20 =	sadd.s32 s19, s10;
	[sflag:s12] =	ssyncadd.s32 $0xFFFFC000  }
0x37: {  	[tilespmem:s13], [sflag:$0x2] =	stream.linear.gather [hbm4b:s20+s3], $0x80, $0x38;
	[tilespmem:$0x17D00] =	vst v63  }
0x38: {  	_ =	swait.ge [sflag:s12], $0x80  }
0x39: {  	[sflag:s12] =	ssyncset.done $0x0  }
0x3a: {  	[sflag:s12] =	ssyncadd.s32 $0xFFFFFF80  }
0x3b: {  	[tilespmem:s15], [sflag:$0x1] =	stream.indirect.gather [hbm4b:s4+s14], $0x80, s13, s14, $0xb8;
	[tilespmem:$0x17D00] =	vst v63  }
0x3c: {  	_ =	swait.ge [sflag:s16], $0x4000  }
0x3d: {  	[sflag:s16] =	ssyncset.done $0x0  }
0x3e: {  	s31 =	sadd.s32 s19, s9;
	[sflag:s16] =	ssyncadd.s32 $0xFFFFC000  }
0x3f: {  	[tilespmem:s17], [sflag:$0x2] =	stream.linear.gather [hbm4b:s31+s3], $0x80, $0x38;
	[tilespmem:$0x17D00] =	vst v63  }
0x40: {  	_ =	swait.ge [sflag:s12], $0x80  }
0x41: {  	[sflag:s12] =	ssyncset.done $0x0  }
0x42: {  	[sflag:s12] =	ssyncadd.s32 $0xFFFFFF80  }
0x43: {  	[spmem:s2] =	stream.indirect.scatter.add.f32 [tilespmem:s15], [sflag:$0x2], $0x80, s17, s14, $0xb8;
	[tilespmem:$0x17D00] =	vst v63  }
0x44: {  	_ =	swait.ge [sflag:s12], $0x4000  }
0x45: {  	s18 =	sadd.s32 $0x1, s18;
	[sflag:s12] =	ssyncset.done $0x0  }
0x46: {  	p0 =	sne.s32 s18, s8;
	[sflag:s12] =	ssyncadd.s32 $0xFFFFC000  }
.Ltmp1:
0x47: {  	[bflag:$0x0] =	sbarrier.arrive $0xFFFF;
	(pc) =	sbr.rel @p0 .LBB2_1-.Ltmp1, $4  }
0x48: {  	[hbm:s7], [sflag:s6] =	dma.local [spmem:s11], $0x2780  }
0x49: {  	_ =	swait.ge [sflag:s12], $0x2780  }
0x4a: {  	[sflag:s12] =	ssyncset.done $0x0  }
0x4b: {  	[sflag:s12] =	ssyncadd.s32 $0xFFFFD880  }
0x4c: {  	_ =	sfence.sel $0x180000  }
0x4d: {  	[bflag:$0x0] =	sbarrier.arrive $0xFFFF  }
0x4e: {  	p0 =	sne.s32 s1, $0x0;
	_ =	strace $0x9000004A  }
0x4f: {  	s0 =	sadd.s32 @!p0 $0x100000, s0;
	[bflag:$0x2] =	sbarrier.arrive $0xFFFF  }
0x50: {  	[sflag:s0] =	ssyncadd.tile.s32 @!p0 $0x1;
	_ =	shalt  }
.Lfunc_end2:
_tile_overlayer_lowered:
.L_overlay_start_2:
0x51: {  	(tag) =	ssettag $0x2  }
0x52: {  	s0 =	rddreg [dreg:$0x0];
	s2 =	stileid.u32  }
0x53: {  	s1 =	rddreg [dreg:$0x1];
	p0 =	sne.s32 s2, $0x0  }
0x54: {  	s3 =	rddreg [dreg:$0x2];
	[bflag:$0x3] =	sbarrier.arrive $0xFFFF;
	s2 =	simm.s32 @!p0 $0x1C02  }
0x55: {  	[timem:s3], [sflag:s2] =	dma.local @!p0 [hbm:s0], s1  }
0x56: {  	s0 =	simm.s32 @!p0 $0x2  }
0x57: {  	_ =	swait.ge @!p0 [sflag:s0], s1  }
0x58: {  	s1 =	ssub.s32 @!p0 $0x0, s1;
	[sflag:s0] =	ssyncset.done @!p0 $0x0  }
0x59: {  	[sflag:s0] =	ssyncadd.s32 @!p0 s1  }
0x5a: {  	[bflag:$0x3] =	sbarrier.arrive $0xFFFF  }
0x5b: {  	_ =	shalt  }

// kernel: kernel.26.cloned.1.call-start
scs
__scs_entry_jumppad:
0x0: {  	(pc) =	sbr.rel $0x88, $3  }
0x1: {  	(tag) =	ssettag $0x0;
	lr =	simm.s32 $0x1  }
0x2: {  	[smem:$0x3F8C] =	sst lr;
	_ =	strace $0xD0000000  }
0x3: {  	_ = 	snop  }
0x4: {  	_ = 	snop  }
0x5: {  	_ = 	snop  }
0x6: {  	_ = 	snop  }
0x7: {  	_ = 	snop  }
__scs_overlays_trampoline_lowered:
0x8: {  	[smem:$0x3F9B] =	sst s0  }
0x9: {  	[smem:$0x3F9C] =	sst s1  }
0xa: {  	[smem:$0x3F9D] =	sst s2  }
0xb: {  	[smem:$0x3F9E] =	sst s3  }
0xc: {  	[smem:$0x3F9F] =	sst s4  }
0xd: {  	[smem:$0x3FA0] =	sst s5  }
0xe: {  	[smem:$0x3FA1] =	sst s6  }
0xf: {  	[smem:$0x3FA2] =	sst s7  }
0x10: {  	[smem:$0x3FA3] =	sst s8  }
0x11: {  	[smem:$0x3FA4] =	sst s9;
	s0 =	simm.s32 @!p0 $0x0  }
0x12: {  	s1 =	sld [smem:$0x3F8A];
	s0 =	simm.s32 @p0 $0x1  }
0x13: {  	[smem:$0x3FA5] =	sst s0;
	s0 =	simm.s32 @!p1 $0x0  }
0x14: {  	s2 =	sld [smem:$0x3F89];
	s0 =	simm.s32 @p1 $0x1  }
0x15: {  	[smem:$0x3FA6] =	sst s0;
	s0 =	simm.s32 @!p2 $0x0  }
0x16: {  	s3 =	sld [smem:$0x3FDB];
	s0 =	simm.s32 @p2 $0x1  }
0x17: {  	s4 =	simm.s32 $0x1BF5;
	[smem:$0x3FA8] =	sst s0  }
0x18: {  	s0 =	sld [smem:$0x3F8B];
	_ =	swait.ge [sflag:s4], $0x0  }
0x19: {  	s7 =	sld [smem:$0x3F8C]  }
0x1a: {  	s8 =	sadd.s32 $0xFFFFE003, lr  }
0x1b: {  	s9 =	sadd.s32 $0xFFFFFEF7, lr;
	s5 =	simm.s32 $0xFFFFFFFF;
	p2 =	slt.u32 s8, $0xFFFFF086  }
0x1c: {  	p1 =	slt.u32 s9, $0xF7A;
	s5 =	simm.s32 @!p2 $0x0  }
0x1d: {  	s5 =	simm.s32 @p1 $0x1;
	p0 =	seq.s32 s7, s2  }
0x1e: {  	s7 =	smul.u32 @!p0 $0xF7A, s2;
	p2 =	seq.s32 @!p0 s5, $0x0  }
0x1f: {  	s9 =	smul.u32 $0xF7A, s1;
	s8 =	simm.s32 @!p0 $0x1BF5;
	p2 =	por !p2, p0  }
0x20: {  	[sflag:s8] =	ssyncset.s32 @!p0 $0xFFFFF086;
	s6 =	sadd.s32 @!p0 s3, s7;
	s7 =	simm.s32 @!p0 $0x108  }
0x21: {  	s3 =	sadd.s32 s3, s9;
	s6 =	sadd.s32 @!p0 $0x88, s6;
	s7 =	simm.s32 @p2 $0x1082  }
0x22: {  	[simem:s7], [sflag:s8] =	dma.local @!p0 [hbm:s6], $0xF7A  }
0x23: {  	s9 =	sor.u32 $0xD0000000, s2;
	s6 =	simm.s32 $0x108;
	_ =	swait.ge @!p0 [sflag:s8], $0x0  }
0x24: {  	s3 =	sadd.s32 $0x88, s3;
	s6 =	simm.s32 @!p1 $0x1082;
	[sflag:s4] =	ssyncset.s32 $0xFFFFF086  }
0x25: {  	[simem:s6], [sflag:s4] =	dma.local [hbm:s3], $0xF7A  }
0x26: {  	[smem:$0x3F8C] =	sst s1;
	(tag) =	ssettag s2;
	_ =	strace s9  }
0x27: {  	s1 =	sld [smem:$0x3F9C]  }
0x28: {  	s2 =	sld [smem:$0x3F9D]  }
0x29: {  	s4 =	sld [smem:$0x3F9F]  }
0x2a: {  	p0 =	seq.s32 s5, $0x0;
	s5 =	sld [smem:$0x3FA0]  }
0x2b: {  	s6 =	sld [smem:$0x3FA1]  }
0x2c: {  	s7 =	sld [smem:$0x3FA2]  }
0x2d: {  	s3 =	simm.s32 $0x108;
	s8 =	sld [smem:$0x3FA3]  }
0x2e: {  	s3 =	simm.s32 @!p0 $0x1082;
	s9 =	sld [smem:$0x3FA4]  }
0x2f: {  	lr =	sadd.s32 s0, s3;
	s0 =	sld [smem:$0x3F9B]  }
0x30: {  	s3 =	sld [smem:$0x3F9E]  }
0x31: {  	[smem:$0x3FA7] =	sst s10  }
0x32: {  	s10 =	sld [smem:$0x3FA5];
	_ =	sdelay $0x3  }
0x33: {  	p0 =	seq.s32 s10, $0x1;
	s10 =	sld [smem:$0x3FA7];
	_ =	sdelay $0x3  }
0x34: {  	[smem:$0x3FA7] =	sst s10  }
0x35: {  	s10 =	sld [smem:$0x3FA6];
	_ =	sdelay $0x3  }
0x36: {  	p1 =	seq.s32 s10, $0x1;
	s10 =	sld [smem:$0x3FA7];
	_ =	sdelay $0x3  }
0x37: {  	[smem:$0x3FA7] =	sst s10  }
0x38: {  	s10 =	sld [smem:$0x3FA8]  }
0x39: {  	_ = 	snop;
	(pc) =	sbr.ind lr, $3  }
0x3a: {  	_ = 	snop  }
0x3b: {  	_ = 	snop  }
0x3c: {  	p2 =	seq.s32 s10, $0x1;
	s10 =	sld [smem:$0x3FA7]  }
0x3d: {  	_ =	shalt  }
0x3e: {  	_ =	shalt  }
0x3f: {  	_ =	shalt  }
0x40: {  	_ =	shalt  }
0x41: {  	_ =	shalt  }
0x42: {  	_ =	shalt  }
0x43: {  	_ =	shalt  }
0x44: {  	_ =	shalt  }
0x45: {  	_ =	shalt  }
0x46: {  	_ =	shalt  }
0x47: {  	_ =	shalt  }
0x48: {  	_ =	shalt  }
0x49: {  	_ =	shalt  }
0x4a: {  	_ =	shalt  }
0x4b: {  	_ =	shalt  }
0x4c: {  	_ =	shalt  }
0x4d: {  	_ =	shalt  }
0x4e: {  	_ =	shalt  }
0x4f: {  	_ =	shalt  }
0x50: {  	_ =	shalt  }
0x51: {  	_ =	shalt  }
0x52: {  	_ =	shalt  }
0x53: {  	_ =	shalt  }
0x54: {  	_ =	shalt  }
0x55: {  	_ =	shalt  }
0x56: {  	_ =	shalt  }
0x57: {  	_ =	shalt  }
0x58: {  	_ =	shalt  }
0x59: {  	_ =	shalt  }
0x5a: {  	_ =	shalt  }
0x5b: {  	_ =	shalt  }
0x5c: {  	_ =	shalt  }
0x5d: {  	_ =	shalt  }
0x5e: {  	_ =	shalt  }
0x5f: {  	_ =	shalt  }
0x60: {  	_ =	shalt  }
0x61: {  	_ =	shalt  }
0x62: {  	_ =	shalt  }
0x63: {  	_ =	shalt  }
0x64: {  	_ =	shalt  }
0x65: {  	_ =	shalt  }
0x66: {  	_ =	shalt  }
0x67: {  	_ =	shalt  }
0x68: {  	_ =	shalt  }
0x69: {  	_ =	shalt  }
0x6a: {  	_ =	shalt  }
0x6b: {  	_ =	shalt  }
0x6c: {  	_ =	shalt  }
0x6d: {  	_ =	shalt  }
0x6e: {  	_ =	shalt  }
0x6f: {  	_ =	shalt  }
0x70: {  	_ =	shalt  }
0x71: {  	_ =	shalt  }
0x72: {  	_ =	shalt  }
0x73: {  	_ =	shalt  }
0x74: {  	_ =	shalt  }
0x75: {  	_ =	shalt  }
0x76: {  	_ =	shalt  }
0x77: {  	_ =	shalt  }
0x78: {  	_ =	shalt  }
0x79: {  	_ =	shalt  }
0x7a: {  	_ =	shalt  }
0x7b: {  	_ =	shalt  }
0x7c: {  	_ =	shalt  }
0x7d: {  	_ =	shalt  }
0x7e: {  	_ =	shalt  }
0x7f: {  	_ =	shalt  }
0x80: {  	_ =	shalt  }
0x81: {  	_ =	shalt  }
0x82: {  	_ =	shalt  }
0x83: {  	_ =	shalt  }
0x84: {  	_ =	shalt  }
0x85: {  	_ =	shalt  }
0x86: {  	_ =	shalt  }
0x87: {  	_ =	shalt  }
.Lfunc_end0:
.L_simem_size_0:
called_computation.2_lowered:
.L_overlay_start_0:
0x88: {  	s2 =	sld [smem:$0x3FD9]  }
0x89: {  	s3 =	sld [smem:$0x3FFE];
	_ =	sdelay $0x1  }
0x8a: {  	s1 =	srdreg.scid  }
0x8b: {  	s0 =	sand.u32 $0x1, s1  }
0x8c: {  	s17 =	sshll.u32 s0, $0xA;
	s2 =	sadd.s32 s3, s2  }
0x8d: {  	s2 =	sadd.s32 s2, s17  }
0x8e: {  	[smem:$0x3FB3] =	sst s2  }
0x8f: {  	_ = 	snop  }
0x90: {  	(tm) =	ssettm $0x1  }
0x91: {  	s18 =	sld [smem:$0x3FFB];
	_ =	sdelay $0x3  }
0x92: {  	_ =	strace s18  }
0x93: {  	s2 =	sld [smem:$0x3FFC];
	_ =	sdelay $0x3  }
0x94: {  	_ =	strace s2  }
0x95: {  	s2 =	sld [smem:$0x3FFD];
	_ =	sdelay $0x3  }
0x96: {  	_ =	strace s2  }
0x97: {  	_ =	strace $0x8FFFFFFF  }
0x98: {  	s19 =	sld [smem:$0x3FDB];
	_ =	sdelay $0x1  }
0x99: {  	s20 =	simm.s32 $_scs_section_size  }
0x9a: {  	s4 =	simm.s32 $_size__tile_overlayer_lowered;
	s5 =	simm.s32 $_tile_overlayer_lowered  }
0x9b: {  	s6 =	simm.s32 $0x1BFF;
	s21 =	sshll.u32 s5, $0x1;
	s3 =	sadd.s32 s20, s19  }
0x9c: {  	s22 =	simm.s32 $0x0;
	s4 =	sshll.u32 s4, $0x1;
	s5 =	sadd.s32 s21, s3  }
0x9d: {  	[timem:s22], [sflag:s6] =	dma.local [hbm:s5], s4  }
0x9e: {  	_ =	swait.ge [sflag:s6], s4  }
0x9f: {  	s4 =	ssub.s32 $0x0, s4;
	[sflag:s6] =	ssyncset.done $0x0  }
0xa0: {  	[sflag:s6] =	ssyncadd.s32 s4;
	_ =	sdelay $0x1  }
0xa1: {  	s23 =	simm.s32 $0x1B8B  }
0xa2: {  	_ =	swait.ge [sflag:s23], $0x1  }
0xa3: {  	[sflag:s23] =	ssyncset.done $0x0  }
0xa4: {  	[sflag:s23] =	ssyncadd.s32 $0xFFFFFFFF  }
0xa5: {  	s4 =	sld [smem:$0x0]  }
0xa6: {  	s5 =	sand.u32 $0xFFFFFFFE, s1  }
0xa7: {  	p0 =	sne.s32 s1, s5  }
0xa8: {  	s5 =	sshll.u32 @p0 s5, $0xE  }
0xa9: {  	s5 =	sadd.s32 @p0 $0x11B8D, s5;
	s6 =	sshll.u32 @p0 s4, $0x11  }
0xaa: {  	s5 =	sor.u32 @p0 s6, s5  }
0xab: {  	[sflag:s5] =	ssyncadd.remote.s32 @p0 $0x1;
	_ =	sdelay $0x1  }
0xac: {  	s5 =	simm.s32 @p0 $0x1B8D  }
0xad: {  	_ =	swait.eq @p0 [sflag:s5], $0x1  }
0xae: {  	[sflag:s5] =	ssyncadd.s32 @p0 $0xFFFFFFFF  }
0xaf: {  	s6 =	sshll.u32 @!p0 s1, $0xE  }
0xb0: {  	s6 =	sor.u32 @!p0 $0x4000, s6;
	s5 =	simm.s32 @!p0 $0x1B8D  }
0xb1: {  	s4 =	sshll.u32 @!p0 s4, $0x11;
	s6 =	sadd.s32 @!p0 $0x11B8D, s6;
	_ =	swait.eq @!p0 [sflag:s5], $0x1  }
0xb2: {  	s4 =	sor.u32 @!p0 s4, s6;
	[sflag:s5] =	ssyncadd.s32 @!p0 $0xFFFFFFFF  }
0xb3: {  	s25 =	simm.s32 $0x1B8E;
	s24 =	sld [smem:$0x3FFE];
	[sflag:s4] =	ssyncadd.remote.s32 @!p0 $0x1  }
0xb4: {  	s26 =	simm.s32 $execute0_lowered;
	[smem:$0x3FD2] =	sst s25  }
0xb5: {  	s5 =	sshll.u32 s26, $0x1;
	_ =	strace $0x8000004F;
	[dreg:$0x1] =	wrdreg $0xFFFFFFFF  }
0xb6: {  	s28 =	simm.s32 $_size_execute0_lowered;
	s3 =	sadd.s32 s3, s5;
	[dreg:$0x0] =	wrdreg $0x0  }
0xb7: {  	s5 =	sshll.u32 s28, $0x1;
	[dreg:$0x2] =	wrdreg s3  }
0xb8: {  	[dreg:$0x3] =	wrdreg s5  }
0xb9: {  	[dreg:$0x4] =	wrdreg $0xC0  }
0xba: {  	_ =	task [dreg:s22], $0x5FFFF  }
0xbb: {  	[dreg:$0x1] =	wrdreg $0xFFFFFFFF  }
0xbc: {  	[dreg:$0x0] =	wrdreg $0x60  }
0xbd: {  	[dreg:$0x2] =	wrdreg s24  }
0xbe: {  	[dreg:$0x3] =	wrdreg $0x0  }
0xbf: {  	[dreg:$0x4] =	wrdreg $0x9  }
0xc0: {  	_ =	task.clear_ibuf [dreg:s22], $0x5FFFF;
	_ =	strace $0x9000004F  }
0xc1: {  	s29 =	simm.s32 $0x9;
	_ =	strace $0x80000051  }
0xc2: {  	_ =	swait.ge [sflag:s29], $0x1  }
0xc3: {  	[sflag:s29] =	ssyncadd.s32 $0xFFFFFFFF  }
0xc4: {  	_ =	strace $0x90000051  }
0xc5: {  	_ =	sfence  }
0xc6: {  	s30 =	sld [smem:$0x0];
	_ =	sdelay $0x2  }
0xc7: {  	s31 =	sshll.u32 s1, $0xD;
	s1 =	sshrl.u32 s1, $0x2  }
0xc8: {  	s4 =	sand.u32 $0x4000, s31;
	s1 =	sadd.s32 s1, s30  }
0xc9: {  	s0 =	sor.u32 s4, s0;
	s1 =	sshll.u32 s1, $0x11  }
0xca: {  	s0 =	sor.u32 s1, s0  }
0xcb: {  	s0 =	sadd.s32 $0x8F2B, s0  }
0xcc: {  	[sflag:s0] =	ssyncadd.remote.s32 $0x1  }
0xcd: {  	_ =	sfence.sel $0xFFFF  }
0xce: {  	[dreg:$0x0] =	wrdreg $0xFFFFFFFF;
	(pc) =	sbr.abs _section_cstart, $3  }
0xcf: {  	[dreg:$0x1] =	wrdreg $0xFFFFFFFF  }
0xd0: {  	_ =	task.clear_ibuf [dreg:s22], $0x2FFFF;
	_ =	strace $0x9FFFFFFF  }
0xd1: {  	(tm) =	ssettm $0x7FFFFFFF  }
tec
execute0_lowered:
.L_overlay_start_1:
0x0: {  	(tag) =	ssettag $0x1  }
0x1: {  	s5 =	rddreg [dreg:$0x0]  }
0x2: {  	s2 =	rddreg [dreg:$0x1]  }
0x3: {  	s0 =	rddreg [dreg:$0x2]  }
0x4: {  	s1 =	stileid.u32;
	s4 =	srdreg.scid;
	s3 =	simm.s32 $0x0  }
0x5: {  	s14 =	simm.s32 $0x80;
	s15 =	simm.s32 $0x13D00;
	s16 =	simm.s32 $0x1  }
0x6: {  	s17 =	simm.s32 $0x13C80;
	s18 =	simm.s32 $0x0;
	s6 =	smul.u32 $0xA20, s1  }
0x7: {  	s7 =	smul.u32 $0x13C00, s1;
	s8 =	sand.u32 $0x1, s4;
	[smem:$0x7FF] =	sst s3  }
0x8: {  	s4 =	sadd.s32 $0xE6000, s5;
	s28 =	smul.u32 $0x4F000, s1;
	s31 =	sshll.u32 s1, $0x6  }
0x9: {  	s9 =	smul.u32 $0x13C000, s8;
	_ =	strace $0x80000050;
	s29 =	ssub.s32 $0x2, s8  }
0xa: {  	s8 =	smul.u32 $0x510, s8;
	s10 =	sadd.s32 s6, s5;
	s30 =	sshrl.u32 s29, $0x1  }
0xb: {  	s26 =	sadd.s32 s7, s9;
	s7 =	sshrl.u32 s7, $0x3;
	s9 =	sshrl.u32 s28, $0x2  }
0xc: {  	s12 =	ssub.s32 s29, s30;
	s10 =	sadd.s32 s8, s10;
	s6 =	sshrl.u32 s26, $0x3  }
0xd: {  	s7 =	sadd.s32 s7, s5;
	s13 =	sadd.s32 s9, s2;
	s8 =	smax.u32 s12, $0x1  }
0xe: {  	s9 =	sadd.s32 $0x2C00, s10;
	s10 =	sadd.s32 $0x16C00, s10;
	s12 =	simm.s32 $0x2  }
0xf: {  	s11 =	sadd.s32 s6, s5;
	s5 =	sadd.s32 $0x20E00, s7;
	s6 =	sor.u32 $0x1C02, s31  }
0x10: {  	s7 =	sadd.s32 $0x10D200, s11;
	s11 =	sshrl.u32 s13, $0x3;
	s13 =	simm.s32 $0x13C00  }
.LBB2_1:
0x11: {  	[spmem:s11], [sflag:s6] =	dma.local [hbm:s5], $0x2780  }
0x12: {  	_ =	swait.ge [sflag:s12], $0x2780  }
0x13: {  	[sflag:s12] =	ssyncset.done $0x0  }
0x14: {  	[sflag:s12] =	ssyncadd.s32 $0xFFFFD880  }
0x15: {  	s19 =	sadd.s32 $0x0, s10;
	[bflag:$0x0] =	sbarrier.arrive $0xFFFF  }
0x16: {  	[tilespmem:s13], [sflag:$0x2] =	stream.linear.gather [hbm4b:s19+s3], $0x80, $0x38;
	[tilespmem:$0x17D00] =	vst v63  }
0x17: {  	_ =	swait.ge [sflag:s12], $0x80  }
0x18: {  	[sflag:s12] =	ssyncset.done $0x0  }
0x19: {  	[sflag:s12] =	ssyncadd.s32 $0xFFFFFF80  }
0x1a: {  	[tilespmem:s15], [sflag:$0x1] =	stream.indirect.gather [hbm4b:s4+s14], $0x80, s13, s14, $0xb8;
	[tilespmem:$0x17D00] =	vst v63  }
0x1b: {  	_ =	swait.ge [sflag:s16], $0x4000  }
0x1c: {  	[sflag:s16] =	ssyncset.done $0x0  }
0x1d: {  	s31 =	sadd.s32 $0x0, s9;
	[sflag:s16] =	ssyncadd.s32 $0xFFFFC000  }
0x1e: {  	[tilespmem:s17], [sflag:$0x2] =	stream.linear.gather [hbm4b:s31+s3], $0x80, $0x38;
	[tilespmem:$0x17D00] =	vst v63  }
0x1f: {  	_ =	swait.ge [sflag:s12], $0x80  }
0x20: {  	[sflag:s12] =	ssyncset.done $0x0  }
0x21: {  	[sflag:s12] =	ssyncadd.s32 $0xFFFFFF80  }
0x22: {  	[spmem:s2] =	stream.indirect.scatter.add.f32 [tilespmem:s15], [sflag:$0x2], $0x80, s17, s14, $0xb8;
	[tilespmem:$0x17D00] =	vst v63  }
0x23: {  	_ =	swait.ge [sflag:s12], $0x4000  }
0x24: {  	s20 =	simm.s32 $0x20;
	s19 =	simm.s32 $0x10;
	[sflag:s12] =	ssyncset.done $0x0  }
.LBB2_2:
0x25: {  	s21 =	sadd.s32 s19, s10  }
0x26: {  	[sflag:s12] =	ssyncadd.s32 $0xFFFFC000;
	s22 =	smov.u32 s20;
	s23 =	sadd.s32 $0x10, s20  }
0x27: {  	[tilespmem:s13], [sflag:$0x2] =	stream.linear.gather [hbm4b:s21+s3], $0x80, $0x38;
	[tilespmem:$0x17D00] =	vst v63  }
0x28: {  	p0 =	sne.s32 s20, $0x500;
	_ =	swait.ge [sflag:s12], $0x80  }
0x29: {  	[sflag:s12] =	ssyncset.done $0x0  }
0x2a: {  	[sflag:s12] =	ssyncadd.s32 $0xFFFFFF80  }
0x2b: {  	[tilespmem:s15], [sflag:$0x1] =	stream.indirect.gather [hbm4b:s4+s14], $0x80, s13, s14, $0xb8;
	[tilespmem:$0x17D00] =	vst v63  }
0x2c: {  	_ =	swait.ge [sflag:s16], $0x4000  }
0x2d: {  	[sflag:s16] =	ssyncset.done $0x0  }
0x2e: {  	s20 =	sadd.s32 s19, s9;
	s19 =	smov.u32 s22;
	[sflag:s16] =	ssyncadd.s32 $0xFFFFC000  }
0x2f: {  	[tilespmem:s17], [sflag:$0x2] =	stream.linear.gather [hbm4b:s20+s3], $0x80, $0x38;
	[tilespmem:$0x17D00] =	vst v63  }
0x30: {  	_ =	swait.ge [sflag:s12], $0x80  }
.Ltmp0:
0x31: {  	[sflag:s12] =	ssyncset.done $0x0;
	(pc) =	sbr.rel @p0 .LBB2_2-.Ltmp0, $4  }
0x32: {  	[sflag:s12] =	ssyncadd.s32 $0xFFFFFF80  }
0x33: {  	[spmem:s2] =	stream.indirect.scatter.add.f32 [tilespmem:s15], [sflag:$0x2], $0x80, s17, s14, $0xb8;
	[tilespmem:$0x17D00] =	vst v63  }
0x34: {  	_ =	swait.ge [sflag:s12], $0x4000  }
0x35: {  	s20 =	smov.u32 s23;
	[sflag:s12] =	ssyncset.done $0x0  }
0x36: {  	s20 =	sadd.s32 s19, s10;
	[sflag:s12] =	ssyncadd.s32 $0xFFFFC000  }
0x37: {  	[tilespmem:s13], [sflag:$0x2] =	stream.linear.gather [hbm4b:s20+s3], $0x80, $0x38;
	[tilespmem:$0x17D00] =	vst v63  }
0x38: {  	_ =	swait.ge [sflag:s12], $0x80  }
0x39: {  	[sflag:s12] =	ssyncset.done $0x0  }
0x3a: {  	[sflag:s12] =	ssyncadd.s32 $0xFFFFFF80  }
0x3b: {  	[tilespmem:s15], [sflag:$0x1] =	stream.indirect.gather [hbm4b:s4+s14], $0x80, s13, s14, $0xb8;
	[tilespmem:$0x17D00] =	vst v63  }
0x3c: {  	_ =	swait.ge [sflag:s16], $0x4000  }
0x3d: {  	[sflag:s16] =	ssyncset.done $0x0  }
0x3e: {  	s31 =	sadd.s32 s19, s9;
	[sflag:s16] =	ssyncadd.s32 $0xFFFFC000  }
0x3f: {  	[tilespmem:s17], [sflag:$0x2] =	stream.linear.gather [hbm4b:s31+s3], $0x80, $0x38;
	[tilespmem:$0x17D00] =	vst v63  }
0x40: {  	_ =	swait.ge [sflag:s12], $0x80  }
0x41: {  	[sflag:s12] =	ssyncset.done $0x0  }
0x42: {  	[sflag:s12] =	ssyncadd.s32 $0xFFFFFF80  }
0x43: {  	[spmem:s2] =	stream.indirect.scatter.add.f32 [tilespmem:s15], [sflag:$0x2], $0x80, s17, s14, $0xb8;
	[tilespmem:$0x17D00] =	vst v63  }
0x44: {  	_ =	swait.ge [sflag:s12], $0x4000  }
0x45: {  	s18 =	sadd.s32 $0x1, s18;
	[sflag:s12] =	ssyncset.done $0x0  }
0x46: {  	p0 =	sne.s32 s18, s8;
	[sflag:s12] =	ssyncadd.s32 $0xFFFFC000  }
.Ltmp1:
0x47: {  	[bflag:$0x0] =	sbarrier.arrive $0xFFFF;
	(pc) =	sbr.rel @p0 .LBB2_1-.Ltmp1, $4  }
0x48: {  	[hbm:s7], [sflag:s6] =	dma.local [spmem:s11], $0x2780  }
0x49: {  	_ =	swait.ge [sflag:s12], $0x2780  }
0x4a: {  	[sflag:s12] =	ssyncset.done $0x0  }
0x4b: {  	[sflag:s12] =	ssyncadd.s32 $0xFFFFD880  }
0x4c: {  	_ =	sfence.sel $0x180000  }
0x4d: {  	[bflag:$0x0] =	sbarrier.arrive $0xFFFF  }
0x4e: {  	p0 =	sne.s32 s1, $0x0;
	_ =	strace $0x90000050  }
0x4f: {  	s0 =	sadd.s32 @!p0 $0x100000, s0;
	[bflag:$0x2] =	sbarrier.arrive $0xFFFF  }
0x50: {  	[sflag:s0] =	ssyncadd.tile.s32 @!p0 $0x1;
	_ =	shalt  }
.Lfunc_end2:
_tile_overlayer_lowered:
.L_overlay_start_2:
0x51: {  	(tag) =	ssettag $0x2  }
0x52: {  	s0 =	rddreg [dreg:$0x0];
	s2 =	stileid.u32  }
0x53: {  	s1 =	rddreg [dreg:$0x1];
	p0 =	sne.s32 s2, $0x0  }
0x54: {  	s3 =	rddreg [dreg:$0x2];
	[bflag:$0x3] =	sbarrier.arrive $0xFFFF;
	s2 =	simm.s32 @!p0 $0x1C02  }
0x55: {  	[timem:s3], [sflag:s2] =	dma.local @!p0 [hbm:s0], s1  }
0x56: {  	s0 =	simm.s32 @!p0 $0x2  }
0x57: {  	_ =	swait.ge @!p0 [sflag:s0], s1  }
0x58: {  	s1 =	ssub.s32 @!p0 $0x0, s1;
	[sflag:s0] =	ssyncset.done @!p0 $0x0  }
0x59: {  	[sflag:s0] =	ssyncadd.s32 @!p0 s1  }
0x5a: {  	[bflag:$0x3] =	sbarrier.arrive $0xFFFF  }
0x5b: {  	_ =	shalt  }

// kernel: kernel.29.cloned.1.call-start
scs
__scs_entry_jumppad:
0x0: {  	(pc) =	sbr.rel $0x88, $3  }
0x1: {  	(tag) =	ssettag $0x0;
	lr =	simm.s32 $0x1  }
0x2: {  	[smem:$0x3F8C] =	sst lr;
	_ =	strace $0xD0000000  }
0x3: {  	_ = 	snop  }
0x4: {  	_ = 	snop  }
0x5: {  	_ = 	snop  }
0x6: {  	_ = 	snop  }
0x7: {  	_ = 	snop  }
__scs_overlays_trampoline_lowered:
0x8: {  	[smem:$0x3F9B] =	sst s0  }
0x9: {  	[smem:$0x3F9C] =	sst s1  }
0xa: {  	[smem:$0x3F9D] =	sst s2  }
0xb: {  	[smem:$0x3F9E] =	sst s3  }
0xc: {  	[smem:$0x3F9F] =	sst s4  }
0xd: {  	[smem:$0x3FA0] =	sst s5  }
0xe: {  	[smem:$0x3FA1] =	sst s6  }
0xf: {  	[smem:$0x3FA2] =	sst s7  }
0x10: {  	[smem:$0x3FA3] =	sst s8  }
0x11: {  	[smem:$0x3FA4] =	sst s9;
	s0 =	simm.s32 @!p0 $0x0  }
0x12: {  	s1 =	sld [smem:$0x3F8A];
	s0 =	simm.s32 @p0 $0x1  }
0x13: {  	[smem:$0x3FA5] =	sst s0;
	s0 =	simm.s32 @!p1 $0x0  }
0x14: {  	s2 =	sld [smem:$0x3F89];
	s0 =	simm.s32 @p1 $0x1  }
0x15: {  	[smem:$0x3FA6] =	sst s0;
	s0 =	simm.s32 @!p2 $0x0  }
0x16: {  	s3 =	sld [smem:$0x3FDB];
	s0 =	simm.s32 @p2 $0x1  }
0x17: {  	s4 =	simm.s32 $0x1BF5;
	[smem:$0x3FA8] =	sst s0  }
0x18: {  	s0 =	sld [smem:$0x3F8B];
	_ =	swait.ge [sflag:s4], $0x0  }
0x19: {  	s7 =	sld [smem:$0x3F8C]  }
0x1a: {  	s8 =	sadd.s32 $0xFFFFE003, lr  }
0x1b: {  	s9 =	sadd.s32 $0xFFFFFEF7, lr;
	s5 =	simm.s32 $0xFFFFFFFF;
	p2 =	slt.u32 s8, $0xFFFFF086  }
0x1c: {  	p1 =	slt.u32 s9, $0xF7A;
	s5 =	simm.s32 @!p2 $0x0  }
0x1d: {  	s5 =	simm.s32 @p1 $0x1;
	p0 =	seq.s32 s7, s2  }
0x1e: {  	s7 =	smul.u32 @!p0 $0xF7A, s2;
	p2 =	seq.s32 @!p0 s5, $0x0  }
0x1f: {  	s9 =	smul.u32 $0xF7A, s1;
	s8 =	simm.s32 @!p0 $0x1BF5;
	p2 =	por !p2, p0  }
0x20: {  	[sflag:s8] =	ssyncset.s32 @!p0 $0xFFFFF086;
	s6 =	sadd.s32 @!p0 s3, s7;
	s7 =	simm.s32 @!p0 $0x108  }
0x21: {  	s3 =	sadd.s32 s3, s9;
	s6 =	sadd.s32 @!p0 $0x88, s6;
	s7 =	simm.s32 @p2 $0x1082  }
0x22: {  	[simem:s7], [sflag:s8] =	dma.local @!p0 [hbm:s6], $0xF7A  }
0x23: {  	s9 =	sor.u32 $0xD0000000, s2;
	s6 =	simm.s32 $0x108;
	_ =	swait.ge @!p0 [sflag:s8], $0x0  }
0x24: {  	s3 =	sadd.s32 $0x88, s3;
	s6 =	simm.s32 @!p1 $0x1082;
	[sflag:s4] =	ssyncset.s32 $0xFFFFF086  }
0x25: {  	[simem:s6], [sflag:s4] =	dma.local [hbm:s3], $0xF7A  }
0x26: {  	[smem:$0x3F8C] =	sst s1;
	(tag) =	ssettag s2;
	_ =	strace s9  }
0x27: {  	s1 =	sld [smem:$0x3F9C]  }
0x28: {  	s2 =	sld [smem:$0x3F9D]  }
0x29: {  	s4 =	sld [smem:$0x3F9F]  }
0x2a: {  	p0 =	seq.s32 s5, $0x0;
	s5 =	sld [smem:$0x3FA0]  }
0x2b: {  	s6 =	sld [smem:$0x3FA1]  }
0x2c: {  	s7 =	sld [smem:$0x3FA2]  }
0x2d: {  	s3 =	simm.s32 $0x108;
	s8 =	sld [smem:$0x3FA3]  }
0x2e: {  	s3 =	simm.s32 @!p0 $0x1082;
	s9 =	sld [smem:$0x3FA4]  }
0x2f: {  	lr =	sadd.s32 s0, s3;
	s0 =	sld [smem:$0x3F9B]  }
0x30: {  	s3 =	sld [smem:$0x3F9E]  }
0x31: {  	[smem:$0x3FA7] =	sst s10  }
0x32: {  	s10 =	sld [smem:$0x3FA5];
	_ =	sdelay $0x3  }
0x33: {  	p0 =	seq.s32 s10, $0x1;
	s10 =	sld [smem:$0x3FA7];
	_ =	sdelay $0x3  }
0x34: {  	[smem:$0x3FA7] =	sst s10  }
0x35: {  	s10 =	sld [smem:$0x3FA6];
	_ =	sdelay $0x3  }
0x36: {  	p1 =	seq.s32 s10, $0x1;
	s10 =	sld [smem:$0x3FA7];
	_ =	sdelay $0x3  }
0x37: {  	[smem:$0x3FA7] =	sst s10  }
0x38: {  	s10 =	sld [smem:$0x3FA8]  }
0x39: {  	_ = 	snop;
	(pc) =	sbr.ind lr, $3  }
0x3a: {  	_ = 	snop  }
0x3b: {  	_ = 	snop  }
0x3c: {  	p2 =	seq.s32 s10, $0x1;
	s10 =	sld [smem:$0x3FA7]  }
0x3d: {  	_ =	shalt  }
0x3e: {  	_ =	shalt  }
0x3f: {  	_ =	shalt  }
0x40: {  	_ =	shalt  }
0x41: {  	_ =	shalt  }
0x42: {  	_ =	shalt  }
0x43: {  	_ =	shalt  }
0x44: {  	_ =	shalt  }
0x45: {  	_ =	shalt  }
0x46: {  	_ =	shalt  }
0x47: {  	_ =	shalt  }
0x48: {  	_ =	shalt  }
0x49: {  	_ =	shalt  }
0x4a: {  	_ =	shalt  }
0x4b: {  	_ =	shalt  }
0x4c: {  	_ =	shalt  }
0x4d: {  	_ =	shalt  }
0x4e: {  	_ =	shalt  }
0x4f: {  	_ =	shalt  }
0x50: {  	_ =	shalt  }
0x51: {  	_ =	shalt  }
0x52: {  	_ =	shalt  }
0x53: {  	_ =	shalt  }
0x54: {  	_ =	shalt  }
0x55: {  	_ =	shalt  }
0x56: {  	_ =	shalt  }
0x57: {  	_ =	shalt  }
0x58: {  	_ =	shalt  }
0x59: {  	_ =	shalt  }
0x5a: {  	_ =	shalt  }
0x5b: {  	_ =	shalt  }
0x5c: {  	_ =	shalt  }
0x5d: {  	_ =	shalt  }
0x5e: {  	_ =	shalt  }
0x5f: {  	_ =	shalt  }
0x60: {  	_ =	shalt  }
0x61: {  	_ =	shalt  }
0x62: {  	_ =	shalt  }
0x63: {  	_ =	shalt  }
0x64: {  	_ =	shalt  }
0x65: {  	_ =	shalt  }
0x66: {  	_ =	shalt  }
0x67: {  	_ =	shalt  }
0x68: {  	_ =	shalt  }
0x69: {  	_ =	shalt  }
0x6a: {  	_ =	shalt  }
0x6b: {  	_ =	shalt  }
0x6c: {  	_ =	shalt  }
0x6d: {  	_ =	shalt  }
0x6e: {  	_ =	shalt  }
0x6f: {  	_ =	shalt  }
0x70: {  	_ =	shalt  }
0x71: {  	_ =	shalt  }
0x72: {  	_ =	shalt  }
0x73: {  	_ =	shalt  }
0x74: {  	_ =	shalt  }
0x75: {  	_ =	shalt  }
0x76: {  	_ =	shalt  }
0x77: {  	_ =	shalt  }
0x78: {  	_ =	shalt  }
0x79: {  	_ =	shalt  }
0x7a: {  	_ =	shalt  }
0x7b: {  	_ =	shalt  }
0x7c: {  	_ =	shalt  }
0x7d: {  	_ =	shalt  }
0x7e: {  	_ =	shalt  }
0x7f: {  	_ =	shalt  }
0x80: {  	_ =	shalt  }
0x81: {  	_ =	shalt  }
0x82: {  	_ =	shalt  }
0x83: {  	_ =	shalt  }
0x84: {  	_ =	shalt  }
0x85: {  	_ =	shalt  }
0x86: {  	_ =	shalt  }
0x87: {  	_ =	shalt  }
.Lfunc_end0:
.L_simem_size_0:
called_computation.3_lowered:
.L_overlay_start_0:
0x88: {  	s2 =	sld [smem:$0x3FD9]  }
0x89: {  	s3 =	sld [smem:$0x3FFE];
	_ =	sdelay $0x1  }
0x8a: {  	s1 =	srdreg.scid  }
0x8b: {  	s0 =	sand.u32 $0x1, s1  }
0x8c: {  	s16 =	sshll.u32 s0, $0xA;
	s2 =	sadd.s32 s3, s2  }
0x8d: {  	s2 =	sadd.s32 s2, s16  }
0x8e: {  	[smem:$0x3FB3] =	sst s2  }
0x8f: {  	_ = 	snop  }
0x90: {  	(tm) =	ssettm $0x1  }
0x91: {  	s17 =	sld [smem:$0x3FFB];
	_ =	sdelay $0x3  }
0x92: {  	_ =	strace s17  }
0x93: {  	s2 =	sld [smem:$0x3FFC];
	_ =	sdelay $0x3  }
0x94: {  	_ =	strace s2  }
0x95: {  	s2 =	sld [smem:$0x3FFD];
	_ =	sdelay $0x3  }
0x96: {  	_ =	strace s2  }
0x97: {  	_ =	strace $0x8FFFFFFF  }
0x98: {  	s18 =	sld [smem:$0x3FDB];
	_ =	sdelay $0x1  }
0x99: {  	s19 =	simm.s32 $_scs_section_size  }
0x9a: {  	s4 =	simm.s32 $_size__tile_overlayer_lowered;
	s5 =	simm.s32 $_tile_overlayer_lowered  }
0x9b: {  	s22 =	simm.s32 $0x1BFF;
	s21 =	sshll.u32 s5, $0x1;
	s2 =	sadd.s32 s19, s18  }
0x9c: {  	s6 =	simm.s32 $0x0;
	s20 =	sshll.u32 s4, $0x1;
	s4 =	sadd.s32 s21, s2  }
0x9d: {  	[timem:s6], [sflag:s22] =	dma.local [hbm:s4], s20  }
0x9e: {  	_ =	swait.ge [sflag:s22], s20  }
0x9f: {  	s3 =	ssub.s32 $0x0, s20;
	[sflag:s22] =	ssyncset.done $0x0  }
0xa0: {  	[sflag:s22] =	ssyncadd.s32 s3;
	_ =	sdelay $0x1  }
0xa1: {  	s23 =	simm.s32 $0x1B8B  }
0xa2: {  	_ =	swait.ge [sflag:s23], $0x1  }
0xa3: {  	[sflag:s23] =	ssyncset.done $0x0  }
0xa4: {  	s25 =	simm.s32 $0x1B8E;
	s24 =	sld [smem:$0x3FFE];
	[sflag:s23] =	ssyncadd.s32 $0xFFFFFFFF  }
0xa5: {  	s26 =	simm.s32 $execute0_lowered;
	[smem:$0x3FD2] =	sst s25  }
0xa6: {  	s4 =	sshll.u32 s26, $0x1;
	_ =	strace $0x8000004C;
	[dreg:$0x1] =	wrdreg $0xFFFFFFFF  }
0xa7: {  	s28 =	simm.s32 $_size_execute0_lowered;
	s2 =	sadd.s32 s2, s4;
	[dreg:$0x0] =	wrdreg $0x0  }
0xa8: {  	s4 =	sshll.u32 s28, $0x1;
	[dreg:$0x2] =	wrdreg s2  }
0xa9: {  	[dreg:$0x3] =	wrdreg s4  }
0xaa: {  	[dreg:$0x4] =	wrdreg $0xC0  }
0xab: {  	_ =	task [dreg:s6], $0x5FFFF  }
0xac: {  	[dreg:$0x1] =	wrdreg $0xFFFFFFFF  }
0xad: {  	[dreg:$0x0] =	wrdreg $0x60  }
0xae: {  	[dreg:$0x2] =	wrdreg s24  }
0xaf: {  	[dreg:$0x3] =	wrdreg $0x0  }
0xb0: {  	[dreg:$0x4] =	wrdreg $0xA  }
0xb1: {  	_ =	task.clear_ibuf [dreg:s6], $0x5FFFF;
	_ =	strace $0x9000004C  }
0xb2: {  	s29 =	simm.s32 $0xA;
	_ =	strace $0x8000004E  }
0xb3: {  	_ =	swait.ge [sflag:s29], $0x1  }
0xb4: {  	[sflag:s29] =	ssyncadd.s32 $0xFFFFFFFF  }
0xb5: {  	_ =	strace $0x9000004E  }
0xb6: {  	_ =	sfence  }
0xb7: {  	s30 =	sld [smem:$0x0];
	_ =	sdelay $0x2  }
0xb8: {  	s31 =	sshll.u32 s1, $0xD;
	s1 =	sshrl.u32 s1, $0x2  }
0xb9: {  	s3 =	sand.u32 $0x4000, s31;
	s1 =	sadd.s32 s1, s30  }
0xba: {  	s0 =	sor.u32 s3, s0;
	s1 =	sshll.u32 s1, $0x11  }
0xbb: {  	s0 =	sor.u32 s1, s0  }
0xbc: {  	s0 =	sadd.s32 $0x8F2B, s0  }
0xbd: {  	[sflag:s0] =	ssyncadd.remote.s32 $0x1  }
0xbe: {  	_ =	sfence.sel $0xFFFF  }
0xbf: {  	[dreg:$0x0] =	wrdreg $0xFFFFFFFF;
	(pc) =	sbr.abs _section_cstart, $3  }
0xc0: {  	[dreg:$0x1] =	wrdreg $0xFFFFFFFF  }
0xc1: {  	_ =	task.clear_ibuf [dreg:s6], $0x2FFFF;
	_ =	strace $0x9FFFFFFF  }
0xc2: {  	(tm) =	ssettm $0x7FFFFFFF  }
0xc3: {  	_ =	shalt  }
tec
execute0_lowered:
.L_overlay_start_1:
0x0: {  	(tag) =	ssettag $0x1  }
0x1: {  	s5 =	rddreg [dreg:$0x0]  }
0x2: {  	s2 =	rddreg [dreg:$0x1]  }
0x3: {  	s0 =	rddreg [dreg:$0x2]  }
0x4: {  	s1 =	stileid.u32;
	s4 =	srdreg.scid;
	s3 =	simm.s32 $0x0  }
0x5: {  	s14 =	simm.s32 $0x80;
	s15 =	simm.s32 $0x13D00;
	s16 =	simm.s32 $0x1  }
0x6: {  	s17 =	simm.s32 $0x13C80;
	s18 =	simm.s32 $0x0;
	s6 =	smul.u32 $0xA20, s1  }
0x7: {  	s7 =	smul.u32 $0x13C00, s1;
	s8 =	sand.u32 $0x1, s4;
	[smem:$0x7FF] =	sst s3  }
0x8: {  	s4 =	sadd.s32 $0x48600, s5;
	s28 =	smul.u32 $0x4F000, s1;
	s31 =	sshll.u32 s1, $0x6  }
0x9: {  	s9 =	smul.u32 $0x13C000, s8;
	_ =	strace $0x8000004D;
	s29 =	ssub.s32 $0x2, s8  }
0xa: {  	s8 =	smul.u32 $0x510, s8;
	s10 =	sadd.s32 s6, s5;
	s30 =	sshrl.u32 s29, $0x1  }
0xb: {  	s26 =	sadd.s32 s7, s9;
	s7 =	sshrl.u32 s7, $0x3;
	s9 =	sshrl.u32 s28, $0x2  }
0xc: {  	s12 =	ssub.s32 s29, s30;
	s10 =	sadd.s32 s8, s10;
	s6 =	sshrl.u32 s26, $0x3  }
0xd: {  	s7 =	sadd.s32 s7, s5;
	s13 =	sadd.s32 s9, s2;
	s8 =	smax.u32 s12, $0x1  }
0xe: {  	s9 =	sadd.s32 $0x2C00, s10;
	s10 =	sadd.s32 $0x16C00, s10;
	s12 =	simm.s32 $0x2  }
0xf: {  	s11 =	sadd.s32 s6, s5;
	s5 =	sadd.s32 $0x20E00, s7;
	s6 =	sor.u32 $0x1C02, s31  }
0x10: {  	s7 =	sadd.s32 $0x97000, s11;
	s11 =	sshrl.u32 s13, $0x3;
	s13 =	simm.s32 $0x13C00  }
.LBB2_1:
0x11: {  	[spmem:s11], [sflag:s6] =	dma.local [hbm:s5], $0x2780  }
0x12: {  	_ =	swait.ge [sflag:s12], $0x2780  }
0x13: {  	[sflag:s12] =	ssyncset.done $0x0  }
0x14: {  	[sflag:s12] =	ssyncadd.s32 $0xFFFFD880  }
0x15: {  	s19 =	sadd.s32 $0x0, s10;
	[bflag:$0x0] =	sbarrier.arrive $0xFFFF  }
0x16: {  	[tilespmem:s13], [sflag:$0x2] =	stream.linear.gather [hbm4b:s19+s3], $0x80, $0x38;
	[tilespmem:$0x17D00] =	vst v63  }
0x17: {  	_ =	swait.ge [sflag:s12], $0x80  }
0x18: {  	[sflag:s12] =	ssyncset.done $0x0  }
0x19: {  	[sflag:s12] =	ssyncadd.s32 $0xFFFFFF80  }
0x1a: {  	[tilespmem:s15], [sflag:$0x1] =	stream.indirect.gather [hbm4b:s4+s14], $0x80, s13, s14, $0xb8;
	[tilespmem:$0x17D00] =	vst v63  }
0x1b: {  	_ =	swait.ge [sflag:s16], $0x4000  }
0x1c: {  	[sflag:s16] =	ssyncset.done $0x0  }
0x1d: {  	s31 =	sadd.s32 $0x0, s9;
	[sflag:s16] =	ssyncadd.s32 $0xFFFFC000  }
0x1e: {  	[tilespmem:s17], [sflag:$0x2] =	stream.linear.gather [hbm4b:s31+s3], $0x80, $0x38;
	[tilespmem:$0x17D00] =	vst v63  }
0x1f: {  	_ =	swait.ge [sflag:s12], $0x80  }
0x20: {  	[sflag:s12] =	ssyncset.done $0x0  }
0x21: {  	[sflag:s12] =	ssyncadd.s32 $0xFFFFFF80  }
0x22: {  	[spmem:s2] =	stream.indirect.scatter.add.f32 [tilespmem:s15], [sflag:$0x2], $0x80, s17, s14, $0xb8;
	[tilespmem:$0x17D00] =	vst v63  }
0x23: {  	_ =	swait.ge [sflag:s12], $0x4000  }
0x24: {  	s20 =	simm.s32 $0x20;
	s19 =	simm.s32 $0x10;
	[sflag:s12] =	ssyncset.done $0x0  }
.LBB2_2:
0x25: {  	s21 =	sadd.s32 s19, s10  }
0x26: {  	[sflag:s12] =	ssyncadd.s32 $0xFFFFC000;
	s22 =	smov.u32 s20;
	s23 =	sadd.s32 $0x10, s20  }
0x27: {  	[tilespmem:s13], [sflag:$0x2] =	stream.linear.gather [hbm4b:s21+s3], $0x80, $0x38;
	[tilespmem:$0x17D00] =	vst v63  }
0x28: {  	p0 =	sne.s32 s20, $0x500;
	_ =	swait.ge [sflag:s12], $0x80  }
0x29: {  	[sflag:s12] =	ssyncset.done $0x0  }
0x2a: {  	[sflag:s12] =	ssyncadd.s32 $0xFFFFFF80  }
0x2b: {  	[tilespmem:s15], [sflag:$0x1] =	stream.indirect.gather [hbm4b:s4+s14], $0x80, s13, s14, $0xb8;
	[tilespmem:$0x17D00] =	vst v63  }
0x2c: {  	_ =	swait.ge [sflag:s16], $0x4000  }
0x2d: {  	[sflag:s16] =	ssyncset.done $0x0  }
0x2e: {  	s20 =	sadd.s32 s19, s9;
	s19 =	smov.u32 s22;
	[sflag:s16] =	ssyncadd.s32 $0xFFFFC000  }
0x2f: {  	[tilespmem:s17], [sflag:$0x2] =	stream.linear.gather [hbm4b:s20+s3], $0x80, $0x38;
	[tilespmem:$0x17D00] =	vst v63  }
0x30: {  	_ =	swait.ge [sflag:s12], $0x80  }
.Ltmp0:
0x31: {  	[sflag:s12] =	ssyncset.done $0x0;
	(pc) =	sbr.rel @p0 .LBB2_2-.Ltmp0, $4  }
0x32: {  	[sflag:s12] =	ssyncadd.s32 $0xFFFFFF80  }
0x33: {  	[spmem:s2] =	stream.indirect.scatter.add.f32 [tilespmem:s15], [sflag:$0x2], $0x80, s17, s14, $0xb8;
	[tilespmem:$0x17D00] =	vst v63  }
0x34: {  	_ =	swait.ge [sflag:s12], $0x4000  }
0x35: {  	s20 =	smov.u32 s23;
	[sflag:s12] =	ssyncset.done $0x0  }
0x36: {  	s20 =	sadd.s32 s19, s10;
	[sflag:s12] =	ssyncadd.s32 $0xFFFFC000  }
0x37: {  	[tilespmem:s13], [sflag:$0x2] =	stream.linear.gather [hbm4b:s20+s3], $0x80, $0x38;
	[tilespmem:$0x17D00] =	vst v63  }
0x38: {  	_ =	swait.ge [sflag:s12], $0x80  }
0x39: {  	[sflag:s12] =	ssyncset.done $0x0  }
0x3a: {  	[sflag:s12] =	ssyncadd.s32 $0xFFFFFF80  }
0x3b: {  	[tilespmem:s15], [sflag:$0x1] =	stream.indirect.gather [hbm4b:s4+s14], $0x80, s13, s14, $0xb8;
	[tilespmem:$0x17D00] =	vst v63  }
0x3c: {  	_ =	swait.ge [sflag:s16], $0x4000  }
0x3d: {  	[sflag:s16] =	ssyncset.done $0x0  }
0x3e: {  	s31 =	sadd.s32 s19, s9;
	[sflag:s16] =	ssyncadd.s32 $0xFFFFC000  }
0x3f: {  	[tilespmem:s17], [sflag:$0x2] =	stream.linear.gather [hbm4b:s31+s3], $0x80, $0x38;
	[tilespmem:$0x17D00] =	vst v63  }
0x40: {  	_ =	swait.ge [sflag:s12], $0x80  }
0x41: {  	[sflag:s12] =	ssyncset.done $0x0  }
0x42: {  	[sflag:s12] =	ssyncadd.s32 $0xFFFFFF80  }
0x43: {  	[spmem:s2] =	stream.indirect.scatter.add.f32 [tilespmem:s15], [sflag:$0x2], $0x80, s17, s14, $0xb8;
	[tilespmem:$0x17D00] =	vst v63  }
0x44: {  	_ =	swait.ge [sflag:s12], $0x4000  }
0x45: {  	s18 =	sadd.s32 $0x1, s18;
	[sflag:s12] =	ssyncset.done $0x0  }
0x46: {  	p0 =	sne.s32 s18, s8;
	[sflag:s12] =	ssyncadd.s32 $0xFFFFC000  }
.Ltmp1:
0x47: {  	[bflag:$0x0] =	sbarrier.arrive $0xFFFF;
	(pc) =	sbr.rel @p0 .LBB2_1-.Ltmp1, $4  }
0x48: {  	[hbm:s7], [sflag:s6] =	dma.local [spmem:s11], $0x2780  }
0x49: {  	_ =	swait.ge [sflag:s12], $0x2780  }
0x4a: {  	[sflag:s12] =	ssyncset.done $0x0  }
0x4b: {  	[sflag:s12] =	ssyncadd.s32 $0xFFFFD880  }
0x4c: {  	_ =	sfence.sel $0x180000  }
0x4d: {  	[bflag:$0x0] =	sbarrier.arrive $0xFFFF  }
0x4e: {  	p0 =	sne.s32 s1, $0x0;
	_ =	strace $0x9000004D  }
0x4f: {  	s0 =	sadd.s32 @!p0 $0x100000, s0;
	[bflag:$0x2] =	sbarrier.arrive $0xFFFF  }
0x50: {  	[sflag:s0] =	ssyncadd.tile.s32 @!p0 $0x1;
	_ =	shalt  }
.Lfunc_end2:
_tile_overlayer_lowered:
.L_overlay_start_2:
0x51: {  	(tag) =	ssettag $0x2  }
0x52: {  	s0 =	rddreg [dreg:$0x0];
	s2 =	stileid.u32  }
0x53: {  	s1 =	rddreg [dreg:$0x1];
	p0 =	sne.s32 s2, $0x0  }
0x54: {  	s3 =	rddreg [dreg:$0x2];
	[bflag:$0x3] =	sbarrier.arrive $0xFFFF;
	s2 =	simm.s32 @!p0 $0x1C02  }
0x55: {  	[timem:s3], [sflag:s2] =	dma.local @!p0 [hbm:s0], s1  }
0x56: {  	s0 =	simm.s32 @!p0 $0x2  }
0x57: {  	_ =	swait.ge @!p0 [sflag:s0], s1  }
0x58: {  	s1 =	ssub.s32 @!p0 $0x0, s1;
	[sflag:s0] =	ssyncset.done @!p0 $0x0  }
0x59: {  	[sflag:s0] =	ssyncadd.s32 @!p0 s1  }
0x5a: {  	[bflag:$0x3] =	sbarrier.arrive $0xFFFF  }
0x5b: {  	_ =	shalt  }

// kernel: kernel.32.cloned.1.call-start
scs
__scs_entry_jumppad:
0x0: {  	(pc) =	sbr.rel $0x88, $3  }
0x1: {  	(tag) =	ssettag $0x0;
	lr =	simm.s32 $0x1  }
0x2: {  	[smem:$0x3F8C] =	sst lr;
	_ =	strace $0xD0000000  }
0x3: {  	_ = 	snop  }
0x4: {  	_ = 	snop  }
0x5: {  	_ = 	snop  }
0x6: {  	_ = 	snop  }
0x7: {  	_ = 	snop  }
__scs_overlays_trampoline_lowered:
0x8: {  	[smem:$0x3F9B] =	sst s0  }
0x9: {  	[smem:$0x3F9C] =	sst s1  }
0xa: {  	[smem:$0x3F9D] =	sst s2  }
0xb: {  	[smem:$0x3F9E] =	sst s3  }
0xc: {  	[smem:$0x3F9F] =	sst s4  }
0xd: {  	[smem:$0x3FA0] =	sst s5  }
0xe: {  	[smem:$0x3FA1] =	sst s6  }
0xf: {  	[smem:$0x3FA2] =	sst s7  }
0x10: {  	[smem:$0x3FA3] =	sst s8  }
0x11: {  	[smem:$0x3FA4] =	sst s9;
	s0 =	simm.s32 @!p0 $0x0  }
0x12: {  	s1 =	sld [smem:$0x3F8A];
	s0 =	simm.s32 @p0 $0x1  }
0x13: {  	[smem:$0x3FA5] =	sst s0;
	s0 =	simm.s32 @!p1 $0x0  }
0x14: {  	s2 =	sld [smem:$0x3F89];
	s0 =	simm.s32 @p1 $0x1  }
0x15: {  	[smem:$0x3FA6] =	sst s0;
	s0 =	simm.s32 @!p2 $0x0  }
0x16: {  	s3 =	sld [smem:$0x3FDB];
	s0 =	simm.s32 @p2 $0x1  }
0x17: {  	s4 =	simm.s32 $0x1BF5;
	[smem:$0x3FA8] =	sst s0  }
0x18: {  	s0 =	sld [smem:$0x3F8B];
	_ =	swait.ge [sflag:s4], $0x0  }
0x19: {  	s7 =	sld [smem:$0x3F8C]  }
0x1a: {  	s8 =	sadd.s32 $0xFFFFE003, lr  }
0x1b: {  	s9 =	sadd.s32 $0xFFFFFEF7, lr;
	s5 =	simm.s32 $0xFFFFFFFF;
	p2 =	slt.u32 s8, $0xFFFFF086  }
0x1c: {  	p1 =	slt.u32 s9, $0xF7A;
	s5 =	simm.s32 @!p2 $0x0  }
0x1d: {  	s5 =	simm.s32 @p1 $0x1;
	p0 =	seq.s32 s7, s2  }
0x1e: {  	s7 =	smul.u32 @!p0 $0xF7A, s2;
	p2 =	seq.s32 @!p0 s5, $0x0  }
0x1f: {  	s9 =	smul.u32 $0xF7A, s1;
	s8 =	simm.s32 @!p0 $0x1BF5;
	p2 =	por !p2, p0  }
0x20: {  	[sflag:s8] =	ssyncset.s32 @!p0 $0xFFFFF086;
	s6 =	sadd.s32 @!p0 s3, s7;
	s7 =	simm.s32 @!p0 $0x108  }
0x21: {  	s3 =	sadd.s32 s3, s9;
	s6 =	sadd.s32 @!p0 $0x88, s6;
	s7 =	simm.s32 @p2 $0x1082  }
0x22: {  	[simem:s7], [sflag:s8] =	dma.local @!p0 [hbm:s6], $0xF7A  }
0x23: {  	s9 =	sor.u32 $0xD0000000, s2;
	s6 =	simm.s32 $0x108;
	_ =	swait.ge @!p0 [sflag:s8], $0x0  }
0x24: {  	s3 =	sadd.s32 $0x88, s3;
	s6 =	simm.s32 @!p1 $0x1082;
	[sflag:s4] =	ssyncset.s32 $0xFFFFF086  }
0x25: {  	[simem:s6], [sflag:s4] =	dma.local [hbm:s3], $0xF7A  }
0x26: {  	[smem:$0x3F8C] =	sst s1;
	(tag) =	ssettag s2;
	_ =	strace s9  }
0x27: {  	s1 =	sld [smem:$0x3F9C]  }
0x28: {  	s2 =	sld [smem:$0x3F9D]  }
0x29: {  	s4 =	sld [smem:$0x3F9F]  }
0x2a: {  	p0 =	seq.s32 s5, $0x0;
	s5 =	sld [smem:$0x3FA0]  }
0x2b: {  	s6 =	sld [smem:$0x3FA1]  }
0x2c: {  	s7 =	sld [smem:$0x3FA2]  }
0x2d: {  	s3 =	simm.s32 $0x108;
	s8 =	sld [smem:$0x3FA3]  }
0x2e: {  	s3 =	simm.s32 @!p0 $0x1082;
	s9 =	sld [smem:$0x3FA4]  }
0x2f: {  	lr =	sadd.s32 s0, s3;
	s0 =	sld [smem:$0x3F9B]  }
0x30: {  	s3 =	sld [smem:$0x3F9E]  }
0x31: {  	[smem:$0x3FA7] =	sst s10  }
0x32: {  	s10 =	sld [smem:$0x3FA5];
	_ =	sdelay $0x3  }
0x33: {  	p0 =	seq.s32 s10, $0x1;
	s10 =	sld [smem:$0x3FA7];
	_ =	sdelay $0x3  }
0x34: {  	[smem:$0x3FA7] =	sst s10  }
0x35: {  	s10 =	sld [smem:$0x3FA6];
	_ =	sdelay $0x3  }
0x36: {  	p1 =	seq.s32 s10, $0x1;
	s10 =	sld [smem:$0x3FA7];
	_ =	sdelay $0x3  }
0x37: {  	[smem:$0x3FA7] =	sst s10  }
0x38: {  	s10 =	sld [smem:$0x3FA8]  }
0x39: {  	_ = 	snop;
	(pc) =	sbr.ind lr, $3  }
0x3a: {  	_ = 	snop  }
0x3b: {  	_ = 	snop  }
0x3c: {  	p2 =	seq.s32 s10, $0x1;
	s10 =	sld [smem:$0x3FA7]  }
0x3d: {  	_ =	shalt  }
0x3e: {  	_ =	shalt  }
0x3f: {  	_ =	shalt  }
0x40: {  	_ =	shalt  }
0x41: {  	_ =	shalt  }
0x42: {  	_ =	shalt  }
0x43: {  	_ =	shalt  }
0x44: {  	_ =	shalt  }
0x45: {  	_ =	shalt  }
0x46: {  	_ =	shalt  }
0x47: {  	_ =	shalt  }
0x48: {  	_ =	shalt  }
0x49: {  	_ =	shalt  }
0x4a: {  	_ =	shalt  }
0x4b: {  	_ =	shalt  }
0x4c: {  	_ =	shalt  }
0x4d: {  	_ =	shalt  }
0x4e: {  	_ =	shalt  }
0x4f: {  	_ =	shalt  }
0x50: {  	_ =	shalt  }
0x51: {  	_ =	shalt  }
0x52: {  	_ =	shalt  }
0x53: {  	_ =	shalt  }
0x54: {  	_ =	shalt  }
0x55: {  	_ =	shalt  }
0x56: {  	_ =	shalt  }
0x57: {  	_ =	shalt  }
0x58: {  	_ =	shalt  }
0x59: {  	_ =	shalt  }
0x5a: {  	_ =	shalt  }
0x5b: {  	_ =	shalt  }
0x5c: {  	_ =	shalt  }
0x5d: {  	_ =	shalt  }
0x5e: {  	_ =	shalt  }
0x5f: {  	_ =	shalt  }
0x60: {  	_ =	shalt  }
0x61: {  	_ =	shalt  }
0x62: {  	_ =	shalt  }
0x63: {  	_ =	shalt  }
0x64: {  	_ =	shalt  }
0x65: {  	_ =	shalt  }
0x66: {  	_ =	shalt  }
0x67: {  	_ =	shalt  }
0x68: {  	_ =	shalt  }
0x69: {  	_ =	shalt  }
0x6a: {  	_ =	shalt  }
0x6b: {  	_ =	shalt  }
0x6c: {  	_ =	shalt  }
0x6d: {  	_ =	shalt  }
0x6e: {  	_ =	shalt  }
0x6f: {  	_ =	shalt  }
0x70: {  	_ =	shalt  }
0x71: {  	_ =	shalt  }
0x72: {  	_ =	shalt  }
0x73: {  	_ =	shalt  }
0x74: {  	_ =	shalt  }
0x75: {  	_ =	shalt  }
0x76: {  	_ =	shalt  }
0x77: {  	_ =	shalt  }
0x78: {  	_ =	shalt  }
0x79: {  	_ =	shalt  }
0x7a: {  	_ =	shalt  }
0x7b: {  	_ =	shalt  }
0x7c: {  	_ =	shalt  }
0x7d: {  	_ =	shalt  }
0x7e: {  	_ =	shalt  }
0x7f: {  	_ =	shalt  }
0x80: {  	_ =	shalt  }
0x81: {  	_ =	shalt  }
0x82: {  	_ =	shalt  }
0x83: {  	_ =	shalt  }
0x84: {  	_ =	shalt  }
0x85: {  	_ =	shalt  }
0x86: {  	_ =	shalt  }
0x87: {  	_ =	shalt  }
.Lfunc_end0:
.L_simem_size_0:
called_computation.4_lowered:
.L_overlay_start_0:
0x88: {  	s2 =	sld [smem:$0x3FD9]  }
0x89: {  	s3 =	sld [smem:$0x3FFE];
	_ =	sdelay $0x1  }
0x8a: {  	s1 =	srdreg.scid  }
0x8b: {  	s0 =	sand.u32 $0x1, s1  }
0x8c: {  	s16 =	sshll.u32 s0, $0xA;
	s2 =	sadd.s32 s3, s2  }
0x8d: {  	s2 =	sadd.s32 s2, s16  }
0x8e: {  	[smem:$0x3FB3] =	sst s2  }
0x8f: {  	_ = 	snop  }
0x90: {  	(tm) =	ssettm $0x1  }
0x91: {  	s17 =	sld [smem:$0x3FFB];
	_ =	sdelay $0x3  }
0x92: {  	_ =	strace s17  }
0x93: {  	s2 =	sld [smem:$0x3FFC];
	_ =	sdelay $0x3  }
0x94: {  	_ =	strace s2  }
0x95: {  	s2 =	sld [smem:$0x3FFD];
	_ =	sdelay $0x3  }
0x96: {  	_ =	strace s2  }
0x97: {  	_ =	strace $0x8FFFFFFF  }
0x98: {  	s18 =	sld [smem:$0x3FDB];
	_ =	sdelay $0x1  }
0x99: {  	s19 =	simm.s32 $_scs_section_size  }
0x9a: {  	s4 =	simm.s32 $_size__tile_overlayer_lowered;
	s5 =	simm.s32 $_tile_overlayer_lowered  }
0x9b: {  	s22 =	simm.s32 $0x1BFF;
	s21 =	sshll.u32 s5, $0x1;
	s2 =	sadd.s32 s19, s18  }
0x9c: {  	s6 =	simm.s32 $0x0;
	s20 =	sshll.u32 s4, $0x1;
	s4 =	sadd.s32 s21, s2  }
0x9d: {  	[timem:s6], [sflag:s22] =	dma.local [hbm:s4], s20  }
0x9e: {  	_ =	swait.ge [sflag:s22], s20  }
0x9f: {  	s3 =	ssub.s32 $0x0, s20;
	[sflag:s22] =	ssyncset.done $0x0  }
0xa0: {  	[sflag:s22] =	ssyncadd.s32 s3;
	_ =	sdelay $0x1  }
0xa1: {  	s23 =	simm.s32 $0x1B8B  }
0xa2: {  	_ =	swait.ge [sflag:s23], $0x1  }
0xa3: {  	[sflag:s23] =	ssyncset.done $0x0  }
0xa4: {  	s25 =	simm.s32 $0x1B8E;
	s24 =	sld [smem:$0x3FFE];
	[sflag:s23] =	ssyncadd.s32 $0xFFFFFFFF  }
0xa5: {  	s26 =	simm.s32 $execute0_lowered;
	[smem:$0x3FD2] =	sst s25  }
0xa6: {  	s4 =	sshll.u32 s26, $0x1;
	_ =	strace $0x80000052;
	[dreg:$0x1] =	wrdreg $0xFFFFFFFF  }
0xa7: {  	s28 =	simm.s32 $_size_execute0_lowered;
	s2 =	sadd.s32 s2, s4;
	[dreg:$0x0] =	wrdreg $0x0  }
0xa8: {  	s4 =	sshll.u32 s28, $0x1;
	[dreg:$0x2] =	wrdreg s2  }
0xa9: {  	[dreg:$0x3] =	wrdreg s4  }
0xaa: {  	[dreg:$0x4] =	wrdreg $0xC0  }
0xab: {  	_ =	task [dreg:s6], $0x5FFFF  }
0xac: {  	[dreg:$0x1] =	wrdreg $0xFFFFFFFF  }
0xad: {  	[dreg:$0x0] =	wrdreg $0x60  }
0xae: {  	[dreg:$0x2] =	wrdreg s24  }
0xaf: {  	[dreg:$0x3] =	wrdreg $0x9  }
0xb0: {  	_ =	task.clear_ibuf [dreg:s6], $0x4FFFF;
	_ =	strace $0x90000052  }
0xb1: {  	s29 =	simm.s32 $0x9;
	_ =	strace $0x80000054  }
0xb2: {  	_ =	swait.ge [sflag:s29], $0x1  }
0xb3: {  	[sflag:s29] =	ssyncadd.s32 $0xFFFFFFFF  }
0xb4: {  	_ =	strace $0x90000054  }
0xb5: {  	_ =	sfence  }
0xb6: {  	s30 =	sld [smem:$0x0];
	_ =	sdelay $0x2  }
0xb7: {  	s31 =	sshll.u32 s1, $0xD;
	s1 =	sshrl.u32 s1, $0x2  }
0xb8: {  	s3 =	sand.u32 $0x4000, s31;
	s1 =	sadd.s32 s1, s30  }
0xb9: {  	s0 =	sor.u32 s3, s0;
	s1 =	sshll.u32 s1, $0x11  }
0xba: {  	s0 =	sor.u32 s1, s0  }
0xbb: {  	s0 =	sadd.s32 $0x8F2B, s0  }
0xbc: {  	[sflag:s0] =	ssyncadd.remote.s32 $0x1  }
0xbd: {  	_ =	sfence.sel $0xFFFF  }
0xbe: {  	[dreg:$0x0] =	wrdreg $0xFFFFFFFF;
	(pc) =	sbr.abs _section_cstart, $3  }
0xbf: {  	[dreg:$0x1] =	wrdreg $0xFFFFFFFF  }
0xc0: {  	_ =	task.clear_ibuf [dreg:s6], $0x2FFFF;
	_ =	strace $0x9FFFFFFF  }
0xc1: {  	(tm) =	ssettm $0x7FFFFFFF  }
tec
execute0_lowered:
.L_overlay_start_1:
0x0: {  	(tag) =	ssettag $0x1  }
0x1: {  	s5 =	rddreg [dreg:$0x0]  }
0x2: {  	s0 =	rddreg [dreg:$0x1];
	s1 =	stileid.u32  }
0x3: {  	s3 =	srdreg.scid;
	s2 =	simm.s32 $0x0;
	s11 =	simm.s32 $0x2780  }
0x4: {  	s12 =	simm.s32 $0x7680;
	s13 =	simm.s32 $0x7700;
	s14 =	simm.s32 $0x4F00  }
0x5: {  	s15 =	simm.s32 $0x7780;
	s16 =	simm.s32 $0x0;
	s3 =	sand.u32 $0x1, s3  }
0x6: {  	s4 =	sshll.u32 s1, $0x1;
	[smem:$0x7FF] =	sst s2;
	s6 =	smul.u32 $0xA20, s1  }
0x7: {  	s4 =	sor.u32 s3, s4;
	_ =	strace $0x80000053;
	s9 =	smul.u32 $0x510, s3  }
0x8: {  	s8 =	ssub.s32 $0x2, s3;
	s3 =	sadd.s32 $0xCE00, s5;
	s7 =	smul.u32 $0x4F0, s4  }
0x9: {  	s6 =	sadd.s32 s6, s5;
	s4 =	sadd.s32 $0xD400, s5;
	s10 =	sshrl.u32 s8, $0x1  }
0xa: {  	s31 =	ssub.s32 s8, s10;
	s9 =	sadd.s32 s9, s6;
	s10 =	simm.s32 $0x1  }
0xb: {  	s5 =	sadd.s32 s7, s5;
	s6 =	smax.u32 s31, $0x1;
	s7 =	sadd.s32 $0xEF800, s9  }
0xc: {  	v0 =	vimm.f32 $0.0e+00;
	s8 =	sadd.s32 $0x2C00, s9;
	s9 =	sadd.s32 $0x16C00, s9;
	s5 =	sadd.s32 $0xE5A00, s5  }
.LBB2_1:
0xd: {  	[tilespmem:s2], [sflag:$0x1] =	stream.linear.gather [hbm4b:s3+s2], $0x2780, $0x38;
	[tilespmem:$0x7800] =	vst v63  }
0xe: {  	_ =	swait.ge [sflag:s10], $0x2780  }
0xf: {  	[sflag:s10] =	ssyncset.done $0x0  }
0x10: {  	[sflag:s10] =	ssyncadd.s32 $0xFFFFD880  }
0x11: {  	[tilespmem:s11], [sflag:$0x1] =	stream.linear.gather [hbm4b:s4+s2], $0x2780, $0x38;
	[tilespmem:$0x7800] =	vst v63  }
0x12: {  	_ =	swait.ge [sflag:s10], $0x2780  }
0x13: {  	[sflag:s10] =	ssyncset.done $0x0  }
0x14: {  	s17 =	simm.s32 $0x0;
	[sflag:s10] =	ssyncadd.s32 $0xFFFFD880  }
.LBB2_2:
0x15: {  	p0 =	sne.s32 s17, $0x9DC0  }
.Ltmp0:
0x16: {  	_ = 	snop;
	(pc) =	sbr.rel @p0 .LBB2_2-.Ltmp0, $3  }
0x17: {  	_ =	sdelay $0x1  }
0x18: {  	s18 =	sshra.s32 s17, $0x2  }
0x19: {  	s17 =	sadd.s32 $0x40, s17;
	[tilespmem:s18+$0x4F00] =	vst v0  }
0x1a: {  	s17 =	simm.s32 $0x0  }
.LBB2_4:
0x1b: {  	s18 =	sadd.s32 s17, s9  }
0x1c: {  	[tilespmem:s12], [sflag:$0x1] =	stream.linear.gather [hbm4b:s18+s2], $0x80, $0x38;
	[tilespmem:$0x7800] =	vst v63  }
0x1d: {  	_ =	swait.ge [sflag:s10], $0x80  }
0x1e: {  	[sflag:s10] =	ssyncset.done $0x0  }
0x1f: {  	s30 =	sadd.s32 s17, s8;
	[sflag:s10] =	ssyncadd.s32 $0xFFFFFF80  }
0x20: {  	[tilespmem:s13], [sflag:$0x1] =	stream.linear.gather [hbm4b:s30+s2], $0x80, $0x38;
	[tilespmem:$0x7800] =	vst v63  }
0x21: {  	_ =	swait.ge [sflag:s10], $0x80  }
0x22: {  	[sflag:s10] =	ssyncset.done $0x0  }
0x23: {  	[sflag:s10] =	ssyncadd.s32 $0xFFFFFF80  }
0x24: {  	v1 =	vld [tilespmem:$0x7680]  }
0x25: {  	v2 =	vld [tilespmem:$0x7700];
	_ =	sdelay $0x6  }
0x26: {  	v1 =	vld.idx.msk [tilespmem:v1+s2+$0x0], $0xffff  }
0x27: {  	v3 =	vld.idx.msk [tilespmem:v2+s11+$0x0], $0xffff;
	_ =	sdelay $0x4  }
0x28: {  	v1 =	vadd.f32 v3, v1;
	_ =	sdelay $0x1  }
0x29: {  	v3 =	vmul.f32 $2.000000030e-01, v1  }
0x2a: {  	vm0 =	vgt.f32 v1, $0.0e+00  }
0x2b: {  	v1 =	vsel vm0, v1, v3  }
0x2c: {  	v1 =	vmul.f32 $1.442695020e+00, v1;
	_ =	sdelay $0x1  }
0x2d: {  	(erf) = vpow2.f32 v1;
	_ =	sdelay $0x8  }
0x2e: {  	v1 =	vpop (erf)  }
0x2f: {  	[tilespmem:v2+s14+$0x0] =	vst.idx.add.f32.msk $0xffff, v1  }
0x30: {  	v2 =	vld [tilespmem:$0x7690]  }
0x31: {  	v3 =	vld [tilespmem:$0x7710];
	_ =	sdelay $0x5  }
0x32: {  	[tilespmem:$0x7780] =	vst v1  }
0x33: {  	v1 =	vld.idx.msk [tilespmem:v2+s2+$0x0], $0xffff  }
0x34: {  	v2 =	vld.idx.msk [tilespmem:v3+s11+$0x0], $0xffff;
	_ =	sdelay $0x4  }
0x35: {  	v1 =	vadd.f32 v2, v1;
	_ =	sdelay $0x1  }
0x36: {  	v2 =	vmul.f32 $2.000000030e-01, v1  }
0x37: {  	vm9 =	vgt.f32 v1, $0.0e+00  }
0x38: {  	v1 =	vsel vm9, v1, v2  }
0x39: {  	v1 =	vmul.f32 $1.442695020e+00, v1;
	_ =	sdelay $0x1  }
0x3a: {  	(erf) = vpow2.f32 v1;
	_ =	sdelay $0x8  }
0x3b: {  	v1 =	vpop (erf)  }
0x3c: {  	[tilespmem:v3+s14+$0x0] =	vst.idx.add.f32.msk $0xffff, v1  }
0x3d: {  	v2 =	vld [tilespmem:$0x76A0]  }
0x3e: {  	v3 =	vld [tilespmem:$0x7720];
	_ =	sdelay $0x5  }
0x3f: {  	[tilespmem:$0x7790] =	vst v1  }
0x40: {  	v1 =	vld.idx.msk [tilespmem:v2+s2+$0x0], $0xffff  }
0x41: {  	v2 =	vld.idx.msk [tilespmem:v3+s11+$0x0], $0xffff;
	_ =	sdelay $0x4  }
0x42: {  	v1 =	vadd.f32 v2, v1;
	_ =	sdelay $0x1  }
0x43: {  	v2 =	vmul.f32 $2.000000030e-01, v1  }
0x44: {  	vm10 =	vgt.f32 v1, $0.0e+00  }
0x45: {  	v1 =	vsel vm10, v1, v2  }
0x46: {  	v1 =	vmul.f32 $1.442695020e+00, v1;
	_ =	sdelay $0x1  }
0x47: {  	(erf) = vpow2.f32 v1;
	_ =	sdelay $0x8  }
0x48: {  	v1 =	vpop (erf)  }
0x49: {  	[tilespmem:v3+s14+$0x0] =	vst.idx.add.f32.msk $0xffff, v1  }
0x4a: {  	v2 =	vld [tilespmem:$0x76B0]  }
0x4b: {  	v3 =	vld [tilespmem:$0x7730];
	_ =	sdelay $0x5  }
0x4c: {  	[tilespmem:$0x77A0] =	vst v1  }
0x4d: {  	v1 =	vld.idx.msk [tilespmem:v2+s2+$0x0], $0xffff  }
0x4e: {  	v2 =	vld.idx.msk [tilespmem:v3+s11+$0x0], $0xffff;
	_ =	sdelay $0x4  }
0x4f: {  	v1 =	vadd.f32 v2, v1;
	_ =	sdelay $0x1  }
0x50: {  	v2 =	vmul.f32 $2.000000030e-01, v1  }
0x51: {  	vm11 =	vgt.f32 v1, $0.0e+00  }
0x52: {  	v1 =	vsel vm11, v1, v2  }
0x53: {  	v1 =	vmul.f32 $1.442695020e+00, v1;
	_ =	sdelay $0x1  }
0x54: {  	(erf) = vpow2.f32 v1;
	_ =	sdelay $0x8  }
0x55: {  	v1 =	vpop (erf)  }
0x56: {  	[tilespmem:v3+s14+$0x0] =	vst.idx.add.f32.msk $0xffff, v1  }
0x57: {  	v2 =	vld [tilespmem:$0x76C0]  }
0x58: {  	v3 =	vld [tilespmem:$0x7740];
	_ =	sdelay $0x5  }
0x59: {  	[tilespmem:$0x77B0] =	vst v1  }
0x5a: {  	v1 =	vld.idx.msk [tilespmem:v2+s2+$0x0], $0xffff  }
0x5b: {  	v2 =	vld.idx.msk [tilespmem:v3+s11+$0x0], $0xffff;
	_ =	sdelay $0x4  }
0x5c: {  	v1 =	vadd.f32 v2, v1;
	_ =	sdelay $0x1  }
0x5d: {  	v2 =	vmul.f32 $2.000000030e-01, v1  }
0x5e: {  	vm12 =	vgt.f32 v1, $0.0e+00  }
0x5f: {  	v1 =	vsel vm12, v1, v2  }
0x60: {  	v1 =	vmul.f32 $1.442695020e+00, v1;
	_ =	sdelay $0x1  }
0x61: {  	(erf) = vpow2.f32 v1;
	_ =	sdelay $0x8  }
0x62: {  	v1 =	vpop (erf)  }
0x63: {  	[tilespmem:v3+s14+$0x0] =	vst.idx.add.f32.msk $0xffff, v1  }
0x64: {  	v2 =	vld [tilespmem:$0x76D0]  }
0x65: {  	v3 =	vld [tilespmem:$0x7750];
	_ =	sdelay $0x5  }
0x66: {  	[tilespmem:$0x77C0] =	vst v1  }
0x67: {  	v1 =	vld.idx.msk [tilespmem:v2+s2+$0x0], $0xffff  }
0x68: {  	v2 =	vld.idx.msk [tilespmem:v3+s11+$0x0], $0xffff;
	_ =	sdelay $0x4  }
0x69: {  	v1 =	vadd.f32 v2, v1;
	_ =	sdelay $0x1  }
0x6a: {  	v2 =	vmul.f32 $2.000000030e-01, v1  }
0x6b: {  	vm13 =	vgt.f32 v1, $0.0e+00  }
0x6c: {  	v1 =	vsel vm13, v1, v2  }
0x6d: {  	v1 =	vmul.f32 $1.442695020e+00, v1;
	_ =	sdelay $0x1  }
0x6e: {  	(erf) = vpow2.f32 v1;
	_ =	sdelay $0x8  }
0x6f: {  	v1 =	vpop (erf)  }
0x70: {  	[tilespmem:v3+s14+$0x0] =	vst.idx.add.f32.msk $0xffff, v1  }
0x71: {  	v2 =	vld [tilespmem:$0x76E0]  }
0x72: {  	v3 =	vld [tilespmem:$0x7760];
	_ =	sdelay $0x5  }
0x73: {  	[tilespmem:$0x77D0] =	vst v1  }
0x74: {  	v1 =	vld.idx.msk [tilespmem:v2+s2+$0x0], $0xffff  }
0x75: {  	v2 =	vld.idx.msk [tilespmem:v3+s11+$0x0], $0xffff;
	_ =	sdelay $0x4  }
0x76: {  	v1 =	vadd.f32 v2, v1;
	_ =	sdelay $0x1  }
0x77: {  	v2 =	vmul.f32 $2.000000030e-01, v1  }
0x78: {  	vm14 =	vgt.f32 v1, $0.0e+00  }
0x79: {  	v1 =	vsel vm14, v1, v2  }
0x7a: {  	v1 =	vmul.f32 $1.442695020e+00, v1;
	_ =	sdelay $0x1  }
0x7b: {  	(erf) = vpow2.f32 v1;
	_ =	sdelay $0x8  }
0x7c: {  	v1 =	vpop (erf)  }
0x7d: {  	[tilespmem:v3+s14+$0x0] =	vst.idx.add.f32.msk $0xffff, v1  }
0x7e: {  	v2 =	vld [tilespmem:$0x76F0]  }
0x7f: {  	v3 =	vld [tilespmem:$0x7770];
	_ =	sdelay $0x5  }
0x80: {  	[tilespmem:$0x77E0] =	vst v1  }
0x81: {  	v1 =	vld.idx.msk [tilespmem:v2+s2+$0x0], $0xffff  }
0x82: {  	v2 =	vld.idx.msk [tilespmem:v3+s11+$0x0], $0xffff;
	_ =	sdelay $0x4  }
0x83: {  	v1 =	vadd.f32 v2, v1;
	_ =	sdelay $0x1  }
0x84: {  	v2 =	vmul.f32 $2.000000030e-01, v1  }
0x85: {  	vm15 =	vgt.f32 v1, $0.0e+00  }
0x86: {  	v1 =	vsel vm15, v1, v2  }
0x87: {  	v1 =	vmul.f32 $1.442695020e+00, v1;
	_ =	sdelay $0x1  }
0x88: {  	(erf) = vpow2.f32 v1;
	_ =	sdelay $0x8  }
0x89: {  	v1 =	vpop (erf)  }
0x8a: {  	p0 =	sne.s32 s17, $0x500;
	[tilespmem:v3+s14+$0x0] =	vst.idx.add.f32.msk $0xffff, v1  }
.Ltmp1:
0x8b: {  	s31 =	sadd.s32 s17, s7;
	[tilespmem:$0x77F0] =	vst v1;
	(pc) =	sbr.rel @p0 .LBB2_4-.Ltmp1, $4  }
0x8c: {  	[hbm4b:s31+s2] =	stream.linear.scatter [tilespmem:s15], [sflag:$0x1], $0x80, $0x38;
	[tilespmem:$0x7800] =	vst v63  }
0x8d: {  	_ =	swait.ge [sflag:s10], $0x80  }
0x8e: {  	[sflag:s10] =	ssyncset.done $0x0  }
0x8f: {  	s17 =	sadd.s32 $0x10, s17;
	[sflag:s10] =	ssyncadd.s32 $0xFFFFFF80  }
0x90: {  	s16 =	sadd.s32 $0x1, s16  }
0x91: {  	p0 =	sne.s32 s16, s6  }
.Ltmp2:
0x92: {  	_ = 	snop;
	(pc) =	sbr.rel @p0 .LBB2_1-.Ltmp2, $4  }
0x93: {  	[hbm4b:s5+s2] =	stream.linear.scatter [tilespmem:s14], [sflag:$0x1], $0x2780, $0x38;
	[tilespmem:$0x7800] =	vst v63  }
0x94: {  	_ =	swait.ge [sflag:s10], $0x2780  }
0x95: {  	[sflag:s10] =	ssyncset.done $0x0  }
0x96: {  	[sflag:s10] =	ssyncadd.s32 $0xFFFFD880  }
0x97: {  	_ =	sfence.sel $0x180000  }
0x98: {  	[bflag:$0x0] =	sbarrier.arrive $0xFFFF  }
0x99: {  	p0 =	sne.s32 s1, $0x0;
	_ =	strace $0x90000053  }
0x9a: {  	s0 =	sadd.s32 @!p0 $0x100000, s0;
	[bflag:$0x2] =	sbarrier.arrive $0xFFFF  }
0x9b: {  	[sflag:s0] =	ssyncadd.tile.s32 @!p0 $0x1;
	_ =	shalt  }
.Lfunc_end2:
_tile_overlayer_lowered:
.L_overlay_start_2:
0x9c: {  	(tag) =	ssettag $0x2  }
0x9d: {  	s0 =	rddreg [dreg:$0x0];
	s2 =	stileid.u32  }
0x9e: {  	s1 =	rddreg [dreg:$0x1];
	p0 =	sne.s32 s2, $0x0  }
0x9f: {  	s3 =	rddreg [dreg:$0x2];
	[bflag:$0x3] =	sbarrier.arrive $0xFFFF;
	s2 =	simm.s32 @!p0 $0x1C01  }
0xa0: {  	[timem:s3], [sflag:s2] =	dma.local @!p0 [hbm:s0], s1  }
0xa1: {  	s0 =	simm.s32 @!p0 $0x1  }
0xa2: {  	_ =	swait.ge @!p0 [sflag:s0], s1  }
0xa3: {  	s1 =	ssub.s32 @!p0 $0x0, s1;
	[sflag:s0] =	ssyncset.done @!p0 $0x0  }
0xa4: {  	[sflag:s0] =	ssyncadd.s32 @!p0 s1  }
0xa5: {  	[bflag:$0x3] =	sbarrier.arrive $0xFFFF  }
0xa6: {  	_ =	shalt  }

// kernel: kernel.35.cloned.1.call-start
scs
__scs_entry_jumppad:
0x0: {  	(pc) =	sbr.rel $0x88, $3  }
0x1: {  	(tag) =	ssettag $0x0;
	lr =	simm.s32 $0x1  }
0x2: {  	[smem:$0x3F8C] =	sst lr;
	_ =	strace $0xD0000000  }
0x3: {  	_ = 	snop  }
0x4: {  	_ = 	snop  }
0x5: {  	_ = 	snop  }
0x6: {  	_ = 	snop  }
0x7: {  	_ = 	snop  }
__scs_overlays_trampoline_lowered:
0x8: {  	[smem:$0x3F9B] =	sst s0  }
0x9: {  	[smem:$0x3F9C] =	sst s1  }
0xa: {  	[smem:$0x3F9D] =	sst s2  }
0xb: {  	[smem:$0x3F9E] =	sst s3  }
0xc: {  	[smem:$0x3F9F] =	sst s4  }
0xd: {  	[smem:$0x3FA0] =	sst s5  }
0xe: {  	[smem:$0x3FA1] =	sst s6  }
0xf: {  	[smem:$0x3FA2] =	sst s7  }
0x10: {  	[smem:$0x3FA3] =	sst s8  }
0x11: {  	[smem:$0x3FA4] =	sst s9;
	s0 =	simm.s32 @!p0 $0x0  }
0x12: {  	s1 =	sld [smem:$0x3F8A];
	s0 =	simm.s32 @p0 $0x1  }
0x13: {  	[smem:$0x3FA5] =	sst s0;
	s0 =	simm.s32 @!p1 $0x0  }
0x14: {  	s2 =	sld [smem:$0x3F89];
	s0 =	simm.s32 @p1 $0x1  }
0x15: {  	[smem:$0x3FA6] =	sst s0;
	s0 =	simm.s32 @!p2 $0x0  }
0x16: {  	s3 =	sld [smem:$0x3FDB];
	s0 =	simm.s32 @p2 $0x1  }
0x17: {  	s4 =	simm.s32 $0x1BF5;
	[smem:$0x3FA8] =	sst s0  }
0x18: {  	s0 =	sld [smem:$0x3F8B];
	_ =	swait.ge [sflag:s4], $0x0  }
0x19: {  	s7 =	sld [smem:$0x3F8C]  }
0x1a: {  	s8 =	sadd.s32 $0xFFFFE003, lr  }
0x1b: {  	s9 =	sadd.s32 $0xFFFFFEF7, lr;
	s5 =	simm.s32 $0xFFFFFFFF;
	p2 =	slt.u32 s8, $0xFFFFF086  }
0x1c: {  	p1 =	slt.u32 s9, $0xF7A;
	s5 =	simm.s32 @!p2 $0x0  }
0x1d: {  	s5 =	simm.s32 @p1 $0x1;
	p0 =	seq.s32 s7, s2  }
0x1e: {  	s7 =	smul.u32 @!p0 $0xF7A, s2;
	p2 =	seq.s32 @!p0 s5, $0x0  }
0x1f: {  	s9 =	smul.u32 $0xF7A, s1;
	s8 =	simm.s32 @!p0 $0x1BF5;
	p2 =	por !p2, p0  }
0x20: {  	[sflag:s8] =	ssyncset.s32 @!p0 $0xFFFFF086;
	s6 =	sadd.s32 @!p0 s3, s7;
	s7 =	simm.s32 @!p0 $0x108  }
0x21: {  	s3 =	sadd.s32 s3, s9;
	s6 =	sadd.s32 @!p0 $0x88, s6;
	s7 =	simm.s32 @p2 $0x1082  }
0x22: {  	[simem:s7], [sflag:s8] =	dma.local @!p0 [hbm:s6], $0xF7A  }
0x23: {  	s9 =	sor.u32 $0xD0000000, s2;
	s6 =	simm.s32 $0x108;
	_ =	swait.ge @!p0 [sflag:s8], $0x0  }
0x24: {  	s3 =	sadd.s32 $0x88, s3;
	s6 =	simm.s32 @!p1 $0x1082;
	[sflag:s4] =	ssyncset.s32 $0xFFFFF086  }
0x25: {  	[simem:s6], [sflag:s4] =	dma.local [hbm:s3], $0xF7A  }
0x26: {  	[smem:$0x3F8C] =	sst s1;
	(tag) =	ssettag s2;
	_ =	strace s9  }
0x27: {  	s1 =	sld [smem:$0x3F9C]  }
0x28: {  	s2 =	sld [smem:$0x3F9D]  }
0x29: {  	s4 =	sld [smem:$0x3F9F]  }
0x2a: {  	p0 =	seq.s32 s5, $0x0;
	s5 =	sld [smem:$0x3FA0]  }
0x2b: {  	s6 =	sld [smem:$0x3FA1]  }
0x2c: {  	s7 =	sld [smem:$0x3FA2]  }
0x2d: {  	s3 =	simm.s32 $0x108;
	s8 =	sld [smem:$0x3FA3]  }
0x2e: {  	s3 =	simm.s32 @!p0 $0x1082;
	s9 =	sld [smem:$0x3FA4]  }
0x2f: {  	lr =	sadd.s32 s0, s3;
	s0 =	sld [smem:$0x3F9B]  }
0x30: {  	s3 =	sld [smem:$0x3F9E]  }
0x31: {  	[smem:$0x3FA7] =	sst s10  }
0x32: {  	s10 =	sld [smem:$0x3FA5];
	_ =	sdelay $0x3  }
0x33: {  	p0 =	seq.s32 s10, $0x1;
	s10 =	sld [smem:$0x3FA7];
	_ =	sdelay $0x3  }
0x34: {  	[smem:$0x3FA7] =	sst s10  }
0x35: {  	s10 =	sld [smem:$0x3FA6];
	_ =	sdelay $0x3  }
0x36: {  	p1 =	seq.s32 s10, $0x1;
	s10 =	sld [smem:$0x3FA7];
	_ =	sdelay $0x3  }
0x37: {  	[smem:$0x3FA7] =	sst s10  }
0x38: {  	s10 =	sld [smem:$0x3FA8]  }
0x39: {  	_ = 	snop;
	(pc) =	sbr.ind lr, $3  }
0x3a: {  	_ = 	snop  }
0x3b: {  	_ = 	snop  }
0x3c: {  	p2 =	seq.s32 s10, $0x1;
	s10 =	sld [smem:$0x3FA7]  }
0x3d: {  	_ =	shalt  }
0x3e: {  	_ =	shalt  }
0x3f: {  	_ =	shalt  }
0x40: {  	_ =	shalt  }
0x41: {  	_ =	shalt  }
0x42: {  	_ =	shalt  }
0x43: {  	_ =	shalt  }
0x44: {  	_ =	shalt  }
0x45: {  	_ =	shalt  }
0x46: {  	_ =	shalt  }
0x47: {  	_ =	shalt  }
0x48: {  	_ =	shalt  }
0x49: {  	_ =	shalt  }
0x4a: {  	_ =	shalt  }
0x4b: {  	_ =	shalt  }
0x4c: {  	_ =	shalt  }
0x4d: {  	_ =	shalt  }
0x4e: {  	_ =	shalt  }
0x4f: {  	_ =	shalt  }
0x50: {  	_ =	shalt  }
0x51: {  	_ =	shalt  }
0x52: {  	_ =	shalt  }
0x53: {  	_ =	shalt  }
0x54: {  	_ =	shalt  }
0x55: {  	_ =	shalt  }
0x56: {  	_ =	shalt  }
0x57: {  	_ =	shalt  }
0x58: {  	_ =	shalt  }
0x59: {  	_ =	shalt  }
0x5a: {  	_ =	shalt  }
0x5b: {  	_ =	shalt  }
0x5c: {  	_ =	shalt  }
0x5d: {  	_ =	shalt  }
0x5e: {  	_ =	shalt  }
0x5f: {  	_ =	shalt  }
0x60: {  	_ =	shalt  }
0x61: {  	_ =	shalt  }
0x62: {  	_ =	shalt  }
0x63: {  	_ =	shalt  }
0x64: {  	_ =	shalt  }
0x65: {  	_ =	shalt  }
0x66: {  	_ =	shalt  }
0x67: {  	_ =	shalt  }
0x68: {  	_ =	shalt  }
0x69: {  	_ =	shalt  }
0x6a: {  	_ =	shalt  }
0x6b: {  	_ =	shalt  }
0x6c: {  	_ =	shalt  }
0x6d: {  	_ =	shalt  }
0x6e: {  	_ =	shalt  }
0x6f: {  	_ =	shalt  }
0x70: {  	_ =	shalt  }
0x71: {  	_ =	shalt  }
0x72: {  	_ =	shalt  }
0x73: {  	_ =	shalt  }
0x74: {  	_ =	shalt  }
0x75: {  	_ =	shalt  }
0x76: {  	_ =	shalt  }
0x77: {  	_ =	shalt  }
0x78: {  	_ =	shalt  }
0x79: {  	_ =	shalt  }
0x7a: {  	_ =	shalt  }
0x7b: {  	_ =	shalt  }
0x7c: {  	_ =	shalt  }
0x7d: {  	_ =	shalt  }
0x7e: {  	_ =	shalt  }
0x7f: {  	_ =	shalt  }
0x80: {  	_ =	shalt  }
0x81: {  	_ =	shalt  }
0x82: {  	_ =	shalt  }
0x83: {  	_ =	shalt  }
0x84: {  	_ =	shalt  }
0x85: {  	_ =	shalt  }
0x86: {  	_ =	shalt  }
0x87: {  	_ =	shalt  }
.Lfunc_end0:
.L_simem_size_0:
called_computation.5_lowered:
.L_overlay_start_0:
0x88: {  	s2 =	sld [smem:$0x3FD9]  }
0x89: {  	s3 =	sld [smem:$0x3FFE];
	_ =	sdelay $0x1  }
0x8a: {  	s1 =	srdreg.scid  }
0x8b: {  	s0 =	sand.u32 $0x1, s1  }
0x8c: {  	s17 =	sshll.u32 s0, $0xA;
	s2 =	sadd.s32 s3, s2  }
0x8d: {  	s2 =	sadd.s32 s2, s17  }
0x8e: {  	[smem:$0x3FB3] =	sst s2  }
0x8f: {  	_ = 	snop  }
0x90: {  	(tm) =	ssettm $0x1  }
0x91: {  	s18 =	sld [smem:$0x3FFB];
	_ =	sdelay $0x3  }
0x92: {  	_ =	strace s18  }
0x93: {  	s2 =	sld [smem:$0x3FFC];
	_ =	sdelay $0x3  }
0x94: {  	_ =	strace s2  }
0x95: {  	s2 =	sld [smem:$0x3FFD];
	_ =	sdelay $0x3  }
0x96: {  	_ =	strace s2  }
0x97: {  	_ =	strace $0x8FFFFFFF  }
0x98: {  	s19 =	sld [smem:$0x3FDB];
	_ =	sdelay $0x1  }
0x99: {  	s20 =	simm.s32 $_scs_section_size  }
0x9a: {  	s4 =	simm.s32 $_size__tile_overlayer_lowered;
	s5 =	simm.s32 $_tile_overlayer_lowered  }
0x9b: {  	s6 =	simm.s32 $0x1BFF;
	s21 =	sshll.u32 s5, $0x1;
	s3 =	sadd.s32 s20, s19  }
0x9c: {  	s22 =	simm.s32 $0x0;
	s4 =	sshll.u32 s4, $0x1;
	s5 =	sadd.s32 s21, s3  }
0x9d: {  	[timem:s22], [sflag:s6] =	dma.local [hbm:s5], s4  }
0x9e: {  	_ =	swait.ge [sflag:s6], s4  }
0x9f: {  	s4 =	ssub.s32 $0x0, s4;
	[sflag:s6] =	ssyncset.done $0x0  }
0xa0: {  	[sflag:s6] =	ssyncadd.s32 s4;
	_ =	sdelay $0x1  }
0xa1: {  	s23 =	simm.s32 $0x1B8B  }
0xa2: {  	_ =	swait.ge [sflag:s23], $0x1  }
0xa3: {  	[sflag:s23] =	ssyncset.done $0x0  }
0xa4: {  	[sflag:s23] =	ssyncadd.s32 $0xFFFFFFFF  }
0xa5: {  	s4 =	sld [smem:$0x0]  }
0xa6: {  	s5 =	sand.u32 $0xFFFFFFFE, s1  }
0xa7: {  	p0 =	sne.s32 s1, s5  }
0xa8: {  	s5 =	sshll.u32 @p0 s5, $0xE  }
0xa9: {  	s5 =	sadd.s32 @p0 $0x11B8D, s5;
	s6 =	sshll.u32 @p0 s4, $0x11  }
0xaa: {  	s5 =	sor.u32 @p0 s6, s5  }
0xab: {  	[sflag:s5] =	ssyncadd.remote.s32 @p0 $0x1;
	_ =	sdelay $0x1  }
0xac: {  	s5 =	simm.s32 @p0 $0x1B8D  }
0xad: {  	_ =	swait.eq @p0 [sflag:s5], $0x1  }
0xae: {  	[sflag:s5] =	ssyncadd.s32 @p0 $0xFFFFFFFF  }
0xaf: {  	s6 =	sshll.u32 @!p0 s1, $0xE  }
0xb0: {  	s6 =	sor.u32 @!p0 $0x4000, s6;
	s5 =	simm.s32 @!p0 $0x1B8D  }
0xb1: {  	s4 =	sshll.u32 @!p0 s4, $0x11;
	s6 =	sadd.s32 @!p0 $0x11B8D, s6;
	_ =	swait.eq @!p0 [sflag:s5], $0x1  }
0xb2: {  	s4 =	sor.u32 @!p0 s4, s6;
	[sflag:s5] =	ssyncadd.s32 @!p0 $0xFFFFFFFF  }
0xb3: {  	s25 =	simm.s32 $0x1B8E;
	s24 =	sld [smem:$0x3FFE];
	[sflag:s4] =	ssyncadd.remote.s32 @!p0 $0x1  }
0xb4: {  	s26 =	simm.s32 $execute0_lowered;
	[smem:$0x3FD2] =	sst s25  }
0xb5: {  	s5 =	sshll.u32 s26, $0x1;
	_ =	strace $0x8000005E;
	[dreg:$0x1] =	wrdreg $0xFFFFFFFF  }
0xb6: {  	s28 =	simm.s32 $_size_execute0_lowered;
	s3 =	sadd.s32 s3, s5;
	[dreg:$0x0] =	wrdreg $0x0  }
0xb7: {  	s5 =	sshll.u32 s28, $0x1;
	[dreg:$0x2] =	wrdreg s3  }
0xb8: {  	[dreg:$0x3] =	wrdreg s5  }
0xb9: {  	[dreg:$0x4] =	wrdreg $0xC0  }
0xba: {  	_ =	task [dreg:s22], $0x5FFFF  }
0xbb: {  	[dreg:$0x1] =	wrdreg $0xFFFFFFFF  }
0xbc: {  	[dreg:$0x0] =	wrdreg $0x60  }
0xbd: {  	[dreg:$0x2] =	wrdreg s24  }
0xbe: {  	[dreg:$0x3] =	wrdreg $0x0  }
0xbf: {  	[dreg:$0x4] =	wrdreg $0x9  }
0xc0: {  	_ =	task.clear_ibuf [dreg:s22], $0x5FFFF;
	_ =	strace $0x9000005E  }
0xc1: {  	s29 =	simm.s32 $0x9;
	_ =	strace $0x80000060  }
0xc2: {  	_ =	swait.ge [sflag:s29], $0x1  }
0xc3: {  	[sflag:s29] =	ssyncadd.s32 $0xFFFFFFFF  }
0xc4: {  	_ =	strace $0x90000060  }
0xc5: {  	_ =	sfence  }
0xc6: {  	s30 =	sld [smem:$0x0];
	_ =	sdelay $0x2  }
0xc7: {  	s31 =	sshll.u32 s1, $0xD;
	s1 =	sshrl.u32 s1, $0x2  }
0xc8: {  	s4 =	sand.u32 $0x4000, s31;
	s1 =	sadd.s32 s1, s30  }
0xc9: {  	s0 =	sor.u32 s4, s0;
	s1 =	sshll.u32 s1, $0x11  }
0xca: {  	s0 =	sor.u32 s1, s0  }
0xcb: {  	s0 =	sadd.s32 $0x8F2B, s0  }
0xcc: {  	[sflag:s0] =	ssyncadd.remote.s32 $0x1  }
0xcd: {  	_ =	sfence.sel $0xFFFF  }
0xce: {  	[dreg:$0x0] =	wrdreg $0xFFFFFFFF;
	(pc) =	sbr.abs _section_cstart, $3  }
0xcf: {  	[dreg:$0x1] =	wrdreg $0xFFFFFFFF  }
0xd0: {  	_ =	task.clear_ibuf [dreg:s22], $0x2FFFF;
	_ =	strace $0x9FFFFFFF  }
0xd1: {  	(tm) =	ssettm $0x7FFFFFFF  }
tec
execute0_lowered:
.L_overlay_start_1:
0x0: {  	(tag) =	ssettag $0x1  }
0x1: {  	s8 =	rddreg [dreg:$0x0]  }
0x2: {  	s2 =	rddreg [dreg:$0x1]  }
0x3: {  	s0 =	rddreg [dreg:$0x2]  }
0x4: {  	s3 =	simm.s32 $0x0;
	s1 =	stileid.u32;
	s4 =	srdreg.scid  }
0x5: {  	s16 =	simm.s32 $0x80;
	s17 =	simm.s32 $0x13D80;
	s18 =	simm.s32 $0x1  }
0x6: {  	s19 =	simm.s32 $0x13C80;
	s20 =	simm.s32 $0x13D00;
	[smem:$0x7FF] =	sst s3  }
0x7: {  	s9 =	smul.u32 $0x13C00, s1;
	s10 =	sand.u32 $0x1, s4;
	s4 =	sadd.s32 $0x15B600, s8  }
0x8: {  	s5 =	sadd.s32 $0x16C00, s8;
	s6 =	sadd.s32 $0x2C00, s8;
	s7 =	sadd.s32 $0xEF800, s8  }
0x9: {  	s13 =	smul.u32 $0x4F000, s1;
	s29 =	sshll.u32 s1, $0x1;
	s31 =	sshll.u32 s1, $0x6  }
0xa: {  	_ =	strace $0x8000005F;
	s11 =	smul.u32 $0x13C000, s10;
	s26 =	ssub.s32 $0x2, s10  }
0xb: {  	s10 =	sor.u32 s10, s29;
	s12 =	sshrl.u32 s9, $0x3;
	s28 =	sshrl.u32 s26, $0x1  }
0xc: {  	s30 =	sshrl.u32 s13, $0x2;
	s10 =	smul.u32 $0x51, s10;
	s9 =	sadd.s32 s9, s11  }
0xd: {  	s12 =	sadd.s32 s12, s8;
	s13 =	sadd.s32 s30, s2;
	s9 =	sshrl.u32 s9, $0x3  }
0xe: {  	s15 =	ssub.s32 s26, s28;
	s13 =	sshrl.u32 s13, $0x3;
	s14 =	sadd.s32 s9, s8  }
0xf: {  	s8 =	sadd.s32 $0x20E00, s12;
	s9 =	sor.u32 $0x1C02, s31;
	s12 =	smax.u32 s15, $0x1  }
0x10: {  	s15 =	simm.s32 $0x13C00;
	s11 =	sadd.s32 $0x220800, s14;
	s14 =	simm.s32 $0x2  }
.LBB2_1:
0x11: {  	[spmem:s13], [sflag:s9] =	dma.local [hbm:s8], $0x2780  }
0x12: {  	_ =	swait.ge [sflag:s14], $0x2780  }
0x13: {  	[sflag:s14] =	ssyncset.done $0x0  }
0x14: {  	[sflag:s14] =	ssyncadd.s32 $0xFFFFD880  }
0x15: {  	s21 =	simm.s32 $0x0;
	[bflag:$0x0] =	sbarrier.arrive $0xFFFF  }
.LBB2_2:
0x16: {  	s22 =	sadd.s32 s10, s21  }
0x17: {  	s22 =	sshll.u32 s22, $0x4  }
0x18: {  	s24 =	simm.s32 $0x0;
	s23 =	sadd.s32 s5, s22  }
0x19: {  	[tilespmem:s15], [sflag:$0x2] =	stream.linear.gather [hbm4b:s23+s24], $0x80, $0x38;
	[tilespmem:$0x17D80] =	vst v63  }
0x1a: {  	_ =	swait.ge [sflag:s14], $0x80  }
0x1b: {  	[sflag:s14] =	ssyncset.done $0x0  }
0x1c: {  	[sflag:s14] =	ssyncadd.s32 $0xFFFFFF80  }
0x1d: {  	[tilespmem:s17], [sflag:$0x1] =	stream.indirect.gather [hbm4b:s4+s16], $0x80, s15, s16, $0xb8;
	[tilespmem:$0x17D80] =	vst v63  }
0x1e: {  	_ =	swait.ge [sflag:s18], $0x4000  }
0x1f: {  	[sflag:s18] =	ssyncset.done $0x0  }
0x20: {  	s31 =	sadd.s32 s6, s22;
	[sflag:s18] =	ssyncadd.s32 $0xFFFFC000  }
0x21: {  	[tilespmem:s19], [sflag:$0x2] =	stream.linear.gather [hbm4b:s31+s24], $0x80, $0x38;
	[tilespmem:$0x17D80] =	vst v63  }
0x22: {  	_ =	swait.ge [sflag:s14], $0x80  }
0x23: {  	[sflag:s14] =	ssyncset.done $0x0  }
0x24: {  	s22 =	sadd.s32 s7, s22;
	[sflag:s14] =	ssyncadd.s32 $0xFFFFFF80  }
0x25: {  	[tilespmem:s20], [sflag:$0x2] =	stream.linear.gather [hbm4b:s22+s24], $0x80, $0x38;
	[tilespmem:$0x17D80] =	vst v63  }
0x26: {  	_ =	swait.ge [sflag:s14], $0x80  }
0x27: {  	v0 =	vmov s24;
	[sflag:s14] =	ssyncset.done $0x0  }
0x28: {  	s22 =	simm.s32 $0x13DC0;
	[sflag:s14] =	ssyncadd.s32 $0xFFFFFF80  }
0x29: {  	v4 =	vld [tilespmem:s22+$0x30]  }
0x2a: {  	v7 =	vld [tilespmem:s22+$0x10]  }
0x2b: {  	v5 =	vld [tilespmem:s22+$0xFFFFFFC0]  }
0x2c: {  	v1 =	vld.idx.msk [tilespmem:v0+s20+$0x0], $0xffff  }
0x2d: {  	v9 =	vld [tilespmem:s22+$0xFFFFFFE0]  }
0x2e: {  	v0 =	vld [tilespmem:s22+$0xFFFFFFF0]  }
0x2f: {  	v2 =	vld [tilespmem:s22+$0x20]  }
0x30: {  	v3 =	vld [tilespmem:s22+$0xFFFFFFD0]  }
0x31: {  	v8 =	vmul.f32 v4, v1;
	v4 =	vld [tilespmem:s22+$0x0]  }
0x32: {  	v6 =	vmul.f32 v5, v1  }
0x33: {  	s23 =	simm.s32 $0x1;
	s24 =	simm.s32 $0x13DC0;
	v5 =	vmul.f32 v9, v1;
	v7 =	vmul.f32 v7, v1  }
.LBB2_3:
0x34: {  	p0 =	sne.s32 s23, $0x7F  }
0x35: {  	v3 =	vmul.f32 v3, v1;
	v2 =	vmul.f32 v2, v1;
	[tilespmem:s22+$0x30] =	vst v8;
	s24 =	sadd.s32 $0x80, s24;
	s25 =	smov.u32 s23;
	s23 =	sadd.s32 $0x1, s23  }
0x36: {  	[tilespmem:s22+$0xFFFFFFC0] =	vst v6;
	v6 =	vmul.f32 v0, v1;
	v1 =	vmul.f32 v4, v1  }
0x37: {  	[tilespmem:s22+$0x10] =	vst v7  }
0x38: {  	v4 =	vmov s25;
	[tilespmem:s22+$0xFFFFFFE0] =	vst v5  }
0x39: {  	v0 =	vld [tilespmem:s24+$0xFFFFFFF0];
	[tilespmem:s22+$0xFFFFFFF0] =	vst v6  }
0x3a: {  	v5 =	vld [tilespmem:s24+$0x30];
	[tilespmem:s22+$0x0] =	vst v1  }
0x3b: {  	v7 =	vld [tilespmem:s24+$0x10];
	[tilespmem:s22+$0x20] =	vst v2  }
0x3c: {  	v6 =	vld [tilespmem:s24+$0xFFFFFFC0];
	[tilespmem:s22+$0xFFFFFFD0] =	vst v3;
	s22 =	smov.u32 s24  }
0x3d: {  	v1 =	vld.idx.msk [tilespmem:v4+s20+$0x0], $0xffff  }
0x3e: {  	v9 =	vld [tilespmem:s24+$0xFFFFFFE0]  }
0x3f: {  	v2 =	vld [tilespmem:s24+$0x20]  }
.Ltmp0:
0x40: {  	v3 =	vld [tilespmem:s24+$0xFFFFFFD0];
	(pc) =	sbr.rel @p0 .LBB2_3-.Ltmp0, $3  }
0x41: {  	v4 =	vld [tilespmem:s24+$0x0];
	_ =	sdelay $0x1  }
0x42: {  	v6 =	vmul.f32 v6, v1;
	v8 =	vmul.f32 v5, v1  }
0x43: {  	v7 =	vmul.f32 v7, v1;
	v5 =	vmul.f32 v9, v1  }
0x44: {  	[tilespmem:s22+$0x30] =	vst v8  }
0x45: {  	[tilespmem:s22+$0xFFFFFFC0] =	vst v6  }
0x46: {  	v0 =	vmul.f32 v0, v1;
	[tilespmem:s22+$0x10] =	vst v7  }
0x47: {  	v2 =	vmul.f32 v2, v1;
	[tilespmem:s22+$0xFFFFFFE0] =	vst v5  }
0x48: {  	v63 =	vmul.f32 v3, v1;
	[tilespmem:s22+$0xFFFFFFF0] =	vst v0  }
0x49: {  	s21 =	sadd.s32 $0x1, s21;
	v4 =	vmul.f32 v4, v1;
	[tilespmem:s22+$0x20] =	vst v2  }
0x4a: {  	p0 =	sne.s32 s21, $0x51;
	[tilespmem:s22+$0xFFFFFFD0] =	vst v63  }
.Ltmp1:
0x4b: {  	[tilespmem:s22+$0x0] =	vst v4;
	(pc) =	sbr.rel @p0 .LBB2_2-.Ltmp1, $4  }
0x4c: {  	[spmem:s2] =	stream.indirect.scatter.add.f32 [tilespmem:s17], [sflag:$0x2], $0x80, s19, s16, $0xb8;
	[tilespmem:$0x17D80] =	vst v63  }
0x4d: {  	_ =	swait.ge [sflag:s14], $0x4000  }
0x4e: {  	[sflag:s14] =	ssyncset.done $0x0  }
0x4f: {  	[sflag:s14] =	ssyncadd.s32 $0xFFFFC000  }
0x50: {  	s3 =	sadd.s32 $0x1, s3  }
0x51: {  	p0 =	sne.s32 s3, s12  }
.Ltmp2:
0x52: {  	[bflag:$0x0] =	sbarrier.arrive $0xFFFF;
	(pc) =	sbr.rel @p0 .LBB2_1-.Ltmp2, $4  }
0x53: {  	[hbm:s11], [sflag:s9] =	dma.local [spmem:s13], $0x2780  }
0x54: {  	_ =	swait.ge [sflag:s14], $0x2780  }
0x55: {  	[sflag:s14] =	ssyncset.done $0x0  }
0x56: {  	[sflag:s14] =	ssyncadd.s32 $0xFFFFD880  }
0x57: {  	_ =	sfence.sel $0x180000  }
0x58: {  	[bflag:$0x0] =	sbarrier.arrive $0xFFFF  }
0x59: {  	p0 =	sne.s32 s1, $0x0;
	_ =	strace $0x9000005F  }
0x5a: {  	s0 =	sadd.s32 @!p0 $0x100000, s0;
	[bflag:$0x2] =	sbarrier.arrive $0xFFFF  }
0x5b: {  	[sflag:s0] =	ssyncadd.tile.s32 @!p0 $0x1;
	_ =	shalt  }
.Lfunc_end2:
_tile_overlayer_lowered:
.L_overlay_start_2:
0x5c: {  	(tag) =	ssettag $0x2  }
0x5d: {  	s0 =	rddreg [dreg:$0x0];
	s2 =	stileid.u32  }
0x5e: {  	s1 =	rddreg [dreg:$0x1];
	p0 =	sne.s32 s2, $0x0  }
0x5f: {  	s3 =	rddreg [dreg:$0x2];
	[bflag:$0x3] =	sbarrier.arrive $0xFFFF;
	s2 =	simm.s32 @!p0 $0x1C02  }
0x60: {  	[timem:s3], [sflag:s2] =	dma.local @!p0 [hbm:s0], s1  }
0x61: {  	s0 =	simm.s32 @!p0 $0x2  }
0x62: {  	_ =	swait.ge @!p0 [sflag:s0], s1  }
0x63: {  	s1 =	ssub.s32 @!p0 $0x0, s1;
	[sflag:s0] =	ssyncset.done @!p0 $0x0  }
0x64: {  	[sflag:s0] =	ssyncadd.s32 @!p0 s1  }
0x65: {  	[bflag:$0x3] =	sbarrier.arrive $0xFFFF  }
0x66: {  	_ =	shalt  }

// kernel: kernel.38.cloned.1.call-start
scs
__scs_entry_jumppad:
0x0: {  	(pc) =	sbr.rel $0x88, $3  }
0x1: {  	(tag) =	ssettag $0x0;
	lr =	simm.s32 $0x1  }
0x2: {  	[smem:$0x3F8C] =	sst lr;
	_ =	strace $0xD0000000  }
0x3: {  	_ = 	snop  }
0x4: {  	_ = 	snop  }
0x5: {  	_ = 	snop  }
0x6: {  	_ = 	snop  }
0x7: {  	_ = 	snop  }
__scs_overlays_trampoline_lowered:
0x8: {  	[smem:$0x3F9B] =	sst s0  }
0x9: {  	[smem:$0x3F9C] =	sst s1  }
0xa: {  	[smem:$0x3F9D] =	sst s2  }
0xb: {  	[smem:$0x3F9E] =	sst s3  }
0xc: {  	[smem:$0x3F9F] =	sst s4  }
0xd: {  	[smem:$0x3FA0] =	sst s5  }
0xe: {  	[smem:$0x3FA1] =	sst s6  }
0xf: {  	[smem:$0x3FA2] =	sst s7  }
0x10: {  	[smem:$0x3FA3] =	sst s8  }
0x11: {  	[smem:$0x3FA4] =	sst s9;
	s0 =	simm.s32 @!p0 $0x0  }
0x12: {  	s1 =	sld [smem:$0x3F8A];
	s0 =	simm.s32 @p0 $0x1  }
0x13: {  	[smem:$0x3FA5] =	sst s0;
	s0 =	simm.s32 @!p1 $0x0  }
0x14: {  	s2 =	sld [smem:$0x3F89];
	s0 =	simm.s32 @p1 $0x1  }
0x15: {  	[smem:$0x3FA6] =	sst s0;
	s0 =	simm.s32 @!p2 $0x0  }
0x16: {  	s3 =	sld [smem:$0x3FDB];
	s0 =	simm.s32 @p2 $0x1  }
0x17: {  	s4 =	simm.s32 $0x1BF5;
	[smem:$0x3FA8] =	sst s0  }
0x18: {  	s0 =	sld [smem:$0x3F8B];
	_ =	swait.ge [sflag:s4], $0x0  }
0x19: {  	s7 =	sld [smem:$0x3F8C]  }
0x1a: {  	s8 =	sadd.s32 $0xFFFFE003, lr  }
0x1b: {  	s9 =	sadd.s32 $0xFFFFFEF7, lr;
	s5 =	simm.s32 $0xFFFFFFFF;
	p2 =	slt.u32 s8, $0xFFFFF086  }
0x1c: {  	p1 =	slt.u32 s9, $0xF7A;
	s5 =	simm.s32 @!p2 $0x0  }
0x1d: {  	s5 =	simm.s32 @p1 $0x1;
	p0 =	seq.s32 s7, s2  }
0x1e: {  	s7 =	smul.u32 @!p0 $0xF7A, s2;
	p2 =	seq.s32 @!p0 s5, $0x0  }
0x1f: {  	s9 =	smul.u32 $0xF7A, s1;
	s8 =	simm.s32 @!p0 $0x1BF5;
	p2 =	por !p2, p0  }
0x20: {  	[sflag:s8] =	ssyncset.s32 @!p0 $0xFFFFF086;
	s6 =	sadd.s32 @!p0 s3, s7;
	s7 =	simm.s32 @!p0 $0x108  }
0x21: {  	s3 =	sadd.s32 s3, s9;
	s6 =	sadd.s32 @!p0 $0x88, s6;
	s7 =	simm.s32 @p2 $0x1082  }
0x22: {  	[simem:s7], [sflag:s8] =	dma.local @!p0 [hbm:s6], $0xF7A  }
0x23: {  	s9 =	sor.u32 $0xD0000000, s2;
	s6 =	simm.s32 $0x108;
	_ =	swait.ge @!p0 [sflag:s8], $0x0  }
0x24: {  	s3 =	sadd.s32 $0x88, s3;
	s6 =	simm.s32 @!p1 $0x1082;
	[sflag:s4] =	ssyncset.s32 $0xFFFFF086  }
0x25: {  	[simem:s6], [sflag:s4] =	dma.local [hbm:s3], $0xF7A  }
0x26: {  	[smem:$0x3F8C] =	sst s1;
	(tag) =	ssettag s2;
	_ =	strace s9  }
0x27: {  	s1 =	sld [smem:$0x3F9C]  }
0x28: {  	s2 =	sld [smem:$0x3F9D]  }
0x29: {  	s4 =	sld [smem:$0x3F9F]  }
0x2a: {  	p0 =	seq.s32 s5, $0x0;
	s5 =	sld [smem:$0x3FA0]  }
0x2b: {  	s6 =	sld [smem:$0x3FA1]  }
0x2c: {  	s7 =	sld [smem:$0x3FA2]  }
0x2d: {  	s3 =	simm.s32 $0x108;
	s8 =	sld [smem:$0x3FA3]  }
0x2e: {  	s3 =	simm.s32 @!p0 $0x1082;
	s9 =	sld [smem:$0x3FA4]  }
0x2f: {  	lr =	sadd.s32 s0, s3;
	s0 =	sld [smem:$0x3F9B]  }
0x30: {  	s3 =	sld [smem:$0x3F9E]  }
0x31: {  	[smem:$0x3FA7] =	sst s10  }
0x32: {  	s10 =	sld [smem:$0x3FA5];
	_ =	sdelay $0x3  }
0x33: {  	p0 =	seq.s32 s10, $0x1;
	s10 =	sld [smem:$0x3FA7];
	_ =	sdelay $0x3  }
0x34: {  	[smem:$0x3FA7] =	sst s10  }
0x35: {  	s10 =	sld [smem:$0x3FA6];
	_ =	sdelay $0x3  }
0x36: {  	p1 =	seq.s32 s10, $0x1;
	s10 =	sld [smem:$0x3FA7];
	_ =	sdelay $0x3  }
0x37: {  	[smem:$0x3FA7] =	sst s10  }
0x38: {  	s10 =	sld [smem:$0x3FA8]  }
0x39: {  	_ = 	snop;
	(pc) =	sbr.ind lr, $3  }
0x3a: {  	_ = 	snop  }
0x3b: {  	_ = 	snop  }
0x3c: {  	p2 =	seq.s32 s10, $0x1;
	s10 =	sld [smem:$0x3FA7]  }
0x3d: {  	_ =	shalt  }
0x3e: {  	_ =	shalt  }
0x3f: {  	_ =	shalt  }
0x40: {  	_ =	shalt  }
0x41: {  	_ =	shalt  }
0x42: {  	_ =	shalt  }
0x43: {  	_ =	shalt  }
0x44: {  	_ =	shalt  }
0x45: {  	_ =	shalt  }
0x46: {  	_ =	shalt  }
0x47: {  	_ =	shalt  }
0x48: {  	_ =	shalt  }
0x49: {  	_ =	shalt  }
0x4a: {  	_ =	shalt  }
0x4b: {  	_ =	shalt  }
0x4c: {  	_ =	shalt  }
0x4d: {  	_ =	shalt  }
0x4e: {  	_ =	shalt  }
0x4f: {  	_ =	shalt  }
0x50: {  	_ =	shalt  }
0x51: {  	_ =	shalt  }
0x52: {  	_ =	shalt  }
0x53: {  	_ =	shalt  }
0x54: {  	_ =	shalt  }
0x55: {  	_ =	shalt  }
0x56: {  	_ =	shalt  }
0x57: {  	_ =	shalt  }
0x58: {  	_ =	shalt  }
0x59: {  	_ =	shalt  }
0x5a: {  	_ =	shalt  }
0x5b: {  	_ =	shalt  }
0x5c: {  	_ =	shalt  }
0x5d: {  	_ =	shalt  }
0x5e: {  	_ =	shalt  }
0x5f: {  	_ =	shalt  }
0x60: {  	_ =	shalt  }
0x61: {  	_ =	shalt  }
0x62: {  	_ =	shalt  }
0x63: {  	_ =	shalt  }
0x64: {  	_ =	shalt  }
0x65: {  	_ =	shalt  }
0x66: {  	_ =	shalt  }
0x67: {  	_ =	shalt  }
0x68: {  	_ =	shalt  }
0x69: {  	_ =	shalt  }
0x6a: {  	_ =	shalt  }
0x6b: {  	_ =	shalt  }
0x6c: {  	_ =	shalt  }
0x6d: {  	_ =	shalt  }
0x6e: {  	_ =	shalt  }
0x6f: {  	_ =	shalt  }
0x70: {  	_ =	shalt  }
0x71: {  	_ =	shalt  }
0x72: {  	_ =	shalt  }
0x73: {  	_ =	shalt  }
0x74: {  	_ =	shalt  }
0x75: {  	_ =	shalt  }
0x76: {  	_ =	shalt  }
0x77: {  	_ =	shalt  }
0x78: {  	_ =	shalt  }
0x79: {  	_ =	shalt  }
0x7a: {  	_ =	shalt  }
0x7b: {  	_ =	shalt  }
0x7c: {  	_ =	shalt  }
0x7d: {  	_ =	shalt  }
0x7e: {  	_ =	shalt  }
0x7f: {  	_ =	shalt  }
0x80: {  	_ =	shalt  }
0x81: {  	_ =	shalt  }
0x82: {  	_ =	shalt  }
0x83: {  	_ =	shalt  }
0x84: {  	_ =	shalt  }
0x85: {  	_ =	shalt  }
0x86: {  	_ =	shalt  }
0x87: {  	_ =	shalt  }
.Lfunc_end0:
.L_simem_size_0:
called_computation.6_lowered:
.L_overlay_start_0:
0x88: {  	s2 =	sld [smem:$0x3FD9]  }
0x89: {  	s3 =	sld [smem:$0x3FFE];
	_ =	sdelay $0x1  }
0x8a: {  	s1 =	srdreg.scid  }
0x8b: {  	s0 =	sand.u32 $0x1, s1  }
0x8c: {  	s17 =	sshll.u32 s0, $0xA;
	s2 =	sadd.s32 s3, s2  }
0x8d: {  	s2 =	sadd.s32 s2, s17  }
0x8e: {  	[smem:$0x3FB3] =	sst s2  }
0x8f: {  	_ = 	snop  }
0x90: {  	(tm) =	ssettm $0x1  }
0x91: {  	s18 =	sld [smem:$0x3FFB];
	_ =	sdelay $0x3  }
0x92: {  	_ =	strace s18  }
0x93: {  	s2 =	sld [smem:$0x3FFC];
	_ =	sdelay $0x3  }
0x94: {  	_ =	strace s2  }
0x95: {  	s2 =	sld [smem:$0x3FFD];
	_ =	sdelay $0x3  }
0x96: {  	_ =	strace s2  }
0x97: {  	_ =	strace $0x8FFFFFFF  }
0x98: {  	s19 =	sld [smem:$0x3FDB];
	_ =	sdelay $0x1  }
0x99: {  	s20 =	simm.s32 $_scs_section_size  }
0x9a: {  	s4 =	simm.s32 $_size__tile_overlayer_lowered;
	s5 =	simm.s32 $_tile_overlayer_lowered  }
0x9b: {  	s6 =	simm.s32 $0x1BFF;
	s21 =	sshll.u32 s5, $0x1;
	s3 =	sadd.s32 s20, s19  }
0x9c: {  	s22 =	simm.s32 $0x0;
	s4 =	sshll.u32 s4, $0x1;
	s5 =	sadd.s32 s21, s3  }
0x9d: {  	[timem:s22], [sflag:s6] =	dma.local [hbm:s5], s4  }
0x9e: {  	_ =	swait.ge [sflag:s6], s4  }
0x9f: {  	s4 =	ssub.s32 $0x0, s4;
	[sflag:s6] =	ssyncset.done $0x0  }
0xa0: {  	[sflag:s6] =	ssyncadd.s32 s4;
	_ =	sdelay $0x1  }
0xa1: {  	s23 =	simm.s32 $0x1B8B  }
0xa2: {  	_ =	swait.ge [sflag:s23], $0x1  }
0xa3: {  	[sflag:s23] =	ssyncset.done $0x0  }
0xa4: {  	[sflag:s23] =	ssyncadd.s32 $0xFFFFFFFF  }
0xa5: {  	s4 =	sld [smem:$0x0]  }
0xa6: {  	s5 =	sand.u32 $0xFFFFFFFE, s1  }
0xa7: {  	p0 =	sne.s32 s1, s5  }
0xa8: {  	s5 =	sshll.u32 @p0 s5, $0xE  }
0xa9: {  	s5 =	sadd.s32 @p0 $0x11B8D, s5;
	s6 =	sshll.u32 @p0 s4, $0x11  }
0xaa: {  	s5 =	sor.u32 @p0 s6, s5  }
0xab: {  	[sflag:s5] =	ssyncadd.remote.s32 @p0 $0x1;
	_ =	sdelay $0x1  }
0xac: {  	s5 =	simm.s32 @p0 $0x1B8D  }
0xad: {  	_ =	swait.eq @p0 [sflag:s5], $0x1  }
0xae: {  	[sflag:s5] =	ssyncadd.s32 @p0 $0xFFFFFFFF  }
0xaf: {  	s6 =	sshll.u32 @!p0 s1, $0xE  }
0xb0: {  	s6 =	sor.u32 @!p0 $0x4000, s6;
	s5 =	simm.s32 @!p0 $0x1B8D  }
0xb1: {  	s4 =	sshll.u32 @!p0 s4, $0x11;
	s6 =	sadd.s32 @!p0 $0x11B8D, s6;
	_ =	swait.eq @!p0 [sflag:s5], $0x1  }
0xb2: {  	s4 =	sor.u32 @!p0 s4, s6;
	[sflag:s5] =	ssyncadd.s32 @!p0 $0xFFFFFFFF  }
0xb3: {  	s25 =	simm.s32 $0x1B8E;
	s24 =	sld [smem:$0x3FFE];
	[sflag:s4] =	ssyncadd.remote.s32 @!p0 $0x1  }
0xb4: {  	s26 =	simm.s32 $execute0_lowered;
	[smem:$0x3FD2] =	sst s25  }
0xb5: {  	s5 =	sshll.u32 s26, $0x1;
	_ =	strace $0x8000005B;
	[dreg:$0x1] =	wrdreg $0xFFFFFFFF  }
0xb6: {  	s28 =	simm.s32 $_size_execute0_lowered;
	s3 =	sadd.s32 s3, s5;
	[dreg:$0x0] =	wrdreg $0x0  }
0xb7: {  	s5 =	sshll.u32 s28, $0x1;
	[dreg:$0x2] =	wrdreg s3  }
0xb8: {  	[dreg:$0x3] =	wrdreg s5  }
0xb9: {  	[dreg:$0x4] =	wrdreg $0xC0  }
0xba: {  	_ =	task [dreg:s22], $0x5FFFF  }
0xbb: {  	[dreg:$0x1] =	wrdreg $0xFFFFFFFF  }
0xbc: {  	[dreg:$0x0] =	wrdreg $0x60  }
0xbd: {  	[dreg:$0x2] =	wrdreg s24  }
0xbe: {  	[dreg:$0x3] =	wrdreg $0x0  }
0xbf: {  	[dreg:$0x4] =	wrdreg $0xA  }
0xc0: {  	_ =	task.clear_ibuf [dreg:s22], $0x5FFFF;
	_ =	strace $0x9000005B  }
0xc1: {  	s29 =	simm.s32 $0xA;
	_ =	strace $0x8000005D  }
0xc2: {  	_ =	swait.ge [sflag:s29], $0x1  }
0xc3: {  	[sflag:s29] =	ssyncadd.s32 $0xFFFFFFFF  }
0xc4: {  	_ =	strace $0x9000005D  }
0xc5: {  	_ =	sfence  }
0xc6: {  	s30 =	sld [smem:$0x0];
	_ =	sdelay $0x2  }
0xc7: {  	s31 =	sshll.u32 s1, $0xD;
	s1 =	sshrl.u32 s1, $0x2  }
0xc8: {  	s4 =	sand.u32 $0x4000, s31;
	s1 =	sadd.s32 s1, s30  }
0xc9: {  	s0 =	sor.u32 s4, s0;
	s1 =	sshll.u32 s1, $0x11  }
0xca: {  	s0 =	sor.u32 s1, s0  }
0xcb: {  	s0 =	sadd.s32 $0x8F2B, s0  }
0xcc: {  	[sflag:s0] =	ssyncadd.remote.s32 $0x1  }
0xcd: {  	_ =	sfence.sel $0xFFFF  }
0xce: {  	[dreg:$0x0] =	wrdreg $0xFFFFFFFF;
	(pc) =	sbr.abs _section_cstart, $3  }
0xcf: {  	[dreg:$0x1] =	wrdreg $0xFFFFFFFF  }
0xd0: {  	_ =	task.clear_ibuf [dreg:s22], $0x2FFFF;
	_ =	strace $0x9FFFFFFF  }
0xd1: {  	(tm) =	ssettm $0x7FFFFFFF  }
tec
execute0_lowered:
.L_overlay_start_1:
0x0: {  	(tag) =	ssettag $0x1  }
0x1: {  	s8 =	rddreg [dreg:$0x0]  }
0x2: {  	s2 =	rddreg [dreg:$0x1]  }
0x3: {  	s0 =	rddreg [dreg:$0x2]  }
0x4: {  	s3 =	simm.s32 $0x0;
	s1 =	stileid.u32;
	s4 =	srdreg.scid  }
0x5: {  	s16 =	simm.s32 $0x80;
	s17 =	simm.s32 $0x13D80;
	s18 =	simm.s32 $0x1  }
0x6: {  	s19 =	simm.s32 $0x13C80;
	s20 =	simm.s32 $0x13D00;
	[smem:$0x7FF] =	sst s3  }
0x7: {  	s9 =	smul.u32 $0x13C00, s1;
	s10 =	sand.u32 $0x1, s4;
	s4 =	sadd.s32 $0x134400, s8  }
0x8: {  	s5 =	sadd.s32 $0x16C00, s8;
	s6 =	sadd.s32 $0x2C00, s8;
	s7 =	sadd.s32 $0xEF800, s8  }
0x9: {  	s13 =	smul.u32 $0x4F000, s1;
	s29 =	sshll.u32 s1, $0x1;
	s31 =	sshll.u32 s1, $0x6  }
0xa: {  	_ =	strace $0x8000005C;
	s11 =	smul.u32 $0x13C000, s10;
	s26 =	ssub.s32 $0x2, s10  }
0xb: {  	s10 =	sor.u32 s10, s29;
	s12 =	sshrl.u32 s9, $0x3;
	s28 =	sshrl.u32 s26, $0x1  }
0xc: {  	s30 =	sshrl.u32 s13, $0x2;
	s10 =	smul.u32 $0x51, s10;
	s9 =	sadd.s32 s9, s11  }
0xd: {  	s12 =	sadd.s32 s12, s8;
	s13 =	sadd.s32 s30, s2;
	s9 =	sshrl.u32 s9, $0x3  }
0xe: {  	s15 =	ssub.s32 s26, s28;
	s13 =	sshrl.u32 s13, $0x3;
	s14 =	sadd.s32 s9, s8  }
0xf: {  	s8 =	sadd.s32 $0x20E00, s12;
	s9 =	sor.u32 $0x1C02, s31;
	s12 =	smax.u32 s15, $0x1  }
0x10: {  	s15 =	simm.s32 $0x13C00;
	s11 =	sadd.s32 $0x1D1800, s14;
	s14 =	simm.s32 $0x2  }
.LBB2_1:
0x11: {  	[spmem:s13], [sflag:s9] =	dma.local [hbm:s8], $0x2780  }
0x12: {  	_ =	swait.ge [sflag:s14], $0x2780  }
0x13: {  	[sflag:s14] =	ssyncset.done $0x0  }
0x14: {  	[sflag:s14] =	ssyncadd.s32 $0xFFFFD880  }
0x15: {  	s21 =	simm.s32 $0x0;
	[bflag:$0x0] =	sbarrier.arrive $0xFFFF  }
.LBB2_2:
0x16: {  	s22 =	sadd.s32 s10, s21  }
0x17: {  	s22 =	sshll.u32 s22, $0x4  }
0x18: {  	s24 =	simm.s32 $0x0;
	s23 =	sadd.s32 s5, s22  }
0x19: {  	[tilespmem:s15], [sflag:$0x2] =	stream.linear.gather [hbm4b:s23+s24], $0x80, $0x38;
	[tilespmem:$0x17D80] =	vst v63  }
0x1a: {  	_ =	swait.ge [sflag:s14], $0x80  }
0x1b: {  	[sflag:s14] =	ssyncset.done $0x0  }
0x1c: {  	[sflag:s14] =	ssyncadd.s32 $0xFFFFFF80  }
0x1d: {  	[tilespmem:s17], [sflag:$0x1] =	stream.indirect.gather [hbm4b:s4+s16], $0x80, s15, s16, $0xb8;
	[tilespmem:$0x17D80] =	vst v63  }
0x1e: {  	_ =	swait.ge [sflag:s18], $0x4000  }
0x1f: {  	[sflag:s18] =	ssyncset.done $0x0  }
0x20: {  	s31 =	sadd.s32 s6, s22;
	[sflag:s18] =	ssyncadd.s32 $0xFFFFC000  }
0x21: {  	[tilespmem:s19], [sflag:$0x2] =	stream.linear.gather [hbm4b:s31+s24], $0x80, $0x38;
	[tilespmem:$0x17D80] =	vst v63  }
0x22: {  	_ =	swait.ge [sflag:s14], $0x80  }
0x23: {  	[sflag:s14] =	ssyncset.done $0x0  }
0x24: {  	s22 =	sadd.s32 s7, s22;
	[sflag:s14] =	ssyncadd.s32 $0xFFFFFF80  }
0x25: {  	[tilespmem:s20], [sflag:$0x2] =	stream.linear.gather [hbm4b:s22+s24], $0x80, $0x38;
	[tilespmem:$0x17D80] =	vst v63  }
0x26: {  	_ =	swait.ge [sflag:s14], $0x80  }
0x27: {  	v0 =	vmov s24;
	[sflag:s14] =	ssyncset.done $0x0  }
0x28: {  	s22 =	simm.s32 $0x13DC0;
	[sflag:s14] =	ssyncadd.s32 $0xFFFFFF80  }
0x29: {  	v4 =	vld [tilespmem:s22+$0x30]  }
0x2a: {  	v7 =	vld [tilespmem:s22+$0x10]  }
0x2b: {  	v5 =	vld [tilespmem:s22+$0xFFFFFFC0]  }
0x2c: {  	v1 =	vld.idx.msk [tilespmem:v0+s20+$0x0], $0xffff  }
0x2d: {  	v9 =	vld [tilespmem:s22+$0xFFFFFFE0]  }
0x2e: {  	v0 =	vld [tilespmem:s22+$0xFFFFFFF0]  }
0x2f: {  	v2 =	vld [tilespmem:s22+$0x20]  }
0x30: {  	v3 =	vld [tilespmem:s22+$0xFFFFFFD0]  }
0x31: {  	v8 =	vmul.f32 v4, v1;
	v4 =	vld [tilespmem:s22+$0x0]  }
0x32: {  	v6 =	vmul.f32 v5, v1  }
0x33: {  	s23 =	simm.s32 $0x1;
	s24 =	simm.s32 $0x13DC0;
	v5 =	vmul.f32 v9, v1;
	v7 =	vmul.f32 v7, v1  }
.LBB2_3:
0x34: {  	p0 =	sne.s32 s23, $0x7F  }
0x35: {  	v3 =	vmul.f32 v3, v1;
	v2 =	vmul.f32 v2, v1;
	[tilespmem:s22+$0x30] =	vst v8;
	s24 =	sadd.s32 $0x80, s24;
	s25 =	smov.u32 s23;
	s23 =	sadd.s32 $0x1, s23  }
0x36: {  	[tilespmem:s22+$0xFFFFFFC0] =	vst v6;
	v6 =	vmul.f32 v0, v1;
	v1 =	vmul.f32 v4, v1  }
0x37: {  	[tilespmem:s22+$0x10] =	vst v7  }
0x38: {  	v4 =	vmov s25;
	[tilespmem:s22+$0xFFFFFFE0] =	vst v5  }
0x39: {  	v0 =	vld [tilespmem:s24+$0xFFFFFFF0];
	[tilespmem:s22+$0xFFFFFFF0] =	vst v6  }
0x3a: {  	v5 =	vld [tilespmem:s24+$0x30];
	[tilespmem:s22+$0x0] =	vst v1  }
0x3b: {  	v7 =	vld [tilespmem:s24+$0x10];
	[tilespmem:s22+$0x20] =	vst v2  }
0x3c: {  	v6 =	vld [tilespmem:s24+$0xFFFFFFC0];
	[tilespmem:s22+$0xFFFFFFD0] =	vst v3;
	s22 =	smov.u32 s24  }
0x3d: {  	v1 =	vld.idx.msk [tilespmem:v4+s20+$0x0], $0xffff  }
0x3e: {  	v9 =	vld [tilespmem:s24+$0xFFFFFFE0]  }
0x3f: {  	v2 =	vld [tilespmem:s24+$0x20]  }
.Ltmp0:
0x40: {  	v3 =	vld [tilespmem:s24+$0xFFFFFFD0];
	(pc) =	sbr.rel @p0 .LBB2_3-.Ltmp0, $3  }
0x41: {  	v4 =	vld [tilespmem:s24+$0x0];
	_ =	sdelay $0x1  }
0x42: {  	v6 =	vmul.f32 v6, v1;
	v8 =	vmul.f32 v5, v1  }
0x43: {  	v7 =	vmul.f32 v7, v1;
	v5 =	vmul.f32 v9, v1  }
0x44: {  	[tilespmem:s22+$0x30] =	vst v8  }
0x45: {  	[tilespmem:s22+$0xFFFFFFC0] =	vst v6  }
0x46: {  	v0 =	vmul.f32 v0, v1;
	[tilespmem:s22+$0x10] =	vst v7  }
0x47: {  	v2 =	vmul.f32 v2, v1;
	[tilespmem:s22+$0xFFFFFFE0] =	vst v5  }
0x48: {  	v63 =	vmul.f32 v3, v1;
	[tilespmem:s22+$0xFFFFFFF0] =	vst v0  }
0x49: {  	s21 =	sadd.s32 $0x1, s21;
	v4 =	vmul.f32 v4, v1;
	[tilespmem:s22+$0x20] =	vst v2  }
0x4a: {  	p0 =	sne.s32 s21, $0x51;
	[tilespmem:s22+$0xFFFFFFD0] =	vst v63  }
.Ltmp1:
0x4b: {  	[tilespmem:s22+$0x0] =	vst v4;
	(pc) =	sbr.rel @p0 .LBB2_2-.Ltmp1, $4  }
0x4c: {  	[spmem:s2] =	stream.indirect.scatter.add.f32 [tilespmem:s17], [sflag:$0x2], $0x80, s19, s16, $0xb8;
	[tilespmem:$0x17D80] =	vst v63  }
0x4d: {  	_ =	swait.ge [sflag:s14], $0x4000  }
0x4e: {  	[sflag:s14] =	ssyncset.done $0x0  }
0x4f: {  	[sflag:s14] =	ssyncadd.s32 $0xFFFFC000  }
0x50: {  	s3 =	sadd.s32 $0x1, s3  }
0x51: {  	p0 =	sne.s32 s3, s12  }
.Ltmp2:
0x52: {  	[bflag:$0x0] =	sbarrier.arrive $0xFFFF;
	(pc) =	sbr.rel @p0 .LBB2_1-.Ltmp2, $4  }
0x53: {  	[hbm:s11], [sflag:s9] =	dma.local [spmem:s13], $0x2780  }
0x54: {  	_ =	swait.ge [sflag:s14], $0x2780  }
0x55: {  	[sflag:s14] =	ssyncset.done $0x0  }
0x56: {  	[sflag:s14] =	ssyncadd.s32 $0xFFFFD880  }
0x57: {  	_ =	sfence.sel $0x180000  }
0x58: {  	[bflag:$0x0] =	sbarrier.arrive $0xFFFF  }
0x59: {  	p0 =	sne.s32 s1, $0x0;
	_ =	strace $0x9000005C  }
0x5a: {  	s0 =	sadd.s32 @!p0 $0x100000, s0;
	[bflag:$0x2] =	sbarrier.arrive $0xFFFF  }
0x5b: {  	[sflag:s0] =	ssyncadd.tile.s32 @!p0 $0x1;
	_ =	shalt  }
.Lfunc_end2:
_tile_overlayer_lowered:
.L_overlay_start_2:
0x5c: {  	(tag) =	ssettag $0x2  }
0x5d: {  	s0 =	rddreg [dreg:$0x0];
	s2 =	stileid.u32  }
0x5e: {  	s1 =	rddreg [dreg:$0x1];
	p0 =	sne.s32 s2, $0x0  }
0x5f: {  	s3 =	rddreg [dreg:$0x2];
	[bflag:$0x3] =	sbarrier.arrive $0xFFFF;
	s2 =	simm.s32 @!p0 $0x1C02  }
0x60: {  	[timem:s3], [sflag:s2] =	dma.local @!p0 [hbm:s0], s1  }
0x61: {  	s0 =	simm.s32 @!p0 $0x2  }
0x62: {  	_ =	swait.ge @!p0 [sflag:s0], s1  }
0x63: {  	s1 =	ssub.s32 @!p0 $0x0, s1;
	[sflag:s0] =	ssyncset.done @!p0 $0x0  }
0x64: {  	[sflag:s0] =	ssyncadd.s32 @!p0 s1  }
0x65: {  	[bflag:$0x3] =	sbarrier.arrive $0xFFFF  }
0x66: {  	_ =	shalt  }

// kernel: kernel.41.cloned.1.call-start
scs
__scs_entry_jumppad:
0x0: {  	(pc) =	sbr.rel $0x88, $3  }
0x1: {  	(tag) =	ssettag $0x0;
	lr =	simm.s32 $0x1  }
0x2: {  	[smem:$0x3F8C] =	sst lr;
	_ =	strace $0xD0000000  }
0x3: {  	_ = 	snop  }
0x4: {  	_ = 	snop  }
0x5: {  	_ = 	snop  }
0x6: {  	_ = 	snop  }
0x7: {  	_ = 	snop  }
__scs_overlays_trampoline_lowered:
0x8: {  	[smem:$0x3F9B] =	sst s0  }
0x9: {  	[smem:$0x3F9C] =	sst s1  }
0xa: {  	[smem:$0x3F9D] =	sst s2  }
0xb: {  	[smem:$0x3F9E] =	sst s3  }
0xc: {  	[smem:$0x3F9F] =	sst s4  }
0xd: {  	[smem:$0x3FA0] =	sst s5  }
0xe: {  	[smem:$0x3FA1] =	sst s6  }
0xf: {  	[smem:$0x3FA2] =	sst s7  }
0x10: {  	[smem:$0x3FA3] =	sst s8  }
0x11: {  	[smem:$0x3FA4] =	sst s9;
	s0 =	simm.s32 @!p0 $0x0  }
0x12: {  	s1 =	sld [smem:$0x3F8A];
	s0 =	simm.s32 @p0 $0x1  }
0x13: {  	[smem:$0x3FA5] =	sst s0;
	s0 =	simm.s32 @!p1 $0x0  }
0x14: {  	s2 =	sld [smem:$0x3F89];
	s0 =	simm.s32 @p1 $0x1  }
0x15: {  	[smem:$0x3FA6] =	sst s0;
	s0 =	simm.s32 @!p2 $0x0  }
0x16: {  	s3 =	sld [smem:$0x3FDB];
	s0 =	simm.s32 @p2 $0x1  }
0x17: {  	s4 =	simm.s32 $0x1BF5;
	[smem:$0x3FA8] =	sst s0  }
0x18: {  	s0 =	sld [smem:$0x3F8B];
	_ =	swait.ge [sflag:s4], $0x0  }
0x19: {  	s7 =	sld [smem:$0x3F8C]  }
0x1a: {  	s8 =	sadd.s32 $0xFFFFE003, lr  }
0x1b: {  	s9 =	sadd.s32 $0xFFFFFEF7, lr;
	s5 =	simm.s32 $0xFFFFFFFF;
	p2 =	slt.u32 s8, $0xFFFFF086  }
0x1c: {  	p1 =	slt.u32 s9, $0xF7A;
	s5 =	simm.s32 @!p2 $0x0  }
0x1d: {  	s5 =	simm.s32 @p1 $0x1;
	p0 =	seq.s32 s7, s2  }
0x1e: {  	s7 =	smul.u32 @!p0 $0xF7A, s2;
	p2 =	seq.s32 @!p0 s5, $0x0  }
0x1f: {  	s9 =	smul.u32 $0xF7A, s1;
	s8 =	simm.s32 @!p0 $0x1BF5;
	p2 =	por !p2, p0  }
0x20: {  	[sflag:s8] =	ssyncset.s32 @!p0 $0xFFFFF086;
	s6 =	sadd.s32 @!p0 s3, s7;
	s7 =	simm.s32 @!p0 $0x108  }
0x21: {  	s3 =	sadd.s32 s3, s9;
	s6 =	sadd.s32 @!p0 $0x88, s6;
	s7 =	simm.s32 @p2 $0x1082  }
0x22: {  	[simem:s7], [sflag:s8] =	dma.local @!p0 [hbm:s6], $0xF7A  }
0x23: {  	s9 =	sor.u32 $0xD0000000, s2;
	s6 =	simm.s32 $0x108;
	_ =	swait.ge @!p0 [sflag:s8], $0x0  }
0x24: {  	s3 =	sadd.s32 $0x88, s3;
	s6 =	simm.s32 @!p1 $0x1082;
	[sflag:s4] =	ssyncset.s32 $0xFFFFF086  }
0x25: {  	[simem:s6], [sflag:s4] =	dma.local [hbm:s3], $0xF7A  }
0x26: {  	[smem:$0x3F8C] =	sst s1;
	(tag) =	ssettag s2;
	_ =	strace s9  }
0x27: {  	s1 =	sld [smem:$0x3F9C]  }
0x28: {  	s2 =	sld [smem:$0x3F9D]  }
0x29: {  	s4 =	sld [smem:$0x3F9F]  }
0x2a: {  	p0 =	seq.s32 s5, $0x0;
	s5 =	sld [smem:$0x3FA0]  }
0x2b: {  	s6 =	sld [smem:$0x3FA1]  }
0x2c: {  	s7 =	sld [smem:$0x3FA2]  }
0x2d: {  	s3 =	simm.s32 $0x108;
	s8 =	sld [smem:$0x3FA3]  }
0x2e: {  	s3 =	simm.s32 @!p0 $0x1082;
	s9 =	sld [smem:$0x3FA4]  }
0x2f: {  	lr =	sadd.s32 s0, s3;
	s0 =	sld [smem:$0x3F9B]  }
0x30: {  	s3 =	sld [smem:$0x3F9E]  }
0x31: {  	[smem:$0x3FA7] =	sst s10  }
0x32: {  	s10 =	sld [smem:$0x3FA5];
	_ =	sdelay $0x3  }
0x33: {  	p0 =	seq.s32 s10, $0x1;
	s10 =	sld [smem:$0x3FA7];
	_ =	sdelay $0x3  }
0x34: {  	[smem:$0x3FA7] =	sst s10  }
0x35: {  	s10 =	sld [smem:$0x3FA6];
	_ =	sdelay $0x3  }
0x36: {  	p1 =	seq.s32 s10, $0x1;
	s10 =	sld [smem:$0x3FA7];
	_ =	sdelay $0x3  }
0x37: {  	[smem:$0x3FA7] =	sst s10  }
0x38: {  	s10 =	sld [smem:$0x3FA8]  }
0x39: {  	_ = 	snop;
	(pc) =	sbr.ind lr, $3  }
0x3a: {  	_ = 	snop  }
0x3b: {  	_ = 	snop  }
0x3c: {  	p2 =	seq.s32 s10, $0x1;
	s10 =	sld [smem:$0x3FA7]  }
0x3d: {  	_ =	shalt  }
0x3e: {  	_ =	shalt  }
0x3f: {  	_ =	shalt  }
0x40: {  	_ =	shalt  }
0x41: {  	_ =	shalt  }
0x42: {  	_ =	shalt  }
0x43: {  	_ =	shalt  }
0x44: {  	_ =	shalt  }
0x45: {  	_ =	shalt  }
0x46: {  	_ =	shalt  }
0x47: {  	_ =	shalt  }
0x48: {  	_ =	shalt  }
0x49: {  	_ =	shalt  }
0x4a: {  	_ =	shalt  }
0x4b: {  	_ =	shalt  }
0x4c: {  	_ =	shalt  }
0x4d: {  	_ =	shalt  }
0x4e: {  	_ =	shalt  }
0x4f: {  	_ =	shalt  }
0x50: {  	_ =	shalt  }
0x51: {  	_ =	shalt  }
0x52: {  	_ =	shalt  }
0x53: {  	_ =	shalt  }
0x54: {  	_ =	shalt  }
0x55: {  	_ =	shalt  }
0x56: {  	_ =	shalt  }
0x57: {  	_ =	shalt  }
0x58: {  	_ =	shalt  }
0x59: {  	_ =	shalt  }
0x5a: {  	_ =	shalt  }
0x5b: {  	_ =	shalt  }
0x5c: {  	_ =	shalt  }
0x5d: {  	_ =	shalt  }
0x5e: {  	_ =	shalt  }
0x5f: {  	_ =	shalt  }
0x60: {  	_ =	shalt  }
0x61: {  	_ =	shalt  }
0x62: {  	_ =	shalt  }
0x63: {  	_ =	shalt  }
0x64: {  	_ =	shalt  }
0x65: {  	_ =	shalt  }
0x66: {  	_ =	shalt  }
0x67: {  	_ =	shalt  }
0x68: {  	_ =	shalt  }
0x69: {  	_ =	shalt  }
0x6a: {  	_ =	shalt  }
0x6b: {  	_ =	shalt  }
0x6c: {  	_ =	shalt  }
0x6d: {  	_ =	shalt  }
0x6e: {  	_ =	shalt  }
0x6f: {  	_ =	shalt  }
0x70: {  	_ =	shalt  }
0x71: {  	_ =	shalt  }
0x72: {  	_ =	shalt  }
0x73: {  	_ =	shalt  }
0x74: {  	_ =	shalt  }
0x75: {  	_ =	shalt  }
0x76: {  	_ =	shalt  }
0x77: {  	_ =	shalt  }
0x78: {  	_ =	shalt  }
0x79: {  	_ =	shalt  }
0x7a: {  	_ =	shalt  }
0x7b: {  	_ =	shalt  }
0x7c: {  	_ =	shalt  }
0x7d: {  	_ =	shalt  }
0x7e: {  	_ =	shalt  }
0x7f: {  	_ =	shalt  }
0x80: {  	_ =	shalt  }
0x81: {  	_ =	shalt  }
0x82: {  	_ =	shalt  }
0x83: {  	_ =	shalt  }
0x84: {  	_ =	shalt  }
0x85: {  	_ =	shalt  }
0x86: {  	_ =	shalt  }
0x87: {  	_ =	shalt  }
.Lfunc_end0:
.L_simem_size_0:
called_computation.7_lowered:
.L_overlay_start_0:
0x88: {  	s2 =	sld [smem:$0x3FD9]  }
0x89: {  	s3 =	sld [smem:$0x3FFE];
	_ =	sdelay $0x1  }
0x8a: {  	s1 =	srdreg.scid  }
0x8b: {  	s0 =	sand.u32 $0x1, s1  }
0x8c: {  	s17 =	sshll.u32 s0, $0xA;
	s2 =	sadd.s32 s3, s2  }
0x8d: {  	s2 =	sadd.s32 s2, s17  }
0x8e: {  	[smem:$0x3FB3] =	sst s2  }
0x8f: {  	_ = 	snop  }
0x90: {  	(tm) =	ssettm $0x1  }
0x91: {  	s18 =	sld [smem:$0x3FFB];
	_ =	sdelay $0x3  }
0x92: {  	_ =	strace s18  }
0x93: {  	s2 =	sld [smem:$0x3FFC];
	_ =	sdelay $0x3  }
0x94: {  	_ =	strace s2  }
0x95: {  	s2 =	sld [smem:$0x3FFD];
	_ =	sdelay $0x3  }
0x96: {  	_ =	strace s2  }
0x97: {  	_ =	strace $0x8FFFFFFF  }
0x98: {  	s19 =	sld [smem:$0x3FDB];
	_ =	sdelay $0x1  }
0x99: {  	s20 =	simm.s32 $_scs_section_size  }
0x9a: {  	s4 =	simm.s32 $_size__tile_overlayer_lowered;
	s5 =	simm.s32 $_tile_overlayer_lowered  }
0x9b: {  	s6 =	simm.s32 $0x1BFF;
	s21 =	sshll.u32 s5, $0x1;
	s3 =	sadd.s32 s20, s19  }
0x9c: {  	s22 =	simm.s32 $0x0;
	s4 =	sshll.u32 s4, $0x1;
	s5 =	sadd.s32 s21, s3  }
0x9d: {  	[timem:s22], [sflag:s6] =	dma.local [hbm:s5], s4  }
0x9e: {  	_ =	swait.ge [sflag:s6], s4  }
0x9f: {  	s4 =	ssub.s32 $0x0, s4;
	[sflag:s6] =	ssyncset.done $0x0  }
0xa0: {  	[sflag:s6] =	ssyncadd.s32 s4;
	_ =	sdelay $0x1  }
0xa1: {  	s23 =	simm.s32 $0x1B8B  }
0xa2: {  	_ =	swait.ge [sflag:s23], $0x1  }
0xa3: {  	[sflag:s23] =	ssyncset.done $0x0  }
0xa4: {  	[sflag:s23] =	ssyncadd.s32 $0xFFFFFFFF  }
0xa5: {  	s4 =	sld [smem:$0x0]  }
0xa6: {  	s5 =	sand.u32 $0xFFFFFFFE, s1  }
0xa7: {  	p0 =	sne.s32 s1, s5  }
0xa8: {  	s5 =	sshll.u32 @p0 s5, $0xE  }
0xa9: {  	s5 =	sadd.s32 @p0 $0x11B8D, s5;
	s6 =	sshll.u32 @p0 s4, $0x11  }
0xaa: {  	s5 =	sor.u32 @p0 s6, s5  }
0xab: {  	[sflag:s5] =	ssyncadd.remote.s32 @p0 $0x1;
	_ =	sdelay $0x1  }
0xac: {  	s5 =	simm.s32 @p0 $0x1B8D  }
0xad: {  	_ =	swait.eq @p0 [sflag:s5], $0x1  }
0xae: {  	[sflag:s5] =	ssyncadd.s32 @p0 $0xFFFFFFFF  }
0xaf: {  	s6 =	sshll.u32 @!p0 s1, $0xE  }
0xb0: {  	s6 =	sor.u32 @!p0 $0x4000, s6;
	s5 =	simm.s32 @!p0 $0x1B8D  }
0xb1: {  	s4 =	sshll.u32 @!p0 s4, $0x11;
	s6 =	sadd.s32 @!p0 $0x11B8D, s6;
	_ =	swait.eq @!p0 [sflag:s5], $0x1  }
0xb2: {  	s4 =	sor.u32 @!p0 s4, s6;
	[sflag:s5] =	ssyncadd.s32 @!p0 $0xFFFFFFFF  }
0xb3: {  	s25 =	simm.s32 $0x1B8E;
	s24 =	sld [smem:$0x3FFE];
	[sflag:s4] =	ssyncadd.remote.s32 @!p0 $0x1  }
0xb4: {  	s26 =	simm.s32 $execute0_lowered;
	[smem:$0x3FD2] =	sst s25  }
0xb5: {  	s5 =	sshll.u32 s26, $0x1;
	_ =	strace $0x80000058;
	[dreg:$0x1] =	wrdreg $0xFFFFFFFF  }
0xb6: {  	s28 =	simm.s32 $_size_execute0_lowered;
	s3 =	sadd.s32 s3, s5;
	[dreg:$0x0] =	wrdreg $0x0  }
0xb7: {  	s5 =	sshll.u32 s28, $0x1;
	[dreg:$0x2] =	wrdreg s3  }
0xb8: {  	[dreg:$0x3] =	wrdreg s5  }
0xb9: {  	[dreg:$0x4] =	wrdreg $0xC0  }
0xba: {  	_ =	task [dreg:s22], $0x5FFFF  }
0xbb: {  	[dreg:$0x1] =	wrdreg $0xFFFFFFFF  }
0xbc: {  	[dreg:$0x0] =	wrdreg $0x60  }
0xbd: {  	[dreg:$0x2] =	wrdreg s24  }
0xbe: {  	[dreg:$0x3] =	wrdreg $0x0  }
0xbf: {  	[dreg:$0x4] =	wrdreg $0xB  }
0xc0: {  	_ =	task.clear_ibuf [dreg:s22], $0x5FFFF;
	_ =	strace $0x90000058  }
0xc1: {  	s29 =	simm.s32 $0xB;
	_ =	strace $0x8000005A  }
0xc2: {  	_ =	swait.ge [sflag:s29], $0x1  }
0xc3: {  	[sflag:s29] =	ssyncadd.s32 $0xFFFFFFFF  }
0xc4: {  	_ =	strace $0x9000005A  }
0xc5: {  	_ =	sfence  }
0xc6: {  	s30 =	sld [smem:$0x0];
	_ =	sdelay $0x2  }
0xc7: {  	s31 =	sshll.u32 s1, $0xD;
	s1 =	sshrl.u32 s1, $0x2  }
0xc8: {  	s4 =	sand.u32 $0x4000, s31;
	s1 =	sadd.s32 s1, s30  }
0xc9: {  	s0 =	sor.u32 s4, s0;
	s1 =	sshll.u32 s1, $0x11  }
0xca: {  	s0 =	sor.u32 s1, s0  }
0xcb: {  	s0 =	sadd.s32 $0x8F2B, s0  }
0xcc: {  	[sflag:s0] =	ssyncadd.remote.s32 $0x1  }
0xcd: {  	_ =	sfence.sel $0xFFFF  }
0xce: {  	[dreg:$0x0] =	wrdreg $0xFFFFFFFF;
	(pc) =	sbr.abs _section_cstart, $3  }
0xcf: {  	[dreg:$0x1] =	wrdreg $0xFFFFFFFF  }
0xd0: {  	_ =	task.clear_ibuf [dreg:s22], $0x2FFFF;
	_ =	strace $0x9FFFFFFF  }
0xd1: {  	(tm) =	ssettm $0x7FFFFFFF  }
tec
execute0_lowered:
.L_overlay_start_1:
0x0: {  	(tag) =	ssettag $0x1  }
0x1: {  	s8 =	rddreg [dreg:$0x0]  }
0x2: {  	s2 =	rddreg [dreg:$0x1]  }
0x3: {  	s0 =	rddreg [dreg:$0x2]  }
0x4: {  	s3 =	simm.s32 $0x0;
	s1 =	stileid.u32;
	s4 =	srdreg.scid  }
0x5: {  	s16 =	simm.s32 $0x80;
	s17 =	simm.s32 $0x13D80;
	s18 =	simm.s32 $0x1  }
0x6: {  	s19 =	simm.s32 $0x13C80;
	s20 =	simm.s32 $0x13D00;
	[smem:$0x7FF] =	sst s3  }
0x7: {  	s9 =	smul.u32 $0x13C00, s1;
	s10 =	sand.u32 $0x1, s4;
	s4 =	sadd.s32 $0x10D200, s8  }
0x8: {  	s5 =	sadd.s32 $0x16C00, s8;
	s6 =	sadd.s32 $0x2C00, s8;
	s7 =	sadd.s32 $0xEF800, s8  }
0x9: {  	s13 =	smul.u32 $0x4F000, s1;
	s29 =	sshll.u32 s1, $0x1;
	s31 =	sshll.u32 s1, $0x6  }
0xa: {  	_ =	strace $0x80000059;
	s11 =	smul.u32 $0x13C000, s10;
	s26 =	ssub.s32 $0x2, s10  }
0xb: {  	s10 =	sor.u32 s10, s29;
	s12 =	sshrl.u32 s9, $0x3;
	s28 =	sshrl.u32 s26, $0x1  }
0xc: {  	s30 =	sshrl.u32 s13, $0x2;
	s10 =	smul.u32 $0x51, s10;
	s9 =	sadd.s32 s9, s11  }
0xd: {  	s12 =	sadd.s32 s12, s8;
	s13 =	sadd.s32 s30, s2;
	s9 =	sshrl.u32 s9, $0x3  }
0xe: {  	s15 =	ssub.s32 s26, s28;
	s13 =	sshrl.u32 s13, $0x3;
	s14 =	sadd.s32 s9, s8  }
0xf: {  	s8 =	sadd.s32 $0x20E00, s12;
	s9 =	sor.u32 $0x1C02, s31;
	s12 =	smax.u32 s15, $0x1  }
0x10: {  	s15 =	simm.s32 $0x13C00;
	s11 =	sadd.s32 $0x182800, s14;
	s14 =	simm.s32 $0x2  }
.LBB2_1:
0x11: {  	[spmem:s13], [sflag:s9] =	dma.local [hbm:s8], $0x2780  }
0x12: {  	_ =	swait.ge [sflag:s14], $0x2780  }
0x13: {  	[sflag:s14] =	ssyncset.done $0x0  }
0x14: {  	[sflag:s14] =	ssyncadd.s32 $0xFFFFD880  }
0x15: {  	s21 =	simm.s32 $0x0;
	[bflag:$0x0] =	sbarrier.arrive $0xFFFF  }
.LBB2_2:
0x16: {  	s22 =	sadd.s32 s10, s21  }
0x17: {  	s22 =	sshll.u32 s22, $0x4  }
0x18: {  	s24 =	simm.s32 $0x0;
	s23 =	sadd.s32 s5, s22  }
0x19: {  	[tilespmem:s15], [sflag:$0x2] =	stream.linear.gather [hbm4b:s23+s24], $0x80, $0x38;
	[tilespmem:$0x17D80] =	vst v63  }
0x1a: {  	_ =	swait.ge [sflag:s14], $0x80  }
0x1b: {  	[sflag:s14] =	ssyncset.done $0x0  }
0x1c: {  	[sflag:s14] =	ssyncadd.s32 $0xFFFFFF80  }
0x1d: {  	[tilespmem:s17], [sflag:$0x1] =	stream.indirect.gather [hbm4b:s4+s16], $0x80, s15, s16, $0xb8;
	[tilespmem:$0x17D80] =	vst v63  }
0x1e: {  	_ =	swait.ge [sflag:s18], $0x4000  }
0x1f: {  	[sflag:s18] =	ssyncset.done $0x0  }
0x20: {  	s31 =	sadd.s32 s6, s22;
	[sflag:s18] =	ssyncadd.s32 $0xFFFFC000  }
0x21: {  	[tilespmem:s19], [sflag:$0x2] =	stream.linear.gather [hbm4b:s31+s24], $0x80, $0x38;
	[tilespmem:$0x17D80] =	vst v63  }
0x22: {  	_ =	swait.ge [sflag:s14], $0x80  }
0x23: {  	[sflag:s14] =	ssyncset.done $0x0  }
0x24: {  	s22 =	sadd.s32 s7, s22;
	[sflag:s14] =	ssyncadd.s32 $0xFFFFFF80  }
0x25: {  	[tilespmem:s20], [sflag:$0x2] =	stream.linear.gather [hbm4b:s22+s24], $0x80, $0x38;
	[tilespmem:$0x17D80] =	vst v63  }
0x26: {  	_ =	swait.ge [sflag:s14], $0x80  }
0x27: {  	v0 =	vmov s24;
	[sflag:s14] =	ssyncset.done $0x0  }
0x28: {  	s22 =	simm.s32 $0x13DC0;
	[sflag:s14] =	ssyncadd.s32 $0xFFFFFF80  }
0x29: {  	v4 =	vld [tilespmem:s22+$0x30]  }
0x2a: {  	v7 =	vld [tilespmem:s22+$0x10]  }
0x2b: {  	v5 =	vld [tilespmem:s22+$0xFFFFFFC0]  }
0x2c: {  	v1 =	vld.idx.msk [tilespmem:v0+s20+$0x0], $0xffff  }
0x2d: {  	v9 =	vld [tilespmem:s22+$0xFFFFFFE0]  }
0x2e: {  	v0 =	vld [tilespmem:s22+$0xFFFFFFF0]  }
0x2f: {  	v2 =	vld [tilespmem:s22+$0x20]  }
0x30: {  	v3 =	vld [tilespmem:s22+$0xFFFFFFD0]  }
0x31: {  	v8 =	vmul.f32 v4, v1;
	v4 =	vld [tilespmem:s22+$0x0]  }
0x32: {  	v6 =	vmul.f32 v5, v1  }
0x33: {  	s23 =	simm.s32 $0x1;
	s24 =	simm.s32 $0x13DC0;
	v5 =	vmul.f32 v9, v1;
	v7 =	vmul.f32 v7, v1  }
.LBB2_3:
0x34: {  	p0 =	sne.s32 s23, $0x7F  }
0x35: {  	v3 =	vmul.f32 v3, v1;
	v2 =	vmul.f32 v2, v1;
	[tilespmem:s22+$0x30] =	vst v8;
	s24 =	sadd.s32 $0x80, s24;
	s25 =	smov.u32 s23;
	s23 =	sadd.s32 $0x1, s23  }
0x36: {  	[tilespmem:s22+$0xFFFFFFC0] =	vst v6;
	v6 =	vmul.f32 v0, v1;
	v1 =	vmul.f32 v4, v1  }
0x37: {  	[tilespmem:s22+$0x10] =	vst v7  }
0x38: {  	v4 =	vmov s25;
	[tilespmem:s22+$0xFFFFFFE0] =	vst v5  }
0x39: {  	v0 =	vld [tilespmem:s24+$0xFFFFFFF0];
	[tilespmem:s22+$0xFFFFFFF0] =	vst v6  }
0x3a: {  	v5 =	vld [tilespmem:s24+$0x30];
	[tilespmem:s22+$0x0] =	vst v1  }
0x3b: {  	v7 =	vld [tilespmem:s24+$0x10];
	[tilespmem:s22+$0x20] =	vst v2  }
0x3c: {  	v6 =	vld [tilespmem:s24+$0xFFFFFFC0];
	[tilespmem:s22+$0xFFFFFFD0] =	vst v3;
	s22 =	smov.u32 s24  }
0x3d: {  	v1 =	vld.idx.msk [tilespmem:v4+s20+$0x0], $0xffff  }
0x3e: {  	v9 =	vld [tilespmem:s24+$0xFFFFFFE0]  }
0x3f: {  	v2 =	vld [tilespmem:s24+$0x20]  }
.Ltmp0:
0x40: {  	v3 =	vld [tilespmem:s24+$0xFFFFFFD0];
	(pc) =	sbr.rel @p0 .LBB2_3-.Ltmp0, $3  }
0x41: {  	v4 =	vld [tilespmem:s24+$0x0];
	_ =	sdelay $0x1  }
0x42: {  	v6 =	vmul.f32 v6, v1;
	v8 =	vmul.f32 v5, v1  }
0x43: {  	v7 =	vmul.f32 v7, v1;
	v5 =	vmul.f32 v9, v1  }
0x44: {  	[tilespmem:s22+$0x30] =	vst v8  }
0x45: {  	[tilespmem:s22+$0xFFFFFFC0] =	vst v6  }
0x46: {  	v0 =	vmul.f32 v0, v1;
	[tilespmem:s22+$0x10] =	vst v7  }
0x47: {  	v2 =	vmul.f32 v2, v1;
	[tilespmem:s22+$0xFFFFFFE0] =	vst v5  }
0x48: {  	v63 =	vmul.f32 v3, v1;
	[tilespmem:s22+$0xFFFFFFF0] =	vst v0  }
0x49: {  	s21 =	sadd.s32 $0x1, s21;
	v4 =	vmul.f32 v4, v1;
	[tilespmem:s22+$0x20] =	vst v2  }
0x4a: {  	p0 =	sne.s32 s21, $0x51;
	[tilespmem:s22+$0xFFFFFFD0] =	vst v63  }
.Ltmp1:
0x4b: {  	[tilespmem:s22+$0x0] =	vst v4;
	(pc) =	sbr.rel @p0 .LBB2_2-.Ltmp1, $4  }
0x4c: {  	[spmem:s2] =	stream.indirect.scatter.add.f32 [tilespmem:s17], [sflag:$0x2], $0x80, s19, s16, $0xb8;
	[tilespmem:$0x17D80] =	vst v63  }
0x4d: {  	_ =	swait.ge [sflag:s14], $0x4000  }
0x4e: {  	[sflag:s14] =	ssyncset.done $0x0  }
0x4f: {  	[sflag:s14] =	ssyncadd.s32 $0xFFFFC000  }
0x50: {  	s3 =	sadd.s32 $0x1, s3  }
0x51: {  	p0 =	sne.s32 s3, s12  }
.Ltmp2:
0x52: {  	[bflag:$0x0] =	sbarrier.arrive $0xFFFF;
	(pc) =	sbr.rel @p0 .LBB2_1-.Ltmp2, $4  }
0x53: {  	[hbm:s11], [sflag:s9] =	dma.local [spmem:s13], $0x2780  }
0x54: {  	_ =	swait.ge [sflag:s14], $0x2780  }
0x55: {  	[sflag:s14] =	ssyncset.done $0x0  }
0x56: {  	[sflag:s14] =	ssyncadd.s32 $0xFFFFD880  }
0x57: {  	_ =	sfence.sel $0x180000  }
0x58: {  	[bflag:$0x0] =	sbarrier.arrive $0xFFFF  }
0x59: {  	p0 =	sne.s32 s1, $0x0;
	_ =	strace $0x90000059  }
0x5a: {  	s0 =	sadd.s32 @!p0 $0x100000, s0;
	[bflag:$0x2] =	sbarrier.arrive $0xFFFF  }
0x5b: {  	[sflag:s0] =	ssyncadd.tile.s32 @!p0 $0x1;
	_ =	shalt  }
.Lfunc_end2:
_tile_overlayer_lowered:
.L_overlay_start_2:
0x5c: {  	(tag) =	ssettag $0x2  }
0x5d: {  	s0 =	rddreg [dreg:$0x0];
	s2 =	stileid.u32  }
0x5e: {  	s1 =	rddreg [dreg:$0x1];
	p0 =	sne.s32 s2, $0x0  }
0x5f: {  	s3 =	rddreg [dreg:$0x2];
	[bflag:$0x3] =	sbarrier.arrive $0xFFFF;
	s2 =	simm.s32 @!p0 $0x1C02  }
0x60: {  	[timem:s3], [sflag:s2] =	dma.local @!p0 [hbm:s0], s1  }
0x61: {  	s0 =	simm.s32 @!p0 $0x2  }
0x62: {  	_ =	swait.ge @!p0 [sflag:s0], s1  }
0x63: {  	s1 =	ssub.s32 @!p0 $0x0, s1;
	[sflag:s0] =	ssyncset.done @!p0 $0x0  }
0x64: {  	[sflag:s0] =	ssyncadd.s32 @!p0 s1  }
0x65: {  	[bflag:$0x3] =	sbarrier.arrive $0xFFFF  }
0x66: {  	_ =	shalt  }

// kernel: kernel.44.cloned.1.call-start
scs
__scs_entry_jumppad:
0x0: {  	(pc) =	sbr.rel $0x88, $3  }
0x1: {  	(tag) =	ssettag $0x0;
	lr =	simm.s32 $0x1  }
0x2: {  	[smem:$0x3F8C] =	sst lr;
	_ =	strace $0xD0000000  }
0x3: {  	_ = 	snop  }
0x4: {  	_ = 	snop  }
0x5: {  	_ = 	snop  }
0x6: {  	_ = 	snop  }
0x7: {  	_ = 	snop  }
__scs_overlays_trampoline_lowered:
0x8: {  	[smem:$0x3F9B] =	sst s0  }
0x9: {  	[smem:$0x3F9C] =	sst s1  }
0xa: {  	[smem:$0x3F9D] =	sst s2  }
0xb: {  	[smem:$0x3F9E] =	sst s3  }
0xc: {  	[smem:$0x3F9F] =	sst s4  }
0xd: {  	[smem:$0x3FA0] =	sst s5  }
0xe: {  	[smem:$0x3FA1] =	sst s6  }
0xf: {  	[smem:$0x3FA2] =	sst s7  }
0x10: {  	[smem:$0x3FA3] =	sst s8  }
0x11: {  	[smem:$0x3FA4] =	sst s9;
	s0 =	simm.s32 @!p0 $0x0  }
0x12: {  	s1 =	sld [smem:$0x3F8A];
	s0 =	simm.s32 @p0 $0x1  }
0x13: {  	[smem:$0x3FA5] =	sst s0;
	s0 =	simm.s32 @!p1 $0x0  }
0x14: {  	s2 =	sld [smem:$0x3F89];
	s0 =	simm.s32 @p1 $0x1  }
0x15: {  	[smem:$0x3FA6] =	sst s0;
	s0 =	simm.s32 @!p2 $0x0  }
0x16: {  	s3 =	sld [smem:$0x3FDB];
	s0 =	simm.s32 @p2 $0x1  }
0x17: {  	s4 =	simm.s32 $0x1BF5;
	[smem:$0x3FA8] =	sst s0  }
0x18: {  	s0 =	sld [smem:$0x3F8B];
	_ =	swait.ge [sflag:s4], $0x0  }
0x19: {  	s7 =	sld [smem:$0x3F8C]  }
0x1a: {  	s8 =	sadd.s32 $0xFFFFE003, lr  }
0x1b: {  	s9 =	sadd.s32 $0xFFFFFEF7, lr;
	s5 =	simm.s32 $0xFFFFFFFF;
	p2 =	slt.u32 s8, $0xFFFFF086  }
0x1c: {  	p1 =	slt.u32 s9, $0xF7A;
	s5 =	simm.s32 @!p2 $0x0  }
0x1d: {  	s5 =	simm.s32 @p1 $0x1;
	p0 =	seq.s32 s7, s2  }
0x1e: {  	s7 =	smul.u32 @!p0 $0xF7A, s2;
	p2 =	seq.s32 @!p0 s5, $0x0  }
0x1f: {  	s9 =	smul.u32 $0xF7A, s1;
	s8 =	simm.s32 @!p0 $0x1BF5;
	p2 =	por !p2, p0  }
0x20: {  	[sflag:s8] =	ssyncset.s32 @!p0 $0xFFFFF086;
	s6 =	sadd.s32 @!p0 s3, s7;
	s7 =	simm.s32 @!p0 $0x108  }
0x21: {  	s3 =	sadd.s32 s3, s9;
	s6 =	sadd.s32 @!p0 $0x88, s6;
	s7 =	simm.s32 @p2 $0x1082  }
0x22: {  	[simem:s7], [sflag:s8] =	dma.local @!p0 [hbm:s6], $0xF7A  }
0x23: {  	s9 =	sor.u32 $0xD0000000, s2;
	s6 =	simm.s32 $0x108;
	_ =	swait.ge @!p0 [sflag:s8], $0x0  }
0x24: {  	s3 =	sadd.s32 $0x88, s3;
	s6 =	simm.s32 @!p1 $0x1082;
	[sflag:s4] =	ssyncset.s32 $0xFFFFF086  }
0x25: {  	[simem:s6], [sflag:s4] =	dma.local [hbm:s3], $0xF7A  }
0x26: {  	[smem:$0x3F8C] =	sst s1;
	(tag) =	ssettag s2;
	_ =	strace s9  }
0x27: {  	s1 =	sld [smem:$0x3F9C]  }
0x28: {  	s2 =	sld [smem:$0x3F9D]  }
0x29: {  	s4 =	sld [smem:$0x3F9F]  }
0x2a: {  	p0 =	seq.s32 s5, $0x0;
	s5 =	sld [smem:$0x3FA0]  }
0x2b: {  	s6 =	sld [smem:$0x3FA1]  }
0x2c: {  	s7 =	sld [smem:$0x3FA2]  }
0x2d: {  	s3 =	simm.s32 $0x108;
	s8 =	sld [smem:$0x3FA3]  }
0x2e: {  	s3 =	simm.s32 @!p0 $0x1082;
	s9 =	sld [smem:$0x3FA4]  }
0x2f: {  	lr =	sadd.s32 s0, s3;
	s0 =	sld [smem:$0x3F9B]  }
0x30: {  	s3 =	sld [smem:$0x3F9E]  }
0x31: {  	[smem:$0x3FA7] =	sst s10  }
0x32: {  	s10 =	sld [smem:$0x3FA5];
	_ =	sdelay $0x3  }
0x33: {  	p0 =	seq.s32 s10, $0x1;
	s10 =	sld [smem:$0x3FA7];
	_ =	sdelay $0x3  }
0x34: {  	[smem:$0x3FA7] =	sst s10  }
0x35: {  	s10 =	sld [smem:$0x3FA6];
	_ =	sdelay $0x3  }
0x36: {  	p1 =	seq.s32 s10, $0x1;
	s10 =	sld [smem:$0x3FA7];
	_ =	sdelay $0x3  }
0x37: {  	[smem:$0x3FA7] =	sst s10  }
0x38: {  	s10 =	sld [smem:$0x3FA8]  }
0x39: {  	_ = 	snop;
	(pc) =	sbr.ind lr, $3  }
0x3a: {  	_ = 	snop  }
0x3b: {  	_ = 	snop  }
0x3c: {  	p2 =	seq.s32 s10, $0x1;
	s10 =	sld [smem:$0x3FA7]  }
0x3d: {  	_ =	shalt  }
0x3e: {  	_ =	shalt  }
0x3f: {  	_ =	shalt  }
0x40: {  	_ =	shalt  }
0x41: {  	_ =	shalt  }
0x42: {  	_ =	shalt  }
0x43: {  	_ =	shalt  }
0x44: {  	_ =	shalt  }
0x45: {  	_ =	shalt  }
0x46: {  	_ =	shalt  }
0x47: {  	_ =	shalt  }
0x48: {  	_ =	shalt  }
0x49: {  	_ =	shalt  }
0x4a: {  	_ =	shalt  }
0x4b: {  	_ =	shalt  }
0x4c: {  	_ =	shalt  }
0x4d: {  	_ =	shalt  }
0x4e: {  	_ =	shalt  }
0x4f: {  	_ =	shalt  }
0x50: {  	_ =	shalt  }
0x51: {  	_ =	shalt  }
0x52: {  	_ =	shalt  }
0x53: {  	_ =	shalt  }
0x54: {  	_ =	shalt  }
0x55: {  	_ =	shalt  }
0x56: {  	_ =	shalt  }
0x57: {  	_ =	shalt  }
0x58: {  	_ =	shalt  }
0x59: {  	_ =	shalt  }
0x5a: {  	_ =	shalt  }
0x5b: {  	_ =	shalt  }
0x5c: {  	_ =	shalt  }
0x5d: {  	_ =	shalt  }
0x5e: {  	_ =	shalt  }
0x5f: {  	_ =	shalt  }
0x60: {  	_ =	shalt  }
0x61: {  	_ =	shalt  }
0x62: {  	_ =	shalt  }
0x63: {  	_ =	shalt  }
0x64: {  	_ =	shalt  }
0x65: {  	_ =	shalt  }
0x66: {  	_ =	shalt  }
0x67: {  	_ =	shalt  }
0x68: {  	_ =	shalt  }
0x69: {  	_ =	shalt  }
0x6a: {  	_ =	shalt  }
0x6b: {  	_ =	shalt  }
0x6c: {  	_ =	shalt  }
0x6d: {  	_ =	shalt  }
0x6e: {  	_ =	shalt  }
0x6f: {  	_ =	shalt  }
0x70: {  	_ =	shalt  }
0x71: {  	_ =	shalt  }
0x72: {  	_ =	shalt  }
0x73: {  	_ =	shalt  }
0x74: {  	_ =	shalt  }
0x75: {  	_ =	shalt  }
0x76: {  	_ =	shalt  }
0x77: {  	_ =	shalt  }
0x78: {  	_ =	shalt  }
0x79: {  	_ =	shalt  }
0x7a: {  	_ =	shalt  }
0x7b: {  	_ =	shalt  }
0x7c: {  	_ =	shalt  }
0x7d: {  	_ =	shalt  }
0x7e: {  	_ =	shalt  }
0x7f: {  	_ =	shalt  }
0x80: {  	_ =	shalt  }
0x81: {  	_ =	shalt  }
0x82: {  	_ =	shalt  }
0x83: {  	_ =	shalt  }
0x84: {  	_ =	shalt  }
0x85: {  	_ =	shalt  }
0x86: {  	_ =	shalt  }
0x87: {  	_ =	shalt  }
.Lfunc_end0:
.L_simem_size_0:
called_computation.8_lowered:
.L_overlay_start_0:
0x88: {  	s2 =	sld [smem:$0x3FD9]  }
0x89: {  	s3 =	sld [smem:$0x3FFE];
	_ =	sdelay $0x1  }
0x8a: {  	s1 =	srdreg.scid  }
0x8b: {  	s0 =	sand.u32 $0x1, s1  }
0x8c: {  	s16 =	sshll.u32 s0, $0xA;
	s2 =	sadd.s32 s3, s2  }
0x8d: {  	s2 =	sadd.s32 s2, s16  }
0x8e: {  	[smem:$0x3FB3] =	sst s2  }
0x8f: {  	_ = 	snop  }
0x90: {  	(tm) =	ssettm $0x1  }
0x91: {  	s17 =	sld [smem:$0x3FFB];
	_ =	sdelay $0x3  }
0x92: {  	_ =	strace s17  }
0x93: {  	s2 =	sld [smem:$0x3FFC];
	_ =	sdelay $0x3  }
0x94: {  	_ =	strace s2  }
0x95: {  	s2 =	sld [smem:$0x3FFD];
	_ =	sdelay $0x3  }
0x96: {  	_ =	strace s2  }
0x97: {  	_ =	strace $0x8FFFFFFF  }
0x98: {  	s18 =	sld [smem:$0x3FDB];
	_ =	sdelay $0x1  }
0x99: {  	s19 =	simm.s32 $_scs_section_size  }
0x9a: {  	s4 =	simm.s32 $_size__tile_overlayer_lowered;
	s5 =	simm.s32 $_tile_overlayer_lowered  }
0x9b: {  	s22 =	simm.s32 $0x1BFF;
	s21 =	sshll.u32 s5, $0x1;
	s2 =	sadd.s32 s19, s18  }
0x9c: {  	s6 =	simm.s32 $0x0;
	s20 =	sshll.u32 s4, $0x1;
	s4 =	sadd.s32 s21, s2  }
0x9d: {  	[timem:s6], [sflag:s22] =	dma.local [hbm:s4], s20  }
0x9e: {  	_ =	swait.ge [sflag:s22], s20  }
0x9f: {  	s3 =	ssub.s32 $0x0, s20;
	[sflag:s22] =	ssyncset.done $0x0  }
0xa0: {  	[sflag:s22] =	ssyncadd.s32 s3;
	_ =	sdelay $0x1  }
0xa1: {  	s23 =	simm.s32 $0x1B8B  }
0xa2: {  	_ =	swait.ge [sflag:s23], $0x1  }
0xa3: {  	[sflag:s23] =	ssyncset.done $0x0  }
0xa4: {  	s25 =	simm.s32 $0x1B8E;
	s24 =	sld [smem:$0x3FFE];
	[sflag:s23] =	ssyncadd.s32 $0xFFFFFFFF  }
0xa5: {  	s26 =	simm.s32 $execute0_lowered;
	[smem:$0x3FD2] =	sst s25  }
0xa6: {  	s4 =	sshll.u32 s26, $0x1;
	_ =	strace $0x80000055;
	[dreg:$0x1] =	wrdreg $0xFFFFFFFF  }
0xa7: {  	s28 =	simm.s32 $_size_execute0_lowered;
	s2 =	sadd.s32 s2, s4;
	[dreg:$0x0] =	wrdreg $0x0  }
0xa8: {  	s4 =	sshll.u32 s28, $0x1;
	[dreg:$0x2] =	wrdreg s2  }
0xa9: {  	[dreg:$0x3] =	wrdreg s4  }
0xaa: {  	[dreg:$0x4] =	wrdreg $0xC0  }
0xab: {  	_ =	task [dreg:s6], $0x5FFFF  }
0xac: {  	[dreg:$0x1] =	wrdreg $0xFFFFFFFF  }
0xad: {  	[dreg:$0x0] =	wrdreg $0x60  }
0xae: {  	[dreg:$0x2] =	wrdreg s24  }
0xaf: {  	[dreg:$0x3] =	wrdreg $0x0  }
0xb0: {  	[dreg:$0x4] =	wrdreg $0xC  }
0xb1: {  	_ =	task.clear_ibuf [dreg:s6], $0x5FFFF;
	_ =	strace $0x90000055  }
0xb2: {  	s29 =	simm.s32 $0xC;
	_ =	strace $0x80000057  }
0xb3: {  	_ =	swait.ge [sflag:s29], $0x1  }
0xb4: {  	[sflag:s29] =	ssyncadd.s32 $0xFFFFFFFF  }
0xb5: {  	_ =	strace $0x90000057  }
0xb6: {  	_ =	sfence  }
0xb7: {  	s30 =	sld [smem:$0x0];
	_ =	sdelay $0x2  }
0xb8: {  	s31 =	sshll.u32 s1, $0xD;
	s1 =	sshrl.u32 s1, $0x2  }
0xb9: {  	s3 =	sand.u32 $0x4000, s31;
	s1 =	sadd.s32 s1, s30  }
0xba: {  	s0 =	sor.u32 s3, s0;
	s1 =	sshll.u32 s1, $0x11  }
0xbb: {  	s0 =	sor.u32 s1, s0  }
0xbc: {  	s0 =	sadd.s32 $0x8F2B, s0  }
0xbd: {  	[sflag:s0] =	ssyncadd.remote.s32 $0x1  }
0xbe: {  	_ =	sfence.sel $0xFFFF  }
0xbf: {  	[dreg:$0x0] =	wrdreg $0xFFFFFFFF;
	(pc) =	sbr.abs _section_cstart, $3  }
0xc0: {  	[dreg:$0x1] =	wrdreg $0xFFFFFFFF  }
0xc1: {  	_ =	task.clear_ibuf [dreg:s6], $0x2FFFF;
	_ =	strace $0x9FFFFFFF  }
0xc2: {  	(tm) =	ssettm $0x7FFFFFFF  }
0xc3: {  	_ =	shalt  }
tec
execute0_lowered:
.L_overlay_start_1:
0x0: {  	(tag) =	ssettag $0x1  }
0x1: {  	s8 =	rddreg [dreg:$0x0]  }
0x2: {  	s2 =	rddreg [dreg:$0x1]  }
0x3: {  	s0 =	rddreg [dreg:$0x2]  }
0x4: {  	s3 =	simm.s32 $0x0;
	s1 =	stileid.u32;
	s4 =	srdreg.scid  }
0x5: {  	s16 =	simm.s32 $0x80;
	s17 =	simm.s32 $0x13D80;
	s18 =	simm.s32 $0x1  }
0x6: {  	s19 =	simm.s32 $0x13C80;
	s20 =	simm.s32 $0x13D00;
	[smem:$0x7FF] =	sst s3  }
0x7: {  	s9 =	smul.u32 $0x13C00, s1;
	s10 =	sand.u32 $0x1, s4;
	s4 =	sadd.s32 $0xBE800, s8  }
0x8: {  	s5 =	sadd.s32 $0x16C00, s8;
	s6 =	sadd.s32 $0x2C00, s8;
	s7 =	sadd.s32 $0xEF800, s8  }
0x9: {  	s13 =	smul.u32 $0x4F000, s1;
	s29 =	sshll.u32 s1, $0x1;
	s31 =	sshll.u32 s1, $0x6  }
0xa: {  	_ =	strace $0x80000056;
	s11 =	smul.u32 $0x13C000, s10;
	s26 =	ssub.s32 $0x2, s10  }
0xb: {  	s10 =	sor.u32 s10, s29;
	s12 =	sshrl.u32 s9, $0x3;
	s28 =	sshrl.u32 s26, $0x1  }
0xc: {  	s30 =	sshrl.u32 s13, $0x2;
	s10 =	smul.u32 $0x51, s10;
	s9 =	sadd.s32 s9, s11  }
0xd: {  	s12 =	sadd.s32 s12, s8;
	s13 =	sadd.s32 s30, s2;
	s9 =	sshrl.u32 s9, $0x3  }
0xe: {  	s15 =	ssub.s32 s26, s28;
	s13 =	sshrl.u32 s13, $0x3;
	s14 =	sadd.s32 s9, s8  }
0xf: {  	s8 =	sadd.s32 $0x20E00, s12;
	s9 =	sor.u32 $0x1C02, s31;
	s12 =	smax.u32 s15, $0x1  }
0x10: {  	s15 =	simm.s32 $0x13C00;
	s11 =	sadd.s32 $0x48600, s14;
	s14 =	simm.s32 $0x2  }
.LBB2_1:
0x11: {  	[spmem:s13], [sflag:s9] =	dma.local [hbm:s8], $0x2780  }
0x12: {  	_ =	swait.ge [sflag:s14], $0x2780  }
0x13: {  	[sflag:s14] =	ssyncset.done $0x0  }
0x14: {  	[sflag:s14] =	ssyncadd.s32 $0xFFFFD880  }
0x15: {  	s21 =	simm.s32 $0x0;
	[bflag:$0x0] =	sbarrier.arrive $0xFFFF  }
.LBB2_2:
0x16: {  	s22 =	sadd.s32 s10, s21  }
0x17: {  	s22 =	sshll.u32 s22, $0x4  }
0x18: {  	s24 =	simm.s32 $0x0;
	s23 =	sadd.s32 s5, s22  }
0x19: {  	[tilespmem:s15], [sflag:$0x2] =	stream.linear.gather [hbm4b:s23+s24], $0x80, $0x38;
	[tilespmem:$0x17D80] =	vst v63  }
0x1a: {  	_ =	swait.ge [sflag:s14], $0x80  }
0x1b: {  	[sflag:s14] =	ssyncset.done $0x0  }
0x1c: {  	[sflag:s14] =	ssyncadd.s32 $0xFFFFFF80  }
0x1d: {  	[tilespmem:s17], [sflag:$0x1] =	stream.indirect.gather [hbm4b:s4+s16], $0x80, s15, s16, $0xb8;
	[tilespmem:$0x17D80] =	vst v63  }
0x1e: {  	_ =	swait.ge [sflag:s18], $0x4000  }
0x1f: {  	[sflag:s18] =	ssyncset.done $0x0  }
0x20: {  	s31 =	sadd.s32 s6, s22;
	[sflag:s18] =	ssyncadd.s32 $0xFFFFC000  }
0x21: {  	[tilespmem:s19], [sflag:$0x2] =	stream.linear.gather [hbm4b:s31+s24], $0x80, $0x38;
	[tilespmem:$0x17D80] =	vst v63  }
0x22: {  	_ =	swait.ge [sflag:s14], $0x80  }
0x23: {  	[sflag:s14] =	ssyncset.done $0x0  }
0x24: {  	s22 =	sadd.s32 s7, s22;
	[sflag:s14] =	ssyncadd.s32 $0xFFFFFF80  }
0x25: {  	[tilespmem:s20], [sflag:$0x2] =	stream.linear.gather [hbm4b:s22+s24], $0x80, $0x38;
	[tilespmem:$0x17D80] =	vst v63  }
0x26: {  	_ =	swait.ge [sflag:s14], $0x80  }
0x27: {  	v0 =	vmov s24;
	[sflag:s14] =	ssyncset.done $0x0  }
0x28: {  	s22 =	simm.s32 $0x13DC0;
	[sflag:s14] =	ssyncadd.s32 $0xFFFFFF80  }
0x29: {  	v4 =	vld [tilespmem:s22+$0x30]  }
0x2a: {  	v7 =	vld [tilespmem:s22+$0x10]  }
0x2b: {  	v5 =	vld [tilespmem:s22+$0xFFFFFFC0]  }
0x2c: {  	v1 =	vld.idx.msk [tilespmem:v0+s20+$0x0], $0xffff  }
0x2d: {  	v9 =	vld [tilespmem:s22+$0xFFFFFFE0]  }
0x2e: {  	v0 =	vld [tilespmem:s22+$0xFFFFFFF0]  }
0x2f: {  	v2 =	vld [tilespmem:s22+$0x20]  }
0x30: {  	v3 =	vld [tilespmem:s22+$0xFFFFFFD0]  }
0x31: {  	v8 =	vmul.f32 v4, v1;
	v4 =	vld [tilespmem:s22+$0x0]  }
0x32: {  	v6 =	vmul.f32 v5, v1  }
0x33: {  	s23 =	simm.s32 $0x1;
	s24 =	simm.s32 $0x13DC0;
	v5 =	vmul.f32 v9, v1;
	v7 =	vmul.f32 v7, v1  }
.LBB2_3:
0x34: {  	p0 =	sne.s32 s23, $0x7F  }
0x35: {  	v3 =	vmul.f32 v3, v1;
	v2 =	vmul.f32 v2, v1;
	[tilespmem:s22+$0x30] =	vst v8;
	s24 =	sadd.s32 $0x80, s24;
	s25 =	smov.u32 s23;
	s23 =	sadd.s32 $0x1, s23  }
0x36: {  	[tilespmem:s22+$0xFFFFFFC0] =	vst v6;
	v6 =	vmul.f32 v0, v1;
	v1 =	vmul.f32 v4, v1  }
0x37: {  	[tilespmem:s22+$0x10] =	vst v7  }
0x38: {  	v4 =	vmov s25;
	[tilespmem:s22+$0xFFFFFFE0] =	vst v5  }
0x39: {  	v0 =	vld [tilespmem:s24+$0xFFFFFFF0];
	[tilespmem:s22+$0xFFFFFFF0] =	vst v6  }
0x3a: {  	v5 =	vld [tilespmem:s24+$0x30];
	[tilespmem:s22+$0x0] =	vst v1  }
0x3b: {  	v7 =	vld [tilespmem:s24+$0x10];
	[tilespmem:s22+$0x20] =	vst v2  }
0x3c: {  	v6 =	vld [tilespmem:s24+$0xFFFFFFC0];
	[tilespmem:s22+$0xFFFFFFD0] =	vst v3;
	s22 =	smov.u32 s24  }
0x3d: {  	v1 =	vld.idx.msk [tilespmem:v4+s20+$0x0], $0xffff  }
0x3e: {  	v9 =	vld [tilespmem:s24+$0xFFFFFFE0]  }
0x3f: {  	v2 =	vld [tilespmem:s24+$0x20]  }
.Ltmp0:
0x40: {  	v3 =	vld [tilespmem:s24+$0xFFFFFFD0];
	(pc) =	sbr.rel @p0 .LBB2_3-.Ltmp0, $3  }
0x41: {  	v4 =	vld [tilespmem:s24+$0x0];
	_ =	sdelay $0x1  }
0x42: {  	v6 =	vmul.f32 v6, v1;
	v8 =	vmul.f32 v5, v1  }
0x43: {  	v7 =	vmul.f32 v7, v1;
	v5 =	vmul.f32 v9, v1  }
0x44: {  	[tilespmem:s22+$0x30] =	vst v8  }
0x45: {  	[tilespmem:s22+$0xFFFFFFC0] =	vst v6  }
0x46: {  	v0 =	vmul.f32 v0, v1;
	[tilespmem:s22+$0x10] =	vst v7  }
0x47: {  	v2 =	vmul.f32 v2, v1;
	[tilespmem:s22+$0xFFFFFFE0] =	vst v5  }
0x48: {  	v63 =	vmul.f32 v3, v1;
	[tilespmem:s22+$0xFFFFFFF0] =	vst v0  }
0x49: {  	s21 =	sadd.s32 $0x1, s21;
	v4 =	vmul.f32 v4, v1;
	[tilespmem:s22+$0x20] =	vst v2  }
0x4a: {  	p0 =	sne.s32 s21, $0x51;
	[tilespmem:s22+$0xFFFFFFD0] =	vst v63  }
.Ltmp1:
0x4b: {  	[tilespmem:s22+$0x0] =	vst v4;
	(pc) =	sbr.rel @p0 .LBB2_2-.Ltmp1, $4  }
0x4c: {  	[spmem:s2] =	stream.indirect.scatter.add.f32 [tilespmem:s17], [sflag:$0x2], $0x80, s19, s16, $0xb8;
	[tilespmem:$0x17D80] =	vst v63  }
0x4d: {  	_ =	swait.ge [sflag:s14], $0x4000  }
0x4e: {  	[sflag:s14] =	ssyncset.done $0x0  }
0x4f: {  	[sflag:s14] =	ssyncadd.s32 $0xFFFFC000  }
0x50: {  	s3 =	sadd.s32 $0x1, s3  }
0x51: {  	p0 =	sne.s32 s3, s12  }
.Ltmp2:
0x52: {  	[bflag:$0x0] =	sbarrier.arrive $0xFFFF;
	(pc) =	sbr.rel @p0 .LBB2_1-.Ltmp2, $4  }
0x53: {  	[hbm:s11], [sflag:s9] =	dma.local [spmem:s13], $0x2780  }
0x54: {  	_ =	swait.ge [sflag:s14], $0x2780  }
0x55: {  	[sflag:s14] =	ssyncset.done $0x0  }
0x56: {  	[sflag:s14] =	ssyncadd.s32 $0xFFFFD880  }
0x57: {  	_ =	sfence.sel $0x180000  }
0x58: {  	[bflag:$0x0] =	sbarrier.arrive $0xFFFF  }
0x59: {  	p0 =	sne.s32 s1, $0x0;
	_ =	strace $0x90000056  }
0x5a: {  	s0 =	sadd.s32 @!p0 $0x100000, s0;
	[bflag:$0x2] =	sbarrier.arrive $0xFFFF  }
0x5b: {  	[sflag:s0] =	ssyncadd.tile.s32 @!p0 $0x1;
	_ =	shalt  }
.Lfunc_end2:
_tile_overlayer_lowered:
.L_overlay_start_2:
0x5c: {  	(tag) =	ssettag $0x2  }
0x5d: {  	s0 =	rddreg [dreg:$0x0];
	s2 =	stileid.u32  }
0x5e: {  	s1 =	rddreg [dreg:$0x1];
	p0 =	sne.s32 s2, $0x0  }
0x5f: {  	s3 =	rddreg [dreg:$0x2];
	[bflag:$0x3] =	sbarrier.arrive $0xFFFF;
	s2 =	simm.s32 @!p0 $0x1C02  }
0x60: {  	[timem:s3], [sflag:s2] =	dma.local @!p0 [hbm:s0], s1  }
0x61: {  	s0 =	simm.s32 @!p0 $0x2  }
0x62: {  	_ =	swait.ge @!p0 [sflag:s0], s1  }
0x63: {  	s1 =	ssub.s32 @!p0 $0x0, s1;
	[sflag:s0] =	ssyncset.done @!p0 $0x0  }
0x64: {  	[sflag:s0] =	ssyncadd.s32 @!p0 s1  }
0x65: {  	[bflag:$0x3] =	sbarrier.arrive $0xFFFF  }
0x66: {  	_ =	shalt  }

</sc_bundles>
